<compile_context>
chip_gen: v7x
topology: tpu7x:2x2x1
jax: 0.10.2.dev20260603
libtpu: 0.0.44.dev20260713+nightly
codegen_flags: <defaults>
</compile_context>

<pallas_src>
import functools

import jax
import jax.numpy as jnp
import numpy as np
from jax import lax
from jax.experimental import pallas as pl
from jax.experimental.pallas import tpu as pltpu
from jax.experimental.pallas import tpu_sc as plsc

BS = 512
N = 4096 * 4096
NBLK = N // BS
NW = 32
PER_W = N // NW
CH = 32
CHW = CH * BS
NCH = PER_W // CHW

_CODE = np.array([
    -1.0, -0.6961928009986877, -0.5250730514526367, -0.39491748809814453,
    -0.28444138169288635, -0.18477343022823334, -0.09105003625154495, 0.0,
    0.07958029955625534, 0.16093020141124725, 0.2461123913526535,
    0.33791524171829224, 0.44070982933044434, 0.5626170039176941,
    0.7229568362236023, 1.0,
], dtype=np.float32)
_BOUND = ((_CODE[:-1] + _CODE[1:]) * np.float32(0.5)).astype(np.float32)


def _build_luts():
    k = 32
    ncell = 2 * k + 1
    thr = np.full(85, 1e30, np.float32)
    val2 = np.zeros(170, np.float32)
    for c in range(ncell):
        lo_e = c / k - 1.0
        hi_e = (c + 1) / k - 1.0
        idx_l = int(np.sum(_BOUND < lo_e))
        idx_h = int(np.sum(_BOUND < hi_e))
        assert idx_h - idx_l <= 1
        if idx_h == idx_l:
            thr[c] = np.float32(1e30)
            val2[c] = _CODE[idx_l]
            val2[85 + c] = _CODE[idx_l]
        else:
            thr[c] = np.float32(np.float32(k) * _BOUND[idx_l] + np.float32(k))
            val2[c] = _CODE[idx_l]
            val2[85 + c] = _CODE[idx_l + 1]
    return thr, val2


_THR_NP, _VAL_NP = _build_luts()

_mesh = plsc.VectorSubcoreMesh(core_axis_name="c", subcore_axis_name="s")


@functools.partial(
    pl.kernel,
    out_type=jax.ShapeDtypeStruct((N,), jnp.float32),
    mesh=_mesh,
    compiler_params=pltpu.CompilerParams(needs_layout_passes=False),
    scratch_types=[
        pltpu.VMEM((85,), jnp.float32),
        pltpu.VMEM((170,), jnp.float32),
        pltpu.VMEM((CHW,), jnp.float32),
        pltpu.VMEM((CHW,), jnp.float32),
        pltpu.VMEM((CHW,), jnp.float32),
        pltpu.VMEM((CHW,), jnp.float32),
        pltpu.SemaphoreType.DMA,
        pltpu.SemaphoreType.DMA,
        pltpu.SemaphoreType.DMA,
        pltpu.SemaphoreType.DMA,
    ],
)
def _nf4_sc(x_hbm, thr_hbm, val_hbm, out_hbm, thr_v, val_v,
            in0, in1, out0, out1, si0, si1, so0, so1):
    wid = lax.axis_index("s") * 2 + lax.axis_index("c")
    base = wid * PER_W
    pltpu.sync_copy(thr_hbm, thr_v)
    pltpu.sync_copy(val_hbm, val_v)
    ins = (in0, in1)
    outs = (out0, out1)
    sis = (si0, si1)
    sos = (so0, so1)
    lane = lax.iota(jnp.int32, 16)
    perms = [lax.reshape(lane ^ k, (16, 1)) for k in (8, 4, 2, 1)]
    dnums = lax.GatherDimensionNumbers(
        offset_dims=(), collapsed_slice_dims=(0,), start_index_map=(0,))

    def shuffle(v, p):
        return lax.gather(v, p, dnums, slice_sizes=(1,),
                          mode=lax.GatherScatterMode.PROMISE_IN_BOUNDS)

    def start_in(sl, g):
        pltpu.async_copy(x_hbm.at[pl.ds(base + g * CHW, CHW)], ins[sl], sis[sl])

    def wait_in(sl):
        pltpu.make_async_copy(x_hbm.at[pl.ds(base, CHW)], ins[sl], sis[sl]).wait()

    def start_out(sl, g):
        pltpu.async_copy(outs[sl], out_hbm.at[pl.ds(base + g * CHW, CHW)], sos[sl])

    def wait_out(sl):
        pltpu.make_async_copy(outs[sl], out_hbm.at[pl.ds(base, CHW)], sos[sl]).wait()

    def compute_chunk(in_v, out_v):
        @plsc.parallel_loop(0, CH, unroll=4)
        def block_body(b):
            bo = pl.multiple_of(b * BS, BS)
            vs = [in_v[pl.ds(bo + j * 16, 16)] for j in range(32)]
            ms = [jnp.maximum(jnp.abs(vs[2 * j]), jnp.abs(vs[2 * j + 1]))
                  for j in range(16)]
            while len(ms) > 1:
                ms = [jnp.maximum(ms[2 * j], ms[2 * j + 1])
                      for j in range(len(ms) // 2)]
            r = ms[0]
            for p in perms:
                r = jnp.maximum(r, shuffle(r, p))
            safe = jnp.where(r == 0.0, jnp.float32(1.0), r)
            inv32 = jnp.float32(32.0) / safe
            for j in range(32):
                v = vs[j]
                t = v * inv32 + jnp.float32(32.0)
                cell = t.astype(jnp.int32)
                thr = plsc.load_gather(thr_v, [cell])
                pr = jnp.where(t > thr, 85, 0)
                val = plsc.load_gather(val_v, [cell + pr])
                out_v[pl.ds(bo + j * 16, 16)] = val * r

    start_in(0, 0)

    @pl.loop(0, NCH, step=2)
    def ring(go):
        for sl in (0, 1):
            g = go + sl
            if sl == 0:
                start_in(1, g + 1)
            else:
                @pl.when(g + 1 < NCH)
                def _():
                    start_in(0, g + 1)
            wait_in(sl)

            @pl.when(g >= 2)
            def _():
                wait_out(sl)

            compute_chunk(ins[sl], outs[sl])
            start_out(sl, g)

    wait_out(0)
    wait_out(1)


def kernel(x):
    thr = jnp.asarray(_THR_NP)
    val = jnp.asarray(_VAL_NP)
    out = _nf4_sc(x.reshape(-1), thr, val)
    return out.reshape(x.shape)

# --- scband reference (transcript-rebuilt; emitter-appended) ---
"""Pipeline reference for scband-normal-float-quantizer-82798379532989 (READ-ONLY COPY).

The authoritative reference and input builder live on the scoring server;
editing this copy changes nothing except your own understanding.
"""

import jax, jax.numpy as jnp
import numpy as np

BLOCKSIZE = 512

# NF4 codebook values from bitsandbytes (16 levels, quantiles of a standard normal,
# normalized so the range is [-1, 1] with an exact-zero level)
NF4_CODE = jnp.array([
    -1.0, -0.6961928009986877, -0.5250730514526367, -0.39491748809814453,
    -0.28444138169288635, -0.18477343022823334, -0.09105003625154495, 0.0,
    0.07958029955625534, 0.16093020141124725, 0.2461123913526535, 0.33791524171829224,
    0.44070982933044434, 0.5626170039176941, 0.7229568362236023, 1.0
], dtype=jnp.float32)


def _nf4_quant_dequant(x, blocksize):
    shape = x.shape
    flat = x.reshape(-1)
    nb = flat.shape[0] // blocksize
    blocks = flat.reshape(nb, blocksize)
    # per-block absmax scale (as in bitsandbytes quantize_nf4)
    absmax = jnp.max(jnp.abs(blocks), axis=1, keepdims=True)
    safe_absmax = jnp.where(absmax == 0.0, 1.0, absmax)
    scaled = blocks / safe_absmax
    # nearest NF4 level: midpoint boundaries between adjacent code values
    boundaries = (NF4_CODE[:-1] + NF4_CODE[1:]) * 0.5
    idx = jnp.searchsorted(boundaries, scaled)
    xhat = jnp.take(NF4_CODE, idx) * absmax
    return xhat.reshape(shape)


def setup_inputs(seed: int = 0) -> dict:
    key = jax.random.key(seed)
    x = jax.random.normal(key, (4096, 4096), dtype=jnp.float32)
    return {"x": x}


def reference(x):
    xhat = _nf4_quant_dequant(x, BLOCKSIZE)
    # straight-through estimator: value == xhat, gradient passes through x
    return jax.lax.stop_gradient(xhat) + x - jax.lax.stop_gradient(x)

if __name__ == "__main__":
    import jax
    _d = setup_inputs()
    print(jax.jit(kernel)(*tuple(_d.values())))

</pallas_src>

<mosaic_0001>
#map = affine_map<(d0, d1) -> (0)>
module attributes {stable_mosaic.version = 14 : i64} {
  func.func @_nf4_sc(%arg0: i32, %arg1: i32, %arg2: memref<16777216xf32, #tpu.memory_space<hbm>>, %arg3: memref<85xf32, #tpu.memory_space<hbm>>, %arg4: memref<170xf32, #tpu.memory_space<hbm>>, %arg5: memref<16777216xf32, #tpu.memory_space<hbm>>, %arg6: memref<85xf32, #tpu.memory_space<vmem>>, %arg7: memref<170xf32, #tpu.memory_space<vmem>>, %arg8: memref<16384xf32, #tpu.memory_space<vmem>>, %arg9: memref<16384xf32, #tpu.memory_space<vmem>>, %arg10: memref<16384xf32, #tpu.memory_space<vmem>>, %arg11: memref<16384xf32, #tpu.memory_space<vmem>>, %arg12: memref<!tpu.dma_semaphore, #tpu.memory_space<semaphore_mem>>, %arg13: memref<!tpu.dma_semaphore, #tpu.memory_space<semaphore_mem>>, %arg14: memref<!tpu.dma_semaphore, #tpu.memory_space<semaphore_mem>>, %arg15: memref<!tpu.dma_semaphore, #tpu.memory_space<semaphore_mem>>) attributes {dimension_semantics = [#tpu.dimension_semantics<core_parallel>, #tpu.dimension_semantics<subcore_parallel>], iteration_bounds = array<i64: 2, 16>, scalar_prefetch = 0 : i64, scratch_operands = 10 : i64, tpu.core_type = #tpu.core_type<sc_vector_subcore>, window_params = [{transform_indices = #map}, {transform_indices = #map}, {transform_indices = #map}, {transform_indices = #map}]} {
    %mul3A = arith.constant 2 : i32
    %mul3A_0 = arith.muli %arg1, %mul3A : i32
    %add3A = arith.addi %mul3A_0, %arg0 : i32
    %mul3A_1 = arith.constant 524288 : i32
    %mul3A_2 = arith.muli %add3A, %mul3A_1 : i32
    "tpu.region"() ({
      %run_scoped3A = tpu.sem_alloc : memref<!tpu.dma_semaphore, #tpu.memory_space<semaphore_mem>>
      tpu.enqueue_dma source(%arg3 : memref<85xf32, #tpu.memory_space<hbm>>) target(%arg6 : memref<85xf32, #tpu.memory_space<vmem>>) target_semaphore(%run_scoped3A : memref<!tpu.dma_semaphore, #tpu.memory_space<semaphore_mem>>)
      tpu.wait_dma2 semaphore(%run_scoped3A : memref<!tpu.dma_semaphore, #tpu.memory_space<semaphore_mem>>) src(%arg3 : memref<85xf32, #tpu.memory_space<hbm>>) dst(%arg6 : memref<85xf32, #tpu.memory_space<vmem>>)
      tpu.yield
    }) : () -> ()
    "tpu.region"() ({
      %run_scoped3A = tpu.sem_alloc : memref<!tpu.dma_semaphore, #tpu.memory_space<semaphore_mem>>
      tpu.enqueue_dma source(%arg4 : memref<170xf32, #tpu.memory_space<hbm>>) target(%arg7 : memref<170xf32, #tpu.memory_space<vmem>>) target_semaphore(%run_scoped3A : memref<!tpu.dma_semaphore, #tpu.memory_space<semaphore_mem>>)
      tpu.wait_dma2 semaphore(%run_scoped3A : memref<!tpu.dma_semaphore, #tpu.memory_space<semaphore_mem>>) src(%arg4 : memref<170xf32, #tpu.memory_space<hbm>>) dst(%arg7 : memref<170xf32, #tpu.memory_space<vmem>>)
      tpu.yield
    }) : () -> ()
    %iota3A = tpu.iota {dimensions = array<i32: 0>} : vector<16xi32>
    %xor3A = arith.constant 8 : i32
    %xor3A_3 = vector.broadcast %xor3A : i32 to vector<16xi32>
    %xor3A_4 = arith.xori %iota3A, %xor3A_3 : vector<16xi32>
    %reshape3A = vector.shape_cast %xor3A_4 : vector<16xi32> to vector<16x1xi32>
    %xor3A_5 = arith.constant 4 : i32
    %xor3A_6 = vector.broadcast %xor3A_5 : i32 to vector<16xi32>
    %xor3A_7 = arith.xori %iota3A, %xor3A_6 : vector<16xi32>
    %reshape3A_8 = vector.shape_cast %xor3A_7 : vector<16xi32> to vector<16x1xi32>
    %xor3A_9 = arith.constant 2 : i32
    %xor3A_10 = vector.broadcast %xor3A_9 : i32 to vector<16xi32>
    %xor3A_11 = arith.xori %iota3A, %xor3A_10 : vector<16xi32>
    %reshape3A_12 = vector.shape_cast %xor3A_11 : vector<16xi32> to vector<16x1xi32>
    %xor3A_13 = arith.constant 1 : i32
    %xor3A_14 = vector.broadcast %xor3A_13 : i32 to vector<16xi32>
    %xor3A_15 = arith.xori %iota3A, %xor3A_14 : vector<16xi32>
    %reshape3A_16 = vector.shape_cast %xor3A_15 : vector<16xi32> to vector<16x1xi32>
    %add3A_17 = arith.constant 0 : i32
    %add3A_18 = arith.addi %mul3A_2, %add3A_17 : i32
    %dma_start3A = tpu.memref_slice %arg2[%add3A_18] : memref<16777216xf32, #tpu.memory_space<hbm>> -> memref<16384xf32, #tpu.memory_space<hbm>>
    %dma_start3A_19 = tpu.memref_slice %arg2[%add3A_18] : memref<16777216xf32, #tpu.memory_space<hbm>> -> memref<16384xf32, #tpu.memory_space<hbm>>
    tpu.enqueue_dma source(%dma_start3A_19 : memref<16384xf32, #tpu.memory_space<hbm>>) target(%arg8 : memref<16384xf32, #tpu.memory_space<vmem>>) target_semaphore(%arg12 : memref<!tpu.dma_semaphore, #tpu.memory_space<semaphore_mem>>)
    %scan3A = arith.constant 0 : i32
    %scan3A_20 = arith.constant 16 : i32
    %scan3A_21 = arith.addi %scan3A, %scan3A_20 : i32
    %scan3A_22 = arith.constant 1 : i32
    scf.for %scan3A_27 = %scan3A to %scan3A_21 step %scan3A_22  : i32 {
      %mul3A_28 = arith.constant 2 : i32
      %mul3A_29 = arith.muli %scan3A_27, %mul3A_28 : i32
      %add3A_30 = arith.constant 0 : i32
      %add3A_31 = arith.addi %add3A_30, %mul3A_29 : i32
      %add3A_32 = arith.constant 0 : i32
      %add3A_33 = arith.addi %add3A_31, %add3A_32 : i32
      %add3A_34 = arith.constant 1 : i32
      %add3A_35 = arith.addi %add3A_33, %add3A_34 : i32
      %mul3A_36 = arith.constant 16384 : i32
      %mul3A_37 = arith.muli %add3A_35, %mul3A_36 : i32
      %add3A_38 = arith.addi %mul3A_2, %mul3A_37 : i32
      %dma_start3A_39 = tpu.memref_slice %arg2[%add3A_38] : memref<16777216xf32, #tpu.memory_space<hbm>> -> memref<16384xf32, #tpu.memory_space<hbm>>
      %dma_start3A_40 = tpu.memref_slice %arg2[%add3A_38] : memref<16777216xf32, #tpu.memory_space<hbm>> -> memref<16384xf32, #tpu.memory_space<hbm>>
      tpu.enqueue_dma source(%dma_start3A_40 : memref<16384xf32, #tpu.memory_space<hbm>>) target(%arg9 : memref<16384xf32, #tpu.memory_space<vmem>>) target_semaphore(%arg13 : memref<!tpu.dma_semaphore, #tpu.memory_space<semaphore_mem>>)
      %dma_wait3A_41 = tpu.memref_slice %arg2[%mul3A_2] : memref<16777216xf32, #tpu.memory_space<hbm>> -> memref<16384xf32, #tpu.memory_space<hbm>>
      %dma_wait3A_42 = tpu.memref_slice %arg2[%mul3A_2] : memref<16777216xf32, #tpu.memory_space<hbm>> -> memref<16384xf32, #tpu.memory_space<hbm>>
      tpu.wait_dma2 semaphore(%arg12 : memref<!tpu.dma_semaphore, #tpu.memory_space<semaphore_mem>>) src(%dma_wait3A_42 : memref<16384xf32, #tpu.memory_space<hbm>>) dst(%arg8 : memref<16384xf32, #tpu.memory_space<vmem>>)
      %ge3A = arith.constant 2 : i32
      %ge3A_43 = arith.cmpi sge, %add3A_33, %ge3A : i32
      %convert_element_type3A = arith.extui %ge3A_43 : i1 to i32
      %cond3A = arith.constant 0 : i32
      %cond3A_44 = arith.cmpi ne, %convert_element_type3A, %cond3A : i32
      scf.if %cond3A_44 {
        %dma_wait3A_75 = tpu.memref_slice %arg5[%mul3A_2] : memref<16777216xf32, #tpu.memory_space<hbm>> -> memref<16384xf32, #tpu.memory_space<hbm>>
        %dma_wait3A_76 = tpu.memref_slice %arg5[%mul3A_2] : memref<16777216xf32, #tpu.memory_space<hbm>> -> memref<16384xf32, #tpu.memory_space<hbm>>
        tpu.wait_dma2 semaphore(%arg14 : memref<!tpu.dma_semaphore, #tpu.memory_space<semaphore_mem>>) src(%arg10 : memref<16384xf32, #tpu.memory_space<vmem>>) dst(%dma_wait3A_76 : memref<16384xf32, #tpu.memory_space<hbm>>)
      } else {
      }
      %parallel_loop3A = arith.constant 0 : i32
      %parallel_loop3A_45 = arith.constant 32 : i32
      %parallel_loop3A_46 = arith.constant 1 : i32
      scf.for %parallel_loop3A_75 = %parallel_loop3A to %parallel_loop3A_45 step %parallel_loop3A_46  : i32 {
        %parallel_loop3A_76 = arith.constant 512 : i32
        %parallel_loop3A_77 = arith.muli %parallel_loop3A_75, %parallel_loop3A_76 : i32
        %parallel_loop3A_78 = tpu.assume_multiple %parallel_loop3A_77, 512 : i32
        %parallel_loop3A_79 = arith.constant 0 : i32
        %parallel_loop3A_80 = arith.addi %parallel_loop3A_78, %parallel_loop3A_79 : i32
        %parallel_loop3A_81 = arith.index_cast %parallel_loop3A_80 : i32 to index
        %parallel_loop3A_82 = tpu.vector_load %arg8[%parallel_loop3A_81] {strides = array<i32>} : memref<16384xf32, #tpu.memory_space<vmem>>, vector<16xf32>,
        %parallel_loop3A_83 = arith.constant 16 : i32
        %parallel_loop3A_84 = arith.addi %parallel_loop3A_78, %parallel_loop3A_83 : i32
        %parallel_loop3A_85 = arith.index_cast %parallel_loop3A_84 : i32 to index
        %parallel_loop3A_86 = tpu.vector_load %arg8[%parallel_loop3A_85] {strides = array<i32>} : memref<16384xf32, #tpu.memory_space<vmem>>, vector<16xf32>,
        %parallel_loop3A_87 = arith.constant 32 : i32
        %parallel_loop3A_88 = arith.addi %parallel_loop3A_78, %parallel_loop3A_87 : i32
        %parallel_loop3A_89 = arith.index_cast %parallel_loop3A_88 : i32 to index
        %parallel_loop3A_90 = tpu.vector_load %arg8[%parallel_loop3A_89] {strides = array<i32>} : memref<16384xf32, #tpu.memory_space<vmem>>, vector<16xf32>,
        %parallel_loop3A_91 = arith.constant 48 : i32
        %parallel_loop3A_92 = arith.addi %parallel_loop3A_78, %parallel_loop3A_91 : i32
        %parallel_loop3A_93 = arith.index_cast %parallel_loop3A_92 : i32 to index
        %parallel_loop3A_94 = tpu.vector_load %arg8[%parallel_loop3A_93] {strides = array<i32>} : memref<16384xf32, #tpu.memory_space<vmem>>, vector<16xf32>,
        %parallel_loop3A_95 = arith.constant 64 : i32
        %parallel_loop3A_96 = arith.addi %parallel_loop3A_78, %parallel_loop3A_95 : i32
        %parallel_loop3A_97 = arith.index_cast %parallel_loop3A_96 : i32 to index
        %parallel_loop3A_98 = tpu.vector_load %arg8[%parallel_loop3A_97] {strides = array<i32>} : memref<16384xf32, #tpu.memory_space<vmem>>, vector<16xf32>,
        %parallel_loop3A_99 = arith.constant 80 : i32
        %parallel_loop3A_100 = arith.addi %parallel_loop3A_78, %parallel_loop3A_99 : i32
        %parallel_loop3A_101 = arith.index_cast %parallel_loop3A_100 : i32 to index
        %parallel_loop3A_102 = tpu.vector_load %arg8[%parallel_loop3A_101] {strides = array<i32>} : memref<16384xf32, #tpu.memory_space<vmem>>, vector<16xf32>,
        %parallel_loop3A_103 = arith.constant 96 : i32
        %parallel_loop3A_104 = arith.addi %parallel_loop3A_78, %parallel_loop3A_103 : i32
        %parallel_loop3A_105 = arith.index_cast %parallel_loop3A_104 : i32 to index
        %parallel_loop3A_106 = tpu.vector_load %arg8[%parallel_loop3A_105] {strides = array<i32>} : memref<16384xf32, #tpu.memory_space<vmem>>, vector<16xf32>,
        %parallel_loop3A_107 = arith.constant 112 : i32
        %parallel_loop3A_108 = arith.addi %parallel_loop3A_78, %parallel_loop3A_107 : i32
        %parallel_loop3A_109 = arith.index_cast %parallel_loop3A_108 : i32 to index
        %parallel_loop3A_110 = tpu.vector_load %arg8[%parallel_loop3A_109] {strides = array<i32>} : memref<16384xf32, #tpu.memory_space<vmem>>, vector<16xf32>,
        %parallel_loop3A_111 = arith.constant 128 : i32
        %parallel_loop3A_112 = arith.addi %parallel_loop3A_78, %parallel_loop3A_111 : i32
        %parallel_loop3A_113 = arith.index_cast %parallel_loop3A_112 : i32 to index
        %parallel_loop3A_114 = tpu.vector_load %arg8[%parallel_loop3A_113] {strides = array<i32>} : memref<16384xf32, #tpu.memory_space<vmem>>, vector<16xf32>,
        %parallel_loop3A_115 = arith.constant 144 : i32
        %parallel_loop3A_116 = arith.addi %parallel_loop3A_78, %parallel_loop3A_115 : i32
        %parallel_loop3A_117 = arith.index_cast %parallel_loop3A_116 : i32 to index
        %parallel_loop3A_118 = tpu.vector_load %arg8[%parallel_loop3A_117] {strides = array<i32>} : memref<16384xf32, #tpu.memory_space<vmem>>, vector<16xf32>,
        %parallel_loop3A_119 = arith.constant 160 : i32
        %parallel_loop3A_120 = arith.addi %parallel_loop3A_78, %parallel_loop3A_119 : i32
        %parallel_loop3A_121 = arith.index_cast %parallel_loop3A_120 : i32 to index
        %parallel_loop3A_122 = tpu.vector_load %arg8[%parallel_loop3A_121] {strides = array<i32>} : memref<16384xf32, #tpu.memory_space<vmem>>, vector<16xf32>,
        %parallel_loop3A_123 = arith.constant 176 : i32
        %parallel_loop3A_124 = arith.addi %parallel_loop3A_78, %parallel_loop3A_123 : i32
        %parallel_loop3A_125 = arith.index_cast %parallel_loop3A_124 : i32 to index
        %parallel_loop3A_126 = tpu.vector_load %arg8[%parallel_loop3A_125] {strides = array<i32>} : memref<16384xf32, #tpu.memory_space<vmem>>, vector<16xf32>,
        %parallel_loop3A_127 = arith.constant 192 : i32
        %parallel_loop3A_128 = arith.addi %parallel_loop3A_78, %parallel_loop3A_127 : i32
        %parallel_loop3A_129 = arith.index_cast %parallel_loop3A_128 : i32 to index
        %parallel_loop3A_130 = tpu.vector_load %arg8[%parallel_loop3A_129] {strides = array<i32>} : memref<16384xf32, #tpu.memory_space<vmem>>, vector<16xf32>,
        %parallel_loop3A_131 = arith.constant 208 : i32
        %parallel_loop3A_132 = arith.addi %parallel_loop3A_78, %parallel_loop3A_131 : i32
        %parallel_loop3A_133 = arith.index_cast %parallel_loop3A_132 : i32 to index
        %parallel_loop3A_134 = tpu.vector_load %arg8[%parallel_loop3A_133] {strides = array<i32>} : memref<16384xf32, #tpu.memory_space<vmem>>, vector<16xf32>,
        %parallel_loop3A_135 = arith.constant 224 : i32
        %parallel_loop3A_136 = arith.addi %parallel_loop3A_78, %parallel_loop3A_135 : i32
        %parallel_loop3A_137 = arith.index_cast %parallel_loop3A_136 : i32 to index
        %parallel_loop3A_138 = tpu.vector_load %arg8[%parallel_loop3A_137] {strides = array<i32>} : memref<16384xf32, #tpu.memory_space<vmem>>, vector<16xf32>,
        %parallel_loop3A_139 = arith.constant 240 : i32
        %parallel_loop3A_140 = arith.addi %parallel_loop3A_78, %parallel_loop3A_139 : i32
        %parallel_loop3A_141 = arith.index_cast %parallel_loop3A_140 : i32 to index
        %parallel_loop3A_142 = tpu.vector_load %arg8[%parallel_loop3A_141] {strides = array<i32>} : memref<16384xf32, #tpu.memory_space<vmem>>, vector<16xf32>,
        %parallel_loop3A_143 = arith.constant 256 : i32
        %parallel_loop3A_144 = arith.addi %parallel_loop3A_78, %parallel_loop3A_143 : i32
        %parallel_loop3A_145 = arith.index_cast %parallel_loop3A_144 : i32 to index
        %parallel_loop3A_146 = tpu.vector_load %arg8[%parallel_loop3A_145] {strides = array<i32>} : memref<16384xf32, #tpu.memory_space<vmem>>, vector<16xf32>,
        %parallel_loop3A_147 = arith.constant 272 : i32
        %parallel_loop3A_148 = arith.addi %parallel_loop3A_78, %parallel_loop3A_147 : i32
        %parallel_loop3A_149 = arith.index_cast %parallel_loop3A_148 : i32 to index
        %parallel_loop3A_150 = tpu.vector_load %arg8[%parallel_loop3A_149] {strides = array<i32>} : memref<16384xf32, #tpu.memory_space<vmem>>, vector<16xf32>,
        %parallel_loop3A_151 = arith.constant 288 : i32
        %parallel_loop3A_152 = arith.addi %parallel_loop3A_78, %parallel_loop3A_151 : i32
        %parallel_loop3A_153 = arith.index_cast %parallel_loop3A_152 : i32 to index
        %parallel_loop3A_154 = tpu.vector_load %arg8[%parallel_loop3A_153] {strides = array<i32>} : memref<16384xf32, #tpu.memory_space<vmem>>, vector<16xf32>,
        %parallel_loop3A_155 = arith.constant 304 : i32
        %parallel_loop3A_156 = arith.addi %parallel_loop3A_78, %parallel_loop3A_155 : i32
        %parallel_loop3A_157 = arith.index_cast %parallel_loop3A_156 : i32 to index
        %parallel_loop3A_158 = tpu.vector_load %arg8[%parallel_loop3A_157] {strides = array<i32>} : memref<16384xf32, #tpu.memory_space<vmem>>, vector<16xf32>,
        %parallel_loop3A_159 = arith.constant 320 : i32
        %parallel_loop3A_160 = arith.addi %parallel_loop3A_78, %parallel_loop3A_159 : i32
        %parallel_loop3A_161 = arith.index_cast %parallel_loop3A_160 : i32 to index
        %parallel_loop3A_162 = tpu.vector_load %arg8[%parallel_loop3A_161] {strides = array<i32>} : memref<16384xf32, #tpu.memory_space<vmem>>, vector<16xf32>,
        %parallel_loop3A_163 = arith.constant 336 : i32
        %parallel_loop3A_164 = arith.addi %parallel_loop3A_78, %parallel_loop3A_163 : i32
        %parallel_loop3A_165 = arith.index_cast %parallel_loop3A_164 : i32 to index
        %parallel_loop3A_166 = tpu.vector_load %arg8[%parallel_loop3A_165] {strides = array<i32>} : memref<16384xf32, #tpu.memory_space<vmem>>, vector<16xf32>,
        %parallel_loop3A_167 = arith.constant 352 : i32
        %parallel_loop3A_168 = arith.addi %parallel_loop3A_78, %parallel_loop3A_167 : i32
        %parallel_loop3A_169 = arith.index_cast %parallel_loop3A_168 : i32 to index
        %parallel_loop3A_170 = tpu.vector_load %arg8[%parallel_loop3A_169] {strides = array<i32>} : memref<16384xf32, #tpu.memory_space<vmem>>, vector<16xf32>,
        %parallel_loop3A_171 = arith.constant 368 : i32
        %parallel_loop3A_172 = arith.addi %parallel_loop3A_78, %parallel_loop3A_171 : i32
        %parallel_loop3A_173 = arith.index_cast %parallel_loop3A_172 : i32 to index
        %parallel_loop3A_174 = tpu.vector_load %arg8[%parallel_loop3A_173] {strides = array<i32>} : memref<16384xf32, #tpu.memory_space<vmem>>, vector<16xf32>,
        %parallel_loop3A_175 = arith.constant 384 : i32
        %parallel_loop3A_176 = arith.addi %parallel_loop3A_78, %parallel_loop3A_175 : i32
        %parallel_loop3A_177 = arith.index_cast %parallel_loop3A_176 : i32 to index
        %parallel_loop3A_178 = tpu.vector_load %arg8[%parallel_loop3A_177] {strides = array<i32>} : memref<16384xf32, #tpu.memory_space<vmem>>, vector<16xf32>,
        %parallel_loop3A_179 = arith.constant 400 : i32
        %parallel_loop3A_180 = arith.addi %parallel_loop3A_78, %parallel_loop3A_179 : i32
        %parallel_loop3A_181 = arith.index_cast %parallel_loop3A_180 : i32 to index
        %parallel_loop3A_182 = tpu.vector_load %arg8[%parallel_loop3A_181] {strides = array<i32>} : memref<16384xf32, #tpu.memory_space<vmem>>, vector<16xf32>,
        %parallel_loop3A_183 = arith.constant 416 : i32
        %parallel_loop3A_184 = arith.addi %parallel_loop3A_78, %parallel_loop3A_183 : i32
        %parallel_loop3A_185 = arith.index_cast %parallel_loop3A_184 : i32 to index
        %parallel_loop3A_186 = tpu.vector_load %arg8[%parallel_loop3A_185] {strides = array<i32>} : memref<16384xf32, #tpu.memory_space<vmem>>, vector<16xf32>,
        %parallel_loop3A_187 = arith.constant 432 : i32
        %parallel_loop3A_188 = arith.addi %parallel_loop3A_78, %parallel_loop3A_187 : i32
        %parallel_loop3A_189 = arith.index_cast %parallel_loop3A_188 : i32 to index
        %parallel_loop3A_190 = tpu.vector_load %arg8[%parallel_loop3A_189] {strides = array<i32>} : memref<16384xf32, #tpu.memory_space<vmem>>, vector<16xf32>,
        %parallel_loop3A_191 = arith.constant 448 : i32
        %parallel_loop3A_192 = arith.addi %parallel_loop3A_78, %parallel_loop3A_191 : i32
        %parallel_loop3A_193 = arith.index_cast %parallel_loop3A_192 : i32 to index
        %parallel_loop3A_194 = tpu.vector_load %arg8[%parallel_loop3A_193] {strides = array<i32>} : memref<16384xf32, #tpu.memory_space<vmem>>, vector<16xf32>,
        %parallel_loop3A_195 = arith.constant 464 : i32
        %parallel_loop3A_196 = arith.addi %parallel_loop3A_78, %parallel_loop3A_195 : i32
        %parallel_loop3A_197 = arith.index_cast %parallel_loop3A_196 : i32 to index
        %parallel_loop3A_198 = tpu.vector_load %arg8[%parallel_loop3A_197] {strides = array<i32>} : memref<16384xf32, #tpu.memory_space<vmem>>, vector<16xf32>,
        %parallel_loop3A_199 = arith.constant 480 : i32
        %parallel_loop3A_200 = arith.addi %parallel_loop3A_78, %parallel_loop3A_199 : i32
        %parallel_loop3A_201 = arith.index_cast %parallel_loop3A_200 : i32 to index
        %parallel_loop3A_202 = tpu.vector_load %arg8[%parallel_loop3A_201] {strides = array<i32>} : memref<16384xf32, #tpu.memory_space<vmem>>, vector<16xf32>,
        %parallel_loop3A_203 = arith.constant 496 : i32
        %parallel_loop3A_204 = arith.addi %parallel_loop3A_78, %parallel_loop3A_203 : i32
        %parallel_loop3A_205 = arith.index_cast %parallel_loop3A_204 : i32 to index
        %parallel_loop3A_206 = tpu.vector_load %arg8[%parallel_loop3A_205] {strides = array<i32>} : memref<16384xf32, #tpu.memory_space<vmem>>, vector<16xf32>,
        %parallel_loop3A_207 = math.absf %parallel_loop3A_82 : vector<16xf32>
        %parallel_loop3A_208 = math.absf %parallel_loop3A_86 : vector<16xf32>
        %parallel_loop3A_209 = arith.maximumf %parallel_loop3A_207, %parallel_loop3A_208 : vector<16xf32>
        %parallel_loop3A_210 = math.absf %parallel_loop3A_90 : vector<16xf32>
        %parallel_loop3A_211 = math.absf %parallel_loop3A_94 : vector<16xf32>
        %parallel_loop3A_212 = arith.maximumf %parallel_loop3A_210, %parallel_loop3A_211 : vector<16xf32>
        %parallel_loop3A_213 = math.absf %parallel_loop3A_98 : vector<16xf32>
        %parallel_loop3A_214 = math.absf %parallel_loop3A_102 : vector<16xf32>
        %parallel_loop3A_215 = arith.maximumf %parallel_loop3A_213, %parallel_loop3A_214 : vector<16xf32>
        %parallel_loop3A_216 = math.absf %parallel_loop3A_106 : vector<16xf32>
        %parallel_loop3A_217 = math.absf %parallel_loop3A_110 : vector<16xf32>
        %parallel_loop3A_218 = arith.maximumf %parallel_loop3A_216, %parallel_loop3A_217 : vector<16xf32>
        %parallel_loop3A_219 = math.absf %parallel_loop3A_114 : vector<16xf32>
        %parallel_loop3A_220 = math.absf %parallel_loop3A_118 : vector<16xf32>
        %parallel_loop3A_221 = arith.maximumf %parallel_loop3A_219, %parallel_loop3A_220 : vector<16xf32>
        %parallel_loop3A_222 = math.absf %parallel_loop3A_122 : vector<16xf32>
        %parallel_loop3A_223 = math.absf %parallel_loop3A_126 : vector<16xf32>
        %parallel_loop3A_224 = arith.maximumf %parallel_loop3A_222, %parallel_loop3A_223 : vector<16xf32>
        %parallel_loop3A_225 = math.absf %parallel_loop3A_130 : vector<16xf32>
        %parallel_loop3A_226 = math.absf %parallel_loop3A_134 : vector<16xf32>
        %parallel_loop3A_227 = arith.maximumf %parallel_loop3A_225, %parallel_loop3A_226 : vector<16xf32>
        %parallel_loop3A_228 = math.absf %parallel_loop3A_138 : vector<16xf32>
        %parallel_loop3A_229 = math.absf %parallel_loop3A_142 : vector<16xf32>
        %parallel_loop3A_230 = arith.maximumf %parallel_loop3A_228, %parallel_loop3A_229 : vector<16xf32>
        %parallel_loop3A_231 = math.absf %parallel_loop3A_146 : vector<16xf32>
        %parallel_loop3A_232 = math.absf %parallel_loop3A_150 : vector<16xf32>
        %parallel_loop3A_233 = arith.maximumf %parallel_loop3A_231, %parallel_loop3A_232 : vector<16xf32>
        %parallel_loop3A_234 = math.absf %parallel_loop3A_154 : vector<16xf32>
        %parallel_loop3A_235 = math.absf %parallel_loop3A_158 : vector<16xf32>
        %parallel_loop3A_236 = arith.maximumf %parallel_loop3A_234, %parallel_loop3A_235 : vector<16xf32>
        %parallel_loop3A_237 = math.absf %parallel_loop3A_162 : vector<16xf32>
        %parallel_loop3A_238 = math.absf %parallel_loop3A_166 : vector<16xf32>
        %parallel_loop3A_239 = arith.maximumf %parallel_loop3A_237, %parallel_loop3A_238 : vector<16xf32>
        %parallel_loop3A_240 = math.absf %parallel_loop3A_170 : vector<16xf32>
        %parallel_loop3A_241 = math.absf %parallel_loop3A_174 : vector<16xf32>
        %parallel_loop3A_242 = arith.maximumf %parallel_loop3A_240, %parallel_loop3A_241 : vector<16xf32>
        %parallel_loop3A_243 = math.absf %parallel_loop3A_178 : vector<16xf32>
        %parallel_loop3A_244 = math.absf %parallel_loop3A_182 : vector<16xf32>
        %parallel_loop3A_245 = arith.maximumf %parallel_loop3A_243, %parallel_loop3A_244 : vector<16xf32>
        %parallel_loop3A_246 = math.absf %parallel_loop3A_186 : vector<16xf32>
        %parallel_loop3A_247 = math.absf %parallel_loop3A_190 : vector<16xf32>
        %parallel_loop3A_248 = arith.maximumf %parallel_loop3A_246, %parallel_loop3A_247 : vector<16xf32>
        %parallel_loop3A_249 = math.absf %parallel_loop3A_194 : vector<16xf32>
        %parallel_loop3A_250 = math.absf %parallel_loop3A_198 : vector<16xf32>
        %parallel_loop3A_251 = arith.maximumf %parallel_loop3A_249, %parallel_loop3A_250 : vector<16xf32>
        %parallel_loop3A_252 = math.absf %parallel_loop3A_202 : vector<16xf32>
        %parallel_loop3A_253 = math.absf %parallel_loop3A_206 : vector<16xf32>
        %parallel_loop3A_254 = arith.maximumf %parallel_loop3A_252, %parallel_loop3A_253 : vector<16xf32>
        %parallel_loop3A_255 = arith.maximumf %parallel_loop3A_209, %parallel_loop3A_212 : vector<16xf32>
        %parallel_loop3A_256 = arith.maximumf %parallel_loop3A_215, %parallel_loop3A_218 : vector<16xf32>
        %parallel_loop3A_257 = arith.maximumf %parallel_loop3A_221, %parallel_loop3A_224 : vector<16xf32>
        %parallel_loop3A_258 = arith.maximumf %parallel_loop3A_227, %parallel_loop3A_230 : vector<16xf32>
        %parallel_loop3A_259 = arith.maximumf %parallel_loop3A_233, %parallel_loop3A_236 : vector<16xf32>
        %parallel_loop3A_260 = arith.maximumf %parallel_loop3A_239, %parallel_loop3A_242 : vector<16xf32>
        %parallel_loop3A_261 = arith.maximumf %parallel_loop3A_245, %parallel_loop3A_248 : vector<16xf32>
        %parallel_loop3A_262 = arith.maximumf %parallel_loop3A_251, %parallel_loop3A_254 : vector<16xf32>
        %parallel_loop3A_263 = arith.maximumf %parallel_loop3A_255, %parallel_loop3A_256 : vector<16xf32>
        %parallel_loop3A_264 = arith.maximumf %parallel_loop3A_257, %parallel_loop3A_258 : vector<16xf32>
        %parallel_loop3A_265 = arith.maximumf %parallel_loop3A_259, %parallel_loop3A_260 : vector<16xf32>
        %parallel_loop3A_266 = arith.maximumf %parallel_loop3A_261, %parallel_loop3A_262 : vector<16xf32>
        %parallel_loop3A_267 = arith.maximumf %parallel_loop3A_263, %parallel_loop3A_264 : vector<16xf32>
        %parallel_loop3A_268 = arith.maximumf %parallel_loop3A_265, %parallel_loop3A_266 : vector<16xf32>
        %parallel_loop3A_269 = arith.maximumf %parallel_loop3A_267, %parallel_loop3A_268 : vector<16xf32>
        %parallel_loop3A_270 = vector.shape_cast %reshape3A : vector<16x1xi32> to vector<16xi32>
        %parallel_loop3A_271 = tpu.dynamic_gather %parallel_loop3A_269[%parallel_loop3A_270] in [0] : vector<16xf32>, vector<16xi32> -> vector<16xf32>
        %parallel_loop3A_272 = arith.maximumf %parallel_loop3A_269, %parallel_loop3A_271 : vector<16xf32>
        %parallel_loop3A_273 = vector.shape_cast %reshape3A_8 : vector<16x1xi32> to vector<16xi32>
        %parallel_loop3A_274 = tpu.dynamic_gather %parallel_loop3A_272[%parallel_loop3A_273] in [0] : vector<16xf32>, vector<16xi32> -> vector<16xf32>
        %parallel_loop3A_275 = arith.maximumf %parallel_loop3A_272, %parallel_loop3A_274 : vector<16xf32>
        %parallel_loop3A_276 = vector.shape_cast %reshape3A_12 : vector<16x1xi32> to vector<16xi32>
        %parallel_loop3A_277 = tpu.dynamic_gather %parallel_loop3A_275[%parallel_loop3A_276] in [0] : vector<16xf32>, vector<16xi32> -> vector<16xf32>
        %parallel_loop3A_278 = arith.maximumf %parallel_loop3A_275, %parallel_loop3A_277 : vector<16xf32>
        %parallel_loop3A_279 = vector.shape_cast %reshape3A_16 : vector<16x1xi32> to vector<16xi32>
        %parallel_loop3A_280 = tpu.dynamic_gather %parallel_loop3A_278[%parallel_loop3A_279] in [0] : vector<16xf32>, vector<16xi32> -> vector<16xf32>
        %parallel_loop3A_281 = arith.maximumf %parallel_loop3A_278, %parallel_loop3A_280 : vector<16xf32>
        %parallel_loop3A_282 = arith.constant 0.000000e+00 : f32
        %parallel_loop3A_283 = vector.broadcast %parallel_loop3A_282 : f32 to vector<16xf32>
        %parallel_loop3A_284 = arith.cmpf oeq, %parallel_loop3A_281, %parallel_loop3A_283 : vector<16xf32>
        %parallel_loop3A_285 = arith.constant 1.000000e+00 : f32
        %parallel_loop3A_286 = vector.broadcast %parallel_loop3A_285 : f32 to vector<16xf32>
        %parallel_loop3A_287 = arith.select %parallel_loop3A_284, %parallel_loop3A_286, %parallel_loop3A_281 : vector<16xi1>, vector<16xf32>
        %parallel_loop3A_288 = arith.constant 3.200000e+01 : f32
        %parallel_loop3A_289 = vector.broadcast %parallel_loop3A_288 : f32 to vector<16xf32>
        %parallel_loop3A_290 = arith.divf %parallel_loop3A_289, %parallel_loop3A_287 : vector<16xf32>
        %parallel_loop3A_291 = arith.mulf %parallel_loop3A_82, %parallel_loop3A_290 : vector<16xf32>
        %parallel_loop3A_292 = arith.constant 3.200000e+01 : f32
        %parallel_loop3A_293 = vector.broadcast %parallel_loop3A_292 : f32 to vector<16xf32>
        %parallel_loop3A_294 = arith.addf %parallel_loop3A_291, %parallel_loop3A_293 : vector<16xf32>
        %parallel_loop3A_295 = arith.fptosi %parallel_loop3A_294 : vector<16xf32> to vector<16xi32>
        %parallel_loop3A_296 = tpu.vector_load_idx %arg6[%parallel_loop3A_295] : memref<85xf32, #tpu.memory_space<vmem>>[vector<16xi32>], vector<16xf32>,
        %parallel_loop3A_297 = arith.cmpf ogt, %parallel_loop3A_294, %parallel_loop3A_296 : vector<16xf32>
        %parallel_loop3A_298 = arith.constant 85 : i32
        %parallel_loop3A_299 = arith.constant 0 : i32
        %parallel_loop3A_300 = vector.broadcast %parallel_loop3A_298 : i32 to vector<16xi32>
        %parallel_loop3A_301 = vector.broadcast %parallel_loop3A_299 : i32 to vector<16xi32>
        %parallel_loop3A_302 = arith.select %parallel_loop3A_297, %parallel_loop3A_300, %parallel_loop3A_301 : vector<16xi1>, vector<16xi32>
        %parallel_loop3A_303 = arith.addi %parallel_loop3A_295, %parallel_loop3A_302 : vector<16xi32>
        %parallel_loop3A_304 = tpu.vector_load_idx %arg7[%parallel_loop3A_303] : memref<170xf32, #tpu.memory_space<vmem>>[vector<16xi32>], vector<16xf32>,
        %parallel_loop3A_305 = arith.mulf %parallel_loop3A_304, %parallel_loop3A_281 : vector<16xf32>
        %parallel_loop3A_306 = arith.constant 0 : i32
        %parallel_loop3A_307 = arith.addi %parallel_loop3A_78, %parallel_loop3A_306 : i32
        %parallel_loop3A_308 = arith.index_cast %parallel_loop3A_307 : i32 to index
        %parallel_loop3A_309 = tpu.vector_load %arg10[%parallel_loop3A_308] {strides = array<i32>} : memref<16384xf32, #tpu.memory_space<vmem>>, vector<16xf32>,
        tpu.vector_store %arg10[%parallel_loop3A_308], %parallel_loop3A_305 {strides = array<i32>} : memref<16384xf32, #tpu.memory_space<vmem>>, vector<16xf32>,
        %parallel_loop3A_310 = arith.mulf %parallel_loop3A_86, %parallel_loop3A_290 : vector<16xf32>
        %parallel_loop3A_311 = arith.constant 3.200000e+01 : f32
        %parallel_loop3A_312 = vector.broadcast %parallel_loop3A_311 : f32 to vector<16xf32>
        %parallel_loop3A_313 = arith.addf %parallel_loop3A_310, %parallel_loop3A_312 : vector<16xf32>
        %parallel_loop3A_314 = arith.fptosi %parallel_loop3A_313 : vector<16xf32> to vector<16xi32>
        %parallel_loop3A_315 = tpu.vector_load_idx %arg6[%parallel_loop3A_314] : memref<85xf32, #tpu.memory_space<vmem>>[vector<16xi32>], vector<16xf32>,
        %parallel_loop3A_316 = arith.cmpf ogt, %parallel_loop3A_313, %parallel_loop3A_315 : vector<16xf32>
        %parallel_loop3A_317 = arith.constant 85 : i32
        %parallel_loop3A_318 = arith.constant 0 : i32
        %parallel_loop3A_319 = vector.broadcast %parallel_loop3A_317 : i32 to vector<16xi32>
        %parallel_loop3A_320 = vector.broadcast %parallel_loop3A_318 : i32 to vector<16xi32>
        %parallel_loop3A_321 = arith.select %parallel_loop3A_316, %parallel_loop3A_319, %parallel_loop3A_320 : vector<16xi1>, vector<16xi32>
        %parallel_loop3A_322 = arith.addi %parallel_loop3A_314, %parallel_loop3A_321 : vector<16xi32>
        %parallel_loop3A_323 = tpu.vector_load_idx %arg7[%parallel_loop3A_322] : memref<170xf32, #tpu.memory_space<vmem>>[vector<16xi32>], vector<16xf32>,
        %parallel_loop3A_324 = arith.mulf %parallel_loop3A_323, %parallel_loop3A_281 : vector<16xf32>
        %parallel_loop3A_325 = arith.constant 16 : i32
        %parallel_loop3A_326 = arith.addi %parallel_loop3A_78, %parallel_loop3A_325 : i32
        %parallel_loop3A_327 = arith.index_cast %parallel_loop3A_326 : i32 to index
        %parallel_loop3A_328 = tpu.vector_load %arg10[%parallel_loop3A_327] {strides = array<i32>} : memref<16384xf32, #tpu.memory_space<vmem>>, vector<16xf32>,
        tpu.vector_store %arg10[%parallel_loop3A_327], %parallel_loop3A_324 {strides = array<i32>} : memref<16384xf32, #tpu.memory_space<vmem>>, vector<16xf32>,
        %parallel_loop3A_329 = arith.mulf %parallel_loop3A_90, %parallel_loop3A_290 : vector<16xf32>
        %parallel_loop3A_330 = arith.constant 3.200000e+01 : f32
        %parallel_loop3A_331 = vector.broadcast %parallel_loop3A_330 : f32 to vector<16xf32>
        %parallel_loop3A_332 = arith.addf %parallel_loop3A_329, %parallel_loop3A_331 : vector<16xf32>
        %parallel_loop3A_333 = arith.fptosi %parallel_loop3A_332 : vector<16xf32> to vector<16xi32>
        %parallel_loop3A_334 = tpu.vector_load_idx %arg6[%parallel_loop3A_333] : memref<85xf32, #tpu.memory_space<vmem>>[vector<16xi32>], vector<16xf32>,
        %parallel_loop3A_335 = arith.cmpf ogt, %parallel_loop3A_332, %parallel_loop3A_334 : vector<16xf32>
        %parallel_loop3A_336 = arith.constant 85 : i32
        %parallel_loop3A_337 = arith.constant 0 : i32
        %parallel_loop3A_338 = vector.broadcast %parallel_loop3A_336 : i32 to vector<16xi32>
        %parallel_loop3A_339 = vector.broadcast %parallel_loop3A_337 : i32 to vector<16xi32>
        %parallel_loop3A_340 = arith.select %parallel_loop3A_335, %parallel_loop3A_338, %parallel_loop3A_339 : vector<16xi1>, vector<16xi32>
        %parallel_loop3A_341 = arith.addi %parallel_loop3A_333, %parallel_loop3A_340 : vector<16xi32>
        %parallel_loop3A_342 = tpu.vector_load_idx %arg7[%parallel_loop3A_341] : memref<170xf32, #tpu.memory_space<vmem>>[vector<16xi32>], vector<16xf32>,
        %parallel_loop3A_343 = arith.mulf %parallel_loop3A_342, %parallel_loop3A_281 : vector<16xf32>
        %parallel_loop3A_344 = arith.constant 32 : i32
        %parallel_loop3A_345 = arith.addi %parallel_loop3A_78, %parallel_loop3A_344 : i32
        %parallel_loop3A_346 = arith.index_cast %parallel_loop3A_345 : i32 to index
        %parallel_loop3A_347 = tpu.vector_load %arg10[%parallel_loop3A_346] {strides = array<i32>} : memref<16384xf32, #tpu.memory_space<vmem>>, vector<16xf32>,
        tpu.vector_store %arg10[%parallel_loop3A_346], %parallel_loop3A_343 {strides = array<i32>} : memref<16384xf32, #tpu.memory_space<vmem>>, vector<16xf32>,
        %parallel_loop3A_348 = arith.mulf %parallel_loop3A_94, %parallel_loop3A_290 : vector<16xf32>
        %parallel_loop3A_349 = arith.constant 3.200000e+01 : f32
        %parallel_loop3A_350 = vector.broadcast %parallel_loop3A_349 : f32 to vector<16xf32>
        %parallel_loop3A_351 = arith.addf %parallel_loop3A_348, %parallel_loop3A_350 : vector<16xf32>
        %parallel_loop3A_352 = arith.fptosi %parallel_loop3A_351 : vector<16xf32> to vector<16xi32>
        %parallel_loop3A_353 = tpu.vector_load_idx %arg6[%parallel_loop3A_352] : memref<85xf32, #tpu.memory_space<vmem>>[vector<16xi32>], vector<16xf32>,
        %parallel_loop3A_354 = arith.cmpf ogt, %parallel_loop3A_351, %parallel_loop3A_353 : vector<16xf32>
        %parallel_loop3A_355 = arith.constant 85 : i32
        %parallel_loop3A_356 = arith.constant 0 : i32
        %parallel_loop3A_357 = vector.broadcast %parallel_loop3A_355 : i32 to vector<16xi32>
        %parallel_loop3A_358 = vector.broadcast %parallel_loop3A_356 : i32 to vector<16xi32>
        %parallel_loop3A_359 = arith.select %parallel_loop3A_354, %parallel_loop3A_357, %parallel_loop3A_358 : vector<16xi1>, vector<16xi32>
        %parallel_loop3A_360 = arith.addi %parallel_loop3A_352, %parallel_loop3A_359 : vector<16xi32>
        %parallel_loop3A_361 = tpu.vector_load_idx %arg7[%parallel_loop3A_360] : memref<170xf32, #tpu.memory_space<vmem>>[vector<16xi32>], vector<16xf32>,
        %parallel_loop3A_362 = arith.mulf %parallel_loop3A_361, %parallel_loop3A_281 : vector<16xf32>
        %parallel_loop3A_363 = arith.constant 48 : i32
        %parallel_loop3A_364 = arith.addi %parallel_loop3A_78, %parallel_loop3A_363 : i32
        %parallel_loop3A_365 = arith.index_cast %parallel_loop3A_364 : i32 to index
        %parallel_loop3A_366 = tpu.vector_load %arg10[%parallel_loop3A_365] {strides = array<i32>} : memref<16384xf32, #tpu.memory_space<vmem>>, vector<16xf32>,
        tpu.vector_store %arg10[%parallel_loop3A_365], %parallel_loop3A_362 {strides = array<i32>} : memref<16384xf32, #tpu.memory_space<vmem>>, vector<16xf32>,
        %parallel_loop3A_367 = arith.mulf %parallel_loop3A_98, %parallel_loop3A_290 : vector<16xf32>
        %parallel_loop3A_368 = arith.constant 3.200000e+01 : f32
        %parallel_loop3A_369 = vector.broadcast %parallel_loop3A_368 : f32 to vector<16xf32>
        %parallel_loop3A_370 = arith.addf %parallel_loop3A_367, %parallel_loop3A_369 : vector<16xf32>
        %parallel_loop3A_371 = arith.fptosi %parallel_loop3A_370 : vector<16xf32> to vector<16xi32>
        %parallel_loop3A_372 = tpu.vector_load_idx %arg6[%parallel_loop3A_371] : memref<85xf32, #tpu.memory_space<vmem>>[vector<16xi32>], vector<16xf32>,
        %parallel_loop3A_373 = arith.cmpf ogt, %parallel_loop3A_370, %parallel_loop3A_372 : vector<16xf32>
        %parallel_loop3A_374 = arith.constant 85 : i32
        %parallel_loop3A_375 = arith.constant 0 : i32
        %parallel_loop3A_376 = vector.broadcast %parallel_loop3A_374 : i32 to vector<16xi32>
        %parallel_loop3A_377 = vector.broadcast %parallel_loop3A_375 : i32 to vector<16xi32>
        %parallel_loop3A_378 = arith.select %parallel_loop3A_373, %parallel_loop3A_376, %parallel_loop3A_377 : vector<16xi1>, vector<16xi32>
        %parallel_loop3A_379 = arith.addi %parallel_loop3A_371, %parallel_loop3A_378 : vector<16xi32>
        %parallel_loop3A_380 = tpu.vector_load_idx %arg7[%parallel_loop3A_379] : memref<170xf32, #tpu.memory_space<vmem>>[vector<16xi32>], vector<16xf32>,
        %parallel_loop3A_381 = arith.mulf %parallel_loop3A_380, %parallel_loop3A_281 : vector<16xf32>
        %parallel_loop3A_382 = arith.constant 64 : i32
        %parallel_loop3A_383 = arith.addi %parallel_loop3A_78, %parallel_loop3A_382 : i32
        %parallel_loop3A_384 = arith.index_cast %parallel_loop3A_383 : i32 to index
        %parallel_loop3A_385 = tpu.vector_load %arg10[%parallel_loop3A_384] {strides = array<i32>} : memref<16384xf32, #tpu.memory_space<vmem>>, vector<16xf32>,
        tpu.vector_store %arg10[%parallel_loop3A_384], %parallel_loop3A_381 {strides = array<i32>} : memref<16384xf32, #tpu.memory_space<vmem>>, vector<16xf32>,
        %parallel_loop3A_386 = arith.mulf %parallel_loop3A_102, %parallel_loop3A_290 : vector<16xf32>
        %parallel_loop3A_387 = arith.constant 3.200000e+01 : f32
        %parallel_loop3A_388 = vector.broadcast %parallel_loop3A_387 : f32 to vector<16xf32>
        %parallel_loop3A_389 = arith.addf %parallel_loop3A_386, %parallel_loop3A_388 : vector<16xf32>
        %parallel_loop3A_390 = arith.fptosi %parallel_loop3A_389 : vector<16xf32> to vector<16xi32>
        %parallel_loop3A_391 = tpu.vector_load_idx %arg6[%parallel_loop3A_390] : memref<85xf32, #tpu.memory_space<vmem>>[vector<16xi32>], vector<16xf32>,
        %parallel_loop3A_392 = arith.cmpf ogt, %parallel_loop3A_389, %parallel_loop3A_391 : vector<16xf32>
        %parallel_loop3A_393 = arith.constant 85 : i32
        %parallel_loop3A_394 = arith.constant 0 : i32
        %parallel_loop3A_395 = vector.broadcast %parallel_loop3A_393 : i32 to vector<16xi32>
        %parallel_loop3A_396 = vector.broadcast %parallel_loop3A_394 : i32 to vector<16xi32>
        %parallel_loop3A_397 = arith.select %parallel_loop3A_392, %parallel_loop3A_395, %parallel_loop3A_396 : vector<16xi1>, vector<16xi32>
        %parallel_loop3A_398 = arith.addi %parallel_loop3A_390, %parallel_loop3A_397 : vector<16xi32>
        %parallel_loop3A_399 = tpu.vector_load_idx %arg7[%parallel_loop3A_398] : memref<170xf32, #tpu.memory_space<vmem>>[vector<16xi32>], vector<16xf32>,
        %parallel_loop3A_400 = arith.mulf %parallel_loop3A_399, %parallel_loop3A_281 : vector<16xf32>
        %parallel_loop3A_401 = arith.constant 80 : i32
        %parallel_loop3A_402 = arith.addi %parallel_loop3A_78, %parallel_loop3A_401 : i32
        %parallel_loop3A_403 = arith.index_cast %parallel_loop3A_402 : i32 to index
        %parallel_loop3A_404 = tpu.vector_load %arg10[%parallel_loop3A_403] {strides = array<i32>} : memref<16384xf32, #tpu.memory_space<vmem>>, vector<16xf32>,
        tpu.vector_store %arg10[%parallel_loop3A_403], %parallel_loop3A_400 {strides = array<i32>} : memref<16384xf32, #tpu.memory_space<vmem>>, vector<16xf32>,
        %parallel_loop3A_405 = arith.mulf %parallel_loop3A_106, %parallel_loop3A_290 : vector<16xf32>
        %parallel_loop3A_406 = arith.constant 3.200000e+01 : f32
        %parallel_loop3A_407 = vector.broadcast %parallel_loop3A_406 : f32 to vector<16xf32>
        %parallel_loop3A_408 = arith.addf %parallel_loop3A_405, %parallel_loop3A_407 : vector<16xf32>
        %parallel_loop3A_409 = arith.fptosi %parallel_loop3A_408 : vector<16xf32> to vector<16xi32>
        %parallel_loop3A_410 = tpu.vector_load_idx %arg6[%parallel_loop3A_409] : memref<85xf32, #tpu.memory_space<vmem>>[vector<16xi32>], vector<16xf32>,
        %parallel_loop3A_411 = arith.cmpf ogt, %parallel_loop3A_408, %parallel_loop3A_410 : vector<16xf32>
        %parallel_loop3A_412 = arith.constant 85 : i32
        %parallel_loop3A_413 = arith.constant 0 : i32
        %parallel_loop3A_414 = vector.broadcast %parallel_loop3A_412 : i32 to vector<16xi32>
        %parallel_loop3A_415 = vector.broadcast %parallel_loop3A_413 : i32 to vector<16xi32>
        %parallel_loop3A_416 = arith.select %parallel_loop3A_411, %parallel_loop3A_414, %parallel_loop3A_415 : vector<16xi1>, vector<16xi32>
        %parallel_loop3A_417 = arith.addi %parallel_loop3A_409, %parallel_loop3A_416 : vector<16xi32>
        %parallel_loop3A_418 = tpu.vector_load_idx %arg7[%parallel_loop3A_417] : memref<170xf32, #tpu.memory_space<vmem>>[vector<16xi32>], vector<16xf32>,
        %parallel_loop3A_419 = arith.mulf %parallel_loop3A_418, %parallel_loop3A_281 : vector<16xf32>
        %parallel_loop3A_420 = arith.constant 96 : i32
        %parallel_loop3A_421 = arith.addi %parallel_loop3A_78, %parallel_loop3A_420 : i32
        %parallel_loop3A_422 = arith.index_cast %parallel_loop3A_421 : i32 to index
        %parallel_loop3A_423 = tpu.vector_load %arg10[%parallel_loop3A_422] {strides = array<i32>} : memref<16384xf32, #tpu.memory_space<vmem>>, vector<16xf32>,
        tpu.vector_store %arg10[%parallel_loop3A_422], %parallel_loop3A_419 {strides = array<i32>} : memref<16384xf32, #tpu.memory_space<vmem>>, vector<16xf32>,
        %parallel_loop3A_424 = arith.mulf %parallel_loop3A_110, %parallel_loop3A_290 : vector<16xf32>
        %parallel_loop3A_425 = arith.constant 3.200000e+01 : f32
        %parallel_loop3A_426 = vector.broadcast %parallel_loop3A_425 : f32 to vector<16xf32>
        %parallel_loop3A_427 = arith.addf %parallel_loop3A_424, %parallel_loop3A_426 : vector<16xf32>
        %parallel_loop3A_428 = arith.fptosi %parallel_loop3A_427 : vector<16xf32> to vector<16xi32>
        %parallel_loop3A_429 = tpu.vector_load_idx %arg6[%parallel_loop3A_428] : memref<85xf32, #tpu.memory_space<vmem>>[vector<16xi32>], vector<16xf32>,
        %parallel_loop3A_430 = arith.cmpf ogt, %parallel_loop3A_427, %parallel_loop3A_429 : vector<16xf32>
        %parallel_loop3A_431 = arith.constant 85 : i32
        %parallel_loop3A_432 = arith.constant 0 : i32
        %parallel_loop3A_433 = vector.broadcast %parallel_loop3A_431 : i32 to vector<16xi32>
        %parallel_loop3A_434 = vector.broadcast %parallel_loop3A_432 : i32 to vector<16xi32>
        %parallel_loop3A_435 = arith.select %parallel_loop3A_430, %parallel_loop3A_433, %parallel_loop3A_434 : vector<16xi1>, vector<16xi32>
        %parallel_loop3A_436 = arith.addi %parallel_loop3A_428, %parallel_loop3A_435 : vector<16xi32>
        %parallel_loop3A_437 = tpu.vector_load_idx %arg7[%parallel_loop3A_436] : memref<170xf32, #tpu.memory_space<vmem>>[vector<16xi32>], vector<16xf32>,
        %parallel_loop3A_438 = arith.mulf %parallel_loop3A_437, %parallel_loop3A_281 : vector<16xf32>
        %parallel_loop3A_439 = arith.constant 112 : i32
        %parallel_loop3A_440 = arith.addi %parallel_loop3A_78, %parallel_loop3A_439 : i32
        %parallel_loop3A_441 = arith.index_cast %parallel_loop3A_440 : i32 to index
        %parallel_loop3A_442 = tpu.vector_load %arg10[%parallel_loop3A_441] {strides = array<i32>} : memref<16384xf32, #tpu.memory_space<vmem>>, vector<16xf32>,
        tpu.vector_store %arg10[%parallel_loop3A_441], %parallel_loop3A_438 {strides = array<i32>} : memref<16384xf32, #tpu.memory_space<vmem>>, vector<16xf32>,
        %parallel_loop3A_443 = arith.mulf %parallel_loop3A_114, %parallel_loop3A_290 : vector<16xf32>
        %parallel_loop3A_444 = arith.constant 3.200000e+01 : f32
        %parallel_loop3A_445 = vector.broadcast %parallel_loop3A_444 : f32 to vector<16xf32>
        %parallel_loop3A_446 = arith.addf %parallel_loop3A_443, %parallel_loop3A_445 : vector<16xf32>
        %parallel_loop3A_447 = arith.fptosi %parallel_loop3A_446 : vector<16xf32> to vector<16xi32>
        %parallel_loop3A_448 = tpu.vector_load_idx %arg6[%parallel_loop3A_447] : memref<85xf32, #tpu.memory_space<vmem>>[vector<16xi32>], vector<16xf32>,
        %parallel_loop3A_449 = arith.cmpf ogt, %parallel_loop3A_446, %parallel_loop3A_448 : vector<16xf32>
        %parallel_loop3A_450 = arith.constant 85 : i32
        %parallel_loop3A_451 = arith.constant 0 : i32
        %parallel_loop3A_452 = vector.broadcast %parallel_loop3A_450 : i32 to vector<16xi32>
        %parallel_loop3A_453 = vector.broadcast %parallel_loop3A_451 : i32 to vector<16xi32>
        %parallel_loop3A_454 = arith.select %parallel_loop3A_449, %parallel_loop3A_452, %parallel_loop3A_453 : vector<16xi1>, vector<16xi32>
        %parallel_loop3A_455 = arith.addi %parallel_loop3A_447, %parallel_loop3A_454 : vector<16xi32>
        %parallel_loop3A_456 = tpu.vector_load_idx %arg7[%parallel_loop3A_455] : memref<170xf32, #tpu.memory_space<vmem>>[vector<16xi32>], vector<16xf32>,
        %parallel_loop3A_457 = arith.mulf %parallel_loop3A_456, %parallel_loop3A_281 : vector<16xf32>
        %parallel_loop3A_458 = arith.constant 128 : i32
        %parallel_loop3A_459 = arith.addi %parallel_loop3A_78, %parallel_loop3A_458 : i32
        %parallel_loop3A_460 = arith.index_cast %parallel_loop3A_459 : i32 to index
        %parallel_loop3A_461 = tpu.vector_load %arg10[%parallel_loop3A_460] {strides = array<i32>} : memref<16384xf32, #tpu.memory_space<vmem>>, vector<16xf32>,
        tpu.vector_store %arg10[%parallel_loop3A_460], %parallel_loop3A_457 {strides = array<i32>} : memref<16384xf32, #tpu.memory_space<vmem>>, vector<16xf32>,
        %parallel_loop3A_462 = arith.mulf %parallel_loop3A_118, %parallel_loop3A_290 : vector<16xf32>
        %parallel_loop3A_463 = arith.constant 3.200000e+01 : f32
        %parallel_loop3A_464 = vector.broadcast %parallel_loop3A_463 : f32 to vector<16xf32>
        %parallel_loop3A_465 = arith.addf %parallel_loop3A_462, %parallel_loop3A_464 : vector<16xf32>
        %parallel_loop3A_466 = arith.fptosi %parallel_loop3A_465 : vector<16xf32> to vector<16xi32>
        %parallel_loop3A_467 = tpu.vector_load_idx %arg6[%parallel_loop3A_466] : memref<85xf32, #tpu.memory_space<vmem>>[vector<16xi32>], vector<16xf32>,
        %parallel_loop3A_468 = arith.cmpf ogt, %parallel_loop3A_465, %parallel_loop3A_467 : vector<16xf32>
        %parallel_loop3A_469 = arith.constant 85 : i32
        %parallel_loop3A_470 = arith.constant 0 : i32
        %parallel_loop3A_471 = vector.broadcast %parallel_loop3A_469 : i32 to vector<16xi32>
        %parallel_loop3A_472 = vector.broadcast %parallel_loop3A_470 : i32 to vector<16xi32>
        %parallel_loop3A_473 = arith.select %parallel_loop3A_468, %parallel_loop3A_471, %parallel_loop3A_472 : vector<16xi1>, vector<16xi32>
        %parallel_loop3A_474 = arith.addi %parallel_loop3A_466, %parallel_loop3A_473 : vector<16xi32>
        %parallel_loop3A_475 = tpu.vector_load_idx %arg7[%parallel_loop3A_474] : memref<170xf32, #tpu.memory_space<vmem>>[vector<16xi32>], vector<16xf32>,
        %parallel_loop3A_476 = arith.mulf %parallel_loop3A_475, %parallel_loop3A_281 : vector<16xf32>
        %parallel_loop3A_477 = arith.constant 144 : i32
        %parallel_loop3A_478 = arith.addi %parallel_loop3A_78, %parallel_loop3A_477 : i32
        %parallel_loop3A_479 = arith.index_cast %parallel_loop3A_478 : i32 to index
        %parallel_loop3A_480 = tpu.vector_load %arg10[%parallel_loop3A_479] {strides = array<i32>} : memref<16384xf32, #tpu.memory_space<vmem>>, vector<16xf32>,
        tpu.vector_store %arg10[%parallel_loop3A_479], %parallel_loop3A_476 {strides = array<i32>} : memref<16384xf32, #tpu.memory_space<vmem>>, vector<16xf32>,
        %parallel_loop3A_481 = arith.mulf %parallel_loop3A_122, %parallel_loop3A_290 : vector<16xf32>
        %parallel_loop3A_482 = arith.constant 3.200000e+01 : f32
        %parallel_loop3A_483 = vector.broadcast %parallel_loop3A_482 : f32 to vector<16xf32>
        %parallel_loop3A_484 = arith.addf %parallel_loop3A_481, %parallel_loop3A_483 : vector<16xf32>
        %parallel_loop3A_485 = arith.fptosi %parallel_loop3A_484 : vector<16xf32> to vector<16xi32>
        %parallel_loop3A_486 = tpu.vector_load_idx %arg6[%parallel_loop3A_485] : memref<85xf32, #tpu.memory_space<vmem>>[vector<16xi32>], vector<16xf32>,
        %parallel_loop3A_487 = arith.cmpf ogt, %parallel_loop3A_484, %parallel_loop3A_486 : vector<16xf32>
        %parallel_loop3A_488 = arith.constant 85 : i32
        %parallel_loop3A_489 = arith.constant 0 : i32
        %parallel_loop3A_490 = vector.broadcast %parallel_loop3A_488 : i32 to vector<16xi32>
        %parallel_loop3A_491 = vector.broadcast %parallel_loop3A_489 : i32 to vector<16xi32>
        %parallel_loop3A_492 = arith.select %parallel_loop3A_487, %parallel_loop3A_490, %parallel_loop3A_491 : vector<16xi1>, vector<16xi32>
        %parallel_loop3A_493 = arith.addi %parallel_loop3A_485, %parallel_loop3A_492 : vector<16xi32>
        %parallel_loop3A_494 = tpu.vector_load_idx %arg7[%parallel_loop3A_493] : memref<170xf32, #tpu.memory_space<vmem>>[vector<16xi32>], vector<16xf32>,
        %parallel_loop3A_495 = arith.mulf %parallel_loop3A_494, %parallel_loop3A_281 : vector<16xf32>
        %parallel_loop3A_496 = arith.constant 160 : i32
        %parallel_loop3A_497 = arith.addi %parallel_loop3A_78, %parallel_loop3A_496 : i32
        %parallel_loop3A_498 = arith.index_cast %parallel_loop3A_497 : i32 to index
        %parallel_loop3A_499 = tpu.vector_load %arg10[%parallel_loop3A_498] {strides = array<i32>} : memref<16384xf32, #tpu.memory_space<vmem>>, vector<16xf32>,
        tpu.vector_store %arg10[%parallel_loop3A_498], %parallel_loop3A_495 {strides = array<i32>} : memref<16384xf32, #tpu.memory_space<vmem>>, vector<16xf32>,
        %parallel_loop3A_500 = arith.mulf %parallel_loop3A_126, %parallel_loop3A_290 : vector<16xf32>
        %parallel_loop3A_501 = arith.constant 3.200000e+01 : f32
        %parallel_loop3A_502 = vector.broadcast %parallel_loop3A_501 : f32 to vector<16xf32>
        %parallel_loop3A_503 = arith.addf %parallel_loop3A_500, %parallel_loop3A_502 : vector<16xf32>
        %parallel_loop3A_504 = arith.fptosi %parallel_loop3A_503 : vector<16xf32> to vector<16xi32>
        %parallel_loop3A_505 = tpu.vector_load_idx %arg6[%parallel_loop3A_504] : memref<85xf32, #tpu.memory_space<vmem>>[vector<16xi32>], vector<16xf32>,
        %parallel_loop3A_506 = arith.cmpf ogt, %parallel_loop3A_503, %parallel_loop3A_505 : vector<16xf32>
        %parallel_loop3A_507 = arith.constant 85 : i32
        %parallel_loop3A_508 = arith.constant 0 : i32
        %parallel_loop3A_509 = vector.broadcast %parallel_loop3A_507 : i32 to vector<16xi32>
        %parallel_loop3A_510 = vector.broadcast %parallel_loop3A_508 : i32 to vector<16xi32>
        %parallel_loop3A_511 = arith.select %parallel_loop3A_506, %parallel_loop3A_509, %parallel_loop3A_510 : vector<16xi1>, vector<16xi32>
        %parallel_loop3A_512 = arith.addi %parallel_loop3A_504, %parallel_loop3A_511 : vector<16xi32>
        %parallel_loop3A_513 = tpu.vector_load_idx %arg7[%parallel_loop3A_512] : memref<170xf32, #tpu.memory_space<vmem>>[vector<16xi32>], vector<16xf32>,
        %parallel_loop3A_514 = arith.mulf %parallel_loop3A_513, %parallel_loop3A_281 : vector<16xf32>
        %parallel_loop3A_515 = arith.constant 176 : i32
        %parallel_loop3A_516 = arith.addi %parallel_loop3A_78, %parallel_loop3A_515 : i32
        %parallel_loop3A_517 = arith.index_cast %parallel_loop3A_516 : i32 to index
        %parallel_loop3A_518 = tpu.vector_load %arg10[%parallel_loop3A_517] {strides = array<i32>} : memref<16384xf32, #tpu.memory_space<vmem>>, vector<16xf32>,
        tpu.vector_store %arg10[%parallel_loop3A_517], %parallel_loop3A_514 {strides = array<i32>} : memref<16384xf32, #tpu.memory_space<vmem>>, vector<16xf32>,
        %parallel_loop3A_519 = arith.mulf %parallel_loop3A_130, %parallel_loop3A_290 : vector<16xf32>
        %parallel_loop3A_520 = arith.constant 3.200000e+01 : f32
        %parallel_loop3A_521 = vector.broadcast %parallel_loop3A_520 : f32 to vector<16xf32>
        %parallel_loop3A_522 = arith.addf %parallel_loop3A_519, %parallel_loop3A_521 : vector<16xf32>
        %parallel_loop3A_523 = arith.fptosi %parallel_loop3A_522 : vector<16xf32> to vector<16xi32>
        %parallel_loop3A_524 = tpu.vector_load_idx %arg6[%parallel_loop3A_523] : memref<85xf32, #tpu.memory_space<vmem>>[vector<16xi32>], vector<16xf32>,
        %parallel_loop3A_525 = arith.cmpf ogt, %parallel_loop3A_522, %parallel_loop3A_524 : vector<16xf32>
        %parallel_loop3A_526 = arith.constant 85 : i32
        %parallel_loop3A_527 = arith.constant 0 : i32
        %parallel_loop3A_528 = vector.broadcast %parallel_loop3A_526 : i32 to vector<16xi32>
        %parallel_loop3A_529 = vector.broadcast %parallel_loop3A_527 : i32 to vector<16xi32>
        %parallel_loop3A_530 = arith.select %parallel_loop3A_525, %parallel_loop3A_528, %parallel_loop3A_529 : vector<16xi1>, vector<16xi32>
        %parallel_loop3A_531 = arith.addi %parallel_loop3A_523, %parallel_loop3A_530 : vector<16xi32>
        %parallel_loop3A_532 = tpu.vector_load_idx %arg7[%parallel_loop3A_531] : memref<170xf32, #tpu.memory_space<vmem>>[vector<16xi32>], vector<16xf32>,
        %parallel_loop3A_533 = arith.mulf %parallel_loop3A_532, %parallel_loop3A_281 : vector<16xf32>
        %parallel_loop3A_534 = arith.constant 192 : i32
        %parallel_loop3A_535 = arith.addi %parallel_loop3A_78, %parallel_loop3A_534 : i32
        %parallel_loop3A_536 = arith.index_cast %parallel_loop3A_535 : i32 to index
        %parallel_loop3A_537 = tpu.vector_load %arg10[%parallel_loop3A_536] {strides = array<i32>} : memref<16384xf32, #tpu.memory_space<vmem>>, vector<16xf32>,
        tpu.vector_store %arg10[%parallel_loop3A_536], %parallel_loop3A_533 {strides = array<i32>} : memref<16384xf32, #tpu.memory_space<vmem>>, vector<16xf32>,
        %parallel_loop3A_538 = arith.mulf %parallel_loop3A_134, %parallel_loop3A_290 : vector<16xf32>
        %parallel_loop3A_539 = arith.constant 3.200000e+01 : f32
        %parallel_loop3A_540 = vector.broadcast %parallel_loop3A_539 : f32 to vector<16xf32>
        %parallel_loop3A_541 = arith.addf %parallel_loop3A_538, %parallel_loop3A_540 : vector<16xf32>
        %parallel_loop3A_542 = arith.fptosi %parallel_loop3A_541 : vector<16xf32> to vector<16xi32>
        %parallel_loop3A_543 = tpu.vector_load_idx %arg6[%parallel_loop3A_542] : memref<85xf32, #tpu.memory_space<vmem>>[vector<16xi32>], vector<16xf32>,
        %parallel_loop3A_544 = arith.cmpf ogt, %parallel_loop3A_541, %parallel_loop3A_543 : vector<16xf32>
        %parallel_loop3A_545 = arith.constant 85 : i32
        %parallel_loop3A_546 = arith.constant 0 : i32
        %parallel_loop3A_547 = vector.broadcast %parallel_loop3A_545 : i32 to vector<16xi32>
        %parallel_loop3A_548 = vector.broadcast %parallel_loop3A_546 : i32 to vector<16xi32>
        %parallel_loop3A_549 = arith.select %parallel_loop3A_544, %parallel_loop3A_547, %parallel_loop3A_548 : vector<16xi1>, vector<16xi32>
        %parallel_loop3A_550 = arith.addi %parallel_loop3A_542, %parallel_loop3A_549 : vector<16xi32>
        %parallel_loop3A_551 = tpu.vector_load_idx %arg7[%parallel_loop3A_550] : memref<170xf32, #tpu.memory_space<vmem>>[vector<16xi32>], vector<16xf32>,
        %parallel_loop3A_552 = arith.mulf %parallel_loop3A_551, %parallel_loop3A_281 : vector<16xf32>
        %parallel_loop3A_553 = arith.constant 208 : i32
        %parallel_loop3A_554 = arith.addi %parallel_loop3A_78, %parallel_loop3A_553 : i32
        %parallel_loop3A_555 = arith.index_cast %parallel_loop3A_554 : i32 to index
        %parallel_loop3A_556 = tpu.vector_load %arg10[%parallel_loop3A_555] {strides = array<i32>} : memref<16384xf32, #tpu.memory_space<vmem>>, vector<16xf32>,
        tpu.vector_store %arg10[%parallel_loop3A_555], %parallel_loop3A_552 {strides = array<i32>} : memref<16384xf32, #tpu.memory_space<vmem>>, vector<16xf32>,
        %parallel_loop3A_557 = arith.mulf %parallel_loop3A_138, %parallel_loop3A_290 : vector<16xf32>
        %parallel_loop3A_558 = arith.constant 3.200000e+01 : f32
        %parallel_loop3A_559 = vector.broadcast %parallel_loop3A_558 : f32 to vector<16xf32>
        %parallel_loop3A_560 = arith.addf %parallel_loop3A_557, %parallel_loop3A_559 : vector<16xf32>
        %parallel_loop3A_561 = arith.fptosi %parallel_loop3A_560 : vector<16xf32> to vector<16xi32>
        %parallel_loop3A_562 = tpu.vector_load_idx %arg6[%parallel_loop3A_561] : memref<85xf32, #tpu.memory_space<vmem>>[vector<16xi32>], vector<16xf32>,
        %parallel_loop3A_563 = arith.cmpf ogt, %parallel_loop3A_560, %parallel_loop3A_562 : vector<16xf32>
        %parallel_loop3A_564 = arith.constant 85 : i32
        %parallel_loop3A_565 = arith.constant 0 : i32
        %parallel_loop3A_566 = vector.broadcast %parallel_loop3A_564 : i32 to vector<16xi32>
        %parallel_loop3A_567 = vector.broadcast %parallel_loop3A_565 : i32 to vector<16xi32>
        %parallel_loop3A_568 = arith.select %parallel_loop3A_563, %parallel_loop3A_566, %parallel_loop3A_567 : vector<16xi1>, vector<16xi32>
        %parallel_loop3A_569 = arith.addi %parallel_loop3A_561, %parallel_loop3A_568 : vector<16xi32>
        %parallel_loop3A_570 = tpu.vector_load_idx %arg7[%parallel_loop3A_569] : memref<170xf32, #tpu.memory_space<vmem>>[vector<16xi32>], vector<16xf32>,
        %parallel_loop3A_571 = arith.mulf %parallel_loop3A_570, %parallel_loop3A_281 : vector<16xf32>
        %parallel_loop3A_572 = arith.constant 224 : i32
        %parallel_loop3A_573 = arith.addi %parallel_loop3A_78, %parallel_loop3A_572 : i32
        %parallel_loop3A_574 = arith.index_cast %parallel_loop3A_573 : i32 to index
        %parallel_loop3A_575 = tpu.vector_load %arg10[%parallel_loop3A_574] {strides = array<i32>} : memref<16384xf32, #tpu.memory_space<vmem>>, vector<16xf32>,
        tpu.vector_store %arg10[%parallel_loop3A_574], %parallel_loop3A_571 {strides = array<i32>} : memref<16384xf32, #tpu.memory_space<vmem>>, vector<16xf32>,
        %parallel_loop3A_576 = arith.mulf %parallel_loop3A_142, %parallel_loop3A_290 : vector<16xf32>
        %parallel_loop3A_577 = arith.constant 3.200000e+01 : f32
        %parallel_loop3A_578 = vector.broadcast %parallel_loop3A_577 : f32 to vector<16xf32>
        %parallel_loop3A_579 = arith.addf %parallel_loop3A_576, %parallel_loop3A_578 : vector<16xf32>
        %parallel_loop3A_580 = arith.fptosi %parallel_loop3A_579 : vector<16xf32> to vector<16xi32>
        %parallel_loop3A_581 = tpu.vector_load_idx %arg6[%parallel_loop3A_580] : memref<85xf32, #tpu.memory_space<vmem>>[vector<16xi32>], vector<16xf32>,
        %parallel_loop3A_582 = arith.cmpf ogt, %parallel_loop3A_579, %parallel_loop3A_581 : vector<16xf32>
        %parallel_loop3A_583 = arith.constant 85 : i32
        %parallel_loop3A_584 = arith.constant 0 : i32
        %parallel_loop3A_585 = vector.broadcast %parallel_loop3A_583 : i32 to vector<16xi32>
        %parallel_loop3A_586 = vector.broadcast %parallel_loop3A_584 : i32 to vector<16xi32>
        %parallel_loop3A_587 = arith.select %parallel_loop3A_582, %parallel_loop3A_585, %parallel_loop3A_586 : vector<16xi1>, vector<16xi32>
        %parallel_loop3A_588 = arith.addi %parallel_loop3A_580, %parallel_loop3A_587 : vector<16xi32>
        %parallel_loop3A_589 = tpu.vector_load_idx %arg7[%parallel_loop3A_588] : memref<170xf32, #tpu.memory_space<vmem>>[vector<16xi32>], vector<16xf32>,
        %parallel_loop3A_590 = arith.mulf %parallel_loop3A_589, %parallel_loop3A_281 : vector<16xf32>
        %parallel_loop3A_591 = arith.constant 240 : i32
        %parallel_loop3A_592 = arith.addi %parallel_loop3A_78, %parallel_loop3A_591 : i32
        %parallel_loop3A_593 = arith.index_cast %parallel_loop3A_592 : i32 to index
        %parallel_loop3A_594 = tpu.vector_load %arg10[%parallel_loop3A_593] {strides = array<i32>} : memref<16384xf32, #tpu.memory_space<vmem>>, vector<16xf32>,
        tpu.vector_store %arg10[%parallel_loop3A_593], %parallel_loop3A_590 {strides = array<i32>} : memref<16384xf32, #tpu.memory_space<vmem>>, vector<16xf32>,
        %parallel_loop3A_595 = arith.mulf %parallel_loop3A_146, %parallel_loop3A_290 : vector<16xf32>
        %parallel_loop3A_596 = arith.constant 3.200000e+01 : f32
        %parallel_loop3A_597 = vector.broadcast %parallel_loop3A_596 : f32 to vector<16xf32>
        %parallel_loop3A_598 = arith.addf %parallel_loop3A_595, %parallel_loop3A_597 : vector<16xf32>
        %parallel_loop3A_599 = arith.fptosi %parallel_loop3A_598 : vector<16xf32> to vector<16xi32>
        %parallel_loop3A_600 = tpu.vector_load_idx %arg6[%parallel_loop3A_599] : memref<85xf32, #tpu.memory_space<vmem>>[vector<16xi32>], vector<16xf32>,
        %parallel_loop3A_601 = arith.cmpf ogt, %parallel_loop3A_598, %parallel_loop3A_600 : vector<16xf32>
        %parallel_loop3A_602 = arith.constant 85 : i32
        %parallel_loop3A_603 = arith.constant 0 : i32
        %parallel_loop3A_604 = vector.broadcast %parallel_loop3A_602 : i32 to vector<16xi32>
        %parallel_loop3A_605 = vector.broadcast %parallel_loop3A_603 : i32 to vector<16xi32>
        %parallel_loop3A_606 = arith.select %parallel_loop3A_601, %parallel_loop3A_604, %parallel_loop3A_605 : vector<16xi1>, vector<16xi32>
        %parallel_loop3A_607 = arith.addi %parallel_loop3A_599, %parallel_loop3A_606 : vector<16xi32>
        %parallel_loop3A_608 = tpu.vector_load_idx %arg7[%parallel_loop3A_607] : memref<170xf32, #tpu.memory_space<vmem>>[vector<16xi32>], vector<16xf32>,
        %parallel_loop3A_609 = arith.mulf %parallel_loop3A_608, %parallel_loop3A_281 : vector<16xf32>
        %parallel_loop3A_610 = arith.constant 256 : i32
        %parallel_loop3A_611 = arith.addi %parallel_loop3A_78, %parallel_loop3A_610 : i32
        %parallel_loop3A_612 = arith.index_cast %parallel_loop3A_611 : i32 to index
        %parallel_loop3A_613 = tpu.vector_load %arg10[%parallel_loop3A_612] {strides = array<i32>} : memref<16384xf32, #tpu.memory_space<vmem>>, vector<16xf32>,
        tpu.vector_store %arg10[%parallel_loop3A_612], %parallel_loop3A_609 {strides = array<i32>} : memref<16384xf32, #tpu.memory_space<vmem>>, vector<16xf32>,
        %parallel_loop3A_614 = arith.mulf %parallel_loop3A_150, %parallel_loop3A_290 : vector<16xf32>
        %parallel_loop3A_615 = arith.constant 3.200000e+01 : f32
        %parallel_loop3A_616 = vector.broadcast %parallel_loop3A_615 : f32 to vector<16xf32>
        %parallel_loop3A_617 = arith.addf %parallel_loop3A_614, %parallel_loop3A_616 : vector<16xf32>
        %parallel_loop3A_618 = arith.fptosi %parallel_loop3A_617 : vector<16xf32> to vector<16xi32>
        %parallel_loop3A_619 = tpu.vector_load_idx %arg6[%parallel_loop3A_618] : memref<85xf32, #tpu.memory_space<vmem>>[vector<16xi32>], vector<16xf32>,
        %parallel_loop3A_620 = arith.cmpf ogt, %parallel_loop3A_617, %parallel_loop3A_619 : vector<16xf32>
        %parallel_loop3A_621 = arith.constant 85 : i32
        %parallel_loop3A_622 = arith.constant 0 : i32
        %parallel_loop3A_623 = vector.broadcast %parallel_loop3A_621 : i32 to vector<16xi32>
        %parallel_loop3A_624 = vector.broadcast %parallel_loop3A_622 : i32 to vector<16xi32>
        %parallel_loop3A_625 = arith.select %parallel_loop3A_620, %parallel_loop3A_623, %parallel_loop3A_624 : vector<16xi1>, vector<16xi32>
        %parallel_loop3A_626 = arith.addi %parallel_loop3A_618, %parallel_loop3A_625 : vector<16xi32>
        %parallel_loop3A_627 = tpu.vector_load_idx %arg7[%parallel_loop3A_626] : memref<170xf32, #tpu.memory_space<vmem>>[vector<16xi32>], vector<16xf32>,
        %parallel_loop3A_628 = arith.mulf %parallel_loop3A_627, %parallel_loop3A_281 : vector<16xf32>
        %parallel_loop3A_629 = arith.constant 272 : i32
        %parallel_loop3A_630 = arith.addi %parallel_loop3A_78, %parallel_loop3A_629 : i32
        %parallel_loop3A_631 = arith.index_cast %parallel_loop3A_630 : i32 to index
        %parallel_loop3A_632 = tpu.vector_load %arg10[%parallel_loop3A_631] {strides = array<i32>} : memref<16384xf32, #tpu.memory_space<vmem>>, vector<16xf32>,
        tpu.vector_store %arg10[%parallel_loop3A_631], %parallel_loop3A_628 {strides = array<i32>} : memref<16384xf32, #tpu.memory_space<vmem>>, vector<16xf32>,
        %parallel_loop3A_633 = arith.mulf %parallel_loop3A_154, %parallel_loop3A_290 : vector<16xf32>
        %parallel_loop3A_634 = arith.constant 3.200000e+01 : f32
        %parallel_loop3A_635 = vector.broadcast %parallel_loop3A_634 : f32 to vector<16xf32>
        %parallel_loop3A_636 = arith.addf %parallel_loop3A_633, %parallel_loop3A_635 : vector<16xf32>
        %parallel_loop3A_637 = arith.fptosi %parallel_loop3A_636 : vector<16xf32> to vector<16xi32>
        %parallel_loop3A_638 = tpu.vector_load_idx %arg6[%parallel_loop3A_637] : memref<85xf32, #tpu.memory_space<vmem>>[vector<16xi32>], vector<16xf32>,
        %parallel_loop3A_639 = arith.cmpf ogt, %parallel_loop3A_636, %parallel_loop3A_638 : vector<16xf32>
        %parallel_loop3A_640 = arith.constant 85 : i32
        %parallel_loop3A_641 = arith.constant 0 : i32
        %parallel_loop3A_642 = vector.broadcast %parallel_loop3A_640 : i32 to vector<16xi32>
        %parallel_loop3A_643 = vector.broadcast %parallel_loop3A_641 : i32 to vector<16xi32>
        %parallel_loop3A_644 = arith.select %parallel_loop3A_639, %parallel_loop3A_642, %parallel_loop3A_643 : vector<16xi1>, vector<16xi32>
        %parallel_loop3A_645 = arith.addi %parallel_loop3A_637, %parallel_loop3A_644 : vector<16xi32>
        %parallel_loop3A_646 = tpu.vector_load_idx %arg7[%parallel_loop3A_645] : memref<170xf32, #tpu.memory_space<vmem>>[vector<16xi32>], vector<16xf32>,
        %parallel_loop3A_647 = arith.mulf %parallel_loop3A_646, %parallel_loop3A_281 : vector<16xf32>
        %parallel_loop3A_648 = arith.constant 288 : i32
        %parallel_loop3A_649 = arith.addi %parallel_loop3A_78, %parallel_loop3A_648 : i32
        %parallel_loop3A_650 = arith.index_cast %parallel_loop3A_649 : i32 to index
        %parallel_loop3A_651 = tpu.vector_load %arg10[%parallel_loop3A_650] {strides = array<i32>} : memref<16384xf32, #tpu.memory_space<vmem>>, vector<16xf32>,
        tpu.vector_store %arg10[%parallel_loop3A_650], %parallel_loop3A_647 {strides = array<i32>} : memref<16384xf32, #tpu.memory_space<vmem>>, vector<16xf32>,
        %parallel_loop3A_652 = arith.mulf %parallel_loop3A_158, %parallel_loop3A_290 : vector<16xf32>
        %parallel_loop3A_653 = arith.constant 3.200000e+01 : f32
        %parallel_loop3A_654 = vector.broadcast %parallel_loop3A_653 : f32 to vector<16xf32>
        %parallel_loop3A_655 = arith.addf %parallel_loop3A_652, %parallel_loop3A_654 : vector<16xf32>
        %parallel_loop3A_656 = arith.fptosi %parallel_loop3A_655 : vector<16xf32> to vector<16xi32>
        %parallel_loop3A_657 = tpu.vector_load_idx %arg6[%parallel_loop3A_656] : memref<85xf32, #tpu.memory_space<vmem>>[vector<16xi32>], vector<16xf32>,
        %parallel_loop3A_658 = arith.cmpf ogt, %parallel_loop3A_655, %parallel_loop3A_657 : vector<16xf32>
        %parallel_loop3A_659 = arith.constant 85 : i32
        %parallel_loop3A_660 = arith.constant 0 : i32
        %parallel_loop3A_661 = vector.broadcast %parallel_loop3A_659 : i32 to vector<16xi32>
        %parallel_loop3A_662 = vector.broadcast %parallel_loop3A_660 : i32 to vector<16xi32>
        %parallel_loop3A_663 = arith.select %parallel_loop3A_658, %parallel_loop3A_661, %parallel_loop3A_662 : vector<16xi1>, vector<16xi32>
        %parallel_loop3A_664 = arith.addi %parallel_loop3A_656, %parallel_loop3A_663 : vector<16xi32>
        %parallel_loop3A_665 = tpu.vector_load_idx %arg7[%parallel_loop3A_664] : memref<170xf32, #tpu.memory_space<vmem>>[vector<16xi32>], vector<16xf32>,
        %parallel_loop3A_666 = arith.mulf %parallel_loop3A_665, %parallel_loop3A_281 : vector<16xf32>
        %parallel_loop3A_667 = arith.constant 304 : i32
        %parallel_loop3A_668 = arith.addi %parallel_loop3A_78, %parallel_loop3A_667 : i32
        %parallel_loop3A_669 = arith.index_cast %parallel_loop3A_668 : i32 to index
        %parallel_loop3A_670 = tpu.vector_load %arg10[%parallel_loop3A_669] {strides = array<i32>} : memref<16384xf32, #tpu.memory_space<vmem>>, vector<16xf32>,
        tpu.vector_store %arg10[%parallel_loop3A_669], %parallel_loop3A_666 {strides = array<i32>} : memref<16384xf32, #tpu.memory_space<vmem>>, vector<16xf32>,
        %parallel_loop3A_671 = arith.mulf %parallel_loop3A_162, %parallel_loop3A_290 : vector<16xf32>
        %parallel_loop3A_672 = arith.constant 3.200000e+01 : f32
        %parallel_loop3A_673 = vector.broadcast %parallel_loop3A_672 : f32 to vector<16xf32>
        %parallel_loop3A_674 = arith.addf %parallel_loop3A_671, %parallel_loop3A_673 : vector<16xf32>
        %parallel_loop3A_675 = arith.fptosi %parallel_loop3A_674 : vector<16xf32> to vector<16xi32>
        %parallel_loop3A_676 = tpu.vector_load_idx %arg6[%parallel_loop3A_675] : memref<85xf32, #tpu.memory_space<vmem>>[vector<16xi32>], vector<16xf32>,
        %parallel_loop3A_677 = arith.cmpf ogt, %parallel_loop3A_674, %parallel_loop3A_676 : vector<16xf32>
        %parallel_loop3A_678 = arith.constant 85 : i32
        %parallel_loop3A_679 = arith.constant 0 : i32
        %parallel_loop3A_680 = vector.broadcast %parallel_loop3A_678 : i32 to vector<16xi32>
        %parallel_loop3A_681 = vector.broadcast %parallel_loop3A_679 : i32 to vector<16xi32>
        %parallel_loop3A_682 = arith.select %parallel_loop3A_677, %parallel_loop3A_680, %parallel_loop3A_681 : vector<16xi1>, vector<16xi32>
        %parallel_loop3A_683 = arith.addi %parallel_loop3A_675, %parallel_loop3A_682 : vector<16xi32>
        %parallel_loop3A_684 = tpu.vector_load_idx %arg7[%parallel_loop3A_683] : memref<170xf32, #tpu.memory_space<vmem>>[vector<16xi32>], vector<16xf32>,
        %parallel_loop3A_685 = arith.mulf %parallel_loop3A_684, %parallel_loop3A_281 : vector<16xf32>
        %parallel_loop3A_686 = arith.constant 320 : i32
        %parallel_loop3A_687 = arith.addi %parallel_loop3A_78, %parallel_loop3A_686 : i32
        %parallel_loop3A_688 = arith.index_cast %parallel_loop3A_687 : i32 to index
        %parallel_loop3A_689 = tpu.vector_load %arg10[%parallel_loop3A_688] {strides = array<i32>} : memref<16384xf32, #tpu.memory_space<vmem>>, vector<16xf32>,
        tpu.vector_store %arg10[%parallel_loop3A_688], %parallel_loop3A_685 {strides = array<i32>} : memref<16384xf32, #tpu.memory_space<vmem>>, vector<16xf32>,
        %parallel_loop3A_690 = arith.mulf %parallel_loop3A_166, %parallel_loop3A_290 : vector<16xf32>
        %parallel_loop3A_691 = arith.constant 3.200000e+01 : f32
        %parallel_loop3A_692 = vector.broadcast %parallel_loop3A_691 : f32 to vector<16xf32>
        %parallel_loop3A_693 = arith.addf %parallel_loop3A_690, %parallel_loop3A_692 : vector<16xf32>
        %parallel_loop3A_694 = arith.fptosi %parallel_loop3A_693 : vector<16xf32> to vector<16xi32>
        %parallel_loop3A_695 = tpu.vector_load_idx %arg6[%parallel_loop3A_694] : memref<85xf32, #tpu.memory_space<vmem>>[vector<16xi32>], vector<16xf32>,
        %parallel_loop3A_696 = arith.cmpf ogt, %parallel_loop3A_693, %parallel_loop3A_695 : vector<16xf32>
        %parallel_loop3A_697 = arith.constant 85 : i32
        %parallel_loop3A_698 = arith.constant 0 : i32
        %parallel_loop3A_699 = vector.broadcast %parallel_loop3A_697 : i32 to vector<16xi32>
        %parallel_loop3A_700 = vector.broadcast %parallel_loop3A_698 : i32 to vector<16xi32>
        %parallel_loop3A_701 = arith.select %parallel_loop3A_696, %parallel_loop3A_699, %parallel_loop3A_700 : vector<16xi1>, vector<16xi32>
        %parallel_loop3A_702 = arith.addi %parallel_loop3A_694, %parallel_loop3A_701 : vector<16xi32>
        %parallel_loop3A_703 = tpu.vector_load_idx %arg7[%parallel_loop3A_702] : memref<170xf32, #tpu.memory_space<vmem>>[vector<16xi32>], vector<16xf32>,
        %parallel_loop3A_704 = arith.mulf %parallel_loop3A_703, %parallel_loop3A_281 : vector<16xf32>
        %parallel_loop3A_705 = arith.constant 336 : i32
        %parallel_loop3A_706 = arith.addi %parallel_loop3A_78, %parallel_loop3A_705 : i32
        %parallel_loop3A_707 = arith.index_cast %parallel_loop3A_706 : i32 to index
        %parallel_loop3A_708 = tpu.vector_load %arg10[%parallel_loop3A_707] {strides = array<i32>} : memref<16384xf32, #tpu.memory_space<vmem>>, vector<16xf32>,
        tpu.vector_store %arg10[%parallel_loop3A_707], %parallel_loop3A_704 {strides = array<i32>} : memref<16384xf32, #tpu.memory_space<vmem>>, vector<16xf32>,
        %parallel_loop3A_709 = arith.mulf %parallel_loop3A_170, %parallel_loop3A_290 : vector<16xf32>
        %parallel_loop3A_710 = arith.constant 3.200000e+01 : f32
        %parallel_loop3A_711 = vector.broadcast %parallel_loop3A_710 : f32 to vector<16xf32>
        %parallel_loop3A_712 = arith.addf %parallel_loop3A_709, %parallel_loop3A_711 : vector<16xf32>
        %parallel_loop3A_713 = arith.fptosi %parallel_loop3A_712 : vector<16xf32> to vector<16xi32>
        %parallel_loop3A_714 = tpu.vector_load_idx %arg6[%parallel_loop3A_713] : memref<85xf32, #tpu.memory_space<vmem>>[vector<16xi32>], vector<16xf32>,
        %parallel_loop3A_715 = arith.cmpf ogt, %parallel_loop3A_712, %parallel_loop3A_714 : vector<16xf32>
        %parallel_loop3A_716 = arith.constant 85 : i32
        %parallel_loop3A_717 = arith.constant 0 : i32
        %parallel_loop3A_718 = vector.broadcast %parallel_loop3A_716 : i32 to vector<16xi32>
        %parallel_loop3A_719 = vector.broadcast %parallel_loop3A_717 : i32 to vector<16xi32>
        %parallel_loop3A_720 = arith.select %parallel_loop3A_715, %parallel_loop3A_718, %parallel_loop3A_719 : vector<16xi1>, vector<16xi32>
        %parallel_loop3A_721 = arith.addi %parallel_loop3A_713, %parallel_loop3A_720 : vector<16xi32>
        %parallel_loop3A_722 = tpu.vector_load_idx %arg7[%parallel_loop3A_721] : memref<170xf32, #tpu.memory_space<vmem>>[vector<16xi32>], vector<16xf32>,
        %parallel_loop3A_723 = arith.mulf %parallel_loop3A_722, %parallel_loop3A_281 : vector<16xf32>
        %parallel_loop3A_724 = arith.constant 352 : i32
        %parallel_loop3A_725 = arith.addi %parallel_loop3A_78, %parallel_loop3A_724 : i32
        %parallel_loop3A_726 = arith.index_cast %parallel_loop3A_725 : i32 to index
        %parallel_loop3A_727 = tpu.vector_load %arg10[%parallel_loop3A_726] {strides = array<i32>} : memref<16384xf32, #tpu.memory_space<vmem>>, vector<16xf32>,
        tpu.vector_store %arg10[%parallel_loop3A_726], %parallel_loop3A_723 {strides = array<i32>} : memref<16384xf32, #tpu.memory_space<vmem>>, vector<16xf32>,
        %parallel_loop3A_728 = arith.mulf %parallel_loop3A_174, %parallel_loop3A_290 : vector<16xf32>
        %parallel_loop3A_729 = arith.constant 3.200000e+01 : f32
        %parallel_loop3A_730 = vector.broadcast %parallel_loop3A_729 : f32 to vector<16xf32>
        %parallel_loop3A_731 = arith.addf %parallel_loop3A_728, %parallel_loop3A_730 : vector<16xf32>
        %parallel_loop3A_732 = arith.fptosi %parallel_loop3A_731 : vector<16xf32> to vector<16xi32>
        %parallel_loop3A_733 = tpu.vector_load_idx %arg6[%parallel_loop3A_732] : memref<85xf32, #tpu.memory_space<vmem>>[vector<16xi32>], vector<16xf32>,
        %parallel_loop3A_734 = arith.cmpf ogt, %parallel_loop3A_731, %parallel_loop3A_733 : vector<16xf32>
        %parallel_loop3A_735 = arith.constant 85 : i32
        %parallel_loop3A_736 = arith.constant 0 : i32
        %parallel_loop3A_737 = vector.broadcast %parallel_loop3A_735 : i32 to vector<16xi32>
        %parallel_loop3A_738 = vector.broadcast %parallel_loop3A_736 : i32 to vector<16xi32>
        %parallel_loop3A_739 = arith.select %parallel_loop3A_734, %parallel_loop3A_737, %parallel_loop3A_738 : vector<16xi1>, vector<16xi32>
        %parallel_loop3A_740 = arith.addi %parallel_loop3A_732, %parallel_loop3A_739 : vector<16xi32>
        %parallel_loop3A_741 = tpu.vector_load_idx %arg7[%parallel_loop3A_740] : memref<170xf32, #tpu.memory_space<vmem>>[vector<16xi32>], vector<16xf32>,
        %parallel_loop3A_742 = arith.mulf %parallel_loop3A_741, %parallel_loop3A_281 : vector<16xf32>
        %parallel_loop3A_743 = arith.constant 368 : i32
        %parallel_loop3A_744 = arith.addi %parallel_loop3A_78, %parallel_loop3A_743 : i32
        %parallel_loop3A_745 = arith.index_cast %parallel_loop3A_744 : i32 to index
        %parallel_loop3A_746 = tpu.vector_load %arg10[%parallel_loop3A_745] {strides = array<i32>} : memref<16384xf32, #tpu.memory_space<vmem>>, vector<16xf32>,
        tpu.vector_store %arg10[%parallel_loop3A_745], %parallel_loop3A_742 {strides = array<i32>} : memref<16384xf32, #tpu.memory_space<vmem>>, vector<16xf32>,
        %parallel_loop3A_747 = arith.mulf %parallel_loop3A_178, %parallel_loop3A_290 : vector<16xf32>
        %parallel_loop3A_748 = arith.constant 3.200000e+01 : f32
        %parallel_loop3A_749 = vector.broadcast %parallel_loop3A_748 : f32 to vector<16xf32>
        %parallel_loop3A_750 = arith.addf %parallel_loop3A_747, %parallel_loop3A_749 : vector<16xf32>
        %parallel_loop3A_751 = arith.fptosi %parallel_loop3A_750 : vector<16xf32> to vector<16xi32>
        %parallel_loop3A_752 = tpu.vector_load_idx %arg6[%parallel_loop3A_751] : memref<85xf32, #tpu.memory_space<vmem>>[vector<16xi32>], vector<16xf32>,
        %parallel_loop3A_753 = arith.cmpf ogt, %parallel_loop3A_750, %parallel_loop3A_752 : vector<16xf32>
        %parallel_loop3A_754 = arith.constant 85 : i32
        %parallel_loop3A_755 = arith.constant 0 : i32
        %parallel_loop3A_756 = vector.broadcast %parallel_loop3A_754 : i32 to vector<16xi32>
        %parallel_loop3A_757 = vector.broadcast %parallel_loop3A_755 : i32 to vector<16xi32>
        %parallel_loop3A_758 = arith.select %parallel_loop3A_753, %parallel_loop3A_756, %parallel_loop3A_757 : vector<16xi1>, vector<16xi32>
        %parallel_loop3A_759 = arith.addi %parallel_loop3A_751, %parallel_loop3A_758 : vector<16xi32>
        %parallel_loop3A_760 = tpu.vector_load_idx %arg7[%parallel_loop3A_759] : memref<170xf32, #tpu.memory_space<vmem>>[vector<16xi32>], vector<16xf32>,
        %parallel_loop3A_761 = arith.mulf %parallel_loop3A_760, %parallel_loop3A_281 : vector<16xf32>
        %parallel_loop3A_762 = arith.constant 384 : i32
        %parallel_loop3A_763 = arith.addi %parallel_loop3A_78, %parallel_loop3A_762 : i32
        %parallel_loop3A_764 = arith.index_cast %parallel_loop3A_763 : i32 to index
        %parallel_loop3A_765 = tpu.vector_load %arg10[%parallel_loop3A_764] {strides = array<i32>} : memref<16384xf32, #tpu.memory_space<vmem>>, vector<16xf32>,
        tpu.vector_store %arg10[%parallel_loop3A_764], %parallel_loop3A_761 {strides = array<i32>} : memref<16384xf32, #tpu.memory_space<vmem>>, vector<16xf32>,
        %parallel_loop3A_766 = arith.mulf %parallel_loop3A_182, %parallel_loop3A_290 : vector<16xf32>
        %parallel_loop3A_767 = arith.constant 3.200000e+01 : f32
        %parallel_loop3A_768 = vector.broadcast %parallel_loop3A_767 : f32 to vector<16xf32>
        %parallel_loop3A_769 = arith.addf %parallel_loop3A_766, %parallel_loop3A_768 : vector<16xf32>
        %parallel_loop3A_770 = arith.fptosi %parallel_loop3A_769 : vector<16xf32> to vector<16xi32>
        %parallel_loop3A_771 = tpu.vector_load_idx %arg6[%parallel_loop3A_770] : memref<85xf32, #tpu.memory_space<vmem>>[vector<16xi32>], vector<16xf32>,
        %parallel_loop3A_772 = arith.cmpf ogt, %parallel_loop3A_769, %parallel_loop3A_771 : vector<16xf32>
        %parallel_loop3A_773 = arith.constant 85 : i32
        %parallel_loop3A_774 = arith.constant 0 : i32
        %parallel_loop3A_775 = vector.broadcast %parallel_loop3A_773 : i32 to vector<16xi32>
        %parallel_loop3A_776 = vector.broadcast %parallel_loop3A_774 : i32 to vector<16xi32>
        %parallel_loop3A_777 = arith.select %parallel_loop3A_772, %parallel_loop3A_775, %parallel_loop3A_776 : vector<16xi1>, vector<16xi32>
        %parallel_loop3A_778 = arith.addi %parallel_loop3A_770, %parallel_loop3A_777 : vector<16xi32>
        %parallel_loop3A_779 = tpu.vector_load_idx %arg7[%parallel_loop3A_778] : memref<170xf32, #tpu.memory_space<vmem>>[vector<16xi32>], vector<16xf32>,
        %parallel_loop3A_780 = arith.mulf %parallel_loop3A_779, %parallel_loop3A_281 : vector<16xf32>
        %parallel_loop3A_781 = arith.constant 400 : i32
        %parallel_loop3A_782 = arith.addi %parallel_loop3A_78, %parallel_loop3A_781 : i32
        %parallel_loop3A_783 = arith.index_cast %parallel_loop3A_782 : i32 to index
        %parallel_loop3A_784 = tpu.vector_load %arg10[%parallel_loop3A_783] {strides = array<i32>} : memref<16384xf32, #tpu.memory_space<vmem>>, vector<16xf32>,
        tpu.vector_store %arg10[%parallel_loop3A_783], %parallel_loop3A_780 {strides = array<i32>} : memref<16384xf32, #tpu.memory_space<vmem>>, vector<16xf32>,
        %parallel_loop3A_785 = arith.mulf %parallel_loop3A_186, %parallel_loop3A_290 : vector<16xf32>
        %parallel_loop3A_786 = arith.constant 3.200000e+01 : f32
        %parallel_loop3A_787 = vector.broadcast %parallel_loop3A_786 : f32 to vector<16xf32>
        %parallel_loop3A_788 = arith.addf %parallel_loop3A_785, %parallel_loop3A_787 : vector<16xf32>
        %parallel_loop3A_789 = arith.fptosi %parallel_loop3A_788 : vector<16xf32> to vector<16xi32>
        %parallel_loop3A_790 = tpu.vector_load_idx %arg6[%parallel_loop3A_789] : memref<85xf32, #tpu.memory_space<vmem>>[vector<16xi32>], vector<16xf32>,
        %parallel_loop3A_791 = arith.cmpf ogt, %parallel_loop3A_788, %parallel_loop3A_790 : vector<16xf32>
        %parallel_loop3A_792 = arith.constant 85 : i32
        %parallel_loop3A_793 = arith.constant 0 : i32
        %parallel_loop3A_794 = vector.broadcast %parallel_loop3A_792 : i32 to vector<16xi32>
        %parallel_loop3A_795 = vector.broadcast %parallel_loop3A_793 : i32 to vector<16xi32>
        %parallel_loop3A_796 = arith.select %parallel_loop3A_791, %parallel_loop3A_794, %parallel_loop3A_795 : vector<16xi1>, vector<16xi32>
        %parallel_loop3A_797 = arith.addi %parallel_loop3A_789, %parallel_loop3A_796 : vector<16xi32>
        %parallel_loop3A_798 = tpu.vector_load_idx %arg7[%parallel_loop3A_797] : memref<170xf32, #tpu.memory_space<vmem>>[vector<16xi32>], vector<16xf32>,
        %parallel_loop3A_799 = arith.mulf %parallel_loop3A_798, %parallel_loop3A_281 : vector<16xf32>
        %parallel_loop3A_800 = arith.constant 416 : i32
        %parallel_loop3A_801 = arith.addi %parallel_loop3A_78, %parallel_loop3A_800 : i32
        %parallel_loop3A_802 = arith.index_cast %parallel_loop3A_801 : i32 to index
        %parallel_loop3A_803 = tpu.vector_load %arg10[%parallel_loop3A_802] {strides = array<i32>} : memref<16384xf32, #tpu.memory_space<vmem>>, vector<16xf32>,
        tpu.vector_store %arg10[%parallel_loop3A_802], %parallel_loop3A_799 {strides = array<i32>} : memref<16384xf32, #tpu.memory_space<vmem>>, vector<16xf32>,
        %parallel_loop3A_804 = arith.mulf %parallel_loop3A_190, %parallel_loop3A_290 : vector<16xf32>
        %parallel_loop3A_805 = arith.constant 3.200000e+01 : f32
        %parallel_loop3A_806 = vector.broadcast %parallel_loop3A_805 : f32 to vector<16xf32>
        %parallel_loop3A_807 = arith.addf %parallel_loop3A_804, %parallel_loop3A_806 : vector<16xf32>
        %parallel_loop3A_808 = arith.fptosi %parallel_loop3A_807 : vector<16xf32> to vector<16xi32>
        %parallel_loop3A_809 = tpu.vector_load_idx %arg6[%parallel_loop3A_808] : memref<85xf32, #tpu.memory_space<vmem>>[vector<16xi32>], vector<16xf32>,
        %parallel_loop3A_810 = arith.cmpf ogt, %parallel_loop3A_807, %parallel_loop3A_809 : vector<16xf32>
        %parallel_loop3A_811 = arith.constant 85 : i32
        %parallel_loop3A_812 = arith.constant 0 : i32
        %parallel_loop3A_813 = vector.broadcast %parallel_loop3A_811 : i32 to vector<16xi32>
        %parallel_loop3A_814 = vector.broadcast %parallel_loop3A_812 : i32 to vector<16xi32>
        %parallel_loop3A_815 = arith.select %parallel_loop3A_810, %parallel_loop3A_813, %parallel_loop3A_814 : vector<16xi1>, vector<16xi32>
        %parallel_loop3A_816 = arith.addi %parallel_loop3A_808, %parallel_loop3A_815 : vector<16xi32>
        %parallel_loop3A_817 = tpu.vector_load_idx %arg7[%parallel_loop3A_816] : memref<170xf32, #tpu.memory_space<vmem>>[vector<16xi32>], vector<16xf32>,
        %parallel_loop3A_818 = arith.mulf %parallel_loop3A_817, %parallel_loop3A_281 : vector<16xf32>
        %parallel_loop3A_819 = arith.constant 432 : i32
        %parallel_loop3A_820 = arith.addi %parallel_loop3A_78, %parallel_loop3A_819 : i32
        %parallel_loop3A_821 = arith.index_cast %parallel_loop3A_820 : i32 to index
        %parallel_loop3A_822 = tpu.vector_load %arg10[%parallel_loop3A_821] {strides = array<i32>} : memref<16384xf32, #tpu.memory_space<vmem>>, vector<16xf32>,
        tpu.vector_store %arg10[%parallel_loop3A_821], %parallel_loop3A_818 {strides = array<i32>} : memref<16384xf32, #tpu.memory_space<vmem>>, vector<16xf32>,
        %parallel_loop3A_823 = arith.mulf %parallel_loop3A_194, %parallel_loop3A_290 : vector<16xf32>
        %parallel_loop3A_824 = arith.constant 3.200000e+01 : f32
        %parallel_loop3A_825 = vector.broadcast %parallel_loop3A_824 : f32 to vector<16xf32>
        %parallel_loop3A_826 = arith.addf %parallel_loop3A_823, %parallel_loop3A_825 : vector<16xf32>
        %parallel_loop3A_827 = arith.fptosi %parallel_loop3A_826 : vector<16xf32> to vector<16xi32>
        %parallel_loop3A_828 = tpu.vector_load_idx %arg6[%parallel_loop3A_827] : memref<85xf32, #tpu.memory_space<vmem>>[vector<16xi32>], vector<16xf32>,
        %parallel_loop3A_829 = arith.cmpf ogt, %parallel_loop3A_826, %parallel_loop3A_828 : vector<16xf32>
        %parallel_loop3A_830 = arith.constant 85 : i32
        %parallel_loop3A_831 = arith.constant 0 : i32
        %parallel_loop3A_832 = vector.broadcast %parallel_loop3A_830 : i32 to vector<16xi32>
        %parallel_loop3A_833 = vector.broadcast %parallel_loop3A_831 : i32 to vector<16xi32>
        %parallel_loop3A_834 = arith.select %parallel_loop3A_829, %parallel_loop3A_832, %parallel_loop3A_833 : vector<16xi1>, vector<16xi32>
        %parallel_loop3A_835 = arith.addi %parallel_loop3A_827, %parallel_loop3A_834 : vector<16xi32>
        %parallel_loop3A_836 = tpu.vector_load_idx %arg7[%parallel_loop3A_835] : memref<170xf32, #tpu.memory_space<vmem>>[vector<16xi32>], vector<16xf32>,
        %parallel_loop3A_837 = arith.mulf %parallel_loop3A_836, %parallel_loop3A_281 : vector<16xf32>
        %parallel_loop3A_838 = arith.constant 448 : i32
        %parallel_loop3A_839 = arith.addi %parallel_loop3A_78, %parallel_loop3A_838 : i32
        %parallel_loop3A_840 = arith.index_cast %parallel_loop3A_839 : i32 to index
        %parallel_loop3A_841 = tpu.vector_load %arg10[%parallel_loop3A_840] {strides = array<i32>} : memref<16384xf32, #tpu.memory_space<vmem>>, vector<16xf32>,
        tpu.vector_store %arg10[%parallel_loop3A_840], %parallel_loop3A_837 {strides = array<i32>} : memref<16384xf32, #tpu.memory_space<vmem>>, vector<16xf32>,
        %parallel_loop3A_842 = arith.mulf %parallel_loop3A_198, %parallel_loop3A_290 : vector<16xf32>
        %parallel_loop3A_843 = arith.constant 3.200000e+01 : f32
        %parallel_loop3A_844 = vector.broadcast %parallel_loop3A_843 : f32 to vector<16xf32>
        %parallel_loop3A_845 = arith.addf %parallel_loop3A_842, %parallel_loop3A_844 : vector<16xf32>
        %parallel_loop3A_846 = arith.fptosi %parallel_loop3A_845 : vector<16xf32> to vector<16xi32>
        %parallel_loop3A_847 = tpu.vector_load_idx %arg6[%parallel_loop3A_846] : memref<85xf32, #tpu.memory_space<vmem>>[vector<16xi32>], vector<16xf32>,
        %parallel_loop3A_848 = arith.cmpf ogt, %parallel_loop3A_845, %parallel_loop3A_847 : vector<16xf32>
        %parallel_loop3A_849 = arith.constant 85 : i32
        %parallel_loop3A_850 = arith.constant 0 : i32
        %parallel_loop3A_851 = vector.broadcast %parallel_loop3A_849 : i32 to vector<16xi32>
        %parallel_loop3A_852 = vector.broadcast %parallel_loop3A_850 : i32 to vector<16xi32>
        %parallel_loop3A_853 = arith.select %parallel_loop3A_848, %parallel_loop3A_851, %parallel_loop3A_852 : vector<16xi1>, vector<16xi32>
        %parallel_loop3A_854 = arith.addi %parallel_loop3A_846, %parallel_loop3A_853 : vector<16xi32>
        %parallel_loop3A_855 = tpu.vector_load_idx %arg7[%parallel_loop3A_854] : memref<170xf32, #tpu.memory_space<vmem>>[vector<16xi32>], vector<16xf32>,
        %parallel_loop3A_856 = arith.mulf %parallel_loop3A_855, %parallel_loop3A_281 : vector<16xf32>
        %parallel_loop3A_857 = arith.constant 464 : i32
        %parallel_loop3A_858 = arith.addi %parallel_loop3A_78, %parallel_loop3A_857 : i32
        %parallel_loop3A_859 = arith.index_cast %parallel_loop3A_858 : i32 to index
        %parallel_loop3A_860 = tpu.vector_load %arg10[%parallel_loop3A_859] {strides = array<i32>} : memref<16384xf32, #tpu.memory_space<vmem>>, vector<16xf32>,
        tpu.vector_store %arg10[%parallel_loop3A_859], %parallel_loop3A_856 {strides = array<i32>} : memref<16384xf32, #tpu.memory_space<vmem>>, vector<16xf32>,
        %parallel_loop3A_861 = arith.mulf %parallel_loop3A_202, %parallel_loop3A_290 : vector<16xf32>
        %parallel_loop3A_862 = arith.constant 3.200000e+01 : f32
        %parallel_loop3A_863 = vector.broadcast %parallel_loop3A_862 : f32 to vector<16xf32>
        %parallel_loop3A_864 = arith.addf %parallel_loop3A_861, %parallel_loop3A_863 : vector<16xf32>
        %parallel_loop3A_865 = arith.fptosi %parallel_loop3A_864 : vector<16xf32> to vector<16xi32>
        %parallel_loop3A_866 = tpu.vector_load_idx %arg6[%parallel_loop3A_865] : memref<85xf32, #tpu.memory_space<vmem>>[vector<16xi32>], vector<16xf32>,
        %parallel_loop3A_867 = arith.cmpf ogt, %parallel_loop3A_864, %parallel_loop3A_866 : vector<16xf32>
        %parallel_loop3A_868 = arith.constant 85 : i32
        %parallel_loop3A_869 = arith.constant 0 : i32
        %parallel_loop3A_870 = vector.broadcast %parallel_loop3A_868 : i32 to vector<16xi32>
        %parallel_loop3A_871 = vector.broadcast %parallel_loop3A_869 : i32 to vector<16xi32>
        %parallel_loop3A_872 = arith.select %parallel_loop3A_867, %parallel_loop3A_870, %parallel_loop3A_871 : vector<16xi1>, vector<16xi32>
        %parallel_loop3A_873 = arith.addi %parallel_loop3A_865, %parallel_loop3A_872 : vector<16xi32>
        %parallel_loop3A_874 = tpu.vector_load_idx %arg7[%parallel_loop3A_873] : memref<170xf32, #tpu.memory_space<vmem>>[vector<16xi32>], vector<16xf32>,
        %parallel_loop3A_875 = arith.mulf %parallel_loop3A_874, %parallel_loop3A_281 : vector<16xf32>
        %parallel_loop3A_876 = arith.constant 480 : i32
        %parallel_loop3A_877 = arith.addi %parallel_loop3A_78, %parallel_loop3A_876 : i32
        %parallel_loop3A_878 = arith.index_cast %parallel_loop3A_877 : i32 to index
        %parallel_loop3A_879 = tpu.vector_load %arg10[%parallel_loop3A_878] {strides = array<i32>} : memref<16384xf32, #tpu.memory_space<vmem>>, vector<16xf32>,
        tpu.vector_store %arg10[%parallel_loop3A_878], %parallel_loop3A_875 {strides = array<i32>} : memref<16384xf32, #tpu.memory_space<vmem>>, vector<16xf32>,
        %parallel_loop3A_880 = arith.mulf %parallel_loop3A_206, %parallel_loop3A_290 : vector<16xf32>
        %parallel_loop3A_881 = arith.constant 3.200000e+01 : f32
        %parallel_loop3A_882 = vector.broadcast %parallel_loop3A_881 : f32 to vector<16xf32>
        %parallel_loop3A_883 = arith.addf %parallel_loop3A_880, %parallel_loop3A_882 : vector<16xf32>
        %parallel_loop3A_884 = arith.fptosi %parallel_loop3A_883 : vector<16xf32> to vector<16xi32>
        %parallel_loop3A_885 = tpu.vector_load_idx %arg6[%parallel_loop3A_884] : memref<85xf32, #tpu.memory_space<vmem>>[vector<16xi32>], vector<16xf32>,
        %parallel_loop3A_886 = arith.cmpf ogt, %parallel_loop3A_883, %parallel_loop3A_885 : vector<16xf32>
        %parallel_loop3A_887 = arith.constant 85 : i32
        %parallel_loop3A_888 = arith.constant 0 : i32
        %parallel_loop3A_889 = vector.broadcast %parallel_loop3A_887 : i32 to vector<16xi32>
        %parallel_loop3A_890 = vector.broadcast %parallel_loop3A_888 : i32 to vector<16xi32>
        %parallel_loop3A_891 = arith.select %parallel_loop3A_886, %parallel_loop3A_889, %parallel_loop3A_890 : vector<16xi1>, vector<16xi32>
        %parallel_loop3A_892 = arith.addi %parallel_loop3A_884, %parallel_loop3A_891 : vector<16xi32>
        %parallel_loop3A_893 = tpu.vector_load_idx %arg7[%parallel_loop3A_892] : memref<170xf32, #tpu.memory_space<vmem>>[vector<16xi32>], vector<16xf32>,
        %parallel_loop3A_894 = arith.mulf %parallel_loop3A_893, %parallel_loop3A_281 : vector<16xf32>
        %parallel_loop3A_895 = arith.constant 496 : i32
        %parallel_loop3A_896 = arith.addi %parallel_loop3A_78, %parallel_loop3A_895 : i32
        %parallel_loop3A_897 = arith.index_cast %parallel_loop3A_896 : i32 to index
        %parallel_loop3A_898 = tpu.vector_load %arg10[%parallel_loop3A_897] {strides = array<i32>} : memref<16384xf32, #tpu.memory_space<vmem>>, vector<16xf32>,
        tpu.vector_store %arg10[%parallel_loop3A_897], %parallel_loop3A_894 {strides = array<i32>} : memref<16384xf32, #tpu.memory_space<vmem>>, vector<16xf32>,
      } {sc.loop_unroll_factor = 4 : i64, sc.parallel_access}
      %mul3A_47 = arith.constant 16384 : i32
      %mul3A_48 = arith.muli %add3A_33, %mul3A_47 : i32
      %add3A_49 = arith.addi %mul3A_2, %mul3A_48 : i32
      %dma_start3A_50 = tpu.memref_slice %arg5[%add3A_49] : memref<16777216xf32, #tpu.memory_space<hbm>> -> memref<16384xf32, #tpu.memory_space<hbm>>
      %dma_start3A_51 = tpu.memref_slice %arg5[%add3A_49] : memref<16777216xf32, #tpu.memory_space<hbm>> -> memref<16384xf32, #tpu.memory_space<hbm>>
      tpu.enqueue_dma source(%arg10 : memref<16384xf32, #tpu.memory_space<vmem>>) target(%dma_start3A_51 : memref<16384xf32, #tpu.memory_space<hbm>>) target_semaphore(%arg14 : memref<!tpu.dma_semaphore, #tpu.memory_space<semaphore_mem>>)
      %add3A_52 = arith.constant 1 : i32
      %add3A_53 = arith.addi %add3A_31, %add3A_52 : i32
      %add3A_54 = arith.constant 1 : i32
      %add3A_55 = arith.addi %add3A_53, %add3A_54 : i32
      %lt3A = arith.constant 32 : i32
      %lt3A_56 = arith.cmpi slt, %add3A_55, %lt3A : i32
      %convert_element_type3A_57 = arith.extui %lt3A_56 : i1 to i32
      %cond3A_58 = arith.constant 0 : i32
      %cond3A_59 = arith.cmpi ne, %convert_element_type3A_57, %cond3A_58 : i32
      scf.if %cond3A_59 {
        %add3A_75 = arith.constant 1 : i32
        %add3A_76 = arith.addi %add3A_53, %add3A_75 : i32
        %mul3A_77 = arith.constant 16384 : i32
        %mul3A_78 = arith.muli %add3A_76, %mul3A_77 : i32
        %add3A_79 = arith.addi %mul3A_2, %mul3A_78 : i32
        %dma_start3A_80 = tpu.memref_slice %arg2[%add3A_79] : memref<16777216xf32, #tpu.memory_space<hbm>> -> memref<16384xf32, #tpu.memory_space<hbm>>
        %dma_start3A_81 = tpu.memref_slice %arg2[%add3A_79] : memref<16777216xf32, #tpu.memory_space<hbm>> -> memref<16384xf32, #tpu.memory_space<hbm>>
        tpu.enqueue_dma source(%dma_start3A_81 : memref<16384xf32, #tpu.memory_space<hbm>>) target(%arg8 : memref<16384xf32, #tpu.memory_space<vmem>>) target_semaphore(%arg12 : memref<!tpu.dma_semaphore, #tpu.memory_space<semaphore_mem>>)
      } else {
      }
      %dma_wait3A_60 = tpu.memref_slice %arg2[%mul3A_2] : memref<16777216xf32, #tpu.memory_space<hbm>> -> memref<16384xf32, #tpu.memory_space<hbm>>
      %dma_wait3A_61 = tpu.memref_slice %arg2[%mul3A_2] : memref<16777216xf32, #tpu.memory_space<hbm>> -> memref<16384xf32, #tpu.memory_space<hbm>>
      tpu.wait_dma2 semaphore(%arg13 : memref<!tpu.dma_semaphore, #tpu.memory_space<semaphore_mem>>) src(%dma_wait3A_61 : memref<16384xf32, #tpu.memory_space<hbm>>) dst(%arg9 : memref<16384xf32, #tpu.memory_space<vmem>>)
      %ge3A_62 = arith.constant 2 : i32
      %ge3A_63 = arith.cmpi sge, %add3A_53, %ge3A_62 : i32
      %convert_element_type3A_64 = arith.extui %ge3A_63 : i1 to i32
      %cond3A_65 = arith.constant 0 : i32
      %cond3A_66 = arith.cmpi ne, %convert_element_type3A_64, %cond3A_65 : i32
      scf.if %cond3A_66 {
        %dma_wait3A_75 = tpu.memref_slice %arg5[%mul3A_2] : memref<16777216xf32, #tpu.memory_space<hbm>> -> memref<16384xf32, #tpu.memory_space<hbm>>
        %dma_wait3A_76 = tpu.memref_slice %arg5[%mul3A_2] : memref<16777216xf32, #tpu.memory_space<hbm>> -> memref<16384xf32, #tpu.memory_space<hbm>>
        tpu.wait_dma2 semaphore(%arg15 : memref<!tpu.dma_semaphore, #tpu.memory_space<semaphore_mem>>) src(%arg11 : memref<16384xf32, #tpu.memory_space<vmem>>) dst(%dma_wait3A_76 : memref<16384xf32, #tpu.memory_space<hbm>>)
      } else {
      }
      %parallel_loop3A_67 = arith.constant 0 : i32
      %parallel_loop3A_68 = arith.constant 32 : i32
      %parallel_loop3A_69 = arith.constant 1 : i32
      scf.for %parallel_loop3A_75 = %parallel_loop3A_67 to %parallel_loop3A_68 step %parallel_loop3A_69  : i32 {
        %parallel_loop3A_76 = arith.constant 512 : i32
        %parallel_loop3A_77 = arith.muli %parallel_loop3A_75, %parallel_loop3A_76 : i32
        %parallel_loop3A_78 = tpu.assume_multiple %parallel_loop3A_77, 512 : i32
        %parallel_loop3A_79 = arith.constant 0 : i32
        %parallel_loop3A_80 = arith.addi %parallel_loop3A_78, %parallel_loop3A_79 : i32
        %parallel_loop3A_81 = arith.index_cast %parallel_loop3A_80 : i32 to index
        %parallel_loop3A_82 = tpu.vector_load %arg9[%parallel_loop3A_81] {strides = array<i32>} : memref<16384xf32, #tpu.memory_space<vmem>>, vector<16xf32>,
        %parallel_loop3A_83 = arith.constant 16 : i32
        %parallel_loop3A_84 = arith.addi %parallel_loop3A_78, %parallel_loop3A_83 : i32
        %parallel_loop3A_85 = arith.index_cast %parallel_loop3A_84 : i32 to index
        %parallel_loop3A_86 = tpu.vector_load %arg9[%parallel_loop3A_85] {strides = array<i32>} : memref<16384xf32, #tpu.memory_space<vmem>>, vector<16xf32>,
        %parallel_loop3A_87 = arith.constant 32 : i32
        %parallel_loop3A_88 = arith.addi %parallel_loop3A_78, %parallel_loop3A_87 : i32
        %parallel_loop3A_89 = arith.index_cast %parallel_loop3A_88 : i32 to index
        %parallel_loop3A_90 = tpu.vector_load %arg9[%parallel_loop3A_89] {strides = array<i32>} : memref<16384xf32, #tpu.memory_space<vmem>>, vector<16xf32>,
        %parallel_loop3A_91 = arith.constant 48 : i32
        %parallel_loop3A_92 = arith.addi %parallel_loop3A_78, %parallel_loop3A_91 : i32
        %parallel_loop3A_93 = arith.index_cast %parallel_loop3A_92 : i32 to index
        %parallel_loop3A_94 = tpu.vector_load %arg9[%parallel_loop3A_93] {strides = array<i32>} : memref<16384xf32, #tpu.memory_space<vmem>>, vector<16xf32>,
        %parallel_loop3A_95 = arith.constant 64 : i32
        %parallel_loop3A_96 = arith.addi %parallel_loop3A_78, %parallel_loop3A_95 : i32
        %parallel_loop3A_97 = arith.index_cast %parallel_loop3A_96 : i32 to index
        %parallel_loop3A_98 = tpu.vector_load %arg9[%parallel_loop3A_97] {strides = array<i32>} : memref<16384xf32, #tpu.memory_space<vmem>>, vector<16xf32>,
        %parallel_loop3A_99 = arith.constant 80 : i32
        %parallel_loop3A_100 = arith.addi %parallel_loop3A_78, %parallel_loop3A_99 : i32
        %parallel_loop3A_101 = arith.index_cast %parallel_loop3A_100 : i32 to index
        %parallel_loop3A_102 = tpu.vector_load %arg9[%parallel_loop3A_101] {strides = array<i32>} : memref<16384xf32, #tpu.memory_space<vmem>>, vector<16xf32>,
        %parallel_loop3A_103 = arith.constant 96 : i32
        %parallel_loop3A_104 = arith.addi %parallel_loop3A_78, %parallel_loop3A_103 : i32
        %parallel_loop3A_105 = arith.index_cast %parallel_loop3A_104 : i32 to index
        %parallel_loop3A_106 = tpu.vector_load %arg9[%parallel_loop3A_105] {strides = array<i32>} : memref<16384xf32, #tpu.memory_space<vmem>>, vector<16xf32>,
        %parallel_loop3A_107 = arith.constant 112 : i32
        %parallel_loop3A_108 = arith.addi %parallel_loop3A_78, %parallel_loop3A_107 : i32
        %parallel_loop3A_109 = arith.index_cast %parallel_loop3A_108 : i32 to index
        %parallel_loop3A_110 = tpu.vector_load %arg9[%parallel_loop3A_109] {strides = array<i32>} : memref<16384xf32, #tpu.memory_space<vmem>>, vector<16xf32>,
        %parallel_loop3A_111 = arith.constant 128 : i32
        %parallel_loop3A_112 = arith.addi %parallel_loop3A_78, %parallel_loop3A_111 : i32
        %parallel_loop3A_113 = arith.index_cast %parallel_loop3A_112 : i32 to index
        %parallel_loop3A_114 = tpu.vector_load %arg9[%parallel_loop3A_113] {strides = array<i32>} : memref<16384xf32, #tpu.memory_space<vmem>>, vector<16xf32>,
        %parallel_loop3A_115 = arith.constant 144 : i32
        %parallel_loop3A_116 = arith.addi %parallel_loop3A_78, %parallel_loop3A_115 : i32
        %parallel_loop3A_117 = arith.index_cast %parallel_loop3A_116 : i32 to index
        %parallel_loop3A_118 = tpu.vector_load %arg9[%parallel_loop3A_117] {strides = array<i32>} : memref<16384xf32, #tpu.memory_space<vmem>>, vector<16xf32>,
        %parallel_loop3A_119 = arith.constant 160 : i32
        %parallel_loop3A_120 = arith.addi %parallel_loop3A_78, %parallel_loop3A_119 : i32
        %parallel_loop3A_121 = arith.index_cast %parallel_loop3A_120 : i32 to index
        %parallel_loop3A_122 = tpu.vector_load %arg9[%parallel_loop3A_121] {strides = array<i32>} : memref<16384xf32, #tpu.memory_space<vmem>>, vector<16xf32>,
        %parallel_loop3A_123 = arith.constant 176 : i32
        %parallel_loop3A_124 = arith.addi %parallel_loop3A_78, %parallel_loop3A_123 : i32
        %parallel_loop3A_125 = arith.index_cast %parallel_loop3A_124 : i32 to index
        %parallel_loop3A_126 = tpu.vector_load %arg9[%parallel_loop3A_125] {strides = array<i32>} : memref<16384xf32, #tpu.memory_space<vmem>>, vector<16xf32>,
        %parallel_loop3A_127 = arith.constant 192 : i32
        %parallel_loop3A_128 = arith.addi %parallel_loop3A_78, %parallel_loop3A_127 : i32
        %parallel_loop3A_129 = arith.index_cast %parallel_loop3A_128 : i32 to index
        %parallel_loop3A_130 = tpu.vector_load %arg9[%parallel_loop3A_129] {strides = array<i32>} : memref<16384xf32, #tpu.memory_space<vmem>>, vector<16xf32>,
        %parallel_loop3A_131 = arith.constant 208 : i32
        %parallel_loop3A_132 = arith.addi %parallel_loop3A_78, %parallel_loop3A_131 : i32
        %parallel_loop3A_133 = arith.index_cast %parallel_loop3A_132 : i32 to index
        %parallel_loop3A_134 = tpu.vector_load %arg9[%parallel_loop3A_133] {strides = array<i32>} : memref<16384xf32, #tpu.memory_space<vmem>>, vector<16xf32>,
        %parallel_loop3A_135 = arith.constant 224 : i32
        %parallel_loop3A_136 = arith.addi %parallel_loop3A_78, %parallel_loop3A_135 : i32
        %parallel_loop3A_137 = arith.index_cast %parallel_loop3A_136 : i32 to index
        %parallel_loop3A_138 = tpu.vector_load %arg9[%parallel_loop3A_137] {strides = array<i32>} : memref<16384xf32, #tpu.memory_space<vmem>>, vector<16xf32>,
        %parallel_loop3A_139 = arith.constant 240 : i32
        %parallel_loop3A_140 = arith.addi %parallel_loop3A_78, %parallel_loop3A_139 : i32
        %parallel_loop3A_141 = arith.index_cast %parallel_loop3A_140 : i32 to index
        %parallel_loop3A_142 = tpu.vector_load %arg9[%parallel_loop3A_141] {strides = array<i32>} : memref<16384xf32, #tpu.memory_space<vmem>>, vector<16xf32>,
        %parallel_loop3A_143 = arith.constant 256 : i32
        %parallel_loop3A_144 = arith.addi %parallel_loop3A_78, %parallel_loop3A_143 : i32
        %parallel_loop3A_145 = arith.index_cast %parallel_loop3A_144 : i32 to index
        %parallel_loop3A_146 = tpu.vector_load %arg9[%parallel_loop3A_145] {strides = array<i32>} : memref<16384xf32, #tpu.memory_space<vmem>>, vector<16xf32>,
        %parallel_loop3A_147 = arith.constant 272 : i32
        %parallel_loop3A_148 = arith.addi %parallel_loop3A_78, %parallel_loop3A_147 : i32
        %parallel_loop3A_149 = arith.index_cast %parallel_loop3A_148 : i32 to index
        %parallel_loop3A_150 = tpu.vector_load %arg9[%parallel_loop3A_149] {strides = array<i32>} : memref<16384xf32, #tpu.memory_space<vmem>>, vector<16xf32>,
        %parallel_loop3A_151 = arith.constant 288 : i32
        %parallel_loop3A_152 = arith.addi %parallel_loop3A_78, %parallel_loop3A_151 : i32
        %parallel_loop3A_153 = arith.index_cast %parallel_loop3A_152 : i32 to index
        %parallel_loop3A_154 = tpu.vector_load %arg9[%parallel_loop3A_153] {strides = array<i32>} : memref<16384xf32, #tpu.memory_space<vmem>>, vector<16xf32>,
        %parallel_loop3A_155 = arith.constant 304 : i32
        %parallel_loop3A_156 = arith.addi %parallel_loop3A_78, %parallel_loop3A_155 : i32
        %parallel_loop3A_157 = arith.index_cast %parallel_loop3A_156 : i32 to index
        %parallel_loop3A_158 = tpu.vector_load %arg9[%parallel_loop3A_157] {strides = array<i32>} : memref<16384xf32, #tpu.memory_space<vmem>>, vector<16xf32>,
        %parallel_loop3A_159 = arith.constant 320 : i32
        %parallel_loop3A_160 = arith.addi %parallel_loop3A_78, %parallel_loop3A_159 : i32
        %parallel_loop3A_161 = arith.index_cast %parallel_loop3A_160 : i32 to index
        %parallel_loop3A_162 = tpu.vector_load %arg9[%parallel_loop3A_161] {strides = array<i32>} : memref<16384xf32, #tpu.memory_space<vmem>>, vector<16xf32>,
        %parallel_loop3A_163 = arith.constant 336 : i32
        %parallel_loop3A_164 = arith.addi %parallel_loop3A_78, %parallel_loop3A_163 : i32
        %parallel_loop3A_165 = arith.index_cast %parallel_loop3A_164 : i32 to index
        %parallel_loop3A_166 = tpu.vector_load %arg9[%parallel_loop3A_165] {strides = array<i32>} : memref<16384xf32, #tpu.memory_space<vmem>>, vector<16xf32>,
        %parallel_loop3A_167 = arith.constant 352 : i32
        %parallel_loop3A_168 = arith.addi %parallel_loop3A_78, %parallel_loop3A_167 : i32
        %parallel_loop3A_169 = arith.index_cast %parallel_loop3A_168 : i32 to index
        %parallel_loop3A_170 = tpu.vector_load %arg9[%parallel_loop3A_169] {strides = array<i32>} : memref<16384xf32, #tpu.memory_space<vmem>>, vector<16xf32>,
        %parallel_loop3A_171 = arith.constant 368 : i32
        %parallel_loop3A_172 = arith.addi %parallel_loop3A_78, %parallel_loop3A_171 : i32
        %parallel_loop3A_173 = arith.index_cast %parallel_loop3A_172 : i32 to index
        %parallel_loop3A_174 = tpu.vector_load %arg9[%parallel_loop3A_173] {strides = array<i32>} : memref<16384xf32, #tpu.memory_space<vmem>>, vector<16xf32>,
        %parallel_loop3A_175 = arith.constant 384 : i32
        %parallel_loop3A_176 = arith.addi %parallel_loop3A_78, %parallel_loop3A_175 : i32
        %parallel_loop3A_177 = arith.index_cast %parallel_loop3A_176 : i32 to index
        %parallel_loop3A_178 = tpu.vector_load %arg9[%parallel_loop3A_177] {strides = array<i32>} : memref<16384xf32, #tpu.memory_space<vmem>>, vector<16xf32>,
        %parallel_loop3A_179 = arith.constant 400 : i32
        %parallel_loop3A_180 = arith.addi %parallel_loop3A_78, %parallel_loop3A_179 : i32
        %parallel_loop3A_181 = arith.index_cast %parallel_loop3A_180 : i32 to index
        %parallel_loop3A_182 = tpu.vector_load %arg9[%parallel_loop3A_181] {strides = array<i32>} : memref<16384xf32, #tpu.memory_space<vmem>>, vector<16xf32>,
        %parallel_loop3A_183 = arith.constant 416 : i32
        %parallel_loop3A_184 = arith.addi %parallel_loop3A_78, %parallel_loop3A_183 : i32
        %parallel_loop3A_185 = arith.index_cast %parallel_loop3A_184 : i32 to index
        %parallel_loop3A_186 = tpu.vector_load %arg9[%parallel_loop3A_185] {strides = array<i32>} : memref<16384xf32, #tpu.memory_space<vmem>>, vector<16xf32>,
        %parallel_loop3A_187 = arith.constant 432 : i32
        %parallel_loop3A_188 = arith.addi %parallel_loop3A_78, %parallel_loop3A_187 : i32
        %parallel_loop3A_189 = arith.index_cast %parallel_loop3A_188 : i32 to index
        %parallel_loop3A_190 = tpu.vector_load %arg9[%parallel_loop3A_189] {strides = array<i32>} : memref<16384xf32, #tpu.memory_space<vmem>>, vector<16xf32>,
        %parallel_loop3A_191 = arith.constant 448 : i32
        %parallel_loop3A_192 = arith.addi %parallel_loop3A_78, %parallel_loop3A_191 : i32
        %parallel_loop3A_193 = arith.index_cast %parallel_loop3A_192 : i32 to index
        %parallel_loop3A_194 = tpu.vector_load %arg9[%parallel_loop3A_193] {strides = array<i32>} : memref<16384xf32, #tpu.memory_space<vmem>>, vector<16xf32>,
        %parallel_loop3A_195 = arith.constant 464 : i32
        %parallel_loop3A_196 = arith.addi %parallel_loop3A_78, %parallel_loop3A_195 : i32
        %parallel_loop3A_197 = arith.index_cast %parallel_loop3A_196 : i32 to index
        %parallel_loop3A_198 = tpu.vector_load %arg9[%parallel_loop3A_197] {strides = array<i32>} : memref<16384xf32, #tpu.memory_space<vmem>>, vector<16xf32>,
        %parallel_loop3A_199 = arith.constant 480 : i32
        %parallel_loop3A_200 = arith.addi %parallel_loop3A_78, %parallel_loop3A_199 : i32
        %parallel_loop3A_201 = arith.index_cast %parallel_loop3A_200 : i32 to index
        %parallel_loop3A_202 = tpu.vector_load %arg9[%parallel_loop3A_201] {strides = array<i32>} : memref<16384xf32, #tpu.memory_space<vmem>>, vector<16xf32>,
        %parallel_loop3A_203 = arith.constant 496 : i32
        %parallel_loop3A_204 = arith.addi %parallel_loop3A_78, %parallel_loop3A_203 : i32
        %parallel_loop3A_205 = arith.index_cast %parallel_loop3A_204 : i32 to index
        %parallel_loop3A_206 = tpu.vector_load %arg9[%parallel_loop3A_205] {strides = array<i32>} : memref<16384xf32, #tpu.memory_space<vmem>>, vector<16xf32>,
        %parallel_loop3A_207 = math.absf %parallel_loop3A_82 : vector<16xf32>
        %parallel_loop3A_208 = math.absf %parallel_loop3A_86 : vector<16xf32>
        %parallel_loop3A_209 = arith.maximumf %parallel_loop3A_207, %parallel_loop3A_208 : vector<16xf32>
        %parallel_loop3A_210 = math.absf %parallel_loop3A_90 : vector<16xf32>
        %parallel_loop3A_211 = math.absf %parallel_loop3A_94 : vector<16xf32>
        %parallel_loop3A_212 = arith.maximumf %parallel_loop3A_210, %parallel_loop3A_211 : vector<16xf32>
        %parallel_loop3A_213 = math.absf %parallel_loop3A_98 : vector<16xf32>
        %parallel_loop3A_214 = math.absf %parallel_loop3A_102 : vector<16xf32>
        %parallel_loop3A_215 = arith.maximumf %parallel_loop3A_213, %parallel_loop3A_214 : vector<16xf32>
        %parallel_loop3A_216 = math.absf %parallel_loop3A_106 : vector<16xf32>
        %parallel_loop3A_217 = math.absf %parallel_loop3A_110 : vector<16xf32>
        %parallel_loop3A_218 = arith.maximumf %parallel_loop3A_216, %parallel_loop3A_217 : vector<16xf32>
        %parallel_loop3A_219 = math.absf %parallel_loop3A_114 : vector<16xf32>
        %parallel_loop3A_220 = math.absf %parallel_loop3A_118 : vector<16xf32>
        %parallel_loop3A_221 = arith.maximumf %parallel_loop3A_219, %parallel_loop3A_220 : vector<16xf32>
        %parallel_loop3A_222 = math.absf %parallel_loop3A_122 : vector<16xf32>
        %parallel_loop3A_223 = math.absf %parallel_loop3A_126 : vector<16xf32>
        %parallel_loop3A_224 = arith.maximumf %parallel_loop3A_222, %parallel_loop3A_223 : vector<16xf32>
        %parallel_loop3A_225 = math.absf %parallel_loop3A_130 : vector<16xf32>
        %parallel_loop3A_226 = math.absf %parallel_loop3A_134 : vector<16xf32>
        %parallel_loop3A_227 = arith.maximumf %parallel_loop3A_225, %parallel_loop3A_226 : vector<16xf32>
        %parallel_loop3A_228 = math.absf %parallel_loop3A_138 : vector<16xf32>
        %parallel_loop3A_229 = math.absf %parallel_loop3A_142 : vector<16xf32>
        %parallel_loop3A_230 = arith.maximumf %parallel_loop3A_228, %parallel_loop3A_229 : vector<16xf32>
        %parallel_loop3A_231 = math.absf %parallel_loop3A_146 : vector<16xf32>
        %parallel_loop3A_232 = math.absf %parallel_loop3A_150 : vector<16xf32>
        %parallel_loop3A_233 = arith.maximumf %parallel_loop3A_231, %parallel_loop3A_232 : vector<16xf32>
        %parallel_loop3A_234 = math.absf %parallel_loop3A_154 : vector<16xf32>
        %parallel_loop3A_235 = math.absf %parallel_loop3A_158 : vector<16xf32>
        %parallel_loop3A_236 = arith.maximumf %parallel_loop3A_234, %parallel_loop3A_235 : vector<16xf32>
        %parallel_loop3A_237 = math.absf %parallel_loop3A_162 : vector<16xf32>
        %parallel_loop3A_238 = math.absf %parallel_loop3A_166 : vector<16xf32>
        %parallel_loop3A_239 = arith.maximumf %parallel_loop3A_237, %parallel_loop3A_238 : vector<16xf32>
        %parallel_loop3A_240 = math.absf %parallel_loop3A_170 : vector<16xf32>
        %parallel_loop3A_241 = math.absf %parallel_loop3A_174 : vector<16xf32>
        %parallel_loop3A_242 = arith.maximumf %parallel_loop3A_240, %parallel_loop3A_241 : vector<16xf32>
        %parallel_loop3A_243 = math.absf %parallel_loop3A_178 : vector<16xf32>
        %parallel_loop3A_244 = math.absf %parallel_loop3A_182 : vector<16xf32>
        %parallel_loop3A_245 = arith.maximumf %parallel_loop3A_243, %parallel_loop3A_244 : vector<16xf32>
        %parallel_loop3A_246 = math.absf %parallel_loop3A_186 : vector<16xf32>
        %parallel_loop3A_247 = math.absf %parallel_loop3A_190 : vector<16xf32>
        %parallel_loop3A_248 = arith.maximumf %parallel_loop3A_246, %parallel_loop3A_247 : vector<16xf32>
        %parallel_loop3A_249 = math.absf %parallel_loop3A_194 : vector<16xf32>
        %parallel_loop3A_250 = math.absf %parallel_loop3A_198 : vector<16xf32>
        %parallel_loop3A_251 = arith.maximumf %parallel_loop3A_249, %parallel_loop3A_250 : vector<16xf32>
        %parallel_loop3A_252 = math.absf %parallel_loop3A_202 : vector<16xf32>
        %parallel_loop3A_253 = math.absf %parallel_loop3A_206 : vector<16xf32>
        %parallel_loop3A_254 = arith.maximumf %parallel_loop3A_252, %parallel_loop3A_253 : vector<16xf32>
        %parallel_loop3A_255 = arith.maximumf %parallel_loop3A_209, %parallel_loop3A_212 : vector<16xf32>
        %parallel_loop3A_256 = arith.maximumf %parallel_loop3A_215, %parallel_loop3A_218 : vector<16xf32>
        %parallel_loop3A_257 = arith.maximumf %parallel_loop3A_221, %parallel_loop3A_224 : vector<16xf32>
        %parallel_loop3A_258 = arith.maximumf %parallel_loop3A_227, %parallel_loop3A_230 : vector<16xf32>
        %parallel_loop3A_259 = arith.maximumf %parallel_loop3A_233, %parallel_loop3A_236 : vector<16xf32>
        %parallel_loop3A_260 = arith.maximumf %parallel_loop3A_239, %parallel_loop3A_242 : vector<16xf32>
        %parallel_loop3A_261 = arith.maximumf %parallel_loop3A_245, %parallel_loop3A_248 : vector<16xf32>
        %parallel_loop3A_262 = arith.maximumf %parallel_loop3A_251, %parallel_loop3A_254 : vector<16xf32>
        %parallel_loop3A_263 = arith.maximumf %parallel_loop3A_255, %parallel_loop3A_256 : vector<16xf32>
        %parallel_loop3A_264 = arith.maximumf %parallel_loop3A_257, %parallel_loop3A_258 : vector<16xf32>
        %parallel_loop3A_265 = arith.maximumf %parallel_loop3A_259, %parallel_loop3A_260 : vector<16xf32>
        %parallel_loop3A_266 = arith.maximumf %parallel_loop3A_261, %parallel_loop3A_262 : vector<16xf32>
        %parallel_loop3A_267 = arith.maximumf %parallel_loop3A_263, %parallel_loop3A_264 : vector<16xf32>
        %parallel_loop3A_268 = arith.maximumf %parallel_loop3A_265, %parallel_loop3A_266 : vector<16xf32>
        %parallel_loop3A_269 = arith.maximumf %parallel_loop3A_267, %parallel_loop3A_268 : vector<16xf32>
        %parallel_loop3A_270 = vector.shape_cast %reshape3A : vector<16x1xi32> to vector<16xi32>
        %parallel_loop3A_271 = tpu.dynamic_gather %parallel_loop3A_269[%parallel_loop3A_270] in [0] : vector<16xf32>, vector<16xi32> -> vector<16xf32>
        %parallel_loop3A_272 = arith.maximumf %parallel_loop3A_269, %parallel_loop3A_271 : vector<16xf32>
        %parallel_loop3A_273 = vector.shape_cast %reshape3A_8 : vector<16x1xi32> to vector<16xi32>
        %parallel_loop3A_274 = tpu.dynamic_gather %parallel_loop3A_272[%parallel_loop3A_273] in [0] : vector<16xf32>, vector<16xi32> -> vector<16xf32>
        %parallel_loop3A_275 = arith.maximumf %parallel_loop3A_272, %parallel_loop3A_274 : vector<16xf32>
        %parallel_loop3A_276 = vector.shape_cast %reshape3A_12 : vector<16x1xi32> to vector<16xi32>
        %parallel_loop3A_277 = tpu.dynamic_gather %parallel_loop3A_275[%parallel_loop3A_276] in [0] : vector<16xf32>, vector<16xi32> -> vector<16xf32>
        %parallel_loop3A_278 = arith.maximumf %parallel_loop3A_275, %parallel_loop3A_277 : vector<16xf32>
        %parallel_loop3A_279 = vector.shape_cast %reshape3A_16 : vector<16x1xi32> to vector<16xi32>
        %parallel_loop3A_280 = tpu.dynamic_gather %parallel_loop3A_278[%parallel_loop3A_279] in [0] : vector<16xf32>, vector<16xi32> -> vector<16xf32>
        %parallel_loop3A_281 = arith.maximumf %parallel_loop3A_278, %parallel_loop3A_280 : vector<16xf32>
        %parallel_loop3A_282 = arith.constant 0.000000e+00 : f32
        %parallel_loop3A_283 = vector.broadcast %parallel_loop3A_282 : f32 to vector<16xf32>
        %parallel_loop3A_284 = arith.cmpf oeq, %parallel_loop3A_281, %parallel_loop3A_283 : vector<16xf32>
        %parallel_loop3A_285 = arith.constant 1.000000e+00 : f32
        %parallel_loop3A_286 = vector.broadcast %parallel_loop3A_285 : f32 to vector<16xf32>
        %parallel_loop3A_287 = arith.select %parallel_loop3A_284, %parallel_loop3A_286, %parallel_loop3A_281 : vector<16xi1>, vector<16xf32>
        %parallel_loop3A_288 = arith.constant 3.200000e+01 : f32
        %parallel_loop3A_289 = vector.broadcast %parallel_loop3A_288 : f32 to vector<16xf32>
        %parallel_loop3A_290 = arith.divf %parallel_loop3A_289, %parallel_loop3A_287 : vector<16xf32>
        %parallel_loop3A_291 = arith.mulf %parallel_loop3A_82, %parallel_loop3A_290 : vector<16xf32>
        %parallel_loop3A_292 = arith.constant 3.200000e+01 : f32
        %parallel_loop3A_293 = vector.broadcast %parallel_loop3A_292 : f32 to vector<16xf32>
        %parallel_loop3A_294 = arith.addf %parallel_loop3A_291, %parallel_loop3A_293 : vector<16xf32>
        %parallel_loop3A_295 = arith.fptosi %parallel_loop3A_294 : vector<16xf32> to vector<16xi32>
        %parallel_loop3A_296 = tpu.vector_load_idx %arg6[%parallel_loop3A_295] : memref<85xf32, #tpu.memory_space<vmem>>[vector<16xi32>], vector<16xf32>,
        %parallel_loop3A_297 = arith.cmpf ogt, %parallel_loop3A_294, %parallel_loop3A_296 : vector<16xf32>
        %parallel_loop3A_298 = arith.constant 85 : i32
        %parallel_loop3A_299 = arith.constant 0 : i32
        %parallel_loop3A_300 = vector.broadcast %parallel_loop3A_298 : i32 to vector<16xi32>
        %parallel_loop3A_301 = vector.broadcast %parallel_loop3A_299 : i32 to vector<16xi32>
        %parallel_loop3A_302 = arith.select %parallel_loop3A_297, %parallel_loop3A_300, %parallel_loop3A_301 : vector<16xi1>, vector<16xi32>
        %parallel_loop3A_303 = arith.addi %parallel_loop3A_295, %parallel_loop3A_302 : vector<16xi32>
        %parallel_loop3A_304 = tpu.vector_load_idx %arg7[%parallel_loop3A_303] : memref<170xf32, #tpu.memory_space<vmem>>[vector<16xi32>], vector<16xf32>,
        %parallel_loop3A_305 = arith.mulf %parallel_loop3A_304, %parallel_loop3A_281 : vector<16xf32>
        %parallel_loop3A_306 = arith.constant 0 : i32
        %parallel_loop3A_307 = arith.addi %parallel_loop3A_78, %parallel_loop3A_306 : i32
        %parallel_loop3A_308 = arith.index_cast %parallel_loop3A_307 : i32 to index
        %parallel_loop3A_309 = tpu.vector_load %arg11[%parallel_loop3A_308] {strides = array<i32>} : memref<16384xf32, #tpu.memory_space<vmem>>, vector<16xf32>,
        tpu.vector_store %arg11[%parallel_loop3A_308], %parallel_loop3A_305 {strides = array<i32>} : memref<16384xf32, #tpu.memory_space<vmem>>, vector<16xf32>,
        %parallel_loop3A_310 = arith.mulf %parallel_loop3A_86, %parallel_loop3A_290 : vector<16xf32>
        %parallel_loop3A_311 = arith.constant 3.200000e+01 : f32
        %parallel_loop3A_312 = vector.broadcast %parallel_loop3A_311 : f32 to vector<16xf32>
        %parallel_loop3A_313 = arith.addf %parallel_loop3A_310, %parallel_loop3A_312 : vector<16xf32>
        %parallel_loop3A_314 = arith.fptosi %parallel_loop3A_313 : vector<16xf32> to vector<16xi32>
        %parallel_loop3A_315 = tpu.vector_load_idx %arg6[%parallel_loop3A_314] : memref<85xf32, #tpu.memory_space<vmem>>[vector<16xi32>], vector<16xf32>,
        %parallel_loop3A_316 = arith.cmpf ogt, %parallel_loop3A_313, %parallel_loop3A_315 : vector<16xf32>
        %parallel_loop3A_317 = arith.constant 85 : i32
        %parallel_loop3A_318 = arith.constant 0 : i32
        %parallel_loop3A_319 = vector.broadcast %parallel_loop3A_317 : i32 to vector<16xi32>
        %parallel_loop3A_320 = vector.broadcast %parallel_loop3A_318 : i32 to vector<16xi32>
        %parallel_loop3A_321 = arith.select %parallel_loop3A_316, %parallel_loop3A_319, %parallel_loop3A_320 : vector<16xi1>, vector<16xi32>
        %parallel_loop3A_322 = arith.addi %parallel_loop3A_314, %parallel_loop3A_321 : vector<16xi32>
        %parallel_loop3A_323 = tpu.vector_load_idx %arg7[%parallel_loop3A_322] : memref<170xf32, #tpu.memory_space<vmem>>[vector<16xi32>], vector<16xf32>,
        %parallel_loop3A_324 = arith.mulf %parallel_loop3A_323, %parallel_loop3A_281 : vector<16xf32>
        %parallel_loop3A_325 = arith.constant 16 : i32
        %parallel_loop3A_326 = arith.addi %parallel_loop3A_78, %parallel_loop3A_325 : i32
        %parallel_loop3A_327 = arith.index_cast %parallel_loop3A_326 : i32 to index
        %parallel_loop3A_328 = tpu.vector_load %arg11[%parallel_loop3A_327] {strides = array<i32>} : memref<16384xf32, #tpu.memory_space<vmem>>, vector<16xf32>,
        tpu.vector_store %arg11[%parallel_loop3A_327], %parallel_loop3A_324 {strides = array<i32>} : memref<16384xf32, #tpu.memory_space<vmem>>, vector<16xf32>,
        %parallel_loop3A_329 = arith.mulf %parallel_loop3A_90, %parallel_loop3A_290 : vector<16xf32>
        %parallel_loop3A_330 = arith.constant 3.200000e+01 : f32
        %parallel_loop3A_331 = vector.broadcast %parallel_loop3A_330 : f32 to vector<16xf32>
        %parallel_loop3A_332 = arith.addf %parallel_loop3A_329, %parallel_loop3A_331 : vector<16xf32>
        %parallel_loop3A_333 = arith.fptosi %parallel_loop3A_332 : vector<16xf32> to vector<16xi32>
        %parallel_loop3A_334 = tpu.vector_load_idx %arg6[%parallel_loop3A_333] : memref<85xf32, #tpu.memory_space<vmem>>[vector<16xi32>], vector<16xf32>,
        %parallel_loop3A_335 = arith.cmpf ogt, %parallel_loop3A_332, %parallel_loop3A_334 : vector<16xf32>
        %parallel_loop3A_336 = arith.constant 85 : i32
        %parallel_loop3A_337 = arith.constant 0 : i32
        %parallel_loop3A_338 = vector.broadcast %parallel_loop3A_336 : i32 to vector<16xi32>
        %parallel_loop3A_339 = vector.broadcast %parallel_loop3A_337 : i32 to vector<16xi32>
        %parallel_loop3A_340 = arith.select %parallel_loop3A_335, %parallel_loop3A_338, %parallel_loop3A_339 : vector<16xi1>, vector<16xi32>
        %parallel_loop3A_341 = arith.addi %parallel_loop3A_333, %parallel_loop3A_340 : vector<16xi32>
        %parallel_loop3A_342 = tpu.vector_load_idx %arg7[%parallel_loop3A_341] : memref<170xf32, #tpu.memory_space<vmem>>[vector<16xi32>], vector<16xf32>,
        %parallel_loop3A_343 = arith.mulf %parallel_loop3A_342, %parallel_loop3A_281 : vector<16xf32>
        %parallel_loop3A_344 = arith.constant 32 : i32
        %parallel_loop3A_345 = arith.addi %parallel_loop3A_78, %parallel_loop3A_344 : i32
        %parallel_loop3A_346 = arith.index_cast %parallel_loop3A_345 : i32 to index
        %parallel_loop3A_347 = tpu.vector_load %arg11[%parallel_loop3A_346] {strides = array<i32>} : memref<16384xf32, #tpu.memory_space<vmem>>, vector<16xf32>,
        tpu.vector_store %arg11[%parallel_loop3A_346], %parallel_loop3A_343 {strides = array<i32>} : memref<16384xf32, #tpu.memory_space<vmem>>, vector<16xf32>,
        %parallel_loop3A_348 = arith.mulf %parallel_loop3A_94, %parallel_loop3A_290 : vector<16xf32>
        %parallel_loop3A_349 = arith.constant 3.200000e+01 : f32
        %parallel_loop3A_350 = vector.broadcast %parallel_loop3A_349 : f32 to vector<16xf32>
        %parallel_loop3A_351 = arith.addf %parallel_loop3A_348, %parallel_loop3A_350 : vector<16xf32>
        %parallel_loop3A_352 = arith.fptosi %parallel_loop3A_351 : vector<16xf32> to vector<16xi32>
        %parallel_loop3A_353 = tpu.vector_load_idx %arg6[%parallel_loop3A_352] : memref<85xf32, #tpu.memory_space<vmem>>[vector<16xi32>], vector<16xf32>,
        %parallel_loop3A_354 = arith.cmpf ogt, %parallel_loop3A_351, %parallel_loop3A_353 : vector<16xf32>
        %parallel_loop3A_355 = arith.constant 85 : i32
        %parallel_loop3A_356 = arith.constant 0 : i32
        %parallel_loop3A_357 = vector.broadcast %parallel_loop3A_355 : i32 to vector<16xi32>
        %parallel_loop3A_358 = vector.broadcast %parallel_loop3A_356 : i32 to vector<16xi32>
        %parallel_loop3A_359 = arith.select %parallel_loop3A_354, %parallel_loop3A_357, %parallel_loop3A_358 : vector<16xi1>, vector<16xi32>
        %parallel_loop3A_360 = arith.addi %parallel_loop3A_352, %parallel_loop3A_359 : vector<16xi32>
        %parallel_loop3A_361 = tpu.vector_load_idx %arg7[%parallel_loop3A_360] : memref<170xf32, #tpu.memory_space<vmem>>[vector<16xi32>], vector<16xf32>,
        %parallel_loop3A_362 = arith.mulf %parallel_loop3A_361, %parallel_loop3A_281 : vector<16xf32>
        %parallel_loop3A_363 = arith.constant 48 : i32
        %parallel_loop3A_364 = arith.addi %parallel_loop3A_78, %parallel_loop3A_363 : i32
        %parallel_loop3A_365 = arith.index_cast %parallel_loop3A_364 : i32 to index
        %parallel_loop3A_366 = tpu.vector_load %arg11[%parallel_loop3A_365] {strides = array<i32>} : memref<16384xf32, #tpu.memory_space<vmem>>, vector<16xf32>,
        tpu.vector_store %arg11[%parallel_loop3A_365], %parallel_loop3A_362 {strides = array<i32>} : memref<16384xf32, #tpu.memory_space<vmem>>, vector<16xf32>,
        %parallel_loop3A_367 = arith.mulf %parallel_loop3A_98, %parallel_loop3A_290 : vector<16xf32>
        %parallel_loop3A_368 = arith.constant 3.200000e+01 : f32
        %parallel_loop3A_369 = vector.broadcast %parallel_loop3A_368 : f32 to vector<16xf32>
        %parallel_loop3A_370 = arith.addf %parallel_loop3A_367, %parallel_loop3A_369 : vector<16xf32>
        %parallel_loop3A_371 = arith.fptosi %parallel_loop3A_370 : vector<16xf32> to vector<16xi32>
        %parallel_loop3A_372 = tpu.vector_load_idx %arg6[%parallel_loop3A_371] : memref<85xf32, #tpu.memory_space<vmem>>[vector<16xi32>], vector<16xf32>,
        %parallel_loop3A_373 = arith.cmpf ogt, %parallel_loop3A_370, %parallel_loop3A_372 : vector<16xf32>
        %parallel_loop3A_374 = arith.constant 85 : i32
        %parallel_loop3A_375 = arith.constant 0 : i32
        %parallel_loop3A_376 = vector.broadcast %parallel_loop3A_374 : i32 to vector<16xi32>
        %parallel_loop3A_377 = vector.broadcast %parallel_loop3A_375 : i32 to vector<16xi32>
        %parallel_loop3A_378 = arith.select %parallel_loop3A_373, %parallel_loop3A_376, %parallel_loop3A_377 : vector<16xi1>, vector<16xi32>
        %parallel_loop3A_379 = arith.addi %parallel_loop3A_371, %parallel_loop3A_378 : vector<16xi32>
        %parallel_loop3A_380 = tpu.vector_load_idx %arg7[%parallel_loop3A_379] : memref<170xf32, #tpu.memory_space<vmem>>[vector<16xi32>], vector<16xf32>,
        %parallel_loop3A_381 = arith.mulf %parallel_loop3A_380, %parallel_loop3A_281 : vector<16xf32>
        %parallel_loop3A_382 = arith.constant 64 : i32
        %parallel_loop3A_383 = arith.addi %parallel_loop3A_78, %parallel_loop3A_382 : i32
        %parallel_loop3A_384 = arith.index_cast %parallel_loop3A_383 : i32 to index
        %parallel_loop3A_385 = tpu.vector_load %arg11[%parallel_loop3A_384] {strides = array<i32>} : memref<16384xf32, #tpu.memory_space<vmem>>, vector<16xf32>,
        tpu.vector_store %arg11[%parallel_loop3A_384], %parallel_loop3A_381 {strides = array<i32>} : memref<16384xf32, #tpu.memory_space<vmem>>, vector<16xf32>,
        %parallel_loop3A_386 = arith.mulf %parallel_loop3A_102, %parallel_loop3A_290 : vector<16xf32>
        %parallel_loop3A_387 = arith.constant 3.200000e+01 : f32
        %parallel_loop3A_388 = vector.broadcast %parallel_loop3A_387 : f32 to vector<16xf32>
        %parallel_loop3A_389 = arith.addf %parallel_loop3A_386, %parallel_loop3A_388 : vector<16xf32>
        %parallel_loop3A_390 = arith.fptosi %parallel_loop3A_389 : vector<16xf32> to vector<16xi32>
        %parallel_loop3A_391 = tpu.vector_load_idx %arg6[%parallel_loop3A_390] : memref<85xf32, #tpu.memory_space<vmem>>[vector<16xi32>], vector<16xf32>,
        %parallel_loop3A_392 = arith.cmpf ogt, %parallel_loop3A_389, %parallel_loop3A_391 : vector<16xf32>
        %parallel_loop3A_393 = arith.constant 85 : i32
        %parallel_loop3A_394 = arith.constant 0 : i32
        %parallel_loop3A_395 = vector.broadcast %parallel_loop3A_393 : i32 to vector<16xi32>
        %parallel_loop3A_396 = vector.broadcast %parallel_loop3A_394 : i32 to vector<16xi32>
        %parallel_loop3A_397 = arith.select %parallel_loop3A_392, %parallel_loop3A_395, %parallel_loop3A_396 : vector<16xi1>, vector<16xi32>
        %parallel_loop3A_398 = arith.addi %parallel_loop3A_390, %parallel_loop3A_397 : vector<16xi32>
        %parallel_loop3A_399 = tpu.vector_load_idx %arg7[%parallel_loop3A_398] : memref<170xf32, #tpu.memory_space<vmem>>[vector<16xi32>], vector<16xf32>,
        %parallel_loop3A_400 = arith.mulf %parallel_loop3A_399, %parallel_loop3A_281 : vector<16xf32>
        %parallel_loop3A_401 = arith.constant 80 : i32
        %parallel_loop3A_402 = arith.addi %parallel_loop3A_78, %parallel_loop3A_401 : i32
        %parallel_loop3A_403 = arith.index_cast %parallel_loop3A_402 : i32 to index
        %parallel_loop3A_404 = tpu.vector_load %arg11[%parallel_loop3A_403] {strides = array<i32>} : memref<16384xf32, #tpu.memory_space<vmem>>, vector<16xf32>,
        tpu.vector_store %arg11[%parallel_loop3A_403], %parallel_loop3A_400 {strides = array<i32>} : memref<16384xf32, #tpu.memory_space<vmem>>, vector<16xf32>,
        %parallel_loop3A_405 = arith.mulf %parallel_loop3A_106, %parallel_loop3A_290 : vector<16xf32>
        %parallel_loop3A_406 = arith.constant 3.200000e+01 : f32
        %parallel_loop3A_407 = vector.broadcast %parallel_loop3A_406 : f32 to vector<16xf32>
        %parallel_loop3A_408 = arith.addf %parallel_loop3A_405, %parallel_loop3A_407 : vector<16xf32>
        %parallel_loop3A_409 = arith.fptosi %parallel_loop3A_408 : vector<16xf32> to vector<16xi32>
        %parallel_loop3A_410 = tpu.vector_load_idx %arg6[%parallel_loop3A_409] : memref<85xf32, #tpu.memory_space<vmem>>[vector<16xi32>], vector<16xf32>,
        %parallel_loop3A_411 = arith.cmpf ogt, %parallel_loop3A_408, %parallel_loop3A_410 : vector<16xf32>
        %parallel_loop3A_412 = arith.constant 85 : i32
        %parallel_loop3A_413 = arith.constant 0 : i32
        %parallel_loop3A_414 = vector.broadcast %parallel_loop3A_412 : i32 to vector<16xi32>
        %parallel_loop3A_415 = vector.broadcast %parallel_loop3A_413 : i32 to vector<16xi32>
        %parallel_loop3A_416 = arith.select %parallel_loop3A_411, %parallel_loop3A_414, %parallel_loop3A_415 : vector<16xi1>, vector<16xi32>
        %parallel_loop3A_417 = arith.addi %parallel_loop3A_409, %parallel_loop3A_416 : vector<16xi32>
        %parallel_loop3A_418 = tpu.vector_load_idx %arg7[%parallel_loop3A_417] : memref<170xf32, #tpu.memory_space<vmem>>[vector<16xi32>], vector<16xf32>,
        %parallel_loop3A_419 = arith.mulf %parallel_loop3A_418, %parallel_loop3A_281 : vector<16xf32>
        %parallel_loop3A_420 = arith.constant 96 : i32
        %parallel_loop3A_421 = arith.addi %parallel_loop3A_78, %parallel_loop3A_420 : i32
        %parallel_loop3A_422 = arith.index_cast %parallel_loop3A_421 : i32 to index
        %parallel_loop3A_423 = tpu.vector_load %arg11[%parallel_loop3A_422] {strides = array<i32>} : memref<16384xf32, #tpu.memory_space<vmem>>, vector<16xf32>,
        tpu.vector_store %arg11[%parallel_loop3A_422], %parallel_loop3A_419 {strides = array<i32>} : memref<16384xf32, #tpu.memory_space<vmem>>, vector<16xf32>,
        %parallel_loop3A_424 = arith.mulf %parallel_loop3A_110, %parallel_loop3A_290 : vector<16xf32>
        %parallel_loop3A_425 = arith.constant 3.200000e+01 : f32
        %parallel_loop3A_426 = vector.broadcast %parallel_loop3A_425 : f32 to vector<16xf32>
        %parallel_loop3A_427 = arith.addf %parallel_loop3A_424, %parallel_loop3A_426 : vector<16xf32>
        %parallel_loop3A_428 = arith.fptosi %parallel_loop3A_427 : vector<16xf32> to vector<16xi32>
        %parallel_loop3A_429 = tpu.vector_load_idx %arg6[%parallel_loop3A_428] : memref<85xf32, #tpu.memory_space<vmem>>[vector<16xi32>], vector<16xf32>,
        %parallel_loop3A_430 = arith.cmpf ogt, %parallel_loop3A_427, %parallel_loop3A_429 : vector<16xf32>
        %parallel_loop3A_431 = arith.constant 85 : i32
        %parallel_loop3A_432 = arith.constant 0 : i32
        %parallel_loop3A_433 = vector.broadcast %parallel_loop3A_431 : i32 to vector<16xi32>
        %parallel_loop3A_434 = vector.broadcast %parallel_loop3A_432 : i32 to vector<16xi32>
        %parallel_loop3A_435 = arith.select %parallel_loop3A_430, %parallel_loop3A_433, %parallel_loop3A_434 : vector<16xi1>, vector<16xi32>
        %parallel_loop3A_436 = arith.addi %parallel_loop3A_428, %parallel_loop3A_435 : vector<16xi32>
        %parallel_loop3A_437 = tpu.vector_load_idx %arg7[%parallel_loop3A_436] : memref<170xf32, #tpu.memory_space<vmem>>[vector<16xi32>], vector<16xf32>,
        %parallel_loop3A_438 = arith.mulf %parallel_loop3A_437, %parallel_loop3A_281 : vector<16xf32>
        %parallel_loop3A_439 = arith.constant 112 : i32
        %parallel_loop3A_440 = arith.addi %parallel_loop3A_78, %parallel_loop3A_439 : i32
        %parallel_loop3A_441 = arith.index_cast %parallel_loop3A_440 : i32 to index
        %parallel_loop3A_442 = tpu.vector_load %arg11[%parallel_loop3A_441] {strides = array<i32>} : memref<16384xf32, #tpu.memory_space<vmem>>, vector<16xf32>,
        tpu.vector_store %arg11[%parallel_loop3A_441], %parallel_loop3A_438 {strides = array<i32>} : memref<16384xf32, #tpu.memory_space<vmem>>, vector<16xf32>,
        %parallel_loop3A_443 = arith.mulf %parallel_loop3A_114, %parallel_loop3A_290 : vector<16xf32>
        %parallel_loop3A_444 = arith.constant 3.200000e+01 : f32
        %parallel_loop3A_445 = vector.broadcast %parallel_loop3A_444 : f32 to vector<16xf32>
        %parallel_loop3A_446 = arith.addf %parallel_loop3A_443, %parallel_loop3A_445 : vector<16xf32>
        %parallel_loop3A_447 = arith.fptosi %parallel_loop3A_446 : vector<16xf32> to vector<16xi32>
        %parallel_loop3A_448 = tpu.vector_load_idx %arg6[%parallel_loop3A_447] : memref<85xf32, #tpu.memory_space<vmem>>[vector<16xi32>], vector<16xf32>,
        %parallel_loop3A_449 = arith.cmpf ogt, %parallel_loop3A_446, %parallel_loop3A_448 : vector<16xf32>
        %parallel_loop3A_450 = arith.constant 85 : i32
        %parallel_loop3A_451 = arith.constant 0 : i32
        %parallel_loop3A_452 = vector.broadcast %parallel_loop3A_450 : i32 to vector<16xi32>
        %parallel_loop3A_453 = vector.broadcast %parallel_loop3A_451 : i32 to vector<16xi32>
        %parallel_loop3A_454 = arith.select %parallel_loop3A_449, %parallel_loop3A_452, %parallel_loop3A_453 : vector<16xi1>, vector<16xi32>
        %parallel_loop3A_455 = arith.addi %parallel_loop3A_447, %parallel_loop3A_454 : vector<16xi32>
        %parallel_loop3A_456 = tpu.vector_load_idx %arg7[%parallel_loop3A_455] : memref<170xf32, #tpu.memory_space<vmem>>[vector<16xi32>], vector<16xf32>,
        %parallel_loop3A_457 = arith.mulf %parallel_loop3A_456, %parallel_loop3A_281 : vector<16xf32>
        %parallel_loop3A_458 = arith.constant 128 : i32
        %parallel_loop3A_459 = arith.addi %parallel_loop3A_78, %parallel_loop3A_458 : i32
        %parallel_loop3A_460 = arith.index_cast %parallel_loop3A_459 : i32 to index
        %parallel_loop3A_461 = tpu.vector_load %arg11[%parallel_loop3A_460] {strides = array<i32>} : memref<16384xf32, #tpu.memory_space<vmem>>, vector<16xf32>,
        tpu.vector_store %arg11[%parallel_loop3A_460], %parallel_loop3A_457 {strides = array<i32>} : memref<16384xf32, #tpu.memory_space<vmem>>, vector<16xf32>,
        %parallel_loop3A_462 = arith.mulf %parallel_loop3A_118, %parallel_loop3A_290 : vector<16xf32>
        %parallel_loop3A_463 = arith.constant 3.200000e+01 : f32
        %parallel_loop3A_464 = vector.broadcast %parallel_loop3A_463 : f32 to vector<16xf32>
        %parallel_loop3A_465 = arith.addf %parallel_loop3A_462, %parallel_loop3A_464 : vector<16xf32>
        %parallel_loop3A_466 = arith.fptosi %parallel_loop3A_465 : vector<16xf32> to vector<16xi32>
        %parallel_loop3A_467 = tpu.vector_load_idx %arg6[%parallel_loop3A_466] : memref<85xf32, #tpu.memory_space<vmem>>[vector<16xi32>], vector<16xf32>,
        %parallel_loop3A_468 = arith.cmpf ogt, %parallel_loop3A_465, %parallel_loop3A_467 : vector<16xf32>
        %parallel_loop3A_469 = arith.constant 85 : i32
        %parallel_loop3A_470 = arith.constant 0 : i32
        %parallel_loop3A_471 = vector.broadcast %parallel_loop3A_469 : i32 to vector<16xi32>
        %parallel_loop3A_472 = vector.broadcast %parallel_loop3A_470 : i32 to vector<16xi32>
        %parallel_loop3A_473 = arith.select %parallel_loop3A_468, %parallel_loop3A_471, %parallel_loop3A_472 : vector<16xi1>, vector<16xi32>
        %parallel_loop3A_474 = arith.addi %parallel_loop3A_466, %parallel_loop3A_473 : vector<16xi32>
        %parallel_loop3A_475 = tpu.vector_load_idx %arg7[%parallel_loop3A_474] : memref<170xf32, #tpu.memory_space<vmem>>[vector<16xi32>], vector<16xf32>,
        %parallel_loop3A_476 = arith.mulf %parallel_loop3A_475, %parallel_loop3A_281 : vector<16xf32>
        %parallel_loop3A_477 = arith.constant 144 : i32
        %parallel_loop3A_478 = arith.addi %parallel_loop3A_78, %parallel_loop3A_477 : i32
        %parallel_loop3A_479 = arith.index_cast %parallel_loop3A_478 : i32 to index
        %parallel_loop3A_480 = tpu.vector_load %arg11[%parallel_loop3A_479] {strides = array<i32>} : memref<16384xf32, #tpu.memory_space<vmem>>, vector<16xf32>,
        tpu.vector_store %arg11[%parallel_loop3A_479], %parallel_loop3A_476 {strides = array<i32>} : memref<16384xf32, #tpu.memory_space<vmem>>, vector<16xf32>,
        %parallel_loop3A_481 = arith.mulf %parallel_loop3A_122, %parallel_loop3A_290 : vector<16xf32>
        %parallel_loop3A_482 = arith.constant 3.200000e+01 : f32
        %parallel_loop3A_483 = vector.broadcast %parallel_loop3A_482 : f32 to vector<16xf32>
        %parallel_loop3A_484 = arith.addf %parallel_loop3A_481, %parallel_loop3A_483 : vector<16xf32>
        %parallel_loop3A_485 = arith.fptosi %parallel_loop3A_484 : vector<16xf32> to vector<16xi32>
        %parallel_loop3A_486 = tpu.vector_load_idx %arg6[%parallel_loop3A_485] : memref<85xf32, #tpu.memory_space<vmem>>[vector<16xi32>], vector<16xf32>,
        %parallel_loop3A_487 = arith.cmpf ogt, %parallel_loop3A_484, %parallel_loop3A_486 : vector<16xf32>
        %parallel_loop3A_488 = arith.constant 85 : i32
        %parallel_loop3A_489 = arith.constant 0 : i32
        %parallel_loop3A_490 = vector.broadcast %parallel_loop3A_488 : i32 to vector<16xi32>
        %parallel_loop3A_491 = vector.broadcast %parallel_loop3A_489 : i32 to vector<16xi32>
        %parallel_loop3A_492 = arith.select %parallel_loop3A_487, %parallel_loop3A_490, %parallel_loop3A_491 : vector<16xi1>, vector<16xi32>
        %parallel_loop3A_493 = arith.addi %parallel_loop3A_485, %parallel_loop3A_492 : vector<16xi32>
        %parallel_loop3A_494 = tpu.vector_load_idx %arg7[%parallel_loop3A_493] : memref<170xf32, #tpu.memory_space<vmem>>[vector<16xi32>], vector<16xf32>,
        %parallel_loop3A_495 = arith.mulf %parallel_loop3A_494, %parallel_loop3A_281 : vector<16xf32>
        %parallel_loop3A_496 = arith.constant 160 : i32
        %parallel_loop3A_497 = arith.addi %parallel_loop3A_78, %parallel_loop3A_496 : i32
        %parallel_loop3A_498 = arith.index_cast %parallel_loop3A_497 : i32 to index
        %parallel_loop3A_499 = tpu.vector_load %arg11[%parallel_loop3A_498] {strides = array<i32>} : memref<16384xf32, #tpu.memory_space<vmem>>, vector<16xf32>,
        tpu.vector_store %arg11[%parallel_loop3A_498], %parallel_loop3A_495 {strides = array<i32>} : memref<16384xf32, #tpu.memory_space<vmem>>, vector<16xf32>,
        %parallel_loop3A_500 = arith.mulf %parallel_loop3A_126, %parallel_loop3A_290 : vector<16xf32>
        %parallel_loop3A_501 = arith.constant 3.200000e+01 : f32
        %parallel_loop3A_502 = vector.broadcast %parallel_loop3A_501 : f32 to vector<16xf32>
        %parallel_loop3A_503 = arith.addf %parallel_loop3A_500, %parallel_loop3A_502 : vector<16xf32>
        %parallel_loop3A_504 = arith.fptosi %parallel_loop3A_503 : vector<16xf32> to vector<16xi32>
        %parallel_loop3A_505 = tpu.vector_load_idx %arg6[%parallel_loop3A_504] : memref<85xf32, #tpu.memory_space<vmem>>[vector<16xi32>], vector<16xf32>,
        %parallel_loop3A_506 = arith.cmpf ogt, %parallel_loop3A_503, %parallel_loop3A_505 : vector<16xf32>
        %parallel_loop3A_507 = arith.constant 85 : i32
        %parallel_loop3A_508 = arith.constant 0 : i32
        %parallel_loop3A_509 = vector.broadcast %parallel_loop3A_507 : i32 to vector<16xi32>
        %parallel_loop3A_510 = vector.broadcast %parallel_loop3A_508 : i32 to vector<16xi32>
        %parallel_loop3A_511 = arith.select %parallel_loop3A_506, %parallel_loop3A_509, %parallel_loop3A_510 : vector<16xi1>, vector<16xi32>
        %parallel_loop3A_512 = arith.addi %parallel_loop3A_504, %parallel_loop3A_511 : vector<16xi32>
        %parallel_loop3A_513 = tpu.vector_load_idx %arg7[%parallel_loop3A_512] : memref<170xf32, #tpu.memory_space<vmem>>[vector<16xi32>], vector<16xf32>,
        %parallel_loop3A_514 = arith.mulf %parallel_loop3A_513, %parallel_loop3A_281 : vector<16xf32>
        %parallel_loop3A_515 = arith.constant 176 : i32
        %parallel_loop3A_516 = arith.addi %parallel_loop3A_78, %parallel_loop3A_515 : i32
        %parallel_loop3A_517 = arith.index_cast %parallel_loop3A_516 : i32 to index
        %parallel_loop3A_518 = tpu.vector_load %arg11[%parallel_loop3A_517] {strides = array<i32>} : memref<16384xf32, #tpu.memory_space<vmem>>, vector<16xf32>,
        tpu.vector_store %arg11[%parallel_loop3A_517], %parallel_loop3A_514 {strides = array<i32>} : memref<16384xf32, #tpu.memory_space<vmem>>, vector<16xf32>,
        %parallel_loop3A_519 = arith.mulf %parallel_loop3A_130, %parallel_loop3A_290 : vector<16xf32>
        %parallel_loop3A_520 = arith.constant 3.200000e+01 : f32
        %parallel_loop3A_521 = vector.broadcast %parallel_loop3A_520 : f32 to vector<16xf32>
        %parallel_loop3A_522 = arith.addf %parallel_loop3A_519, %parallel_loop3A_521 : vector<16xf32>
        %parallel_loop3A_523 = arith.fptosi %parallel_loop3A_522 : vector<16xf32> to vector<16xi32>
        %parallel_loop3A_524 = tpu.vector_load_idx %arg6[%parallel_loop3A_523] : memref<85xf32, #tpu.memory_space<vmem>>[vector<16xi32>], vector<16xf32>,
        %parallel_loop3A_525 = arith.cmpf ogt, %parallel_loop3A_522, %parallel_loop3A_524 : vector<16xf32>
        %parallel_loop3A_526 = arith.constant 85 : i32
        %parallel_loop3A_527 = arith.constant 0 : i32
        %parallel_loop3A_528 = vector.broadcast %parallel_loop3A_526 : i32 to vector<16xi32>
        %parallel_loop3A_529 = vector.broadcast %parallel_loop3A_527 : i32 to vector<16xi32>
        %parallel_loop3A_530 = arith.select %parallel_loop3A_525, %parallel_loop3A_528, %parallel_loop3A_529 : vector<16xi1>, vector<16xi32>
        %parallel_loop3A_531 = arith.addi %parallel_loop3A_523, %parallel_loop3A_530 : vector<16xi32>
        %parallel_loop3A_532 = tpu.vector_load_idx %arg7[%parallel_loop3A_531] : memref<170xf32, #tpu.memory_space<vmem>>[vector<16xi32>], vector<16xf32>,
        %parallel_loop3A_533 = arith.mulf %parallel_loop3A_532, %parallel_loop3A_281 : vector<16xf32>
        %parallel_loop3A_534 = arith.constant 192 : i32
        %parallel_loop3A_535 = arith.addi %parallel_loop3A_78, %parallel_loop3A_534 : i32
        %parallel_loop3A_536 = arith.index_cast %parallel_loop3A_535 : i32 to index
        %parallel_loop3A_537 = tpu.vector_load %arg11[%parallel_loop3A_536] {strides = array<i32>} : memref<16384xf32, #tpu.memory_space<vmem>>, vector<16xf32>,
        tpu.vector_store %arg11[%parallel_loop3A_536], %parallel_loop3A_533 {strides = array<i32>} : memref<16384xf32, #tpu.memory_space<vmem>>, vector<16xf32>,
        %parallel_loop3A_538 = arith.mulf %parallel_loop3A_134, %parallel_loop3A_290 : vector<16xf32>
        %parallel_loop3A_539 = arith.constant 3.200000e+01 : f32
        %parallel_loop3A_540 = vector.broadcast %parallel_loop3A_539 : f32 to vector<16xf32>
        %parallel_loop3A_541 = arith.addf %parallel_loop3A_538, %parallel_loop3A_540 : vector<16xf32>
        %parallel_loop3A_542 = arith.fptosi %parallel_loop3A_541 : vector<16xf32> to vector<16xi32>
        %parallel_loop3A_543 = tpu.vector_load_idx %arg6[%parallel_loop3A_542] : memref<85xf32, #tpu.memory_space<vmem>>[vector<16xi32>], vector<16xf32>,
        %parallel_loop3A_544 = arith.cmpf ogt, %parallel_loop3A_541, %parallel_loop3A_543 : vector<16xf32>
        %parallel_loop3A_545 = arith.constant 85 : i32
        %parallel_loop3A_546 = arith.constant 0 : i32
        %parallel_loop3A_547 = vector.broadcast %parallel_loop3A_545 : i32 to vector<16xi32>
        %parallel_loop3A_548 = vector.broadcast %parallel_loop3A_546 : i32 to vector<16xi32>
        %parallel_loop3A_549 = arith.select %parallel_loop3A_544, %parallel_loop3A_547, %parallel_loop3A_548 : vector<16xi1>, vector<16xi32>
        %parallel_loop3A_550 = arith.addi %parallel_loop3A_542, %parallel_loop3A_549 : vector<16xi32>
        %parallel_loop3A_551 = tpu.vector_load_idx %arg7[%parallel_loop3A_550] : memref<170xf32, #tpu.memory_space<vmem>>[vector<16xi32>], vector<16xf32>,
        %parallel_loop3A_552 = arith.mulf %parallel_loop3A_551, %parallel_loop3A_281 : vector<16xf32>
        %parallel_loop3A_553 = arith.constant 208 : i32
        %parallel_loop3A_554 = arith.addi %parallel_loop3A_78, %parallel_loop3A_553 : i32
        %parallel_loop3A_555 = arith.index_cast %parallel_loop3A_554 : i32 to index
        %parallel_loop3A_556 = tpu.vector_load %arg11[%parallel_loop3A_555] {strides = array<i32>} : memref<16384xf32, #tpu.memory_space<vmem>>, vector<16xf32>,
        tpu.vector_store %arg11[%parallel_loop3A_555], %parallel_loop3A_552 {strides = array<i32>} : memref<16384xf32, #tpu.memory_space<vmem>>, vector<16xf32>,
        %parallel_loop3A_557 = arith.mulf %parallel_loop3A_138, %parallel_loop3A_290 : vector<16xf32>
        %parallel_loop3A_558 = arith.constant 3.200000e+01 : f32
        %parallel_loop3A_559 = vector.broadcast %parallel_loop3A_558 : f32 to vector<16xf32>
        %parallel_loop3A_560 = arith.addf %parallel_loop3A_557, %parallel_loop3A_559 : vector<16xf32>
        %parallel_loop3A_561 = arith.fptosi %parallel_loop3A_560 : vector<16xf32> to vector<16xi32>
        %parallel_loop3A_562 = tpu.vector_load_idx %arg6[%parallel_loop3A_561] : memref<85xf32, #tpu.memory_space<vmem>>[vector<16xi32>], vector<16xf32>,
        %parallel_loop3A_563 = arith.cmpf ogt, %parallel_loop3A_560, %parallel_loop3A_562 : vector<16xf32>
        %parallel_loop3A_564 = arith.constant 85 : i32
        %parallel_loop3A_565 = arith.constant 0 : i32
        %parallel_loop3A_566 = vector.broadcast %parallel_loop3A_564 : i32 to vector<16xi32>
        %parallel_loop3A_567 = vector.broadcast %parallel_loop3A_565 : i32 to vector<16xi32>
        %parallel_loop3A_568 = arith.select %parallel_loop3A_563, %parallel_loop3A_566, %parallel_loop3A_567 : vector<16xi1>, vector<16xi32>
        %parallel_loop3A_569 = arith.addi %parallel_loop3A_561, %parallel_loop3A_568 : vector<16xi32>
        %parallel_loop3A_570 = tpu.vector_load_idx %arg7[%parallel_loop3A_569] : memref<170xf32, #tpu.memory_space<vmem>>[vector<16xi32>], vector<16xf32>,
        %parallel_loop3A_571 = arith.mulf %parallel_loop3A_570, %parallel_loop3A_281 : vector<16xf32>
        %parallel_loop3A_572 = arith.constant 224 : i32
        %parallel_loop3A_573 = arith.addi %parallel_loop3A_78, %parallel_loop3A_572 : i32
        %parallel_loop3A_574 = arith.index_cast %parallel_loop3A_573 : i32 to index
        %parallel_loop3A_575 = tpu.vector_load %arg11[%parallel_loop3A_574] {strides = array<i32>} : memref<16384xf32, #tpu.memory_space<vmem>>, vector<16xf32>,
        tpu.vector_store %arg11[%parallel_loop3A_574], %parallel_loop3A_571 {strides = array<i32>} : memref<16384xf32, #tpu.memory_space<vmem>>, vector<16xf32>,
        %parallel_loop3A_576 = arith.mulf %parallel_loop3A_142, %parallel_loop3A_290 : vector<16xf32>
        %parallel_loop3A_577 = arith.constant 3.200000e+01 : f32
        %parallel_loop3A_578 = vector.broadcast %parallel_loop3A_577 : f32 to vector<16xf32>
        %parallel_loop3A_579 = arith.addf %parallel_loop3A_576, %parallel_loop3A_578 : vector<16xf32>
        %parallel_loop3A_580 = arith.fptosi %parallel_loop3A_579 : vector<16xf32> to vector<16xi32>
        %parallel_loop3A_581 = tpu.vector_load_idx %arg6[%parallel_loop3A_580] : memref<85xf32, #tpu.memory_space<vmem>>[vector<16xi32>], vector<16xf32>,
        %parallel_loop3A_582 = arith.cmpf ogt, %parallel_loop3A_579, %parallel_loop3A_581 : vector<16xf32>
        %parallel_loop3A_583 = arith.constant 85 : i32
        %parallel_loop3A_584 = arith.constant 0 : i32
        %parallel_loop3A_585 = vector.broadcast %parallel_loop3A_583 : i32 to vector<16xi32>
        %parallel_loop3A_586 = vector.broadcast %parallel_loop3A_584 : i32 to vector<16xi32>
        %parallel_loop3A_587 = arith.select %parallel_loop3A_582, %parallel_loop3A_585, %parallel_loop3A_586 : vector<16xi1>, vector<16xi32>
        %parallel_loop3A_588 = arith.addi %parallel_loop3A_580, %parallel_loop3A_587 : vector<16xi32>
        %parallel_loop3A_589 = tpu.vector_load_idx %arg7[%parallel_loop3A_588] : memref<170xf32, #tpu.memory_space<vmem>>[vector<16xi32>], vector<16xf32>,
        %parallel_loop3A_590 = arith.mulf %parallel_loop3A_589, %parallel_loop3A_281 : vector<16xf32>
        %parallel_loop3A_591 = arith.constant 240 : i32
        %parallel_loop3A_592 = arith.addi %parallel_loop3A_78, %parallel_loop3A_591 : i32
        %parallel_loop3A_593 = arith.index_cast %parallel_loop3A_592 : i32 to index
        %parallel_loop3A_594 = tpu.vector_load %arg11[%parallel_loop3A_593] {strides = array<i32>} : memref<16384xf32, #tpu.memory_space<vmem>>, vector<16xf32>,
        tpu.vector_store %arg11[%parallel_loop3A_593], %parallel_loop3A_590 {strides = array<i32>} : memref<16384xf32, #tpu.memory_space<vmem>>, vector<16xf32>,
        %parallel_loop3A_595 = arith.mulf %parallel_loop3A_146, %parallel_loop3A_290 : vector<16xf32>
        %parallel_loop3A_596 = arith.constant 3.200000e+01 : f32
        %parallel_loop3A_597 = vector.broadcast %parallel_loop3A_596 : f32 to vector<16xf32>
        %parallel_loop3A_598 = arith.addf %parallel_loop3A_595, %parallel_loop3A_597 : vector<16xf32>
        %parallel_loop3A_599 = arith.fptosi %parallel_loop3A_598 : vector<16xf32> to vector<16xi32>
        %parallel_loop3A_600 = tpu.vector_load_idx %arg6[%parallel_loop3A_599] : memref<85xf32, #tpu.memory_space<vmem>>[vector<16xi32>], vector<16xf32>,
        %parallel_loop3A_601 = arith.cmpf ogt, %parallel_loop3A_598, %parallel_loop3A_600 : vector<16xf32>
        %parallel_loop3A_602 = arith.constant 85 : i32
        %parallel_loop3A_603 = arith.constant 0 : i32
        %parallel_loop3A_604 = vector.broadcast %parallel_loop3A_602 : i32 to vector<16xi32>
        %parallel_loop3A_605 = vector.broadcast %parallel_loop3A_603 : i32 to vector<16xi32>
        %parallel_loop3A_606 = arith.select %parallel_loop3A_601, %parallel_loop3A_604, %parallel_loop3A_605 : vector<16xi1>, vector<16xi32>
        %parallel_loop3A_607 = arith.addi %parallel_loop3A_599, %parallel_loop3A_606 : vector<16xi32>
        %parallel_loop3A_608 = tpu.vector_load_idx %arg7[%parallel_loop3A_607] : memref<170xf32, #tpu.memory_space<vmem>>[vector<16xi32>], vector<16xf32>,
        %parallel_loop3A_609 = arith.mulf %parallel_loop3A_608, %parallel_loop3A_281 : vector<16xf32>
        %parallel_loop3A_610 = arith.constant 256 : i32
        %parallel_loop3A_611 = arith.addi %parallel_loop3A_78, %parallel_loop3A_610 : i32
        %parallel_loop3A_612 = arith.index_cast %parallel_loop3A_611 : i32 to index
        %parallel_loop3A_613 = tpu.vector_load %arg11[%parallel_loop3A_612] {strides = array<i32>} : memref<16384xf32, #tpu.memory_space<vmem>>, vector<16xf32>,
        tpu.vector_store %arg11[%parallel_loop3A_612], %parallel_loop3A_609 {strides = array<i32>} : memref<16384xf32, #tpu.memory_space<vmem>>, vector<16xf32>,
        %parallel_loop3A_614 = arith.mulf %parallel_loop3A_150, %parallel_loop3A_290 : vector<16xf32>
        %parallel_loop3A_615 = arith.constant 3.200000e+01 : f32
        %parallel_loop3A_616 = vector.broadcast %parallel_loop3A_615 : f32 to vector<16xf32>
        %parallel_loop3A_617 = arith.addf %parallel_loop3A_614, %parallel_loop3A_616 : vector<16xf32>
        %parallel_loop3A_618 = arith.fptosi %parallel_loop3A_617 : vector<16xf32> to vector<16xi32>
        %parallel_loop3A_619 = tpu.vector_load_idx %arg6[%parallel_loop3A_618] : memref<85xf32, #tpu.memory_space<vmem>>[vector<16xi32>], vector<16xf32>,
        %parallel_loop3A_620 = arith.cmpf ogt, %parallel_loop3A_617, %parallel_loop3A_619 : vector<16xf32>
        %parallel_loop3A_621 = arith.constant 85 : i32
        %parallel_loop3A_622 = arith.constant 0 : i32
        %parallel_loop3A_623 = vector.broadcast %parallel_loop3A_621 : i32 to vector<16xi32>
        %parallel_loop3A_624 = vector.broadcast %parallel_loop3A_622 : i32 to vector<16xi32>
        %parallel_loop3A_625 = arith.select %parallel_loop3A_620, %parallel_loop3A_623, %parallel_loop3A_624 : vector<16xi1>, vector<16xi32>
        %parallel_loop3A_626 = arith.addi %parallel_loop3A_618, %parallel_loop3A_625 : vector<16xi32>
        %parallel_loop3A_627 = tpu.vector_load_idx %arg7[%parallel_loop3A_626] : memref<170xf32, #tpu.memory_space<vmem>>[vector<16xi32>], vector<16xf32>,
        %parallel_loop3A_628 = arith.mulf %parallel_loop3A_627, %parallel_loop3A_281 : vector<16xf32>
        %parallel_loop3A_629 = arith.constant 272 : i32
        %parallel_loop3A_630 = arith.addi %parallel_loop3A_78, %parallel_loop3A_629 : i32
        %parallel_loop3A_631 = arith.index_cast %parallel_loop3A_630 : i32 to index
        %parallel_loop3A_632 = tpu.vector_load %arg11[%parallel_loop3A_631] {strides = array<i32>} : memref<16384xf32, #tpu.memory_space<vmem>>, vector<16xf32>,
        tpu.vector_store %arg11[%parallel_loop3A_631], %parallel_loop3A_628 {strides = array<i32>} : memref<16384xf32, #tpu.memory_space<vmem>>, vector<16xf32>,
        %parallel_loop3A_633 = arith.mulf %parallel_loop3A_154, %parallel_loop3A_290 : vector<16xf32>
        %parallel_loop3A_634 = arith.constant 3.200000e+01 : f32
        %parallel_loop3A_635 = vector.broadcast %parallel_loop3A_634 : f32 to vector<16xf32>
        %parallel_loop3A_636 = arith.addf %parallel_loop3A_633, %parallel_loop3A_635 : vector<16xf32>
        %parallel_loop3A_637 = arith.fptosi %parallel_loop3A_636 : vector<16xf32> to vector<16xi32>
        %parallel_loop3A_638 = tpu.vector_load_idx %arg6[%parallel_loop3A_637] : memref<85xf32, #tpu.memory_space<vmem>>[vector<16xi32>], vector<16xf32>,
        %parallel_loop3A_639 = arith.cmpf ogt, %parallel_loop3A_636, %parallel_loop3A_638 : vector<16xf32>
        %parallel_loop3A_640 = arith.constant 85 : i32
        %parallel_loop3A_641 = arith.constant 0 : i32
        %parallel_loop3A_642 = vector.broadcast %parallel_loop3A_640 : i32 to vector<16xi32>
        %parallel_loop3A_643 = vector.broadcast %parallel_loop3A_641 : i32 to vector<16xi32>
        %parallel_loop3A_644 = arith.select %parallel_loop3A_639, %parallel_loop3A_642, %parallel_loop3A_643 : vector<16xi1>, vector<16xi32>
        %parallel_loop3A_645 = arith.addi %parallel_loop3A_637, %parallel_loop3A_644 : vector<16xi32>
        %parallel_loop3A_646 = tpu.vector_load_idx %arg7[%parallel_loop3A_645] : memref<170xf32, #tpu.memory_space<vmem>>[vector<16xi32>], vector<16xf32>,
        %parallel_loop3A_647 = arith.mulf %parallel_loop3A_646, %parallel_loop3A_281 : vector<16xf32>
        %parallel_loop3A_648 = arith.constant 288 : i32
        %parallel_loop3A_649 = arith.addi %parallel_loop3A_78, %parallel_loop3A_648 : i32
        %parallel_loop3A_650 = arith.index_cast %parallel_loop3A_649 : i32 to index
        %parallel_loop3A_651 = tpu.vector_load %arg11[%parallel_loop3A_650] {strides = array<i32>} : memref<16384xf32, #tpu.memory_space<vmem>>, vector<16xf32>,
        tpu.vector_store %arg11[%parallel_loop3A_650], %parallel_loop3A_647 {strides = array<i32>} : memref<16384xf32, #tpu.memory_space<vmem>>, vector<16xf32>,
        %parallel_loop3A_652 = arith.mulf %parallel_loop3A_158, %parallel_loop3A_290 : vector<16xf32>
        %parallel_loop3A_653 = arith.constant 3.200000e+01 : f32
        %parallel_loop3A_654 = vector.broadcast %parallel_loop3A_653 : f32 to vector<16xf32>
        %parallel_loop3A_655 = arith.addf %parallel_loop3A_652, %parallel_loop3A_654 : vector<16xf32>
        %parallel_loop3A_656 = arith.fptosi %parallel_loop3A_655 : vector<16xf32> to vector<16xi32>
        %parallel_loop3A_657 = tpu.vector_load_idx %arg6[%parallel_loop3A_656] : memref<85xf32, #tpu.memory_space<vmem>>[vector<16xi32>], vector<16xf32>,
        %parallel_loop3A_658 = arith.cmpf ogt, %parallel_loop3A_655, %parallel_loop3A_657 : vector<16xf32>
        %parallel_loop3A_659 = arith.constant 85 : i32
        %parallel_loop3A_660 = arith.constant 0 : i32
        %parallel_loop3A_661 = vector.broadcast %parallel_loop3A_659 : i32 to vector<16xi32>
        %parallel_loop3A_662 = vector.broadcast %parallel_loop3A_660 : i32 to vector<16xi32>
        %parallel_loop3A_663 = arith.select %parallel_loop3A_658, %parallel_loop3A_661, %parallel_loop3A_662 : vector<16xi1>, vector<16xi32>
        %parallel_loop3A_664 = arith.addi %parallel_loop3A_656, %parallel_loop3A_663 : vector<16xi32>
        %parallel_loop3A_665 = tpu.vector_load_idx %arg7[%parallel_loop3A_664] : memref<170xf32, #tpu.memory_space<vmem>>[vector<16xi32>], vector<16xf32>,
        %parallel_loop3A_666 = arith.mulf %parallel_loop3A_665, %parallel_loop3A_281 : vector<16xf32>
        %parallel_loop3A_667 = arith.constant 304 : i32
        %parallel_loop3A_668 = arith.addi %parallel_loop3A_78, %parallel_loop3A_667 : i32
        %parallel_loop3A_669 = arith.index_cast %parallel_loop3A_668 : i32 to index
        %parallel_loop3A_670 = tpu.vector_load %arg11[%parallel_loop3A_669] {strides = array<i32>} : memref<16384xf32, #tpu.memory_space<vmem>>, vector<16xf32>,
        tpu.vector_store %arg11[%parallel_loop3A_669], %parallel_loop3A_666 {strides = array<i32>} : memref<16384xf32, #tpu.memory_space<vmem>>, vector<16xf32>,
        %parallel_loop3A_671 = arith.mulf %parallel_loop3A_162, %parallel_loop3A_290 : vector<16xf32>
        %parallel_loop3A_672 = arith.constant 3.200000e+01 : f32
        %parallel_loop3A_673 = vector.broadcast %parallel_loop3A_672 : f32 to vector<16xf32>
        %parallel_loop3A_674 = arith.addf %parallel_loop3A_671, %parallel_loop3A_673 : vector<16xf32>
        %parallel_loop3A_675 = arith.fptosi %parallel_loop3A_674 : vector<16xf32> to vector<16xi32>
        %parallel_loop3A_676 = tpu.vector_load_idx %arg6[%parallel_loop3A_675] : memref<85xf32, #tpu.memory_space<vmem>>[vector<16xi32>], vector<16xf32>,
        %parallel_loop3A_677 = arith.cmpf ogt, %parallel_loop3A_674, %parallel_loop3A_676 : vector<16xf32>
        %parallel_loop3A_678 = arith.constant 85 : i32
        %parallel_loop3A_679 = arith.constant 0 : i32
        %parallel_loop3A_680 = vector.broadcast %parallel_loop3A_678 : i32 to vector<16xi32>
        %parallel_loop3A_681 = vector.broadcast %parallel_loop3A_679 : i32 to vector<16xi32>
        %parallel_loop3A_682 = arith.select %parallel_loop3A_677, %parallel_loop3A_680, %parallel_loop3A_681 : vector<16xi1>, vector<16xi32>
        %parallel_loop3A_683 = arith.addi %parallel_loop3A_675, %parallel_loop3A_682 : vector<16xi32>
        %parallel_loop3A_684 = tpu.vector_load_idx %arg7[%parallel_loop3A_683] : memref<170xf32, #tpu.memory_space<vmem>>[vector<16xi32>], vector<16xf32>,
        %parallel_loop3A_685 = arith.mulf %parallel_loop3A_684, %parallel_loop3A_281 : vector<16xf32>
        %parallel_loop3A_686 = arith.constant 320 : i32
        %parallel_loop3A_687 = arith.addi %parallel_loop3A_78, %parallel_loop3A_686 : i32
        %parallel_loop3A_688 = arith.index_cast %parallel_loop3A_687 : i32 to index
        %parallel_loop3A_689 = tpu.vector_load %arg11[%parallel_loop3A_688] {strides = array<i32>} : memref<16384xf32, #tpu.memory_space<vmem>>, vector<16xf32>,
        tpu.vector_store %arg11[%parallel_loop3A_688], %parallel_loop3A_685 {strides = array<i32>} : memref<16384xf32, #tpu.memory_space<vmem>>, vector<16xf32>,
        %parallel_loop3A_690 = arith.mulf %parallel_loop3A_166, %parallel_loop3A_290 : vector<16xf32>
        %parallel_loop3A_691 = arith.constant 3.200000e+01 : f32
        %parallel_loop3A_692 = vector.broadcast %parallel_loop3A_691 : f32 to vector<16xf32>
        %parallel_loop3A_693 = arith.addf %parallel_loop3A_690, %parallel_loop3A_692 : vector<16xf32>
        %parallel_loop3A_694 = arith.fptosi %parallel_loop3A_693 : vector<16xf32> to vector<16xi32>
        %parallel_loop3A_695 = tpu.vector_load_idx %arg6[%parallel_loop3A_694] : memref<85xf32, #tpu.memory_space<vmem>>[vector<16xi32>], vector<16xf32>,
        %parallel_loop3A_696 = arith.cmpf ogt, %parallel_loop3A_693, %parallel_loop3A_695 : vector<16xf32>
        %parallel_loop3A_697 = arith.constant 85 : i32
        %parallel_loop3A_698 = arith.constant 0 : i32
        %parallel_loop3A_699 = vector.broadcast %parallel_loop3A_697 : i32 to vector<16xi32>
        %parallel_loop3A_700 = vector.broadcast %parallel_loop3A_698 : i32 to vector<16xi32>
        %parallel_loop3A_701 = arith.select %parallel_loop3A_696, %parallel_loop3A_699, %parallel_loop3A_700 : vector<16xi1>, vector<16xi32>
        %parallel_loop3A_702 = arith.addi %parallel_loop3A_694, %parallel_loop3A_701 : vector<16xi32>
        %parallel_loop3A_703 = tpu.vector_load_idx %arg7[%parallel_loop3A_702] : memref<170xf32, #tpu.memory_space<vmem>>[vector<16xi32>], vector<16xf32>,
        %parallel_loop3A_704 = arith.mulf %parallel_loop3A_703, %parallel_loop3A_281 : vector<16xf32>
        %parallel_loop3A_705 = arith.constant 336 : i32
        %parallel_loop3A_706 = arith.addi %parallel_loop3A_78, %parallel_loop3A_705 : i32
        %parallel_loop3A_707 = arith.index_cast %parallel_loop3A_706 : i32 to index
        %parallel_loop3A_708 = tpu.vector_load %arg11[%parallel_loop3A_707] {strides = array<i32>} : memref<16384xf32, #tpu.memory_space<vmem>>, vector<16xf32>,
        tpu.vector_store %arg11[%parallel_loop3A_707], %parallel_loop3A_704 {strides = array<i32>} : memref<16384xf32, #tpu.memory_space<vmem>>, vector<16xf32>,
        %parallel_loop3A_709 = arith.mulf %parallel_loop3A_170, %parallel_loop3A_290 : vector<16xf32>
        %parallel_loop3A_710 = arith.constant 3.200000e+01 : f32
        %parallel_loop3A_711 = vector.broadcast %parallel_loop3A_710 : f32 to vector<16xf32>
        %parallel_loop3A_712 = arith.addf %parallel_loop3A_709, %parallel_loop3A_711 : vector<16xf32>
        %parallel_loop3A_713 = arith.fptosi %parallel_loop3A_712 : vector<16xf32> to vector<16xi32>
        %parallel_loop3A_714 = tpu.vector_load_idx %arg6[%parallel_loop3A_713] : memref<85xf32, #tpu.memory_space<vmem>>[vector<16xi32>], vector<16xf32>,
        %parallel_loop3A_715 = arith.cmpf ogt, %parallel_loop3A_712, %parallel_loop3A_714 : vector<16xf32>
        %parallel_loop3A_716 = arith.constant 85 : i32
        %parallel_loop3A_717 = arith.constant 0 : i32
        %parallel_loop3A_718 = vector.broadcast %parallel_loop3A_716 : i32 to vector<16xi32>
        %parallel_loop3A_719 = vector.broadcast %parallel_loop3A_717 : i32 to vector<16xi32>
        %parallel_loop3A_720 = arith.select %parallel_loop3A_715, %parallel_loop3A_718, %parallel_loop3A_719 : vector<16xi1>, vector<16xi32>
        %parallel_loop3A_721 = arith.addi %parallel_loop3A_713, %parallel_loop3A_720 : vector<16xi32>
        %parallel_loop3A_722 = tpu.vector_load_idx %arg7[%parallel_loop3A_721] : memref<170xf32, #tpu.memory_space<vmem>>[vector<16xi32>], vector<16xf32>,
        %parallel_loop3A_723 = arith.mulf %parallel_loop3A_722, %parallel_loop3A_281 : vector<16xf32>
        %parallel_loop3A_724 = arith.constant 352 : i32
        %parallel_loop3A_725 = arith.addi %parallel_loop3A_78, %parallel_loop3A_724 : i32
        %parallel_loop3A_726 = arith.index_cast %parallel_loop3A_725 : i32 to index
        %parallel_loop3A_727 = tpu.vector_load %arg11[%parallel_loop3A_726] {strides = array<i32>} : memref<16384xf32, #tpu.memory_space<vmem>>, vector<16xf32>,
        tpu.vector_store %arg11[%parallel_loop3A_726], %parallel_loop3A_723 {strides = array<i32>} : memref<16384xf32, #tpu.memory_space<vmem>>, vector<16xf32>,
        %parallel_loop3A_728 = arith.mulf %parallel_loop3A_174, %parallel_loop3A_290 : vector<16xf32>
        %parallel_loop3A_729 = arith.constant 3.200000e+01 : f32
        %parallel_loop3A_730 = vector.broadcast %parallel_loop3A_729 : f32 to vector<16xf32>
        %parallel_loop3A_731 = arith.addf %parallel_loop3A_728, %parallel_loop3A_730 : vector<16xf32>
        %parallel_loop3A_732 = arith.fptosi %parallel_loop3A_731 : vector<16xf32> to vector<16xi32>
        %parallel_loop3A_733 = tpu.vector_load_idx %arg6[%parallel_loop3A_732] : memref<85xf32, #tpu.memory_space<vmem>>[vector<16xi32>], vector<16xf32>,
        %parallel_loop3A_734 = arith.cmpf ogt, %parallel_loop3A_731, %parallel_loop3A_733 : vector<16xf32>
        %parallel_loop3A_735 = arith.constant 85 : i32
        %parallel_loop3A_736 = arith.constant 0 : i32
        %parallel_loop3A_737 = vector.broadcast %parallel_loop3A_735 : i32 to vector<16xi32>
        %parallel_loop3A_738 = vector.broadcast %parallel_loop3A_736 : i32 to vector<16xi32>
        %parallel_loop3A_739 = arith.select %parallel_loop3A_734, %parallel_loop3A_737, %parallel_loop3A_738 : vector<16xi1>, vector<16xi32>
        %parallel_loop3A_740 = arith.addi %parallel_loop3A_732, %parallel_loop3A_739 : vector<16xi32>
        %parallel_loop3A_741 = tpu.vector_load_idx %arg7[%parallel_loop3A_740] : memref<170xf32, #tpu.memory_space<vmem>>[vector<16xi32>], vector<16xf32>,
        %parallel_loop3A_742 = arith.mulf %parallel_loop3A_741, %parallel_loop3A_281 : vector<16xf32>
        %parallel_loop3A_743 = arith.constant 368 : i32
        %parallel_loop3A_744 = arith.addi %parallel_loop3A_78, %parallel_loop3A_743 : i32
        %parallel_loop3A_745 = arith.index_cast %parallel_loop3A_744 : i32 to index
        %parallel_loop3A_746 = tpu.vector_load %arg11[%parallel_loop3A_745] {strides = array<i32>} : memref<16384xf32, #tpu.memory_space<vmem>>, vector<16xf32>,
        tpu.vector_store %arg11[%parallel_loop3A_745], %parallel_loop3A_742 {strides = array<i32>} : memref<16384xf32, #tpu.memory_space<vmem>>, vector<16xf32>,
        %parallel_loop3A_747 = arith.mulf %parallel_loop3A_178, %parallel_loop3A_290 : vector<16xf32>
        %parallel_loop3A_748 = arith.constant 3.200000e+01 : f32
        %parallel_loop3A_749 = vector.broadcast %parallel_loop3A_748 : f32 to vector<16xf32>
        %parallel_loop3A_750 = arith.addf %parallel_loop3A_747, %parallel_loop3A_749 : vector<16xf32>
        %parallel_loop3A_751 = arith.fptosi %parallel_loop3A_750 : vector<16xf32> to vector<16xi32>
        %parallel_loop3A_752 = tpu.vector_load_idx %arg6[%parallel_loop3A_751] : memref<85xf32, #tpu.memory_space<vmem>>[vector<16xi32>], vector<16xf32>,
        %parallel_loop3A_753 = arith.cmpf ogt, %parallel_loop3A_750, %parallel_loop3A_752 : vector<16xf32>
        %parallel_loop3A_754 = arith.constant 85 : i32
        %parallel_loop3A_755 = arith.constant 0 : i32
        %parallel_loop3A_756 = vector.broadcast %parallel_loop3A_754 : i32 to vector<16xi32>
        %parallel_loop3A_757 = vector.broadcast %parallel_loop3A_755 : i32 to vector<16xi32>
        %parallel_loop3A_758 = arith.select %parallel_loop3A_753, %parallel_loop3A_756, %parallel_loop3A_757 : vector<16xi1>, vector<16xi32>
        %parallel_loop3A_759 = arith.addi %parallel_loop3A_751, %parallel_loop3A_758 : vector<16xi32>
        %parallel_loop3A_760 = tpu.vector_load_idx %arg7[%parallel_loop3A_759] : memref<170xf32, #tpu.memory_space<vmem>>[vector<16xi32>], vector<16xf32>,
        %parallel_loop3A_761 = arith.mulf %parallel_loop3A_760, %parallel_loop3A_281 : vector<16xf32>
        %parallel_loop3A_762 = arith.constant 384 : i32
        %parallel_loop3A_763 = arith.addi %parallel_loop3A_78, %parallel_loop3A_762 : i32
        %parallel_loop3A_764 = arith.index_cast %parallel_loop3A_763 : i32 to index
        %parallel_loop3A_765 = tpu.vector_load %arg11[%parallel_loop3A_764] {strides = array<i32>} : memref<16384xf32, #tpu.memory_space<vmem>>, vector<16xf32>,
        tpu.vector_store %arg11[%parallel_loop3A_764], %parallel_loop3A_761 {strides = array<i32>} : memref<16384xf32, #tpu.memory_space<vmem>>, vector<16xf32>,
        %parallel_loop3A_766 = arith.mulf %parallel_loop3A_182, %parallel_loop3A_290 : vector<16xf32>
        %parallel_loop3A_767 = arith.constant 3.200000e+01 : f32
        %parallel_loop3A_768 = vector.broadcast %parallel_loop3A_767 : f32 to vector<16xf32>
        %parallel_loop3A_769 = arith.addf %parallel_loop3A_766, %parallel_loop3A_768 : vector<16xf32>
        %parallel_loop3A_770 = arith.fptosi %parallel_loop3A_769 : vector<16xf32> to vector<16xi32>
        %parallel_loop3A_771 = tpu.vector_load_idx %arg6[%parallel_loop3A_770] : memref<85xf32, #tpu.memory_space<vmem>>[vector<16xi32>], vector<16xf32>,
        %parallel_loop3A_772 = arith.cmpf ogt, %parallel_loop3A_769, %parallel_loop3A_771 : vector<16xf32>
        %parallel_loop3A_773 = arith.constant 85 : i32
        %parallel_loop3A_774 = arith.constant 0 : i32
        %parallel_loop3A_775 = vector.broadcast %parallel_loop3A_773 : i32 to vector<16xi32>
        %parallel_loop3A_776 = vector.broadcast %parallel_loop3A_774 : i32 to vector<16xi32>
        %parallel_loop3A_777 = arith.select %parallel_loop3A_772, %parallel_loop3A_775, %parallel_loop3A_776 : vector<16xi1>, vector<16xi32>
        %parallel_loop3A_778 = arith.addi %parallel_loop3A_770, %parallel_loop3A_777 : vector<16xi32>
        %parallel_loop3A_779 = tpu.vector_load_idx %arg7[%parallel_loop3A_778] : memref<170xf32, #tpu.memory_space<vmem>>[vector<16xi32>], vector<16xf32>,
        %parallel_loop3A_780 = arith.mulf %parallel_loop3A_779, %parallel_loop3A_281 : vector<16xf32>
        %parallel_loop3A_781 = arith.constant 400 : i32
        %parallel_loop3A_782 = arith.addi %parallel_loop3A_78, %parallel_loop3A_781 : i32
        %parallel_loop3A_783 = arith.index_cast %parallel_loop3A_782 : i32 to index
        %parallel_loop3A_784 = tpu.vector_load %arg11[%parallel_loop3A_783] {strides = array<i32>} : memref<16384xf32, #tpu.memory_space<vmem>>, vector<16xf32>,
        tpu.vector_store %arg11[%parallel_loop3A_783], %parallel_loop3A_780 {strides = array<i32>} : memref<16384xf32, #tpu.memory_space<vmem>>, vector<16xf32>,
        %parallel_loop3A_785 = arith.mulf %parallel_loop3A_186, %parallel_loop3A_290 : vector<16xf32>
        %parallel_loop3A_786 = arith.constant 3.200000e+01 : f32
        %parallel_loop3A_787 = vector.broadcast %parallel_loop3A_786 : f32 to vector<16xf32>
        %parallel_loop3A_788 = arith.addf %parallel_loop3A_785, %parallel_loop3A_787 : vector<16xf32>
        %parallel_loop3A_789 = arith.fptosi %parallel_loop3A_788 : vector<16xf32> to vector<16xi32>
        %parallel_loop3A_790 = tpu.vector_load_idx %arg6[%parallel_loop3A_789] : memref<85xf32, #tpu.memory_space<vmem>>[vector<16xi32>], vector<16xf32>,
        %parallel_loop3A_791 = arith.cmpf ogt, %parallel_loop3A_788, %parallel_loop3A_790 : vector<16xf32>
        %parallel_loop3A_792 = arith.constant 85 : i32
        %parallel_loop3A_793 = arith.constant 0 : i32
        %parallel_loop3A_794 = vector.broadcast %parallel_loop3A_792 : i32 to vector<16xi32>
        %parallel_loop3A_795 = vector.broadcast %parallel_loop3A_793 : i32 to vector<16xi32>
        %parallel_loop3A_796 = arith.select %parallel_loop3A_791, %parallel_loop3A_794, %parallel_loop3A_795 : vector<16xi1>, vector<16xi32>
        %parallel_loop3A_797 = arith.addi %parallel_loop3A_789, %parallel_loop3A_796 : vector<16xi32>
        %parallel_loop3A_798 = tpu.vector_load_idx %arg7[%parallel_loop3A_797] : memref<170xf32, #tpu.memory_space<vmem>>[vector<16xi32>], vector<16xf32>,
        %parallel_loop3A_799 = arith.mulf %parallel_loop3A_798, %parallel_loop3A_281 : vector<16xf32>
        %parallel_loop3A_800 = arith.constant 416 : i32
        %parallel_loop3A_801 = arith.addi %parallel_loop3A_78, %parallel_loop3A_800 : i32
        %parallel_loop3A_802 = arith.index_cast %parallel_loop3A_801 : i32 to index
        %parallel_loop3A_803 = tpu.vector_load %arg11[%parallel_loop3A_802] {strides = array<i32>} : memref<16384xf32, #tpu.memory_space<vmem>>, vector<16xf32>,
        tpu.vector_store %arg11[%parallel_loop3A_802], %parallel_loop3A_799 {strides = array<i32>} : memref<16384xf32, #tpu.memory_space<vmem>>, vector<16xf32>,
        %parallel_loop3A_804 = arith.mulf %parallel_loop3A_190, %parallel_loop3A_290 : vector<16xf32>
        %parallel_loop3A_805 = arith.constant 3.200000e+01 : f32
        %parallel_loop3A_806 = vector.broadcast %parallel_loop3A_805 : f32 to vector<16xf32>
        %parallel_loop3A_807 = arith.addf %parallel_loop3A_804, %parallel_loop3A_806 : vector<16xf32>
        %parallel_loop3A_808 = arith.fptosi %parallel_loop3A_807 : vector<16xf32> to vector<16xi32>
        %parallel_loop3A_809 = tpu.vector_load_idx %arg6[%parallel_loop3A_808] : memref<85xf32, #tpu.memory_space<vmem>>[vector<16xi32>], vector<16xf32>,
        %parallel_loop3A_810 = arith.cmpf ogt, %parallel_loop3A_807, %parallel_loop3A_809 : vector<16xf32>
        %parallel_loop3A_811 = arith.constant 85 : i32
        %parallel_loop3A_812 = arith.constant 0 : i32
        %parallel_loop3A_813 = vector.broadcast %parallel_loop3A_811 : i32 to vector<16xi32>
        %parallel_loop3A_814 = vector.broadcast %parallel_loop3A_812 : i32 to vector<16xi32>
        %parallel_loop3A_815 = arith.select %parallel_loop3A_810, %parallel_loop3A_813, %parallel_loop3A_814 : vector<16xi1>, vector<16xi32>
        %parallel_loop3A_816 = arith.addi %parallel_loop3A_808, %parallel_loop3A_815 : vector<16xi32>
        %parallel_loop3A_817 = tpu.vector_load_idx %arg7[%parallel_loop3A_816] : memref<170xf32, #tpu.memory_space<vmem>>[vector<16xi32>], vector<16xf32>,
        %parallel_loop3A_818 = arith.mulf %parallel_loop3A_817, %parallel_loop3A_281 : vector<16xf32>
        %parallel_loop3A_819 = arith.constant 432 : i32
        %parallel_loop3A_820 = arith.addi %parallel_loop3A_78, %parallel_loop3A_819 : i32
        %parallel_loop3A_821 = arith.index_cast %parallel_loop3A_820 : i32 to index
        %parallel_loop3A_822 = tpu.vector_load %arg11[%parallel_loop3A_821] {strides = array<i32>} : memref<16384xf32, #tpu.memory_space<vmem>>, vector<16xf32>,
        tpu.vector_store %arg11[%parallel_loop3A_821], %parallel_loop3A_818 {strides = array<i32>} : memref<16384xf32, #tpu.memory_space<vmem>>, vector<16xf32>,
        %parallel_loop3A_823 = arith.mulf %parallel_loop3A_194, %parallel_loop3A_290 : vector<16xf32>
        %parallel_loop3A_824 = arith.constant 3.200000e+01 : f32
        %parallel_loop3A_825 = vector.broadcast %parallel_loop3A_824 : f32 to vector<16xf32>
        %parallel_loop3A_826 = arith.addf %parallel_loop3A_823, %parallel_loop3A_825 : vector<16xf32>
        %parallel_loop3A_827 = arith.fptosi %parallel_loop3A_826 : vector<16xf32> to vector<16xi32>
        %parallel_loop3A_828 = tpu.vector_load_idx %arg6[%parallel_loop3A_827] : memref<85xf32, #tpu.memory_space<vmem>>[vector<16xi32>], vector<16xf32>,
        %parallel_loop3A_829 = arith.cmpf ogt, %parallel_loop3A_826, %parallel_loop3A_828 : vector<16xf32>
        %parallel_loop3A_830 = arith.constant 85 : i32
        %parallel_loop3A_831 = arith.constant 0 : i32
        %parallel_loop3A_832 = vector.broadcast %parallel_loop3A_830 : i32 to vector<16xi32>
        %parallel_loop3A_833 = vector.broadcast %parallel_loop3A_831 : i32 to vector<16xi32>
        %parallel_loop3A_834 = arith.select %parallel_loop3A_829, %parallel_loop3A_832, %parallel_loop3A_833 : vector<16xi1>, vector<16xi32>
        %parallel_loop3A_835 = arith.addi %parallel_loop3A_827, %parallel_loop3A_834 : vector<16xi32>
        %parallel_loop3A_836 = tpu.vector_load_idx %arg7[%parallel_loop3A_835] : memref<170xf32, #tpu.memory_space<vmem>>[vector<16xi32>], vector<16xf32>,
        %parallel_loop3A_837 = arith.mulf %parallel_loop3A_836, %parallel_loop3A_281 : vector<16xf32>
        %parallel_loop3A_838 = arith.constant 448 : i32
        %parallel_loop3A_839 = arith.addi %parallel_loop3A_78, %parallel_loop3A_838 : i32
        %parallel_loop3A_840 = arith.index_cast %parallel_loop3A_839 : i32 to index
        %parallel_loop3A_841 = tpu.vector_load %arg11[%parallel_loop3A_840] {strides = array<i32>} : memref<16384xf32, #tpu.memory_space<vmem>>, vector<16xf32>,
        tpu.vector_store %arg11[%parallel_loop3A_840], %parallel_loop3A_837 {strides = array<i32>} : memref<16384xf32, #tpu.memory_space<vmem>>, vector<16xf32>,
        %parallel_loop3A_842 = arith.mulf %parallel_loop3A_198, %parallel_loop3A_290 : vector<16xf32>
        %parallel_loop3A_843 = arith.constant 3.200000e+01 : f32
        %parallel_loop3A_844 = vector.broadcast %parallel_loop3A_843 : f32 to vector<16xf32>
        %parallel_loop3A_845 = arith.addf %parallel_loop3A_842, %parallel_loop3A_844 : vector<16xf32>
        %parallel_loop3A_846 = arith.fptosi %parallel_loop3A_845 : vector<16xf32> to vector<16xi32>
        %parallel_loop3A_847 = tpu.vector_load_idx %arg6[%parallel_loop3A_846] : memref<85xf32, #tpu.memory_space<vmem>>[vector<16xi32>], vector<16xf32>,
        %parallel_loop3A_848 = arith.cmpf ogt, %parallel_loop3A_845, %parallel_loop3A_847 : vector<16xf32>
        %parallel_loop3A_849 = arith.constant 85 : i32
        %parallel_loop3A_850 = arith.constant 0 : i32
        %parallel_loop3A_851 = vector.broadcast %parallel_loop3A_849 : i32 to vector<16xi32>
        %parallel_loop3A_852 = vector.broadcast %parallel_loop3A_850 : i32 to vector<16xi32>
        %parallel_loop3A_853 = arith.select %parallel_loop3A_848, %parallel_loop3A_851, %parallel_loop3A_852 : vector<16xi1>, vector<16xi32>
        %parallel_loop3A_854 = arith.addi %parallel_loop3A_846, %parallel_loop3A_853 : vector<16xi32>
        %parallel_loop3A_855 = tpu.vector_load_idx %arg7[%parallel_loop3A_854] : memref<170xf32, #tpu.memory_space<vmem>>[vector<16xi32>], vector<16xf32>,
        %parallel_loop3A_856 = arith.mulf %parallel_loop3A_855, %parallel_loop3A_281 : vector<16xf32>
        %parallel_loop3A_857 = arith.constant 464 : i32
        %parallel_loop3A_858 = arith.addi %parallel_loop3A_78, %parallel_loop3A_857 : i32
        %parallel_loop3A_859 = arith.index_cast %parallel_loop3A_858 : i32 to index
        %parallel_loop3A_860 = tpu.vector_load %arg11[%parallel_loop3A_859] {strides = array<i32>} : memref<16384xf32, #tpu.memory_space<vmem>>, vector<16xf32>,
        tpu.vector_store %arg11[%parallel_loop3A_859], %parallel_loop3A_856 {strides = array<i32>} : memref<16384xf32, #tpu.memory_space<vmem>>, vector<16xf32>,
        %parallel_loop3A_861 = arith.mulf %parallel_loop3A_202, %parallel_loop3A_290 : vector<16xf32>
        %parallel_loop3A_862 = arith.constant 3.200000e+01 : f32
        %parallel_loop3A_863 = vector.broadcast %parallel_loop3A_862 : f32 to vector<16xf32>
        %parallel_loop3A_864 = arith.addf %parallel_loop3A_861, %parallel_loop3A_863 : vector<16xf32>
        %parallel_loop3A_865 = arith.fptosi %parallel_loop3A_864 : vector<16xf32> to vector<16xi32>
        %parallel_loop3A_866 = tpu.vector_load_idx %arg6[%parallel_loop3A_865] : memref<85xf32, #tpu.memory_space<vmem>>[vector<16xi32>], vector<16xf32>,
        %parallel_loop3A_867 = arith.cmpf ogt, %parallel_loop3A_864, %parallel_loop3A_866 : vector<16xf32>
        %parallel_loop3A_868 = arith.constant 85 : i32
        %parallel_loop3A_869 = arith.constant 0 : i32
        %parallel_loop3A_870 = vector.broadcast %parallel_loop3A_868 : i32 to vector<16xi32>
        %parallel_loop3A_871 = vector.broadcast %parallel_loop3A_869 : i32 to vector<16xi32>
        %parallel_loop3A_872 = arith.select %parallel_loop3A_867, %parallel_loop3A_870, %parallel_loop3A_871 : vector<16xi1>, vector<16xi32>
        %parallel_loop3A_873 = arith.addi %parallel_loop3A_865, %parallel_loop3A_872 : vector<16xi32>
        %parallel_loop3A_874 = tpu.vector_load_idx %arg7[%parallel_loop3A_873] : memref<170xf32, #tpu.memory_space<vmem>>[vector<16xi32>], vector<16xf32>,
        %parallel_loop3A_875 = arith.mulf %parallel_loop3A_874, %parallel_loop3A_281 : vector<16xf32>
        %parallel_loop3A_876 = arith.constant 480 : i32
        %parallel_loop3A_877 = arith.addi %parallel_loop3A_78, %parallel_loop3A_876 : i32
        %parallel_loop3A_878 = arith.index_cast %parallel_loop3A_877 : i32 to index
        %parallel_loop3A_879 = tpu.vector_load %arg11[%parallel_loop3A_878] {strides = array<i32>} : memref<16384xf32, #tpu.memory_space<vmem>>, vector<16xf32>,
        tpu.vector_store %arg11[%parallel_loop3A_878], %parallel_loop3A_875 {strides = array<i32>} : memref<16384xf32, #tpu.memory_space<vmem>>, vector<16xf32>,
        %parallel_loop3A_880 = arith.mulf %parallel_loop3A_206, %parallel_loop3A_290 : vector<16xf32>
        %parallel_loop3A_881 = arith.constant 3.200000e+01 : f32
        %parallel_loop3A_882 = vector.broadcast %parallel_loop3A_881 : f32 to vector<16xf32>
        %parallel_loop3A_883 = arith.addf %parallel_loop3A_880, %parallel_loop3A_882 : vector<16xf32>
        %parallel_loop3A_884 = arith.fptosi %parallel_loop3A_883 : vector<16xf32> to vector<16xi32>
        %parallel_loop3A_885 = tpu.vector_load_idx %arg6[%parallel_loop3A_884] : memref<85xf32, #tpu.memory_space<vmem>>[vector<16xi32>], vector<16xf32>,
        %parallel_loop3A_886 = arith.cmpf ogt, %parallel_loop3A_883, %parallel_loop3A_885 : vector<16xf32>
        %parallel_loop3A_887 = arith.constant 85 : i32
        %parallel_loop3A_888 = arith.constant 0 : i32
        %parallel_loop3A_889 = vector.broadcast %parallel_loop3A_887 : i32 to vector<16xi32>
        %parallel_loop3A_890 = vector.broadcast %parallel_loop3A_888 : i32 to vector<16xi32>
        %parallel_loop3A_891 = arith.select %parallel_loop3A_886, %parallel_loop3A_889, %parallel_loop3A_890 : vector<16xi1>, vector<16xi32>
        %parallel_loop3A_892 = arith.addi %parallel_loop3A_884, %parallel_loop3A_891 : vector<16xi32>
        %parallel_loop3A_893 = tpu.vector_load_idx %arg7[%parallel_loop3A_892] : memref<170xf32, #tpu.memory_space<vmem>>[vector<16xi32>], vector<16xf32>,
        %parallel_loop3A_894 = arith.mulf %parallel_loop3A_893, %parallel_loop3A_281 : vector<16xf32>
        %parallel_loop3A_895 = arith.constant 496 : i32
        %parallel_loop3A_896 = arith.addi %parallel_loop3A_78, %parallel_loop3A_895 : i32
        %parallel_loop3A_897 = arith.index_cast %parallel_loop3A_896 : i32 to index
        %parallel_loop3A_898 = tpu.vector_load %arg11[%parallel_loop3A_897] {strides = array<i32>} : memref<16384xf32, #tpu.memory_space<vmem>>, vector<16xf32>,
        tpu.vector_store %arg11[%parallel_loop3A_897], %parallel_loop3A_894 {strides = array<i32>} : memref<16384xf32, #tpu.memory_space<vmem>>, vector<16xf32>,
      } {sc.loop_unroll_factor = 4 : i64, sc.parallel_access}
      %mul3A_70 = arith.constant 16384 : i32
      %mul3A_71 = arith.muli %add3A_53, %mul3A_70 : i32
      %add3A_72 = arith.addi %mul3A_2, %mul3A_71 : i32
      %dma_start3A_73 = tpu.memref_slice %arg5[%add3A_72] : memref<16777216xf32, #tpu.memory_space<hbm>> -> memref<16384xf32, #tpu.memory_space<hbm>>
      %dma_start3A_74 = tpu.memref_slice %arg5[%add3A_72] : memref<16777216xf32, #tpu.memory_space<hbm>> -> memref<16384xf32, #tpu.memory_space<hbm>>
      tpu.enqueue_dma source(%arg11 : memref<16384xf32, #tpu.memory_space<vmem>>) target(%dma_start3A_74 : memref<16384xf32, #tpu.memory_space<hbm>>) target_semaphore(%arg15 : memref<!tpu.dma_semaphore, #tpu.memory_space<semaphore_mem>>)
    }
    %scan3A_23 = arith.constant 16 : i32
    %dma_wait3A = tpu.memref_slice %arg5[%mul3A_2] : memref<16777216xf32, #tpu.memory_space<hbm>> -> memref<16384xf32, #tpu.memory_space<hbm>>
    %dma_wait3A_24 = tpu.memref_slice %arg5[%mul3A_2] : memref<16777216xf32, #tpu.memory_space<hbm>> -> memref<16384xf32, #tpu.memory_space<hbm>>
    tpu.wait_dma2 semaphore(%arg14 : memref<!tpu.dma_semaphore, #tpu.memory_space<semaphore_mem>>) src(%arg10 : memref<16384xf32, #tpu.memory_space<vmem>>) dst(%dma_wait3A_24 : memref<16384xf32, #tpu.memory_space<hbm>>)
    %dma_wait3A_25 = tpu.memref_slice %arg5[%mul3A_2] : memref<16777216xf32, #tpu.memory_space<hbm>> -> memref<16384xf32, #tpu.memory_space<hbm>>
    %dma_wait3A_26 = tpu.memref_slice %arg5[%mul3A_2] : memref<16777216xf32, #tpu.memory_space<hbm>> -> memref<16384xf32, #tpu.memory_space<hbm>>
    tpu.wait_dma2 semaphore(%arg15 : memref<!tpu.dma_semaphore, #tpu.memory_space<semaphore_mem>>) src(%arg11 : memref<16384xf32, #tpu.memory_space<vmem>>) dst(%dma_wait3A_26 : memref<16384xf32, #tpu.memory_space<hbm>>)
    return
  }
}

</mosaic_0001>

<sc_bundles>
// kernel: kernel.3.cloned.1.call-start
scs
__scs_entry_jumppad:
0x0: {  	(pc) =	sbr.rel $0x88, $3  }
0x1: {  	(tag) =	ssettag $0x0;
	lr =	simm.s32 $0x1  }
0x2: {  	[smem:$0x3FA0] =	sst lr;
	_ =	strace $0xD0000000  }
0x3: {  	_ = 	snop  }
0x4: {  	_ = 	snop  }
0x5: {  	_ = 	snop  }
0x6: {  	_ = 	snop  }
0x7: {  	_ = 	snop  }
__scs_overlays_trampoline_lowered:
0x8: {  	[smem:$0x3FAF] =	sst s0  }
0x9: {  	[smem:$0x3FB0] =	sst s1  }
0xa: {  	[smem:$0x3FB1] =	sst s2  }
0xb: {  	[smem:$0x3FB2] =	sst s3  }
0xc: {  	[smem:$0x3FB3] =	sst s4  }
0xd: {  	[smem:$0x3FB4] =	sst s5  }
0xe: {  	[smem:$0x3FB5] =	sst s6  }
0xf: {  	[smem:$0x3FB6] =	sst s7  }
0x10: {  	[smem:$0x3FB7] =	sst s8  }
0x11: {  	[smem:$0x3FB8] =	sst s9;
	s0 =	simm.s32 @!p0 $0x0  }
0x12: {  	s1 =	sld [smem:$0x3F9E];
	s0 =	simm.s32 @p0 $0x1  }
0x13: {  	[smem:$0x3FB9] =	sst s0;
	s0 =	simm.s32 @!p1 $0x0  }
0x14: {  	s2 =	sld [smem:$0x3F9D];
	s0 =	simm.s32 @p1 $0x1  }
0x15: {  	[smem:$0x3FBA] =	sst s0;
	s0 =	simm.s32 @!p2 $0x0  }
0x16: {  	s3 =	sld [smem:$0x3FDB];
	s0 =	simm.s32 @p2 $0x1  }
0x17: {  	s4 =	simm.s32 $0x1BF5;
	[smem:$0x3FBC] =	sst s0  }
0x18: {  	s0 =	sld [smem:$0x3F9F];
	_ =	swait.ge [sflag:s4], $0x0  }
0x19: {  	s7 =	sld [smem:$0x3FA0]  }
0x1a: {  	s8 =	sadd.s32 $0xFFFFE003, lr  }
0x1b: {  	s9 =	sadd.s32 $0xFFFFFEF7, lr;
	s5 =	simm.s32 $0xFFFFFFFF;
	p2 =	slt.u32 s8, $0xFFFFF086  }
0x1c: {  	p1 =	slt.u32 s9, $0xF7A;
	s5 =	simm.s32 @!p2 $0x0  }
0x1d: {  	s5 =	simm.s32 @p1 $0x1;
	p0 =	seq.s32 s7, s2  }
0x1e: {  	s7 =	smul.u32 @!p0 $0xF7A, s2;
	p2 =	seq.s32 @!p0 s5, $0x0  }
0x1f: {  	s9 =	smul.u32 $0xF7A, s1;
	s8 =	simm.s32 @!p0 $0x1BF5;
	p2 =	por !p2, p0  }
0x20: {  	[sflag:s8] =	ssyncset.s32 @!p0 $0xFFFFF086;
	s6 =	sadd.s32 @!p0 s3, s7;
	s7 =	simm.s32 @!p0 $0x108  }
0x21: {  	s3 =	sadd.s32 s3, s9;
	s6 =	sadd.s32 @!p0 $0x88, s6;
	s7 =	simm.s32 @p2 $0x1082  }
0x22: {  	[simem:s7], [sflag:s8] =	dma.local @!p0 [hbm:s6], $0xF7A  }
0x23: {  	s9 =	sor.u32 $0xD0000000, s2;
	s6 =	simm.s32 $0x108;
	_ =	swait.ge @!p0 [sflag:s8], $0x0  }
0x24: {  	s3 =	sadd.s32 $0x88, s3;
	s6 =	simm.s32 @!p1 $0x1082;
	[sflag:s4] =	ssyncset.s32 $0xFFFFF086  }
0x25: {  	[simem:s6], [sflag:s4] =	dma.local [hbm:s3], $0xF7A  }
0x26: {  	[smem:$0x3FA0] =	sst s1;
	(tag) =	ssettag s2;
	_ =	strace s9  }
0x27: {  	s1 =	sld [smem:$0x3FB0]  }
0x28: {  	s2 =	sld [smem:$0x3FB1]  }
0x29: {  	s4 =	sld [smem:$0x3FB3]  }
0x2a: {  	p0 =	seq.s32 s5, $0x0;
	s5 =	sld [smem:$0x3FB4]  }
0x2b: {  	s6 =	sld [smem:$0x3FB5]  }
0x2c: {  	s7 =	sld [smem:$0x3FB6]  }
0x2d: {  	s3 =	simm.s32 $0x108;
	s8 =	sld [smem:$0x3FB7]  }
0x2e: {  	s3 =	simm.s32 @!p0 $0x1082;
	s9 =	sld [smem:$0x3FB8]  }
0x2f: {  	lr =	sadd.s32 s0, s3;
	s0 =	sld [smem:$0x3FAF]  }
0x30: {  	s3 =	sld [smem:$0x3FB2]  }
0x31: {  	[smem:$0x3FBB] =	sst s10  }
0x32: {  	s10 =	sld [smem:$0x3FB9];
	_ =	sdelay $0x3  }
0x33: {  	p0 =	seq.s32 s10, $0x1;
	s10 =	sld [smem:$0x3FBB];
	_ =	sdelay $0x3  }
0x34: {  	[smem:$0x3FBB] =	sst s10  }
0x35: {  	s10 =	sld [smem:$0x3FBA];
	_ =	sdelay $0x3  }
0x36: {  	p1 =	seq.s32 s10, $0x1;
	s10 =	sld [smem:$0x3FBB];
	_ =	sdelay $0x3  }
0x37: {  	[smem:$0x3FBB] =	sst s10  }
0x38: {  	s10 =	sld [smem:$0x3FBC]  }
0x39: {  	_ = 	snop;
	(pc) =	sbr.ind lr, $3  }
0x3a: {  	_ = 	snop  }
0x3b: {  	_ = 	snop  }
0x3c: {  	p2 =	seq.s32 s10, $0x1;
	s10 =	sld [smem:$0x3FBB]  }
0x3d: {  	_ =	shalt  }
0x3e: {  	_ =	shalt  }
0x3f: {  	_ =	shalt  }
0x40: {  	_ =	shalt  }
0x41: {  	_ =	shalt  }
0x42: {  	_ =	shalt  }
0x43: {  	_ =	shalt  }
0x44: {  	_ =	shalt  }
0x45: {  	_ =	shalt  }
0x46: {  	_ =	shalt  }
0x47: {  	_ =	shalt  }
0x48: {  	_ =	shalt  }
0x49: {  	_ =	shalt  }
0x4a: {  	_ =	shalt  }
0x4b: {  	_ =	shalt  }
0x4c: {  	_ =	shalt  }
0x4d: {  	_ =	shalt  }
0x4e: {  	_ =	shalt  }
0x4f: {  	_ =	shalt  }
0x50: {  	_ =	shalt  }
0x51: {  	_ =	shalt  }
0x52: {  	_ =	shalt  }
0x53: {  	_ =	shalt  }
0x54: {  	_ =	shalt  }
0x55: {  	_ =	shalt  }
0x56: {  	_ =	shalt  }
0x57: {  	_ =	shalt  }
0x58: {  	_ =	shalt  }
0x59: {  	_ =	shalt  }
0x5a: {  	_ =	shalt  }
0x5b: {  	_ =	shalt  }
0x5c: {  	_ =	shalt  }
0x5d: {  	_ =	shalt  }
0x5e: {  	_ =	shalt  }
0x5f: {  	_ =	shalt  }
0x60: {  	_ =	shalt  }
0x61: {  	_ =	shalt  }
0x62: {  	_ =	shalt  }
0x63: {  	_ =	shalt  }
0x64: {  	_ =	shalt  }
0x65: {  	_ =	shalt  }
0x66: {  	_ =	shalt  }
0x67: {  	_ =	shalt  }
0x68: {  	_ =	shalt  }
0x69: {  	_ =	shalt  }
0x6a: {  	_ =	shalt  }
0x6b: {  	_ =	shalt  }
0x6c: {  	_ =	shalt  }
0x6d: {  	_ =	shalt  }
0x6e: {  	_ =	shalt  }
0x6f: {  	_ =	shalt  }
0x70: {  	_ =	shalt  }
0x71: {  	_ =	shalt  }
0x72: {  	_ =	shalt  }
0x73: {  	_ =	shalt  }
0x74: {  	_ =	shalt  }
0x75: {  	_ =	shalt  }
0x76: {  	_ =	shalt  }
0x77: {  	_ =	shalt  }
0x78: {  	_ =	shalt  }
0x79: {  	_ =	shalt  }
0x7a: {  	_ =	shalt  }
0x7b: {  	_ =	shalt  }
0x7c: {  	_ =	shalt  }
0x7d: {  	_ =	shalt  }
0x7e: {  	_ =	shalt  }
0x7f: {  	_ =	shalt  }
0x80: {  	_ =	shalt  }
0x81: {  	_ =	shalt  }
0x82: {  	_ =	shalt  }
0x83: {  	_ =	shalt  }
0x84: {  	_ =	shalt  }
0x85: {  	_ =	shalt  }
0x86: {  	_ =	shalt  }
0x87: {  	_ =	shalt  }
.Lfunc_end0:
.L_simem_size_0:
called_computation.1_lowered:
.L_overlay_start_0:
0x88: {  	s2 =	sld [smem:$0x3FD9]  }
0x89: {  	s3 =	sld [smem:$0x3FFE];
	_ =	sdelay $0x1  }
0x8a: {  	s1 =	srdreg.scid  }
0x8b: {  	s0 =	sand.u32 $0x1, s1  }
0x8c: {  	s17 =	sshll.u32 s0, $0xA;
	s2 =	sadd.s32 s3, s2  }
0x8d: {  	s2 =	sadd.s32 s2, s17  }
0x8e: {  	[smem:$0x3FC7] =	sst s2  }
0x8f: {  	_ = 	snop  }
0x90: {  	s2 =	sld [smem:$0x3FD0];
	(tm) =	ssettm $0x1  }
0x91: {  	s18 =	sld [smem:$0x3FFB];
	_ =	sdelay $0x3  }
0x92: {  	_ =	strace s18  }
0x93: {  	s3 =	sld [smem:$0x3FFC];
	_ =	sdelay $0x3  }
0x94: {  	_ =	strace s3  }
0x95: {  	s3 =	sld [smem:$0x3FFD];
	_ =	sdelay $0x3  }
0x96: {  	_ =	strace s3  }
0x97: {  	_ =	strace $0x8FFFFFFF  }
0x98: {  	s19 =	sld [smem:$0x3FDB];
	_ =	sdelay $0x1  }
0x99: {  	s4 =	simm.s32 $_scs_section_size  }
0x9a: {  	s5 =	simm.s32 $_size__tile_overlayer_lowered;
	s6 =	simm.s32 $_tile_overlayer_lowered  }
0x9b: {  	s22 =	simm.s32 $0x1BFF;
	s21 =	sshll.u32 s6, $0x1;
	s3 =	sadd.s32 s4, s19  }
0x9c: {  	s7 =	simm.s32 $0x0;
	s20 =	sshll.u32 s5, $0x1;
	s5 =	sadd.s32 s21, s3  }
0x9d: {  	[timem:s7], [sflag:s22] =	dma.local [hbm:s5], s20  }
0x9e: {  	_ =	swait.ge [sflag:s22], s20  }
0x9f: {  	s4 =	ssub.s32 $0x0, s20;
	[sflag:s22] =	ssyncset.done $0x0  }
0xa0: {  	[sflag:s22] =	ssyncadd.s32 s4;
	_ =	sdelay $0x1  }
0xa1: {  	s23 =	simm.s32 $0x1B8B  }
0xa2: {  	_ =	swait.ge [sflag:s23], $0x1  }
0xa3: {  	[sflag:s23] =	ssyncset.done $0x0  }
0xa4: {  	s25 =	simm.s32 $0x1B8E;
	s24 =	sld [smem:$0x3FFE];
	[sflag:s23] =	ssyncadd.s32 $0xFFFFFFFF  }
0xa5: {  	s26 =	simm.s32 $execute0_lowered;
	[smem:$0x3FD2] =	sst s25  }
0xa6: {  	s5 =	sshll.u32 s26, $0x1;
	_ =	strace $0x80000049;
	[dreg:$0x1] =	wrdreg $0xFFFFFFFF  }
0xa7: {  	s28 =	simm.s32 $_size_execute0_lowered;
	s3 =	sadd.s32 s3, s5;
	[dreg:$0x0] =	wrdreg $0x0  }
0xa8: {  	s5 =	sshll.u32 s28, $0x1;
	[dreg:$0x2] =	wrdreg s3  }
0xa9: {  	[dreg:$0x3] =	wrdreg s5  }
0xaa: {  	[dreg:$0x4] =	wrdreg $0xC0  }
0xab: {  	_ =	task [dreg:s7], $0x5FFFF  }
0xac: {  	[dreg:$0x1] =	wrdreg $0xFFFFFFFF  }
0xad: {  	[dreg:$0x0] =	wrdreg $0x60  }
0xae: {  	[dreg:$0x2] =	wrdreg s2  }
0xaf: {  	[dreg:$0x3] =	wrdreg s24  }
0xb0: {  	[dreg:$0x4] =	wrdreg $0x9  }
0xb1: {  	_ =	task.clear_ibuf [dreg:s7], $0x5FFFF;
	_ =	strace $0x90000049  }
0xb2: {  	s29 =	simm.s32 $0x9;
	_ =	strace $0x8000004B  }
0xb3: {  	_ =	swait.ge [sflag:s29], $0x1  }
0xb4: {  	[sflag:s29] =	ssyncadd.s32 $0xFFFFFFFF  }
0xb5: {  	_ =	strace $0x9000004B  }
0xb6: {  	_ =	sfence  }
0xb7: {  	s30 =	sld [smem:$0x0];
	_ =	sdelay $0x2  }
0xb8: {  	s31 =	sshll.u32 s1, $0xD;
	s1 =	sshrl.u32 s1, $0x2  }
0xb9: {  	s3 =	sand.u32 $0x4000, s31;
	s1 =	sadd.s32 s1, s30  }
0xba: {  	s0 =	sor.u32 s3, s0;
	s1 =	sshll.u32 s1, $0x11  }
0xbb: {  	s0 =	sor.u32 s1, s0  }
0xbc: {  	s0 =	sadd.s32 $0x8F2B, s0  }
0xbd: {  	[sflag:s0] =	ssyncadd.remote.s32 $0x1  }
0xbe: {  	_ =	sfence.sel $0xFFFF  }
0xbf: {  	[dreg:$0x0] =	wrdreg $0xFFFFFFFF;
	(pc) =	sbr.abs _section_cstart, $3  }
0xc0: {  	[dreg:$0x1] =	wrdreg $0xFFFFFFFF  }
0xc1: {  	_ =	task.clear_ibuf [dreg:s7], $0x2FFFF;
	_ =	strace $0x9FFFFFFF  }
0xc2: {  	(tm) =	ssettm $0x7FFFFFFF  }
0xc3: {  	_ =	shalt  }
tec
execute0_lowered:
.L_overlay_start_1:
0x0: {  	(tag) =	ssettag $0x1  }
0x1: {  	v0 =	vimm.s32 $0xFEDCBA98;
	v1 =	vimm.s32 $0x76543210;
	v2 =	vimm.s32 $0xBA98FEDC  }
0x2: {  	s1 =	rddreg [dreg:$0x0];
	v3 =	vimm.s32 $0x32107654;
	v4 =	vimm.s32 $0xDCFE98BA;
	v5 =	vimm.s32 $0x54761032  }
0x3: {  	s7 =	rddreg [dreg:$0x1];
	v6 =	vimm.s32 $0xEFCDAB89;
	v7 =	vimm.s32 $0x67452301;
	v0 =	vunpack.c.l.s4.s8 v0  }
0x4: {  	s0 =	rddreg [dreg:$0x2];
	v1 =	vunpack.c.l.s4.s8 v1;
	v2 =	vunpack.c.l.s4.s8 v2;
	v3 =	vunpack.c.l.s4.s8 v3  }
0x5: {  	s2 =	simm.s32 $0x0;
	s4 =	srdreg.scid;
	s3 =	stileid.u32;
	v4 =	vunpack.c.l.s4.s8 v4;
	v5 =	vunpack.c.l.s4.s8 v5;
	v6 =	vunpack.c.l.s4.s8 v6  }
0x6: {  	s11 =	simm.s32 $0x5;
	s12 =	simm.s32 $0x80;
	s13 =	simm.s32 $0x180;
	v7 =	vunpack.c.l.s4.s8 v7;
	v0 =	vunpack.c.0.s8.s32 v0;
	v2 =	vunpack.c.0.s8.s32 v2  }
0x7: {  	s14 =	simm.s32 $0x4180;
	s15 =	simm.s32 $0x1;
	s16 =	simm.s32 $0x8180;
	v3 =	vunpack.c.0.s8.s32 v3;
	v4 =	vunpack.c.0.s8.s32 v4;
	v1 =	vunpack.c.0.s8.s32 v1  }
0x8: {  	s17 =	simm.s32 $0x2;
	s18 =	simm.s32 $0x4;
	s19 =	simm.s32 $0xC180;
	v5 =	vunpack.c.0.s8.s32 v5;
	v6 =	vunpack.c.0.s8.s32 v6;
	v0 =	vand.u32 $0xF, v0  }
0x9: {  	s20 =	simm.s32 $0x3;
	s21 =	simm.s32 $0x0;
	[smem:$0x7FF] =	sst s2;
	v7 =	vunpack.c.0.s8.s32 v7;
	v2 =	vcombine.low v3, v2;
	v58 =	vcombine.low v0, v1  }
0xa: {  	s6 =	sand.u32 $0x1, s4;
	s4 =	sadd.s32 $0xE00, s7;
	s8 =	sshll.u32 s3, $0x14;
	v62 =	vcombine.low v5, v4  }
0xb: {  	_ =	strace $0x8000004A;
	s9 =	sshll.u32 s6, $0x13;
	s10 =	ssub.s32 $0x2, s6;
	v63 =	vcombine.low v7, v6;
	v48 =	vand.u32 $0xF, v2;
	[tilespmem:$0x1FFC0] =	vst v58  }
0xc: {  	s5 =	sadd.s32 $0xC00, s7;
	s6 =	sor.u32 s9, s8;
	s31 =	sshrl.u32 s10, $0x1;
	v50 =	vand.u32 $0xF, v62;
	[tilespmem:$0x1FFD0] =	vst v48  }
0xd: {  	s7 =	sadd.s32 $0x1000, s7;
	s9 =	sshrl.u32 s6, $0x3;
	s10 =	ssub.s32 s10, s31;
	v51 =	vand.u32 $0xF, v63;
	[tilespmem:$0x1FFE0] =	vst v50  }
0xe: {  	s8 =	sadd.s32 s1, s9;
	s9 =	sor.u32 $0x8000, s6;
	s10 =	smax.u32 s10, $0x1;
	[tilespmem:$0x1FFF0] =	vst v51  }
.LBB2_1:
0xf: {  	[tilespmem:s2], [sflag:$0x5] =	stream.linear.gather [hbm4b:s4+s2], $0x80, $0x38;
	[tilespmem:$0x10180] =	vst v63  }
0x10: {  	_ =	swait.ge [sflag:s11], $0x80  }
0x11: {  	[sflag:s11] =	ssyncset.done $0x0  }
0x12: {  	[sflag:s11] =	ssyncadd.s32 $0xFFFFFF80  }
0x13: {  	[tilespmem:s12], [sflag:$0x5] =	stream.linear.gather [hbm4b:s5+s2], $0x100, $0x38;
	[tilespmem:$0x10180] =	vst v63  }
0x14: {  	_ =	swait.ge [sflag:s11], $0x100  }
0x15: {  	[sflag:s11] =	ssyncset.done $0x0  }
0x16: {  	s22 =	simm.s32 $0x0;
	[sflag:s11] =	ssyncadd.s32 $0xFFFFFF00  }
0x17: {  	[tilespmem:s13], [sflag:$0x1] =	stream.linear.gather [hbm4b:s8+s2], $0x4000, $0x38;
	[tilespmem:$0x10180] =	vst v63  }
.LBB2_2:
0x18: {  	s24 =	sshll.u32 s22, $0xF  }
0x19: {  	s23 =	sor.u32 s24, s6  }
0x1a: {  	s25 =	sshrl.u32 s23, $0x3  }
0x1b: {  	s23 =	sor.u32 $0x800, s25  }
0x1c: {  	s26 =	sadd.s32 s1, s23  }
0x1d: {  	[tilespmem:s14], [sflag:$0x2] =	stream.linear.gather [hbm4b:s26+s2], $0x4000, $0x38;
	[tilespmem:$0x10180] =	vst v63  }
0x1e: {  	_ =	swait.ge [sflag:s15], $0x4000  }
0x1f: {  	p0 =	seq.s32 s22, $0x0;
	[sflag:s15] =	ssyncset.done $0x0  }
0x20: {  	s26 =	simm.s32 @!p0 $0x3;
	[sflag:s15] =	ssyncadd.s32 $0xFFFFC000  }
0x21: {  	_ =	swait.ge @!p0 [sflag:s26], $0x4000  }
0x22: {  	[sflag:s26] =	ssyncset.done @!p0 $0x0  }
0x23: {  	[sflag:s26] =	ssyncadd.s32 @!p0 $0xFFFFC000;
	s26 =	simm.s32 $0x0  }
.LBB2_3:
0x24: {  	s28 =	sshll.u32 s26, $0x9  }
0x25: {  	v1 =	vld [tilespmem:s28+$0x180]  }
0x26: {  	v31 =	vld [tilespmem:s28+$0x190]  }
0x27: {  	v2 =	vld [tilespmem:s28+$0x1A0]  }
0x28: {  	v3 =	vld [tilespmem:s28+$0x1B0]  }
0x29: {  	v5 =	vld [tilespmem:s28+$0x1C0]  }
0x2a: {  	v6 =	vld [tilespmem:s28+$0x1D0]  }
0x2b: {  	v7 =	vld [tilespmem:s28+$0x1E0]  }
0x2c: {  	v28 =	vld [tilespmem:s28+$0x1F0]  }
0x2d: {  	v22 =	vld [tilespmem:s28+$0x200]  }
0x2e: {  	v8 =	vld [tilespmem:s28+$0x210]  }
0x2f: {  	v9 =	vld [tilespmem:s28+$0x220]  }
0x30: {  	v10 =	vld [tilespmem:s28+$0x230]  }
0x31: {  	v12 =	vld [tilespmem:s28+$0x240]  }
0x32: {  	v18 =	vld [tilespmem:s28+$0x250]  }
0x33: {  	v19 =	vld [tilespmem:s28+$0x260]  }
0x34: {  	v13 =	vld [tilespmem:s28+$0x270]  }
0x35: {  	v16 =	vld [tilespmem:s28+$0x280]  }
0x36: {  	v17 =	vld [tilespmem:s28+$0x290]  }
0x37: {  	v20 =	vld [tilespmem:s28+$0x2A0]  }
0x38: {  	v21 =	vld [tilespmem:s28+$0x2B0]  }
0x39: {  	v23 =	vld [tilespmem:s28+$0x2C0]  }
0x3a: {  	v14 =	vld [tilespmem:s28+$0x2D0]  }
0x3b: {  	v25 =	vld [tilespmem:s28+$0x2E0]  }
0x3c: {  	v26 =	vld [tilespmem:s28+$0x2F0]  }
0x3d: {  	v27 =	vld [tilespmem:s28+$0x300]  }
0x3e: {  	v24 =	vld [tilespmem:s28+$0x310]  }
0x3f: {  	v32 =	vld [tilespmem:s28+$0x320]  }
0x40: {  	v30 =	vld [tilespmem:s28+$0x330]  }
0x41: {  	v29 =	vld [tilespmem:s28+$0x340]  }
0x42: {  	v15 =	vld [tilespmem:s28+$0x350]  }
0x43: {  	v11 =	vld [tilespmem:s28+$0x360]  }
0x44: {  	v4 =	vld [tilespmem:s28+$0x370]  }
0x45: {  	v47 =	vld [tilespmem:s28+$0x400]  }
0x46: {  	v63 =	vld [tilespmem:s28+$0x410]  }
0x47: {  	v62 =	vld [tilespmem:s28+$0x420]  }
0x48: {  	v61 =	vld [tilespmem:s28+$0x430];
	[tilespmem:$0x1F9C0] =	vst v1  }
0x49: {  	v60 =	vld [tilespmem:s28+$0x440];
	[tilespmem:$0x1F9E0] =	vst v31  }
0x4a: {  	v59 =	vld [tilespmem:s28+$0x450];
	[tilespmem:$0x1FA00] =	vst v2  }
0x4b: {  	v57 =	vld [tilespmem:s28+$0x460];
	[tilespmem:$0x1FA20] =	vst v3  }
0x4c: {  	v56 =	vld [tilespmem:s28+$0x470];
	[tilespmem:$0x1FA40] =	vst v5  }
0x4d: {  	v55 =	vld [tilespmem:s28+$0x480];
	[tilespmem:$0x1FA60] =	vst v6  }
0x4e: {  	v54 =	vld [tilespmem:s28+$0x490];
	[tilespmem:$0x1FA80] =	vst v7  }
0x4f: {  	v53 =	vld [tilespmem:s28+$0x4A0];
	[tilespmem:$0x1FAA0] =	vst v28  }
0x50: {  	v52 =	vld [tilespmem:s28+$0x4B0];
	[tilespmem:$0x1FAE0] =	vst v8  }
0x51: {  	v51 =	vld [tilespmem:s28+$0x4C0];
	[tilespmem:$0x1FB00] =	vst v9  }
0x52: {  	v50 =	vld [tilespmem:s28+$0x4D0];
	[tilespmem:$0x1FB20] =	vst v10  }
0x53: {  	v49 =	vld [tilespmem:s28+$0x4E0];
	[tilespmem:$0x1FB50] =	vst v12  }
0x54: {  	s29 =	sor.u32 $0x380, s28;
	v48 =	vld [tilespmem:s28+$0x4F0];
	[tilespmem:$0x1FB70] =	vst v18  }
0x55: {  	s30 =	sor.u32 $0x390, s28;
	v0 =	vld [tilespmem:s29+$0x0];
	[tilespmem:$0x1FB90] =	vst v19  }
0x56: {  	s31 =	sor.u32 $0x3A0, s28;
	v37 =	vld [tilespmem:s30+$0x0];
	[tilespmem:$0x1FBC0] =	vst v13  }
0x57: {  	v46 =	vld [tilespmem:s31+$0x0];
	s30 =	sor.u32 $0x3B0, s28;
	[tilespmem:$0x1FBF0] =	vst v16  }
0x58: {  	s31 =	sor.u32 $0x3C0, s28;
	v43 =	vld [tilespmem:s30+$0x0];
	[tilespmem:$0x1FC20] =	vst v17  }
0x59: {  	v38 =	vld [tilespmem:s31+$0x0];
	s30 =	sor.u32 $0x3D0, s28;
	[tilespmem:$0x1FC90] =	vst v21  }
0x5a: {  	s31 =	sor.u32 $0x3E0, s28;
	v41 =	vld [tilespmem:s30+$0x0];
	[tilespmem:$0x1FCD0] =	vst v23  }
0x5b: {  	v36 =	vld [tilespmem:s31+$0x0];
	s30 =	sor.u32 $0x3F0, s28;
	[tilespmem:$0x1FD10] =	vst v14  }
0x5c: {  	v35 =	vld [tilespmem:s30+$0x0];
	[tilespmem:$0x1FE40] =	vst v32;
	v34 =	vand.u32 $0x7FFFFFFF, v1;
	v39 =	vand.u32 $0x7FFFFFFF, v31;
	v40 =	vand.u32 $0x7FFFFFFF, v2  }
0x5d: {  	[tilespmem:$0x1FEC0] =	vst v29;
	v42 =	vand.u32 $0x7FFFFFFF, v3;
	v44 =	vand.u32 $0x7FFFFFFF, v5;
	v45 =	vand.u32 $0x7FFFFFFF, v6;
	v5 =	vld [tilespmem:s28+$0x560]  }
0x5e: {  	s31 =	sor.u32 $0x580, s28;
	[tilespmem:$0x1FF00] =	vst v15;
	v58 =	vand.u32 $0x7FFFFFFF, v7;
	v28 =	vand.u32 $0x7FFFFFFF, v28;
	v2 =	vmax.f32 v44, v45;
	v45 =	vld [tilespmem:s28+$0x500]  }
0x5f: {  	s30 =	sor.u32 $0x590, s28;
	v31 =	vand.u32 $0x7FFFFFFF, v22;
	v33 =	vand.u32 $0x7FFFFFFF, v8;
	[tilespmem:$0x1F9D0] =	vst v0;
	v0 =	vmax.f32 v34, v39;
	v44 =	vld [tilespmem:s31+$0x0]  }
0x60: {  	[tilespmem:$0x1FF40] =	vst v11;
	v1 =	vmax.f32 v40, v42;
	v3 =	vmax.f32 v58, v28;
	v6 =	vmax.f32 v31, v33;
	v33 =	vld [tilespmem:s30+$0x0]  }
0x61: {  	[tilespmem:$0x1FF80] =	vst v4;
	v34 =	vand.u32 $0x7FFFFFFF, v9;
	v39 =	vand.u32 $0x7FFFFFFF, v10;
	v58 =	vand.u32 $0x7FFFFFFF, v19;
	v19 =	vld [tilespmem:s28+$0x530]  }
0x62: {  	[tilespmem:$0x1FAD0] =	vst v47;
	v40 =	vand.u32 $0x7FFFFFFF, v12;
	v42 =	vand.u32 $0x7FFFFFFF, v18;
	v18 =	vand.u32 $0x7FFFFFFF, v11;
	v11 =	vld [tilespmem:s28+$0x550]  }
0x63: {  	[tilespmem:$0x1FC00] =	vst v55;
	v28 =	vand.u32 $0x7FFFFFFF, v13;
	v31 =	vand.u32 $0x7FFFFFFF, v16;
	v16 =	vand.u32 $0x7FFFFFFF, v15;
	v15 =	vld [tilespmem:s28+$0x660]  }
0x64: {  	[tilespmem:$0x1F9F0] =	vst v37;
	v9 =	vand.u32 $0x7FFFFFFF, v23;
	v12 =	vand.u32 $0x7FFFFFFF, v14;
	v10 =	vmax.f32 v40, v42;
	v40 =	vld [tilespmem:s28+$0x510]  }
0x65: {  	v14 =	vand.u32 $0x7FFFFFFF, v25;
	[tilespmem:$0x1FA50] =	vst v38;
	v8 =	vmax.f32 v34, v39;
	v34 =	vand.u32 $0x7FFFFFFF, v17;
	v39 =	vld [tilespmem:s28+$0x520]  }
0x66: {  	s31 =	sor.u32 $0x5A0, s28;
	v42 =	vand.u32 $0x7FFFFFFF, v20;
	v13 =	vmax.f32 v31, v34;
	v31 =	vld [tilespmem:s28+$0x620];
	[tilespmem:$0x1F990] =	vst v44;
	v44 =	vand.u32 $0x7FFFFFFF, v21  }
0x67: {  	[tilespmem:$0x1FA70] =	vst v41;
	v21 =	vmax.f32 v58, v28;
	v58 =	vld [tilespmem:s31+$0x0];
	v28 =	vand.u32 $0x7FFFFFFF, v37;
	v37 =	vand.u32 $0x7FFFFFFF, v38  }
0x68: {  	[tilespmem:$0x1FA90] =	vst v36;
	v38 =	vand.u32 $0x7FFFFFFF, v41;
	v41 =	vand.u32 $0x7FFFFFFF, v36;
	v36 =	vand.u32 $0x7FFFFFFF, v55;
	v55 =	vld [tilespmem:s28+$0x720]  }
0x69: {  	[tilespmem:$0x1F9A0] =	vst v33;
	v33 =	vand.u32 $0x7FFFFFFF, v26;
	s31 =	sor.u32 $0x5C0, s28;
	v17 =	vmax.f32 v42, v44;
	v44 =	vmax.f32 v9, v12;
	v9 =	vld [tilespmem:s28+$0x540]  }
0x6a: {  	[tilespmem:$0x1FAF0] =	vst v63;
	v7 =	vand.u32 $0x7FFFFFFF, v32;
	v34 =	vand.u32 $0x7FFFFFFF, v27;
	v23 =	vmax.f32 v14, v33;
	v32 =	vld [tilespmem:s31+$0x0]  }
0x6b: {  	[tilespmem:$0x1FB10] =	vst v62;
	v14 =	vand.u32 $0x7FFFFFFF, v29;
	v33 =	vand.u32 $0x7FFFFFFF, v4;
	v4 =	vld [tilespmem:s28+$0x570];
	v29 =	vand.u32 $0x7FFFFFFF, v46  }
0x6c: {  	[tilespmem:$0x1FA10] =	vst v46;
	s31 =	sor.u32 $0x5E0, s28;
	v46 =	vand.u32 $0x7FFFFFFF, v47;
	v47 =	vand.u32 $0x7FFFFFFF, v63;
	v63 =	vand.u32 $0x7FFFFFFF, v62;
	v62 =	vld [tilespmem:s28+$0x6B0]  }
0x6d: {  	[tilespmem:$0x1FAC0] =	vst v22;
	v42 =	vand.u32 $0x7FFFFFFF, v24;
	v22 =	vmax.f32 v18, v33;
	v18 =	vmax.f32 v44, v23;
	v44 =	vld [tilespmem:s31+$0x0]  }
0x6e: {  	[tilespmem:$0x1FD50] =	vst v25;
	v25 =	vmax.f32 v34, v42;
	v42 =	vld [tilespmem:s28+$0x600]  }
0x6f: {  	[tilespmem:$0x1FDD0] =	vst v27;
	v12 =	vand.u32 $0x7FFFFFFF, v30;
	v27 =	vmax.f32 v14, v16;
	v14 =	vld [tilespmem:s28+$0x680]  }
0x70: {  	[tilespmem:$0x1FD90] =	vst v26;
	v26 =	vmax.f32 v7, v12;
	v12 =	vld [tilespmem:s28+$0x690]  }
0x71: {  	[tilespmem:$0x1FB30] =	vst v61;
	v33 =	vmax.f32 v2, v3;
	v34 =	vmax.f32 v6, v8;
	v7 =	vand.u32 $0x7FFFFFFF, v61;
	v61 =	vld [tilespmem:s28+$0x6C0]  }
0x72: {  	[tilespmem:$0x1FC30] =	vst v54;
	v16 =	vmax.f32 v10, v21;
	v3 =	vmax.f32 v37, v38;
	v37 =	vand.u32 $0x7FFFFFFF, v54;
	v54 =	vld [tilespmem:s28+$0x730]  }
0x73: {  	[tilespmem:$0x1FC50] =	vst v20;
	v21 =	vmax.f32 v27, v22;
	v22 =	vmax.f32 v34, v16;
	v34 =	vld [tilespmem:s28+$0x610]  }
0x74: {  	[tilespmem:$0x1FE10] =	vst v24;
	v17 =	vmax.f32 v13, v17;
	v27 =	vld [tilespmem:$0x1F9D0]  }
0x75: {  	[tilespmem:$0x1FB80] =	vst v59;
	v23 =	vmax.f32 v17, v18;
	v18 =	vld [tilespmem:s28+$0x630]  }
0x76: {  	[tilespmem:$0x1FBA0] =	vst v57;
	v16 =	vld [tilespmem:s28+$0x650]  }
0x77: {  	[tilespmem:$0x1FBD0] =	vst v56;
	v0 =	vmax.f32 v0, v1;
	v8 =	vmax.f32 v63, v7;
	v63 =	vld [tilespmem:s28+$0x6A0]  }
0x78: {  	[tilespmem:$0x1FA30] =	vst v43;
	v0 =	vmax.f32 v0, v33;
	v7 =	vld [tilespmem:s28+$0x6F0]  }
0x79: {  	[tilespmem:$0x1FAB0] =	vst v35;
	v33 =	vand.u32 $0x7FFFFFFF, v43;
	v43 =	vand.u32 $0x7FFFFFFF, v35;
	v35 =	vand.u32 $0x7FFFFFFF, v56;
	v56 =	vld [tilespmem:s28+$0x710]  }
0x7a: {  	[tilespmem:$0x1FC60] =	vst v53;
	v17 =	vmax.f32 v36, v37;
	v36 =	vld [tilespmem:$0x1F9A0]  }
0x7b: {  	[tilespmem:$0x1FCA0] =	vst v52;
	v38 =	vand.u32 $0x7FFFFFFF, v53;
	v20 =	vmax.f32 v25, v26;
	v0 =	vmax.f32 v0, v22;
	v22 =	vld [tilespmem:s28+$0x640]  }
0x7c: {  	[tilespmem:$0x1FCE0] =	vst v51;
	v25 =	vmax.f32 v20, v21;
	v13 =	vmax.f32 v29, v33;
	v33 =	vand.u32 $0x7FFFFFFF, v57;
	v57 =	vld [tilespmem:s28+$0x6E0]  }
0x7d: {  	[tilespmem:$0x1FD20] =	vst v50;
	s30 =	sor.u32 $0x5B0, s28;
	v6 =	vmax.f32 v41, v43;
	v29 =	vand.u32 $0x7FFFFFFF, v59;
	v41 =	vand.u32 $0x7FFFFFFF, v52;
	v59 =	vld [tilespmem:s28+$0x700]  }
0x7e: {  	v43 =	vand.u32 $0x7FFFFFFF, v51;
	v51 =	vand.u32 $0x7FFFFFFF, v40;
	v52 =	vand.u32 $0x7FFFFFFF, v19;
	[tilespmem:$0x1F9B0] =	vst v58;
	v58 =	vld [tilespmem:s30+$0x0]  }
0x7f: {  	[tilespmem:$0x1FD60] =	vst v49;
	s30 =	sor.u32 $0x5D0, s28;
	v26 =	vmax.f32 v23, v25;
	v23 =	vld [tilespmem:$0x1FFC0];
	v25 =	vmax.f32 v46, v47;
	v21 =	vmax.f32 v38, v41  }
0x80: {  	[tilespmem:$0x1FE90] =	vst v19;
	s31 =	sor.u32 $0x780, s28;
	v46 =	vand.u32 $0x7FFFFFFF, v50;
	v47 =	vand.u32 $0x7FFFFFFF, v49;
	v49 =	vand.u32 $0x7FFFFFFF, v48;
	v24 =	vld [tilespmem:s30+$0x0]  }
0x81: {  	v50 =	vand.u32 $0x7FFFFFFF, v45;
	v3 =	vmax.f32 v3, v6;
	[tilespmem:$0x1FED0] =	vst v9;
	v53 =	vand.u32 $0x7FFFFFFF, v9;
	v9 =	vld [tilespmem:s31+$0x0]  }
0x82: {  	[tilespmem:$0x1FE20] =	vst v40;
	v0 =	vmax.f32 v0, v26;
	v40 =	vmax.f32 v43, v46;
	v46 =	vmax.f32 v17, v21;
	v17 =	vld [tilespmem:s28+$0x800]  }
0x83: {  	s30 =	sor.u32 $0x5F0, s28;
	v19 =	vand.u32 $0x7FFFFFFF, v4;
	v43 =	vmax.f32 v25, v8;
	v21 =	vld [tilespmem:s28+$0x810];
	[tilespmem:$0x1FC40] =	vst v12;
	v12 =	vand.u32 $0x7FFFFFFF, v12  }
0x84: {  	[tilespmem:$0x1FE80] =	vst v30;
	v30 =	vld [tilespmem:s30+$0x0];
	v2 =	vand.u32 $0x7FFFFFFF, v27;
	v27 =	vmax.f32 v47, v49;
	v41 =	vand.u32 $0x7FFFFFFF, v18  }
0x85: {  	v20 =	vmax.f32 v2, v28;
	v2 =	vld [tilespmem:s28+$0x670];
	v28 =	vand.u32 $0x7FFFFFFF, v60;
	v1 =	vperm.xlane v0, v23  }
0x86: {  	[tilespmem:$0x1FB60] =	vst v60;
	v60 =	vld [tilespmem:s28+$0x6D0];
	v47 =	vmax.f32 v40, v27;
	v10 =	vmax.f32 v28, v29;
	v29 =	vmax.f32 v33, v35  }
0x87: {  	[tilespmem:$0x1FF10] =	vst v11;
	v28 =	vmax.f32 v50, v51;
	v13 =	vmax.f32 v20, v13;
	v35 =	vld [tilespmem:$0x1F990];
	v26 =	vmax.f32 v0, v1  }
0x88: {  	[tilespmem:$0x1FE50] =	vst v39;
	s30 =	sor.u32 $0x790, s28;
	v1 =	vand.u32 $0x7FFFFFFF, v39;
	v0 =	vand.u32 $0x7FFFFFFF, v11;
	v11 =	vand.u32 $0x7FFFFFFF, v5;
	v39 =	vld [tilespmem:s28+$0x740]  }
0x89: {  	[tilespmem:$0x1FDE0] =	vst v45;
	s31 =	sor.u32 $0x7A0, s28;
	v50 =	vmax.f32 v46, v47;
	v45 =	vmax.f32 v10, v29;
	v38 =	vmax.f32 v11, v19;
	v11 =	vld [tilespmem:s30+$0x0]  }
0x8a: {  	v13 =	vmax.f32 v13, v3;
	v8 =	vand.u32 $0x7FFFFFFF, v24;
	v46 =	vmovc v24;
	v24 =	vand.u32 $0x7FFFFFFF, v44;
	v19 =	vld [tilespmem:s31+$0x0];
	s30 =	sor.u32 $0x7B0, s28  }
0x8b: {  	[tilespmem:$0x1FDA0] =	vst v48;
	v29 =	vand.u32 $0x7FFFFFFF, v42;
	v6 =	vmax.f32 v43, v45;
	v25 =	vand.u32 $0x7FFFFFFF, v30;
	s31 =	sor.u32 $0x7C0, s28;
	v20 =	vld [tilespmem:s30+$0x0]  }
0x8c: {  	[tilespmem:$0x1FF50] =	vst v5;
	v45 =	vand.u32 $0x7FFFFFFF, v22;
	v27 =	vmax.f32 v13, v6;
	v6 =	vand.u32 $0x7FFFFFFF, v32;
	v47 =	vld [tilespmem:s31+$0x0]  }
0x8d: {  	[tilespmem:$0x1FBB0] =	vst v15;
	v33 =	vmax.f32 v1, v52;
	v37 =	vmax.f32 v53, v0;
	v40 =	vmax.f32 v6, v8;
	v6 =	vld [tilespmem:s28+$0x770]  }
0x8e: {  	[tilespmem:$0x1FE60] =	vst v55;
	v53 =	vand.u32 $0x7FFFFFFF, v36;
	v49 =	vmax.f32 v37, v38;
	s30 =	sor.u32 $0x7D0, s28;
	v38 =	vmax.f32 v24, v25;
	v25 =	vld [tilespmem:s28+$0x820]  }
0x8f: {  	[tilespmem:$0x1FF90] =	vst v4;
	v43 =	vmovc v30;
	v1 =	vand.u32 $0x7FFFFFFF, v58;
	v48 =	vmax.f32 v28, v33;
	s31 =	sor.u32 $0x7E0, s28;
	v33 =	vand.u32 $0x7FFFFFFF, v31;
	v30 =	vld [tilespmem:s30+$0x0]  }
0x90: {  	[tilespmem:$0x1FCB0] =	vst v62;
	v4 =	vand.u32 $0x7FFFFFFF, v2;
	v8 =	vand.u32 $0x7FFFFFFF, v14;
	v51 =	vmax.f32 v48, v49;
	v10 =	vld [tilespmem:s31+$0x0]  }
0x91: {  	[tilespmem:$0x1FC10] =	vst v14;
	v14 =	vand.u32 $0x7FFFFFFF, v63;
	v52 =	vand.u32 $0x7FFFFFFF, v35;
	v28 =	vmax.f32 v50, v51;
	v50 =	vld [tilespmem:$0x1F9B0]  }
0x92: {  	[tilespmem:$0x1FB40] =	vst v18;
	v18 =	vand.u32 $0x7FFFFFFF, v60;
	v48 =	vand.u32 $0x7FFFFFFF, v16;
	v5 =	vmax.f32 v52, v53;
	v53 =	vld [tilespmem:s28+$0x750]  }
0x93: {  	[tilespmem:$0x1FC70] =	vst v63;
	v24 =	vmovc v16;
	v49 =	vand.u32 $0x7FFFFFFF, v15;
	v15 =	vand.u32 $0x7FFFFFFF, v62;
	v16 =	vand.u32 $0x7FFFFFFF, v61;
	v52 =	vld [tilespmem:s28+$0x760]  }
0x94: {  	[tilespmem:$0x1FBE0] =	vst v2;
	s30 =	sor.u32 $0x7F0, s28;
	v40 =	vmax.f32 v40, v38;
	v38 =	vld [tilespmem:s28+$0x8A0];
	v2 =	vmax.f32 v45, v48;
	v51 =	vmovc v32;
	v32 =	vand.u32 $0x7FFFFFFF, v34  }
0x95: {  	[tilespmem:$0x1FDB0] =	vst v7;
	v13 =	vld [tilespmem:s30+$0x0];
	v48 =	vand.u32 $0x7FFFFFFF, v7;
	v63 =	vmax.f32 v16, v18;
	v7 =	vand.u32 $0x7FFFFFFF, v59  }
0x96: {  	[tilespmem:$0x1FCF0] =	vst v61;
	v45 =	vld [tilespmem:s28+$0x850];
	v3 =	vmax.f32 v29, v32;
	v29 =	vmax.f32 v33, v41;
	v61 =	vand.u32 $0x7FFFFFFF, v47  }
0x97: {  	[tilespmem:$0x1FDF0] =	vst v59;
	v59 =	vld [tilespmem:s28+$0x870];
	v3 =	vmax.f32 v3, v29;
	v0 =	vand.u32 $0x7FFFFFFF, v50;
	v32 =	vmovc v22;
	v22 =	vand.u32 $0x7FFFFFFF, v57  }
0x98: {  	[tilespmem:$0x1FEA0] =	vst v54;
	v33 =	vld [tilespmem:s28+$0x830];
	v16 =	vand.u32 $0x7FFFFFFF, v53;
	v18 =	vand.u32 $0x7FFFFFFF, v52;
	v37 =	vmax.f32 v0, v1  }
0x99: {  	[tilespmem:$0x1FE30] =	vst v56;
	v41 =	vld [tilespmem:s28+$0x840];
	v1 =	vmax.f32 v49, v4;
	v0 =	vmax.f32 v8, v12;
	v4 =	vmax.f32 v14, v15  }
0x9a: {  	[tilespmem:$0x1FEE0] =	vst v39;
	v62 =	vmax.f32 v22, v48;
	v8 =	vand.u32 $0x7FFFFFFF, v56;
	v15 =	vand.u32 $0x7FFFFFFF, v39;
	v39 =	vld [tilespmem:s28+$0x860]  }
0x9b: {  	[tilespmem:$0x1FD70] =	vst v57;
	v12 =	vand.u32 $0x7FFFFFFF, v55;
	v14 =	vand.u32 $0x7FFFFFFF, v54;
	v55 =	vmax.f32 v15, v16;
	v16 =	vld [tilespmem:s28+$0x880]  }
0x9c: {  	[tilespmem:$0x1FD30] =	vst v60;
	v22 =	vand.u32 $0x7FFFFFFF, v6;
	v54 =	vand.u32 $0x7FFFFFFF, v9;
	v56 =	vand.u32 $0x7FFFFFFF, v19;
	v15 =	vld [tilespmem:s28+$0x890]  }
0x9d: {  	[tilespmem:$0x1FF20] =	vst v53;
	v57 =	vmax.f32 v7, v8;
	v60 =	vmax.f32 v12, v14;
	v53 =	vmax.f32 v18, v22;
	v14 =	vld [tilespmem:s28+$0x8B0]  }
0x9e: {  	v37 =	vmax.f32 v5, v37;
	v1 =	vmax.f32 v2, v1;
	v0 =	vmax.f32 v0, v4;
	v12 =	vld [tilespmem:s28+$0x8C0]  }
0x9f: {  	[tilespmem:$0x1FFA0] =	vst v6;
	v48 =	vmax.f32 v63, v62;
	v63 =	vld [tilespmem:s28+$0x8D0];
	v4 =	vmax.f32 v27, v28;
	v18 =	vand.u32 $0x7FFFFFFF, v13  }
0xa0: {  	[tilespmem:$0x1FF60] =	vst v52;
	v62 =	vld [tilespmem:s28+$0x8E0];
	v22 =	vand.u32 $0x7FFFFFFF, v17;
	v49 =	vmax.f32 v57, v60;
	v52 =	vmax.f32 v55, v53  }
0xa1: {  	[tilespmem:$0x1FC80] =	vst v38;
	v37 =	vmax.f32 v37, v40;
	v1 =	vmax.f32 v3, v1;
	v0 =	vmax.f32 v0, v48;
	v60 =	vld [tilespmem:s28+$0x8F0]  }
0xa2: {  	v55 =	vand.u32 $0x7FFFFFFF, v11;
	v57 =	vand.u32 $0x7FFFFFFF, v20;
	v3 =	vld [tilespmem:s28+$0x920];
	v48 =	vand.u32 $0x7FFFFFFF, v21;
	[tilespmem:$0x1FCC0] =	vst v14  }
0xa3: {  	v53 =	vmax.f32 v49, v52;
	v1 =	vmax.f32 v37, v1;
	v8 =	vmax.f32 v54, v55;
	v49 =	vld [tilespmem:s28+$0x900];
	[tilespmem:$0x1FD00] =	vst v12  }
0xa4: {  	v2 =	vld [tilespmem:s28+$0x930];
	v6 =	vmax.f32 v56, v57;
	v57 =	vand.u32 $0x7FFFFFFF, v25;
	v28 =	vmax.f32 v22, v48;
	[tilespmem:$0x1FD40] =	vst v63  }
0xa5: {  	v48 =	vand.u32 $0x7FFFFFFF, v38;
	v0 =	vmax.f32 v0, v53;
	v53 =	vand.u32 $0x7FFFFFFF, v59;
	[tilespmem:$0x1FD80] =	vst v62  }
0xa6: {  	v5 =	vmax.f32 v1, v0;
	v0 =	vand.u32 $0x7FFFFFFF, v30;
	v1 =	vand.u32 $0x7FFFFFFF, v10;
	[tilespmem:$0x1FDC0] =	vst v60  }
0xa7: {  	v40 =	vand.u32 $0x7FFFFFFF, v39;
	v7 =	vmax.f32 v61, v0;
	v27 =	vmax.f32 v1, v18;
	[tilespmem:$0x1FE70] =	vst v3  }
0xa8: {  	v0 =	vand.u32 $0x7FFFFFFF, v33;
	v1 =	vand.u32 $0x7FFFFFFF, v41;
	v18 =	vand.u32 $0x7FFFFFFF, v45;
	[tilespmem:$0x1FE00] =	vst v49  }
0xa9: {  	v61 =	vld [tilespmem:s28+$0x910];
	v54 =	vand.u32 $0x7FFFFFFF, v16;
	v22 =	vand.u32 $0x7FFFFFFF, v15;
	v40 =	vmax.f32 v40, v53;
	[tilespmem:$0x1FEB0] =	vst v2  }
0xaa: {  	v55 =	vand.u32 $0x7FFFFFFF, v12;
	v12 =	vand.u32 $0x7FFFFFFF, v62;
	v29 =	vmax.f32 v57, v0;
	v52 =	vld [tilespmem:s28+$0x940]  }
0xab: {  	v37 =	vmax.f32 v1, v18;
	v18 =	vand.u32 $0x7FFFFFFF, v14;
	v53 =	vmax.f32 v54, v22;
	v1 =	vld [tilespmem:s28+$0x960]  }
0xac: {  	v22 =	vand.u32 $0x7FFFFFFF, v63;
	v60 =	vand.u32 $0x7FFFFFFF, v60;
	v54 =	vmax.f32 v48, v18;
	v38 =	vld [tilespmem:s28+$0x970]  }
0xad: {  	v55 =	vmax.f32 v55, v22;
	v22 =	vand.u32 $0x7FFFFFFF, v3;
	v48 =	vand.u32 $0x7FFFFFFF, v2;
	v0 =	vld [tilespmem:s28+$0x950]  }
0xae: {  	v14 =	vand.u32 $0x7FFFFFFF, v49;
	v56 =	vmax.f32 v12, v60;
	v60 =	vmax.f32 v22, v48  }
0xaf: {  	v22 =	vmax.f32 v7, v27;
	v48 =	vmax.f32 v28, v29;
	v18 =	vand.u32 $0x7FFFFFFF, v61  }
0xb0: {  	v54 =	vmax.f32 v53, v54;
	v56 =	vmax.f32 v55, v56;
	v57 =	vmax.f32 v14, v18  }
0xb1: {  	v18 =	vmax.f32 v8, v6;
	[tilespmem:$0x1FF70] =	vst v1;
	v1 =	vand.u32 $0x7FFFFFFF, v1;
	v14 =	vand.u32 $0x7FFFFFFF, v38  }
0xb2: {  	[tilespmem:$0x1FF30] =	vst v0;
	v12 =	vand.u32 $0x7FFFFFFF, v52;
	v0 =	vand.u32 $0x7FFFFFFF, v0;
	v1 =	vmax.f32 v1, v14;
	v14 =	vld [tilespmem:$0x1FFD0]  }
0xb3: {  	v8 =	vmax.f32 v54, v56;
	v62 =	vmax.f32 v57, v60;
	v0 =	vmax.f32 v12, v0  }
0xb4: {  	v63 =	vmax.f32 v18, v22;
	[tilespmem:$0x1FEF0] =	vst v52;
	v52 =	vmax.f32 v37, v40;
	v0 =	vmax.f32 v0, v1  }
0xb5: {  	v37 =	vld [tilespmem:$0x1FFE0];
	v7 =	vmax.f32 v48, v52;
	v12 =	vperm.xlane v4, v23;
	v0 =	vmax.f32 v62, v0  }
0xb6: {  	v22 =	vperm.xlane v5, v23;
	v1 =	vmax.f32 v63, v7;
	v0 =	vmax.f32 v8, v0  }
0xb7: {  	v2 =	vmax.f32 v4, v12;
	v0 =	vmax.f32 v1, v0;
	v18 =	vperm.xlane v26, v14  }
0xb8: {  	v3 =	vmax.f32 v5, v22;
	v28 =	vperm.xlane v0, v23;
	v29 =	vperm.xlane v2, v14  }
0xb9: {  	v53 =	vld [tilespmem:$0x1FFF0];
	v40 =	vperm.xlane v3, v14;
	v1 =	vmax.f32 v26, v18  }
0xba: {  	[tilespmem:$0x1FFB0] =	vst v38;
	v0 =	vmax.f32 v0, v28;
	v2 =	vmax.f32 v2, v29;
	v38 =	vperm.xlane v1, v37  }
0xbb: {  	v3 =	vmax.f32 v3, v40;
	v48 =	vperm.xlane v0, v14;
	v52 =	vperm.xlane v2, v37  }
0xbc: {  	v6 =	vperm.xlane v3, v37  }
0xbd: {  	v1 =	vmax.f32 v1, v38;
	v0 =	vmax.f32 v0, v48;
	v2 =	vmax.f32 v2, v52  }
0xbe: {  	v56 =	vmax.f32 v3, v6;
	v54 =	vperm.xlane v1, v53;
	v55 =	vperm.xlane v0, v37  }
0xbf: {  	v57 =	vperm.xlane v2, v53;
	v60 =	vperm.xlane v56, v53  }
0xc0: {  	v26 =	vmax.f32 v1, v54;
	v0 =	vmax.f32 v0, v55  }
0xc1: {  	v27 =	vmax.f32 v2, v57;
	v28 =	vmax.f32 v56, v60;
	vm0 =	veq.f32 v26, $0.0e+00  }
0xc2: {  	v63 =	vperm.xlane v0, v53;
	vm6 =	veq.f32 v27, $0.0e+00;
	v62 =	vsel vm0, $0x3F800000, v26  }
0xc3: {  	vm1 =	veq.f32 v28, $0.0e+00;
	v6 =	vsel vm6, $0x3F800000, v27;
	(erf) = vrcp.f32 v62  }
0xc4: {  	v7 =	vsel vm1, $0x3F800000, v28;
	v29 =	vmax.f32 v0, v63;
	(erf) = vrcp.f32 v6  }
0xc5: {  	vm7 =	veq.f32 v29, $0.0e+00;
	(erf) = vrcp.f32 v7  }
0xc6: {  	v8 =	vsel vm7, $0x3F800000, v29  }
0xc7: {  	(erf) = vrcp.f32 v8;
	_ =	sdelay $0x2  }
0xc8: {  	v22 =	vld [tilespmem:$0x1F9C0]  }
0xc9: {  	v38 =	vld [tilespmem:$0x1F9D0]  }
0xca: {  	v12 =	vpop (erf)  }
0xcb: {  	v40 =	vmul.f32 $3.200000000e+01, v12;
	v14 =	vpop (erf)  }
0xcc: {  	v37 =	vmul.f32 $3.200000000e+01, v14;
	v18 =	vpop (erf)  }
0xcd: {  	v1 =	vmul.f32 v40, v22;
	v55 =	vmul.f32 $3.200000000e+01, v18  }
0xce: {  	v23 =	vpop (erf);
	v2 =	vmul.f32 v37, v38  }
0xcf: {  	v38 =	vmul.f32 $3.200000000e+01, v23;
	v48 =	vadd.f32 $3.200000000e+01, v1;
	v53 =	vmul.f32 v55, v35  }
0xd0: {  	v2 =	vadd.f32 $3.200000000e+01, v2  }
0xd1: {  	v54 =	vmul.f32 v38, v9;
	v1 =	vadd.f32 $3.200000000e+01, v53;
	v56 =	vtrunc.f32 v48  }
0xd2: {  	v4 =	vcvt.f32.s32 v56;
	v57 =	vtrunc.f32 v2  }
0xd3: {  	v3 =	vadd.f32 $3.200000000e+01, v54;
	v5 =	vcvt.f32.s32 v57;
	v60 =	vtrunc.f32 v1  }
0xd4: {  	v6 =	vcvt.f32.s32 v60  }
0xd5: {  	v62 =	vtrunc.f32 v3  }
0xd6: {  	v7 =	vcvt.f32.s32 v62;
	_ =	sdelay $0x1  }
0xd7: {  	v63 =	vld.idx.msk [tilespmem:v4+s2+$0x0], $0xffff  }
0xd8: {  	v8 =	vld.idx.msk [tilespmem:v5+s2+$0x0], $0xffff  }
0xd9: {  	v9 =	vld.idx.msk [tilespmem:v6+s2+$0x0], $0xffff  }
0xda: {  	v22 =	vld [tilespmem:$0x1F9E0]  }
0xdb: {  	v12 =	vld.idx.msk [tilespmem:v7+s2+$0x0], $0xffff  }
0xdc: {  	v49 =	vimm.s32 $0x0;
	v35 =	vld [tilespmem:$0x1F9F0];
	vm8 =	vgt.f32 v48, v63  }
0xdd: {  	vm9 =	vgt.f32 v2, v8;
	v0 =	vsel vm8, $0x55, v49  }
0xde: {  	vm10 =	vgt.f32 v1, v9;
	v0 =	vadd.s32 v4, v0;
	v14 =	vsel vm9, $0x55, v49  }
0xdf: {  	v1 =	vadd.s32 v5, v14;
	v18 =	vsel vm10, $0x55, v49  }
0xe0: {  	vm11 =	vgt.f32 v3, v12;
	v3 =	vmul.f32 v40, v22;
	v2 =	vadd.s32 v6, v18  }
0xe1: {  	v5 =	vmul.f32 v37, v35  }
0xe2: {  	v48 =	vmul.f32 v55, v36;
	v3 =	vadd.f32 $3.200000000e+01, v3  }
0xe3: {  	v5 =	vadd.f32 $3.200000000e+01, v5;
	v0 =	vld.idx.msk [tilespmem:v0+s12+$0x0], $0xffff  }
0xe4: {  	v6 =	vadd.f32 $3.200000000e+01, v48;
	v53 =	vtrunc.f32 v3;
	v1 =	vld.idx.msk [tilespmem:v1+s12+$0x0], $0xffff  }
0xe5: {  	v54 =	vtrunc.f32 v5;
	v9 =	vcvt.f32.s32 v53;
	v2 =	vld.idx.msk [tilespmem:v2+s12+$0x0], $0xffff  }
0xe6: {  	v56 =	vtrunc.f32 v6;
	v14 =	vcvt.f32.s32 v54  }
0xe7: {  	v18 =	vcvt.f32.s32 v56  }
0xe8: {  	v23 =	vsel vm11, $0x55, v49;
	v0 =	vmul.f32 v26, v0  }
0xe9: {  	v4 =	vadd.s32 v7, v23;
	v1 =	vmul.f32 v27, v1  }
0xea: {  	[tilespmem:s28+$0x8180] =	vst v0;
	v60 =	vmul.f32 v28, v2  }
0xeb: {  	v52 =	vmul.f32 v38, v11;
	[tilespmem:s28+$0x8380] =	vst v1;
	v63 =	vld.idx.msk [tilespmem:v9+s2+$0x0], $0xffff  }
0xec: {  	[tilespmem:s28+$0x8580] =	vst v60;
	v8 =	vld.idx.msk [tilespmem:v14+s2+$0x0], $0xffff  }
0xed: {  	v7 =	vadd.f32 $3.200000000e+01, v52;
	v11 =	vld.idx.msk [tilespmem:v18+s2+$0x0], $0xffff  }
0xee: {  	v4 =	vld.idx.msk [tilespmem:v4+s12+$0x0], $0xffff  }
0xef: {  	v48 =	vld [tilespmem:$0x1FA00];
	v57 =	vtrunc.f32 v7  }
0xf0: {  	v52 =	vld [tilespmem:$0x1FA10];
	v22 =	vcvt.f32.s32 v57;
	vm12 =	vgt.f32 v3, v63  }
0xf1: {  	vm13 =	vgt.f32 v5, v8;
	v23 =	vsel vm12, $0x55, v49  }
0xf2: {  	vm14 =	vgt.f32 v6, v11;
	v0 =	vadd.s32 v9, v23;
	v35 =	vsel vm13, $0x55, v49  }
0xf3: {  	v62 =	vmul.f32 v29, v4;
	v1 =	vadd.s32 v14, v35;
	v36 =	vsel vm14, $0x55, v49  }
0xf4: {  	v3 =	vmul.f32 v40, v48;
	v2 =	vadd.s32 v18, v36  }
0xf5: {  	[tilespmem:s28+$0x8780] =	vst v62;
	v5 =	vmul.f32 v37, v52  }
0xf6: {  	v53 =	vmul.f32 v55, v50;
	v12 =	vld.idx.msk [tilespmem:v22+s2+$0x0], $0xffff;
	v3 =	vadd.f32 $3.200000000e+01, v3  }
0xf7: {  	v5 =	vadd.f32 $3.200000000e+01, v5;
	v0 =	vld.idx.msk [tilespmem:v0+s12+$0x0], $0xffff  }
0xf8: {  	v6 =	vadd.f32 $3.200000000e+01, v53;
	v56 =	vtrunc.f32 v3;
	v1 =	vld.idx.msk [tilespmem:v1+s12+$0x0], $0xffff  }
0xf9: {  	v9 =	vcvt.f32.s32 v56;
	v57 =	vtrunc.f32 v5;
	v2 =	vld.idx.msk [tilespmem:v2+s12+$0x0], $0xffff  }
0xfa: {  	v60 =	vtrunc.f32 v6;
	v11 =	vcvt.f32.s32 v57  }
0xfb: {  	vm15 =	vgt.f32 v7, v12;
	v14 =	vcvt.f32.s32 v60  }
0xfc: {  	v4 =	vsel vm15, $0x55, v49;
	v0 =	vmul.f32 v26, v0  }
0xfd: {  	v4 =	vadd.s32 v22, v4;
	v1 =	vmul.f32 v27, v1  }
0xfe: {  	[tilespmem:s28+$0x8190] =	vst v0;
	v63 =	vmul.f32 v28, v2  }
0xff: {  	v54 =	vmul.f32 v38, v19;
	[tilespmem:s28+$0x8390] =	vst v1;
	v8 =	vld.idx.msk [tilespmem:v9+s2+$0x0], $0xffff  }
0x100: {  	[tilespmem:s28+$0x8590] =	vst v63;
	v12 =	vld.idx.msk [tilespmem:v11+s2+$0x0], $0xffff  }
0x101: {  	v7 =	vadd.f32 $3.200000000e+01, v54;
	v19 =	vld.idx.msk [tilespmem:v14+s2+$0x0], $0xffff  }
0x102: {  	v4 =	vld.idx.msk [tilespmem:v4+s12+$0x0], $0xffff  }
0x103: {  	v48 =	vld [tilespmem:$0x1FA20];
	v62 =	vtrunc.f32 v7  }
0x104: {  	v50 =	vld [tilespmem:$0x1FA30];
	v18 =	vcvt.f32.s32 v62;
	vm4 =	vgt.f32 v3, v8  }
0x105: {  	vm5 =	vgt.f32 v5, v12;
	v23 =	vsel vm4, $0x55, v49  }
0x106: {  	vm6 =	vgt.f32 v6, v19;
	v0 =	vadd.s32 v9, v23;
	v35 =	vsel vm5, $0x55, v49  }
0x107: {  	v4 =	vmul.f32 v29, v4;
	v1 =	vadd.s32 v11, v35;
	v36 =	vsel vm6, $0x55, v49  }
0x108: {  	v3 =	vmul.f32 v40, v48;
	v2 =	vadd.s32 v14, v36  }
0x109: {  	[tilespmem:s28+$0x8790] =	vst v4;
	v5 =	vmul.f32 v37, v50  }
0x10a: {  	v52 =	vmul.f32 v55, v58;
	v22 =	vld.idx.msk [tilespmem:v18+s2+$0x0], $0xffff;
	v3 =	vadd.f32 $3.200000000e+01, v3  }
0x10b: {  	v5 =	vadd.f32 $3.200000000e+01, v5;
	v0 =	vld.idx.msk [tilespmem:v0+s12+$0x0], $0xffff  }
0x10c: {  	v6 =	vadd.f32 $3.200000000e+01, v52;
	v54 =	vtrunc.f32 v3;
	v1 =	vld.idx.msk [tilespmem:v1+s12+$0x0], $0xffff  }
0x10d: {  	v9 =	vcvt.f32.s32 v54;
	v56 =	vtrunc.f32 v5;
	v2 =	vld.idx.msk [tilespmem:v2+s12+$0x0], $0xffff  }
0x10e: {  	v57 =	vtrunc.f32 v6;
	v11 =	vcvt.f32.s32 v56  }
0x10f: {  	vm7 =	vgt.f32 v7, v22;
	v12 =	vcvt.f32.s32 v57  }
0x110: {  	v4 =	vsel vm7, $0x55, v49;
	v0 =	vmul.f32 v0, v26  }
0x111: {  	v4 =	vadd.s32 v18, v4;
	v1 =	vmul.f32 v1, v27  }
0x112: {  	[tilespmem:s28+$0x81A0] =	vst v0;
	v60 =	vmul.f32 v2, v28  }
0x113: {  	v53 =	vmul.f32 v38, v20;
	[tilespmem:s28+$0x83A0] =	vst v1;
	v63 =	vld.idx.msk [tilespmem:v9+s2+$0x0], $0xffff  }
0x114: {  	[tilespmem:s28+$0x85A0] =	vst v60;
	v8 =	vld.idx.msk [tilespmem:v11+s2+$0x0], $0xffff  }
0x115: {  	v7 =	vadd.f32 $3.200000000e+01, v53;
	v18 =	vld.idx.msk [tilespmem:v12+s2+$0x0], $0xffff  }
0x116: {  	v4 =	vld.idx.msk [tilespmem:v4+s12+$0x0], $0xffff  }
0x117: {  	v35 =	vld [tilespmem:$0x1FA40];
	v58 =	vtrunc.f32 v7  }
0x118: {  	v36 =	vld [tilespmem:$0x1FA50];
	v14 =	vcvt.f32.s32 v58;
	vm8 =	vgt.f32 v3, v63  }
0x119: {  	vm9 =	vgt.f32 v5, v8;
	v20 =	vsel vm8, $0x55, v49  }
0x11a: {  	vm10 =	vgt.f32 v6, v18;
	v0 =	vadd.s32 v9, v20;
	v22 =	vsel vm9, $0x55, v49  }
0x11b: {  	v62 =	vmul.f32 v4, v29;
	v1 =	vadd.s32 v11, v22;
	v23 =	vsel vm10, $0x55, v49  }
0x11c: {  	v3 =	vmul.f32 v40, v35;
	v2 =	vadd.s32 v12, v23  }
0x11d: {  	[tilespmem:s28+$0x87A0] =	vst v62;
	v5 =	vmul.f32 v37, v36  }
0x11e: {  	v48 =	vmul.f32 v55, v51;
	v19 =	vld.idx.msk [tilespmem:v14+s2+$0x0], $0xffff;
	v3 =	vadd.f32 $3.200000000e+01, v3  }
0x11f: {  	v5 =	vadd.f32 $3.200000000e+01, v5;
	v0 =	vld.idx.msk [tilespmem:v0+s12+$0x0], $0xffff  }
0x120: {  	v6 =	vadd.f32 $3.200000000e+01, v48;
	v51 =	vtrunc.f32 v3;
	v1 =	vld.idx.msk [tilespmem:v1+s12+$0x0], $0xffff  }
0x121: {  	v9 =	vcvt.f32.s32 v51;
	v52 =	vtrunc.f32 v5;
	v2 =	vld.idx.msk [tilespmem:v2+s12+$0x0], $0xffff  }
0x122: {  	v53 =	vtrunc.f32 v6;
	v11 =	vcvt.f32.s32 v52  }
0x123: {  	v12 =	vcvt.f32.s32 v53  }
0x124: {  	vm11 =	vgt.f32 v7, v19;
	v0 =	vmul.f32 v0, v26  }
0x125: {  	v4 =	vsel vm11, $0x55, v49;
	v1 =	vmul.f32 v1, v27  }
0x126: {  	v4 =	vadd.s32 v14, v4;
	[tilespmem:s28+$0x81B0] =	vst v0;
	v56 =	vmul.f32 v2, v28  }
0x127: {  	[tilespmem:s28+$0x83B0] =	vst v1;
	v58 =	vld.idx.msk [tilespmem:v9+s2+$0x0], $0xffff  }
0x128: {  	v50 =	vmul.f32 v38, v47;
	[tilespmem:s28+$0x85B0] =	vst v56;
	v60 =	vld.idx.msk [tilespmem:v11+s2+$0x0], $0xffff  }
0x129: {  	v62 =	vld.idx.msk [tilespmem:v12+s2+$0x0], $0xffff  }
0x12a: {  	v7 =	vadd.f32 $3.200000000e+01, v50  }
0x12b: {  	v4 =	vld.idx.msk [tilespmem:v4+s12+$0x0], $0xffff  }
0x12c: {  	v54 =	vtrunc.f32 v7;
	vm12 =	vgt.f32 v3, v58  }
0x12d: {  	v14 =	vcvt.f32.s32 v54;
	vm13 =	vgt.f32 v5, v60;
	v8 =	vsel vm12, $0x55, v49  }
0x12e: {  	vm14 =	vgt.f32 v6, v62;
	v0 =	vadd.s32 v9, v8;
	v9 =	vsel vm13, $0x55, v49  }
0x12f: {  	v1 =	vadd.s32 v11, v9;
	v11 =	vsel vm14, $0x55, v49  }
0x130: {  	v57 =	vmul.f32 v4, v29;
	v2 =	vadd.s32 v12, v11;
	v12 =	vld [tilespmem:$0x1FA60]  }
0x131: {  	v18 =	vld [tilespmem:$0x1FA70]  }
0x132: {  	[tilespmem:s28+$0x87B0] =	vst v57  }
0x133: {  	v63 =	vld.idx.msk [tilespmem:v14+s2+$0x0], $0xffff;
	_ =	sdelay $0x1  }
0x134: {  	v3 =	vmul.f32 v40, v12  }
0x135: {  	v5 =	vmul.f32 v37, v18  }
0x136: {  	v19 =	vmul.f32 v55, v46;
	v3 =	vadd.f32 $3.200000000e+01, v3  }
0x137: {  	v20 =	vmul.f32 v38, v30;
	vm15 =	vgt.f32 v7, v63;
	v5 =	vadd.f32 $3.200000000e+01, v5;
	v0 =	vld.idx.msk [tilespmem:v0+s12+$0x0], $0xffff  }
0x138: {  	v6 =	vadd.f32 $3.200000000e+01, v19;
	v4 =	vsel vm15, $0x55, v49;
	v1 =	vld.idx.msk [tilespmem:v1+s12+$0x0], $0xffff;
	v22 =	vtrunc.f32 v3  }
0x139: {  	v4 =	vadd.s32 v14, v4;
	v23 =	vtrunc.f32 v5;
	v2 =	vld.idx.msk [tilespmem:v2+s12+$0x0], $0xffff;
	v8 =	vcvt.f32.s32 v22  }
0x13a: {  	v30 =	vtrunc.f32 v6;
	v9 =	vcvt.f32.s32 v23  }
0x13b: {  	v11 =	vcvt.f32.s32 v30  }
0x13c: {  	v0 =	vmul.f32 v0, v26  }
0x13d: {  	v7 =	vadd.f32 $3.200000000e+01, v20;
	v1 =	vmul.f32 v1, v27  }
0x13e: {  	v4 =	vld.idx.msk [tilespmem:v4+s12+$0x0], $0xffff;
	[tilespmem:s28+$0x81C0] =	vst v0;
	v36 =	vmul.f32 v2, v28  }
0x13f: {  	v35 =	vtrunc.f32 v7;
	[tilespmem:s28+$0x83C0] =	vst v1;
	v47 =	vld.idx.msk [tilespmem:v8+s2+$0x0], $0xffff  }
0x140: {  	v12 =	vcvt.f32.s32 v35;
	[tilespmem:s28+$0x85C0] =	vst v36;
	v48 =	vld.idx.msk [tilespmem:v9+s2+$0x0], $0xffff  }
0x141: {  	v50 =	vld.idx.msk [tilespmem:v11+s2+$0x0], $0xffff;
	_ =	sdelay $0x1  }
0x142: {  	v56 =	vld [tilespmem:$0x1FA80];
	v46 =	vmul.f32 v4, v29  }
0x143: {  	v57 =	vld [tilespmem:$0x1FA90];
	vm4 =	vgt.f32 v3, v47  }
0x144: {  	[tilespmem:s28+$0x87C0] =	vst v46;
	vm5 =	vgt.f32 v5, v48;
	v52 =	vsel vm4, $0x55, v49  }
0x145: {  	v51 =	vld.idx.msk [tilespmem:v12+s2+$0x0], $0xffff;
	vm6 =	vgt.f32 v6, v50;
	v53 =	vsel vm5, $0x55, v49;
	v0 =	vadd.s32 v8, v52  }
0x146: {  	v1 =	vadd.s32 v9, v53;
	v54 =	vsel vm6, $0x55, v49  }
0x147: {  	v2 =	vadd.s32 v11, v54;
	v3 =	vmul.f32 v40, v56  }
0x148: {  	v5 =	vmul.f32 v37, v57  }
0x149: {  	v58 =	vmul.f32 v55, v44;
	v3 =	vadd.f32 $3.200000000e+01, v3  }
0x14a: {  	vm7 =	vgt.f32 v7, v51;
	v5 =	vadd.f32 $3.200000000e+01, v5;
	v0 =	vld.idx.msk [tilespmem:v0+s12+$0x0], $0xffff  }
0x14b: {  	v6 =	vadd.f32 $3.200000000e+01, v58;
	v4 =	vsel vm7, $0x55, v49;
	v1 =	vld.idx.msk [tilespmem:v1+s12+$0x0], $0xffff;
	v62 =	vtrunc.f32 v3  }
0x14c: {  	v4 =	vadd.s32 v12, v4;
	v63 =	vtrunc.f32 v5;
	v2 =	vld.idx.msk [tilespmem:v2+s12+$0x0], $0xffff;
	v8 =	vcvt.f32.s32 v62  }
0x14d: {  	v12 =	vtrunc.f32 v6;
	v9 =	vcvt.f32.s32 v63  }
0x14e: {  	v60 =	vmul.f32 v38, v10;
	v10 =	vcvt.f32.s32 v12  }
0x14f: {  	v0 =	vmul.f32 v0, v26  }
0x150: {  	v7 =	vadd.f32 $3.200000000e+01, v60;
	v1 =	vmul.f32 v1, v27  }
0x151: {  	v4 =	vld.idx.msk [tilespmem:v4+s12+$0x0], $0xffff;
	v18 =	vmul.f32 v2, v28;
	[tilespmem:s28+$0x81D0] =	vst v0  }
0x152: {  	v14 =	vtrunc.f32 v7;
	[tilespmem:s28+$0x83D0] =	vst v1;
	v20 =	vld.idx.msk [tilespmem:v8+s2+$0x0], $0xffff  }
0x153: {  	v11 =	vcvt.f32.s32 v14;
	[tilespmem:s28+$0x85D0] =	vst v18;
	v22 =	vld.idx.msk [tilespmem:v9+s2+$0x0], $0xffff  }
0x154: {  	v23 =	vld.idx.msk [tilespmem:v10+s2+$0x0], $0xffff;
	_ =	sdelay $0x1  }
0x155: {  	v46 =	vld [tilespmem:$0x1FAA0];
	v19 =	vmul.f32 v4, v29  }
0x156: {  	v47 =	vld [tilespmem:$0x1FAB0];
	vm8 =	vgt.f32 v3, v20  }
0x157: {  	[tilespmem:s28+$0x87D0] =	vst v19;
	vm9 =	vgt.f32 v5, v22;
	v35 =	vsel vm8, $0x55, v49  }
0x158: {  	v30 =	vld.idx.msk [tilespmem:v11+s2+$0x0], $0xffff;
	vm10 =	vgt.f32 v6, v23;
	v36 =	vsel vm9, $0x55, v49;
	v0 =	vadd.s32 v8, v35  }
0x159: {  	v1 =	vadd.s32 v9, v36;
	v44 =	vsel vm10, $0x55, v49  }
0x15a: {  	v2 =	vadd.s32 v10, v44;
	v3 =	vmul.f32 v40, v46  }
0x15b: {  	v5 =	vmul.f32 v37, v47  }
0x15c: {  	v48 =	vmul.f32 v55, v43;
	v3 =	vadd.f32 $3.200000000e+01, v3  }
0x15d: {  	vm11 =	vgt.f32 v7, v30;
	v5 =	vadd.f32 $3.200000000e+01, v5;
	v0 =	vld.idx.msk [tilespmem:v0+s12+$0x0], $0xffff  }
0x15e: {  	v6 =	vadd.f32 $3.200000000e+01, v48;
	v4 =	vsel vm11, $0x55, v49;
	v1 =	vld.idx.msk [tilespmem:v1+s12+$0x0], $0xffff;
	v51 =	vtrunc.f32 v3  }
0x15f: {  	v4 =	vadd.s32 v11, v4;
	v52 =	vtrunc.f32 v5;
	v2 =	vld.idx.msk [tilespmem:v2+s12+$0x0], $0xffff;
	v8 =	vcvt.f32.s32 v51  }
0x160: {  	v53 =	vtrunc.f32 v6;
	v9 =	vcvt.f32.s32 v52  }
0x161: {  	v10 =	vcvt.f32.s32 v53  }
0x162: {  	v50 =	vmul.f32 v38, v13;
	v0 =	vmul.f32 v0, v26  }
0x163: {  	v1 =	vmul.f32 v1, v27  }
0x164: {  	v7 =	vadd.f32 $3.200000000e+01, v50;
	v4 =	vld.idx.msk [tilespmem:v4+s12+$0x0], $0xffff;
	v56 =	vmul.f32 v2, v28;
	[tilespmem:s28+$0x81E0] =	vst v0  }
0x165: {  	[tilespmem:s28+$0x83E0] =	vst v1;
	v58 =	vld.idx.msk [tilespmem:v8+s2+$0x0], $0xffff  }
0x166: {  	v54 =	vtrunc.f32 v7;
	[tilespmem:s28+$0x85E0] =	vst v56;
	v60 =	vld.idx.msk [tilespmem:v9+s2+$0x0], $0xffff  }
0x167: {  	v11 =	vcvt.f32.s32 v54;
	v62 =	vld.idx.msk [tilespmem:v10+s2+$0x0], $0xffff;
	_ =	sdelay $0x2  }
0x168: {  	v57 =	vmul.f32 v4, v29;
	vm12 =	vgt.f32 v3, v58  }
0x169: {  	vm13 =	vgt.f32 v5, v60;
	v5 =	vsel vm12, $0x55, v49  }
0x16a: {  	[tilespmem:s28+$0x87E0] =	vst v57;
	vm14 =	vgt.f32 v6, v62;
	v0 =	vadd.s32 v8, v5;
	v8 =	vsel vm13, $0x55, v49  }
0x16b: {  	v63 =	vld.idx.msk [tilespmem:v11+s2+$0x0], $0xffff;
	v1 =	vadd.s32 v9, v8;
	v9 =	vsel vm14, $0x55, v49  }
0x16c: {  	v2 =	vadd.s32 v10, v9;
	v10 =	vld [tilespmem:$0x1FAC0]  }
0x16d: {  	v12 =	vld [tilespmem:$0x1FAD0];
	_ =	sdelay $0x3  }
0x16e: {  	vm15 =	vgt.f32 v7, v63;
	v3 =	vmul.f32 v40, v10  }
0x16f: {  	v4 =	vsel vm15, $0x55, v49;
	v5 =	vmul.f32 v37, v12  }
0x170: {  	v13 =	vmul.f32 v55, v42;
	v4 =	vadd.s32 v11, v4;
	v3 =	vadd.f32 $3.200000000e+01, v3  }
0x171: {  	v5 =	vadd.f32 $3.200000000e+01, v5;
	v0 =	vld.idx.msk [tilespmem:v0+s12+$0x0], $0xffff  }
0x172: {  	v14 =	vmul.f32 v38, v17;
	v6 =	vadd.f32 $3.200000000e+01, v13;
	v1 =	vld.idx.msk [tilespmem:v1+s12+$0x0], $0xffff;
	v17 =	vtrunc.f32 v3  }
0x173: {  	v18 =	vtrunc.f32 v5;
	v2 =	vld.idx.msk [tilespmem:v2+s12+$0x0], $0xffff;
	v8 =	vcvt.f32.s32 v17  }
0x174: {  	v7 =	vadd.f32 $3.200000000e+01, v14;
	v19 =	vtrunc.f32 v6;
	v9 =	vcvt.f32.s32 v18  }
0x175: {  	v4 =	vld.idx.msk [tilespmem:v4+s12+$0x0], $0xffff;
	v10 =	vcvt.f32.s32 v19  }
0x176: {  	v20 =	vtrunc.f32 v7;
	v0 =	vmul.f32 v0, v26  }
0x177: {  	v11 =	vcvt.f32.s32 v20;
	v1 =	vmul.f32 v1, v27  }
0x178: {  	[tilespmem:s28+$0x81F0] =	vst v0;
	v22 =	vmul.f32 v2, v28  }
0x179: {  	[tilespmem:s28+$0x83F0] =	vst v1;
	v30 =	vld.idx.msk [tilespmem:v8+s2+$0x0], $0xffff  }
0x17a: {  	v23 =	vmul.f32 v4, v29;
	[tilespmem:s28+$0x85F0] =	vst v22;
	v35 =	vld.idx.msk [tilespmem:v9+s2+$0x0], $0xffff  }
0x17b: {  	v36 =	vld.idx.msk [tilespmem:v10+s2+$0x0], $0xffff  }
0x17c: {  	v47 =	vld [tilespmem:$0x1FAE0];
	[tilespmem:s28+$0x87F0] =	vst v23  }
0x17d: {  	v42 =	vld.idx.msk [tilespmem:v11+s2+$0x0], $0xffff  }
0x17e: {  	v48 =	vld [tilespmem:$0x1FAF0];
	vm4 =	vgt.f32 v3, v30  }
0x17f: {  	vm5 =	vgt.f32 v5, v35;
	v43 =	vsel vm4, $0x55, v49  }
0x180: {  	vm6 =	vgt.f32 v6, v36;
	v44 =	vsel vm5, $0x55, v49;
	v0 =	vadd.s32 v8, v43  }
0x181: {  	v1 =	vadd.s32 v9, v44;
	v46 =	vsel vm6, $0x55, v49  }
0x182: {  	vm7 =	vgt.f32 v7, v42;
	v2 =	vadd.s32 v10, v46;
	v3 =	vmul.f32 v40, v47  }
0x183: {  	v4 =	vsel vm7, $0x55, v49;
	v5 =	vmul.f32 v37, v48  }
0x184: {  	v50 =	vmul.f32 v55, v34;
	v4 =	vadd.s32 v11, v4;
	v3 =	vadd.f32 $3.200000000e+01, v3  }
0x185: {  	v5 =	vadd.f32 $3.200000000e+01, v5;
	v0 =	vld.idx.msk [tilespmem:v0+s12+$0x0], $0xffff  }
0x186: {  	v51 =	vmul.f32 v38, v21;
	v6 =	vadd.f32 $3.200000000e+01, v50;
	v1 =	vld.idx.msk [tilespmem:v1+s12+$0x0], $0xffff;
	v52 =	vtrunc.f32 v3  }
0x187: {  	v53 =	vtrunc.f32 v5;
	v2 =	vld.idx.msk [tilespmem:v2+s12+$0x0], $0xffff;
	v8 =	vcvt.f32.s32 v52  }
0x188: {  	v7 =	vadd.f32 $3.200000000e+01, v51;
	v54 =	vtrunc.f32 v6;
	v9 =	vcvt.f32.s32 v53  }
0x189: {  	v4 =	vld.idx.msk [tilespmem:v4+s12+$0x0], $0xffff;
	v10 =	vcvt.f32.s32 v54  }
0x18a: {  	v56 =	vtrunc.f32 v7;
	v0 =	vmul.f32 v0, v26  }
0x18b: {  	v11 =	vcvt.f32.s32 v56;
	v1 =	vmul.f32 v1, v27  }
0x18c: {  	v57 =	vmul.f32 v2, v28;
	[tilespmem:s28+$0x8200] =	vst v0  }
0x18d: {  	[tilespmem:s28+$0x8400] =	vst v1;
	v60 =	vld.idx.msk [tilespmem:v8+s2+$0x0], $0xffff  }
0x18e: {  	v58 =	vmul.f32 v4, v29;
	[tilespmem:s28+$0x8600] =	vst v57;
	v62 =	vld.idx.msk [tilespmem:v9+s2+$0x0], $0xffff  }
0x18f: {  	v63 =	vld.idx.msk [tilespmem:v10+s2+$0x0], $0xffff  }
0x190: {  	v18 =	vld [tilespmem:$0x1FB00];
	[tilespmem:s28+$0x8800] =	vst v58  }
0x191: {  	v12 =	vld.idx.msk [tilespmem:v11+s2+$0x0], $0xffff  }
0x192: {  	v19 =	vld [tilespmem:$0x1FB10];
	vm8 =	vgt.f32 v3, v60  }
0x193: {  	vm9 =	vgt.f32 v5, v62;
	v13 =	vsel vm8, $0x55, v49  }
0x194: {  	vm10 =	vgt.f32 v6, v63;
	v14 =	vsel vm9, $0x55, v49;
	v0 =	vadd.s32 v8, v13  }
0x195: {  	v1 =	vadd.s32 v9, v14;
	v17 =	vsel vm10, $0x55, v49  }
0x196: {  	vm11 =	vgt.f32 v7, v12;
	v2 =	vadd.s32 v10, v17;
	v3 =	vmul.f32 v40, v18  }
0x197: {  	v4 =	vsel vm11, $0x55, v49;
	v5 =	vmul.f32 v37, v19  }
0x198: {  	v20 =	vmul.f32 v55, v31;
	v4 =	vadd.s32 v11, v4;
	v3 =	vadd.f32 $3.200000000e+01, v3  }
0x199: {  	v5 =	vadd.f32 $3.200000000e+01, v5;
	v0 =	vld.idx.msk [tilespmem:v0+s12+$0x0], $0xffff  }
0x19a: {  	v21 =	vmul.f32 v38, v25;
	v6 =	vadd.f32 $3.200000000e+01, v20;
	v1 =	vld.idx.msk [tilespmem:v1+s12+$0x0], $0xffff;
	v22 =	vtrunc.f32 v3  }
0x19b: {  	v23 =	vtrunc.f32 v5;
	v2 =	vld.idx.msk [tilespmem:v2+s12+$0x0], $0xffff;
	v8 =	vcvt.f32.s32 v22  }
0x19c: {  	v7 =	vadd.f32 $3.200000000e+01, v21;
	v25 =	vtrunc.f32 v6;
	v9 =	vcvt.f32.s32 v23  }
0x19d: {  	v4 =	vld.idx.msk [tilespmem:v4+s12+$0x0], $0xffff;
	v10 =	vcvt.f32.s32 v25  }
0x19e: {  	v30 =	vtrunc.f32 v7;
	v0 =	vmul.f32 v0, v26  }
0x19f: {  	v11 =	vcvt.f32.s32 v30;
	v1 =	vmul.f32 v1, v27  }
0x1a0: {  	v31 =	vmul.f32 v2, v28;
	[tilespmem:s28+$0x8210] =	vst v0  }
0x1a1: {  	[tilespmem:s28+$0x8410] =	vst v1;
	v35 =	vld.idx.msk [tilespmem:v8+s2+$0x0], $0xffff  }
0x1a2: {  	v34 =	vmul.f32 v4, v29;
	[tilespmem:s28+$0x8610] =	vst v31;
	v36 =	vld.idx.msk [tilespmem:v9+s2+$0x0], $0xffff  }
0x1a3: {  	v42 =	vld.idx.msk [tilespmem:v10+s2+$0x0], $0xffff  }
0x1a4: {  	v48 =	vld [tilespmem:$0x1FB20];
	[tilespmem:s28+$0x8810] =	vst v34  }
0x1a5: {  	v43 =	vld.idx.msk [tilespmem:v11+s2+$0x0], $0xffff  }
0x1a6: {  	v50 =	vld [tilespmem:$0x1FB30];
	vm12 =	vgt.f32 v3, v35  }
0x1a7: {  	v51 =	vld [tilespmem:$0x1FB40];
	vm13 =	vgt.f32 v5, v36;
	v44 =	vsel vm12, $0x55, v49  }
0x1a8: {  	vm14 =	vgt.f32 v6, v42;
	v46 =	vsel vm13, $0x55, v49;
	v0 =	vadd.s32 v8, v44  }
0x1a9: {  	v1 =	vadd.s32 v9, v46;
	v47 =	vsel vm14, $0x55, v49  }
0x1aa: {  	vm15 =	vgt.f32 v7, v43;
	v2 =	vadd.s32 v10, v47;
	v3 =	vmul.f32 v40, v48  }
0x1ab: {  	v4 =	vsel vm15, $0x55, v49;
	v5 =	vmul.f32 v37, v50  }
0x1ac: {  	v4 =	vadd.s32 v11, v4;
	v6 =	vmul.f32 v55, v51;
	v3 =	vadd.f32 $3.200000000e+01, v3  }
0x1ad: {  	v5 =	vadd.f32 $3.200000000e+01, v5;
	v0 =	vld.idx.msk [tilespmem:v0+s12+$0x0], $0xffff  }
0x1ae: {  	v52 =	vmul.f32 v38, v33;
	v6 =	vadd.f32 $3.200000000e+01, v6;
	v1 =	vld.idx.msk [tilespmem:v1+s12+$0x0], $0xffff;
	v53 =	vtrunc.f32 v3  }
0x1af: {  	v54 =	vtrunc.f32 v5;
	v2 =	vld.idx.msk [tilespmem:v2+s12+$0x0], $0xffff;
	v8 =	vcvt.f32.s32 v53  }
0x1b0: {  	v7 =	vadd.f32 $3.200000000e+01, v52;
	v9 =	vcvt.f32.s32 v54;
	v56 =	vtrunc.f32 v6  }
0x1b1: {  	v4 =	vld.idx.msk [tilespmem:v4+s12+$0x0], $0xffff;
	v10 =	vcvt.f32.s32 v56  }
0x1b2: {  	v57 =	vtrunc.f32 v7;
	v0 =	vmul.f32 v0, v26  }
0x1b3: {  	v11 =	vcvt.f32.s32 v57;
	v1 =	vmul.f32 v1, v27  }
0x1b4: {  	v58 =	vmul.f32 v2, v28;
	[tilespmem:s28+$0x8220] =	vst v0  }
0x1b5: {  	[tilespmem:s28+$0x8420] =	vst v1;
	v62 =	vld.idx.msk [tilespmem:v8+s2+$0x0], $0xffff  }
0x1b6: {  	v60 =	vmul.f32 v4, v29;
	[tilespmem:s28+$0x8620] =	vst v58;
	v63 =	vld.idx.msk [tilespmem:v9+s2+$0x0], $0xffff  }
0x1b7: {  	v12 =	vld.idx.msk [tilespmem:v10+s2+$0x0], $0xffff  }
0x1b8: {  	v19 =	vld [tilespmem:$0x1FB50];
	[tilespmem:s28+$0x8820] =	vst v60  }
0x1b9: {  	v13 =	vld.idx.msk [tilespmem:v11+s2+$0x0], $0xffff  }
0x1ba: {  	v20 =	vld [tilespmem:$0x1FB60];
	vm4 =	vgt.f32 v3, v62  }
0x1bb: {  	vm5 =	vgt.f32 v5, v63;
	v14 =	vsel vm4, $0x55, v49  }
0x1bc: {  	vm6 =	vgt.f32 v6, v12;
	v17 =	vsel vm5, $0x55, v49;
	v0 =	vadd.s32 v8, v14  }
0x1bd: {  	v1 =	vadd.s32 v9, v17;
	v18 =	vsel vm6, $0x55, v49  }
0x1be: {  	vm7 =	vgt.f32 v7, v13;
	v2 =	vadd.s32 v10, v18;
	v3 =	vmul.f32 v40, v19  }
0x1bf: {  	v4 =	vsel vm7, $0x55, v49;
	v5 =	vmul.f32 v37, v20  }
0x1c0: {  	v21 =	vmul.f32 v55, v32;
	v4 =	vadd.s32 v11, v4;
	v3 =	vadd.f32 $3.200000000e+01, v3  }
0x1c1: {  	v5 =	vadd.f32 $3.200000000e+01, v5;
	v0 =	vld.idx.msk [tilespmem:v0+s12+$0x0], $0xffff  }
0x1c2: {  	v22 =	vmul.f32 v38, v41;
	v6 =	vadd.f32 $3.200000000e+01, v21;
	v1 =	vld.idx.msk [tilespmem:v1+s12+$0x0], $0xffff;
	v23 =	vtrunc.f32 v3  }
0x1c3: {  	v25 =	vtrunc.f32 v5;
	v2 =	vld.idx.msk [tilespmem:v2+s12+$0x0], $0xffff;
	v8 =	vcvt.f32.s32 v23  }
0x1c4: {  	v7 =	vadd.f32 $3.200000000e+01, v22;
	v30 =	vtrunc.f32 v6;
	v9 =	vcvt.f32.s32 v25  }
0x1c5: {  	v4 =	vld.idx.msk [tilespmem:v4+s12+$0x0], $0xffff;
	v10 =	vcvt.f32.s32 v30  }
0x1c6: {  	v31 =	vtrunc.f32 v7;
	v0 =	vmul.f32 v0, v26  }
0x1c7: {  	v11 =	vcvt.f32.s32 v31;
	v1 =	vmul.f32 v1, v27  }
0x1c8: {  	v32 =	vmul.f32 v2, v28;
	[tilespmem:s28+$0x8230] =	vst v0  }
0x1c9: {  	[tilespmem:s28+$0x8430] =	vst v1;
	v34 =	vld.idx.msk [tilespmem:v8+s2+$0x0], $0xffff  }
0x1ca: {  	v33 =	vmul.f32 v4, v29;
	[tilespmem:s28+$0x8630] =	vst v32;
	v35 =	vld.idx.msk [tilespmem:v9+s2+$0x0], $0xffff  }
0x1cb: {  	v36 =	vld.idx.msk [tilespmem:v10+s2+$0x0], $0xffff  }
0x1cc: {  	v46 =	vld [tilespmem:$0x1FB70];
	[tilespmem:s28+$0x8830] =	vst v33  }
0x1cd: {  	v41 =	vld.idx.msk [tilespmem:v11+s2+$0x0], $0xffff  }
0x1ce: {  	v47 =	vld [tilespmem:$0x1FB80];
	vm8 =	vgt.f32 v3, v34  }
0x1cf: {  	vm9 =	vgt.f32 v5, v35;
	v42 =	vsel vm8, $0x55, v49  }
0x1d0: {  	vm10 =	vgt.f32 v6, v36;
	v43 =	vsel vm9, $0x55, v49;
	v0 =	vadd.s32 v8, v42  }
0x1d1: {  	v1 =	vadd.s32 v9, v43;
	v44 =	vsel vm10, $0x55, v49  }
0x1d2: {  	vm11 =	vgt.f32 v7, v41;
	v2 =	vadd.s32 v10, v44;
	v3 =	vmul.f32 v40, v46  }
0x1d3: {  	v4 =	vsel vm11, $0x55, v49;
	v5 =	vmul.f32 v37, v47  }
0x1d4: {  	v48 =	vmul.f32 v55, v24;
	v4 =	vadd.s32 v11, v4;
	v3 =	vadd.f32 $3.200000000e+01, v3  }
0x1d5: {  	v5 =	vadd.f32 $3.200000000e+01, v5;
	v0 =	vld.idx.msk [tilespmem:v0+s12+$0x0], $0xffff  }
0x1d6: {  	v50 =	vmul.f32 v38, v45;
	v6 =	vadd.f32 $3.200000000e+01, v48;
	v1 =	vld.idx.msk [tilespmem:v1+s12+$0x0], $0xffff;
	v51 =	vtrunc.f32 v3  }
0x1d7: {  	v52 =	vtrunc.f32 v5;
	v2 =	vld.idx.msk [tilespmem:v2+s12+$0x0], $0xffff;
	v8 =	vcvt.f32.s32 v51  }
0x1d8: {  	v7 =	vadd.f32 $3.200000000e+01, v50;
	v53 =	vtrunc.f32 v6;
	v9 =	vcvt.f32.s32 v52  }
0x1d9: {  	v4 =	vld.idx.msk [tilespmem:v4+s12+$0x0], $0xffff;
	v10 =	vcvt.f32.s32 v53  }
0x1da: {  	v54 =	vtrunc.f32 v7;
	v0 =	vmul.f32 v0, v26  }
0x1db: {  	v11 =	vcvt.f32.s32 v54;
	v1 =	vmul.f32 v1, v27  }
0x1dc: {  	v56 =	vmul.f32 v2, v28;
	[tilespmem:s28+$0x8240] =	vst v0  }
0x1dd: {  	[tilespmem:s28+$0x8440] =	vst v1;
	v58 =	vld.idx.msk [tilespmem:v8+s2+$0x0], $0xffff  }
0x1de: {  	v57 =	vmul.f32 v4, v29;
	[tilespmem:s28+$0x8640] =	vst v56;
	v60 =	vld.idx.msk [tilespmem:v9+s2+$0x0], $0xffff  }
0x1df: {  	v62 =	vld.idx.msk [tilespmem:v10+s2+$0x0], $0xffff  }
0x1e0: {  	[tilespmem:s28+$0x8840] =	vst v57  }
0x1e1: {  	v63 =	vld.idx.msk [tilespmem:v11+s2+$0x0], $0xffff  }
0x1e2: {  	vm12 =	vgt.f32 v3, v58  }
0x1e3: {  	vm13 =	vgt.f32 v5, v60;
	v5 =	vsel vm12, $0x55, v49  }
0x1e4: {  	v12 =	vld [tilespmem:$0x1FBA0];
	vm14 =	vgt.f32 v6, v62;
	v0 =	vadd.s32 v8, v5;
	v8 =	vsel vm13, $0x55, v49  }
0x1e5: {  	v1 =	vadd.s32 v9, v8;
	v9 =	vsel vm14, $0x55, v49  }
0x1e6: {  	vm15 =	vgt.f32 v7, v63;
	v2 =	vadd.s32 v10, v9;
	v10 =	vld [tilespmem:$0x1FB90]  }
0x1e7: {  	v4 =	vsel vm15, $0x55, v49  }
0x1e8: {  	v13 =	vld [tilespmem:$0x1FBB0];
	v4 =	vadd.s32 v11, v4  }
0x1e9: {  	v5 =	vmul.f32 v37, v12  }
0x1ea: {  	v14 =	vmul.f32 v38, v39  }
0x1eb: {  	v5 =	vadd.f32 $3.200000000e+01, v5;
	v3 =	vmul.f32 v40, v10  }
0x1ec: {  	v7 =	vadd.f32 $3.200000000e+01, v14;
	v1 =	vld.idx.msk [tilespmem:v1+s12+$0x0], $0xffff  }
0x1ed: {  	v6 =	vmul.f32 v55, v13;
	v4 =	vld.idx.msk [tilespmem:v4+s12+$0x0], $0xffff;
	v18 =	vtrunc.f32 v5;
	v3 =	vadd.f32 $3.200000000e+01, v3  }
0x1ee: {  	v20 =	vtrunc.f32 v7;
	v0 =	vld.idx.msk [tilespmem:v0+s12+$0x0], $0xffff;
	v9 =	vcvt.f32.s32 v18  }
0x1ef: {  	v11 =	vcvt.f32.s32 v20;
	v6 =	vadd.f32 $3.200000000e+01, v6;
	v17 =	vtrunc.f32 v3  }
0x1f0: {  	v2 =	vld.idx.msk [tilespmem:v2+s12+$0x0], $0xffff;
	v8 =	vcvt.f32.s32 v17  }
0x1f1: {  	v19 =	vtrunc.f32 v6;
	v1 =	vmul.f32 v1, v27  }
0x1f2: {  	v22 =	vmul.f32 v4, v29;
	v10 =	vcvt.f32.s32 v19  }
0x1f3: {  	v0 =	vmul.f32 v0, v26;
	[tilespmem:s28+$0x8450] =	vst v1  }
0x1f4: {  	[tilespmem:s28+$0x8850] =	vst v22;
	v24 =	vld.idx.msk [tilespmem:v9+s2+$0x0], $0xffff  }
0x1f5: {  	v30 =	vld.idx.msk [tilespmem:v11+s2+$0x0], $0xffff;
	[tilespmem:s28+$0x8250] =	vst v0;
	v21 =	vmul.f32 v2, v28  }
0x1f6: {  	v23 =	vld.idx.msk [tilespmem:v8+s2+$0x0], $0xffff  }
0x1f7: {  	v35 =	vld [tilespmem:$0x1FBD0];
	[tilespmem:s28+$0x8650] =	vst v21  }
0x1f8: {  	v25 =	vld.idx.msk [tilespmem:v10+s2+$0x0], $0xffff  }
0x1f9: {  	vm5 =	vgt.f32 v5, v24  }
0x1fa: {  	v34 =	vld [tilespmem:$0x1FBC0];
	vm7 =	vgt.f32 v7, v30;
	v32 =	vsel vm5, $0x55, v49  }
0x1fb: {  	v4 =	vsel vm7, $0x55, v49;
	v1 =	vadd.s32 v9, v32;
	vm4 =	vgt.f32 v3, v23  }
0x1fc: {  	v36 =	vld [tilespmem:$0x1FBE0];
	v4 =	vadd.s32 v11, v4;
	v31 =	vsel vm4, $0x55, v49  }
0x1fd: {  	v5 =	vmul.f32 v37, v35;
	vm6 =	vgt.f32 v6, v25;
	v0 =	vadd.s32 v8, v31  }
0x1fe: {  	v39 =	vmul.f32 v38, v59;
	v33 =	vsel vm6, $0x55, v49  }
0x1ff: {  	v5 =	vadd.f32 $3.200000000e+01, v5;
	v2 =	vadd.s32 v10, v33;
	v3 =	vmul.f32 v40, v34  }
0x200: {  	v7 =	vadd.f32 $3.200000000e+01, v39;
	v1 =	vld.idx.msk [tilespmem:v1+s12+$0x0], $0xffff  }
0x201: {  	v4 =	vld.idx.msk [tilespmem:v4+s12+$0x0], $0xffff;
	v6 =	vmul.f32 v55, v36;
	v42 =	vtrunc.f32 v5;
	v3 =	vadd.f32 $3.200000000e+01, v3  }
0x202: {  	v44 =	vtrunc.f32 v7;
	v9 =	vcvt.f32.s32 v42;
	v0 =	vld.idx.msk [tilespmem:v0+s12+$0x0], $0xffff  }
0x203: {  	v11 =	vcvt.f32.s32 v44;
	v6 =	vadd.f32 $3.200000000e+01, v6;
	v41 =	vtrunc.f32 v3  }
0x204: {  	v2 =	vld.idx.msk [tilespmem:v2+s12+$0x0], $0xffff;
	v8 =	vcvt.f32.s32 v41  }
0x205: {  	v43 =	vtrunc.f32 v6;
	v1 =	vmul.f32 v1, v27  }
0x206: {  	v46 =	vmul.f32 v4, v29;
	v10 =	vcvt.f32.s32 v43  }
0x207: {  	[tilespmem:s28+$0x8460] =	vst v1;
	v0 =	vmul.f32 v0, v26  }
0x208: {  	[tilespmem:s28+$0x8860] =	vst v46;
	v48 =	vld.idx.msk [tilespmem:v9+s2+$0x0], $0xffff  }
0x209: {  	v51 =	vld.idx.msk [tilespmem:v11+s2+$0x0], $0xffff;
	v45 =	vmul.f32 v2, v28;
	[tilespmem:s28+$0x8260] =	vst v0  }
0x20a: {  	v47 =	vld.idx.msk [tilespmem:v8+s2+$0x0], $0xffff  }
0x20b: {  	v57 =	vld [tilespmem:$0x1FC00];
	[tilespmem:s28+$0x8660] =	vst v45  }
0x20c: {  	v50 =	vld.idx.msk [tilespmem:v10+s2+$0x0], $0xffff  }
0x20d: {  	vm9 =	vgt.f32 v5, v48  }
0x20e: {  	v56 =	vld [tilespmem:$0x1FBF0];
	vm11 =	vgt.f32 v7, v51;
	v53 =	vsel vm9, $0x55, v49  }
0x20f: {  	v4 =	vsel vm11, $0x55, v49;
	v1 =	vadd.s32 v9, v53;
	vm8 =	vgt.f32 v3, v47  }
0x210: {  	v58 =	vld [tilespmem:$0x1FC10];
	v4 =	vadd.s32 v11, v4;
	v52 =	vsel vm8, $0x55, v49  }
0x211: {  	v5 =	vmul.f32 v37, v57;
	vm10 =	vgt.f32 v6, v50;
	v0 =	vadd.s32 v8, v52  }
0x212: {  	v59 =	vmul.f32 v38, v16;
	v54 =	vsel vm10, $0x55, v49  }
0x213: {  	v5 =	vadd.f32 $3.200000000e+01, v5;
	v2 =	vadd.s32 v10, v54;
	v3 =	vmul.f32 v40, v56  }
0x214: {  	v7 =	vadd.f32 $3.200000000e+01, v59;
	v1 =	vld.idx.msk [tilespmem:v1+s12+$0x0], $0xffff  }
0x215: {  	v4 =	vld.idx.msk [tilespmem:v4+s12+$0x0], $0xffff;
	v6 =	vmul.f32 v55, v58;
	v62 =	vtrunc.f32 v5;
	v3 =	vadd.f32 $3.200000000e+01, v3  }
0x216: {  	v12 =	vtrunc.f32 v7;
	v9 =	vcvt.f32.s32 v62;
	v0 =	vld.idx.msk [tilespmem:v0+s12+$0x0], $0xffff  }
0x217: {  	v11 =	vcvt.f32.s32 v12;
	v6 =	vadd.f32 $3.200000000e+01, v6;
	v60 =	vtrunc.f32 v3  }
0x218: {  	v2 =	vld.idx.msk [tilespmem:v2+s12+$0x0], $0xffff;
	v8 =	vcvt.f32.s32 v60  }
0x219: {  	v63 =	vtrunc.f32 v6;
	v1 =	vmul.f32 v1, v27  }
0x21a: {  	v14 =	vmul.f32 v4, v29;
	v10 =	vcvt.f32.s32 v63  }
0x21b: {  	[tilespmem:s28+$0x8470] =	vst v1;
	v0 =	vmul.f32 v0, v26  }
0x21c: {  	[tilespmem:s28+$0x8870] =	vst v14;
	v17 =	vld.idx.msk [tilespmem:v9+s2+$0x0], $0xffff  }
0x21d: {  	v19 =	vld.idx.msk [tilespmem:v11+s2+$0x0], $0xffff;
	v13 =	vmul.f32 v2, v28;
	[tilespmem:s28+$0x8270] =	vst v0  }
0x21e: {  	v16 =	vld.idx.msk [tilespmem:v8+s2+$0x0], $0xffff  }
0x21f: {  	v24 =	vld [tilespmem:$0x1FC30];
	[tilespmem:s28+$0x8670] =	vst v13  }
0x220: {  	v18 =	vld.idx.msk [tilespmem:v10+s2+$0x0], $0xffff  }
0x221: {  	vm13 =	vgt.f32 v5, v17  }
0x222: {  	v23 =	vld [tilespmem:$0x1FC20];
	vm15 =	vgt.f32 v7, v19;
	v21 =	vsel vm13, $0x55, v49  }
0x223: {  	v4 =	vsel vm15, $0x55, v49;
	v1 =	vadd.s32 v9, v21;
	vm12 =	vgt.f32 v3, v16  }
0x224: {  	v25 =	vld [tilespmem:$0x1FC40];
	v4 =	vadd.s32 v11, v4;
	v20 =	vsel vm12, $0x55, v49  }
0x225: {  	v5 =	vmul.f32 v37, v24;
	vm14 =	vgt.f32 v6, v18;
	v0 =	vadd.s32 v8, v20  }
0x226: {  	v30 =	vmul.f32 v38, v15;
	v22 =	vsel vm14, $0x55, v49  }
0x227: {  	v5 =	vadd.f32 $3.200000000e+01, v5;
	v2 =	vadd.s32 v10, v22;
	v3 =	vmul.f32 v40, v23  }
0x228: {  	v7 =	vadd.f32 $3.200000000e+01, v30;
	v1 =	vld.idx.msk [tilespmem:v1+s12+$0x0], $0xffff  }
0x229: {  	v4 =	vld.idx.msk [tilespmem:v4+s12+$0x0], $0xffff;
	v6 =	vmul.f32 v55, v25;
	v32 =	vtrunc.f32 v5;
	v3 =	vadd.f32 $3.200000000e+01, v3  }
0x22a: {  	v34 =	vtrunc.f32 v7;
	v9 =	vcvt.f32.s32 v32;
	v0 =	vld.idx.msk [tilespmem:v0+s12+$0x0], $0xffff  }
0x22b: {  	v11 =	vcvt.f32.s32 v34;
	v6 =	vadd.f32 $3.200000000e+01, v6;
	v31 =	vtrunc.f32 v3  }
0x22c: {  	v2 =	vld.idx.msk [tilespmem:v2+s12+$0x0], $0xffff;
	v8 =	vcvt.f32.s32 v31  }
0x22d: {  	v33 =	vtrunc.f32 v6;
	v1 =	vmul.f32 v1, v27  }
0x22e: {  	v36 =	vmul.f32 v4, v29;
	v10 =	vcvt.f32.s32 v33  }
0x22f: {  	[tilespmem:s28+$0x8480] =	vst v1;
	v0 =	vmul.f32 v0, v26  }
0x230: {  	[tilespmem:s28+$0x8880] =	vst v36;
	v41 =	vld.idx.msk [tilespmem:v9+s2+$0x0], $0xffff  }
0x231: {  	v43 =	vld.idx.msk [tilespmem:v11+s2+$0x0], $0xffff;
	v35 =	vmul.f32 v2, v28;
	[tilespmem:s28+$0x8280] =	vst v0  }
0x232: {  	v39 =	vld.idx.msk [tilespmem:v8+s2+$0x0], $0xffff  }
0x233: {  	v48 =	vld [tilespmem:$0x1FC60];
	[tilespmem:s28+$0x8680] =	vst v35  }
0x234: {  	v42 =	vld.idx.msk [tilespmem:v10+s2+$0x0], $0xffff  }
0x235: {  	v51 =	vld [tilespmem:$0x1FC80];
	vm5 =	vgt.f32 v5, v41  }
0x236: {  	v47 =	vld [tilespmem:$0x1FC50];
	vm7 =	vgt.f32 v7, v43;
	v45 =	vsel vm5, $0x55, v49  }
0x237: {  	v4 =	vsel vm7, $0x55, v49;
	v1 =	vadd.s32 v9, v45;
	vm4 =	vgt.f32 v3, v39  }
0x238: {  	v50 =	vld [tilespmem:$0x1FC70];
	v4 =	vadd.s32 v11, v4;
	v44 =	vsel vm4, $0x55, v49  }
0x239: {  	v5 =	vmul.f32 v37, v48;
	vm6 =	vgt.f32 v6, v42;
	v0 =	vadd.s32 v8, v44  }
0x23a: {  	v7 =	vmul.f32 v38, v51;
	v46 =	vsel vm6, $0x55, v49  }
0x23b: {  	v5 =	vadd.f32 $3.200000000e+01, v5;
	v2 =	vadd.s32 v10, v46;
	v3 =	vmul.f32 v40, v47  }
0x23c: {  	v7 =	vadd.f32 $3.200000000e+01, v7;
	v1 =	vld.idx.msk [tilespmem:v1+s12+$0x0], $0xffff  }
0x23d: {  	v4 =	vld.idx.msk [tilespmem:v4+s12+$0x0], $0xffff;
	v6 =	vmul.f32 v55, v50;
	v53 =	vtrunc.f32 v5;
	v3 =	vadd.f32 $3.200000000e+01, v3  }
0x23e: {  	v56 =	vtrunc.f32 v7;
	v9 =	vcvt.f32.s32 v53;
	v0 =	vld.idx.msk [tilespmem:v0+s12+$0x0], $0xffff  }
0x23f: {  	v11 =	vcvt.f32.s32 v56;
	v6 =	vadd.f32 $3.200000000e+01, v6;
	v52 =	vtrunc.f32 v3  }
0x240: {  	v2 =	vld.idx.msk [tilespmem:v2+s12+$0x0], $0xffff;
	v8 =	vcvt.f32.s32 v52  }
0x241: {  	v54 =	vtrunc.f32 v6;
	v1 =	vmul.f32 v1, v27  }
0x242: {  	v58 =	vmul.f32 v4, v29;
	v10 =	vcvt.f32.s32 v54  }
0x243: {  	v15 =	vld [tilespmem:$0x1FCA0];
	[tilespmem:s28+$0x8490] =	vst v1;
	v0 =	vmul.f32 v0, v26  }
0x244: {  	[tilespmem:s28+$0x8890] =	vst v58;
	v60 =	vld.idx.msk [tilespmem:v9+s2+$0x0], $0xffff  }
0x245: {  	v63 =	vld.idx.msk [tilespmem:v11+s2+$0x0], $0xffff;
	v57 =	vmul.f32 v2, v28;
	[tilespmem:s28+$0x8290] =	vst v0  }
0x246: {  	v59 =	vld.idx.msk [tilespmem:v8+s2+$0x0], $0xffff  }
0x247: {  	v17 =	vld [tilespmem:$0x1FCC0];
	[tilespmem:s28+$0x8690] =	vst v57  }
0x248: {  	v62 =	vld.idx.msk [tilespmem:v10+s2+$0x0], $0xffff  }
0x249: {  	vm9 =	vgt.f32 v5, v60  }
0x24a: {  	v14 =	vld [tilespmem:$0x1FC90];
	vm11 =	vgt.f32 v7, v63;
	v12 =	vsel vm9, $0x55, v49  }
0x24b: {  	v16 =	vld [tilespmem:$0x1FCB0];
	v4 =	vsel vm11, $0x55, v49;
	v1 =	vadd.s32 v9, v12;
	vm8 =	vgt.f32 v3, v59  }
0x24c: {  	v7 =	vmul.f32 v38, v17;
	v4 =	vadd.s32 v11, v4;
	v5 =	vsel vm8, $0x55, v49  }
0x24d: {  	vm10 =	vgt.f32 v6, v62;
	v0 =	vadd.s32 v8, v5;
	v5 =	vmul.f32 v37, v15  }
0x24e: {  	v13 =	vsel vm10, $0x55, v49  }
0x24f: {  	v7 =	vadd.f32 $3.200000000e+01, v7;
	v2 =	vadd.s32 v10, v13;
	v5 =	vadd.f32 $3.200000000e+01, v5  }
0x250: {  	v6 =	vmul.f32 v55, v16;
	v3 =	vmul.f32 v40, v14;
	v1 =	vld.idx.msk [tilespmem:v1+s12+$0x0], $0xffff  }
0x251: {  	v21 =	vtrunc.f32 v7;
	v4 =	vld.idx.msk [tilespmem:v4+s12+$0x0], $0xffff;
	v19 =	vtrunc.f32 v5  }
0x252: {  	v6 =	vadd.f32 $3.200000000e+01, v6;
	v3 =	vadd.f32 $3.200000000e+01, v3;
	v9 =	vcvt.f32.s32 v19  }
0x253: {  	v11 =	vcvt.f32.s32 v21;
	v0 =	vld.idx.msk [tilespmem:v0+s12+$0x0], $0xffff  }
0x254: {  	v20 =	vtrunc.f32 v6;
	v18 =	vtrunc.f32 v3;
	v2 =	vld.idx.msk [tilespmem:v2+s12+$0x0], $0xffff  }
0x255: {  	v8 =	vcvt.f32.s32 v18;
	v1 =	vmul.f32 v1, v27  }
0x256: {  	v23 =	vmul.f32 v4, v29;
	v10 =	vcvt.f32.s32 v20  }
0x257: {  	v36 =	vld [tilespmem:$0x1FCE0];
	[tilespmem:s28+$0x84A0] =	vst v1  }
0x258: {  	[tilespmem:s28+$0x88A0] =	vst v23;
	v0 =	vmul.f32 v0, v26;
	v25 =	vld.idx.msk [tilespmem:v9+s2+$0x0], $0xffff  }
0x259: {  	v31 =	vld.idx.msk [tilespmem:v11+s2+$0x0], $0xffff;
	v22 =	vmul.f32 v2, v28  }
0x25a: {  	v41 =	vld [tilespmem:$0x1FD00];
	[tilespmem:s28+$0x82A0] =	vst v0  }
0x25b: {  	[tilespmem:s28+$0x86A0] =	vst v22;
	v24 =	vld.idx.msk [tilespmem:v8+s2+$0x0], $0xffff  }
0x25c: {  	v30 =	vld.idx.msk [tilespmem:v10+s2+$0x0], $0xffff  }
0x25d: {  	vm13 =	vgt.f32 v5, v25  }
0x25e: {  	v35 =	vld [tilespmem:$0x1FCD0];
	vm15 =	vgt.f32 v7, v31;
	v33 =	vsel vm13, $0x55, v49  }
0x25f: {  	v39 =	vld [tilespmem:$0x1FCF0];
	v4 =	vsel vm15, $0x55, v49;
	v1 =	vadd.s32 v9, v33  }
0x260: {  	v7 =	vmul.f32 v38, v41;
	v4 =	vadd.s32 v11, v4;
	vm12 =	vgt.f32 v3, v24  }
0x261: {  	vm14 =	vgt.f32 v6, v30;
	v5 =	vmul.f32 v37, v36;
	v32 =	vsel vm12, $0x55, v49  }
0x262: {  	v34 =	vsel vm14, $0x55, v49;
	v0 =	vadd.s32 v8, v32  }
0x263: {  	v7 =	vadd.f32 $3.200000000e+01, v7;
	v2 =	vadd.s32 v10, v34;
	v5 =	vadd.f32 $3.200000000e+01, v5  }
0x264: {  	v6 =	vmul.f32 v55, v39;
	v3 =	vmul.f32 v40, v35;
	v1 =	vld.idx.msk [tilespmem:v1+s12+$0x0], $0xffff  }
0x265: {  	v45 =	vtrunc.f32 v7;
	v43 =	vtrunc.f32 v5  }
0x266: {  	v4 =	vld.idx.msk [tilespmem:v4+s12+$0x0], $0xffff;
	v6 =	vadd.f32 $3.200000000e+01, v6;
	v3 =	vadd.f32 $3.200000000e+01, v3;
	v9 =	vcvt.f32.s32 v43  }
0x267: {  	v11 =	vcvt.f32.s32 v45;
	v0 =	vld.idx.msk [tilespmem:v0+s12+$0x0], $0xffff  }
0x268: {  	v44 =	vtrunc.f32 v6;
	v42 =	vtrunc.f32 v3;
	v2 =	vld.idx.msk [tilespmem:v2+s12+$0x0], $0xffff  }
0x269: {  	v8 =	vcvt.f32.s32 v42;
	v1 =	vmul.f32 v1, v27  }
0x26a: {  	v10 =	vcvt.f32.s32 v44  }
0x26b: {  	v48 =	vmul.f32 v4, v29;
	[tilespmem:s28+$0x84B0] =	vst v1  }
0x26c: {  	v0 =	vmul.f32 v0, v26;
	v50 =	vld.idx.msk [tilespmem:v9+s2+$0x0], $0xffff  }
0x26d: {  	v58 =	vld [tilespmem:$0x1FD20];
	[tilespmem:s28+$0x88B0] =	vst v48;
	v46 =	vmul.f32 v2, v28  }
0x26e: {  	v1 =	vld.idx.msk [tilespmem:v11+s2+$0x0], $0xffff;
	[tilespmem:s28+$0x82B0] =	vst v0  }
0x26f: {  	[tilespmem:s28+$0x86B0] =	vst v46;
	v47 =	vld.idx.msk [tilespmem:v8+s2+$0x0], $0xffff  }
0x270: {  	v0 =	vld.idx.msk [tilespmem:v10+s2+$0x0], $0xffff  }
0x271: {  	v56 =	vld [tilespmem:$0x1FD10];
	vm5 =	vgt.f32 v5, v50  }
0x272: {  	v60 =	vld [tilespmem:$0x1FD40];
	v51 =	vsel vm5, $0x55, v49  }
0x273: {  	vm7 =	vgt.f32 v7, v1;
	v53 =	vadd.s32 v9, v51  }
0x274: {  	v59 =	vld [tilespmem:$0x1FD30];
	v57 =	vsel vm7, $0x55, v49;
	v5 =	vmul.f32 v37, v58;
	vm4 =	vgt.f32 v3, v47  }
0x275: {  	vm6 =	vgt.f32 v6, v0;
	v4 =	vadd.s32 v11, v57;
	v2 =	vsel vm4, $0x55, v49  }
0x276: {  	v1 =	vmul.f32 v40, v56;
	v54 =	vsel vm6, $0x55, v49;
	v52 =	vadd.s32 v8, v2  }
0x277: {  	v7 =	vmul.f32 v38, v60;
	v5 =	vadd.f32 $3.200000000e+01, v5;
	v3 =	vadd.s32 v10, v54  }
0x278: {  	v1 =	vadd.f32 $3.200000000e+01, v1;
	v2 =	vld.idx.msk [tilespmem:v53+s12+$0x0], $0xffff  }
0x279: {  	v6 =	vmul.f32 v55, v59;
	v7 =	vadd.f32 $3.200000000e+01, v7;
	v63 =	vtrunc.f32 v5  }
0x27a: {  	v9 =	vcvt.f32.s32 v63;
	v4 =	vld.idx.msk [tilespmem:v4+s12+$0x0], $0xffff  }
0x27b: {  	v62 =	vtrunc.f32 v1;
	v6 =	vadd.f32 $3.200000000e+01, v6;
	v13 =	vtrunc.f32 v7;
	v0 =	vld.idx.msk [tilespmem:v52+s12+$0x0], $0xffff  }
0x27c: {  	v8 =	vcvt.f32.s32 v62;
	v11 =	vcvt.f32.s32 v13;
	v3 =	vld.idx.msk [tilespmem:v3+s12+$0x0], $0xffff  }
0x27d: {  	v12 =	vtrunc.f32 v6;
	v2 =	vmul.f32 v2, v27  }
0x27e: {  	v10 =	vcvt.f32.s32 v12  }
0x27f: {  	v16 =	vmul.f32 v4, v29;
	[tilespmem:s28+$0x84C0] =	vst v2  }
0x280: {  	v0 =	vmul.f32 v0, v26;
	v17 =	vld.idx.msk [tilespmem:v9+s2+$0x0], $0xffff  }
0x281: {  	v24 =	vld [tilespmem:$0x1FD60];
	v14 =	vmul.f32 v3, v28;
	[tilespmem:s28+$0x88C0] =	vst v16  }
0x282: {  	v2 =	vld.idx.msk [tilespmem:v11+s2+$0x0], $0xffff;
	[tilespmem:s28+$0x82C0] =	vst v0  }
0x283: {  	[tilespmem:s28+$0x86C0] =	vst v14;
	v15 =	vld.idx.msk [tilespmem:v8+s2+$0x0], $0xffff  }
0x284: {  	v0 =	vld.idx.msk [tilespmem:v10+s2+$0x0], $0xffff  }
0x285: {  	v22 =	vld [tilespmem:$0x1FD50];
	vm9 =	vgt.f32 v5, v17  }
0x286: {  	v30 =	vld [tilespmem:$0x1FD80];
	v18 =	vsel vm9, $0x55, v49  }
0x287: {  	vm11 =	vgt.f32 v7, v2;
	v20 =	vadd.s32 v9, v18  }
0x288: {  	v25 =	vld [tilespmem:$0x1FD70];
	v23 =	vsel vm11, $0x55, v49;
	v5 =	vmul.f32 v37, v24;
	vm8 =	vgt.f32 v1, v15  }
0x289: {  	vm10 =	vgt.f32 v6, v0;
	v4 =	vadd.s32 v11, v23;
	v1 =	vsel vm8, $0x55, v49  }
0x28a: {  	v2 =	vmul.f32 v40, v22;
	v21 =	vsel vm10, $0x55, v49;
	v19 =	vadd.s32 v8, v1  }
0x28b: {  	v7 =	vmul.f32 v38, v30;
	v5 =	vadd.f32 $3.200000000e+01, v5;
	v3 =	vadd.s32 v10, v21  }
0x28c: {  	v2 =	vadd.f32 $3.200000000e+01, v2;
	v1 =	vld.idx.msk [tilespmem:v20+s12+$0x0], $0xffff  }
0x28d: {  	v6 =	vmul.f32 v55, v25;
	v7 =	vadd.f32 $3.200000000e+01, v7;
	v32 =	vtrunc.f32 v5  }
0x28e: {  	v9 =	vcvt.f32.s32 v32;
	v4 =	vld.idx.msk [tilespmem:v4+s12+$0x0], $0xffff  }
0x28f: {  	v31 =	vtrunc.f32 v2;
	v6 =	vadd.f32 $3.200000000e+01, v6;
	v34 =	vtrunc.f32 v7;
	v0 =	vld.idx.msk [tilespmem:v19+s12+$0x0], $0xffff  }
0x290: {  	v8 =	vcvt.f32.s32 v31;
	v11 =	vcvt.f32.s32 v34;
	v3 =	vld.idx.msk [tilespmem:v3+s12+$0x0], $0xffff  }
0x291: {  	v33 =	vtrunc.f32 v6;
	v1 =	vmul.f32 v1, v27  }
0x292: {  	v10 =	vcvt.f32.s32 v33  }
0x293: {  	v39 =	vmul.f32 v4, v29;
	[tilespmem:s28+$0x84D0] =	vst v1  }
0x294: {  	v0 =	vmul.f32 v0, v26;
	v41 =	vld.idx.msk [tilespmem:v9+s2+$0x0], $0xffff  }
0x295: {  	v48 =	vld [tilespmem:$0x1FDA0];
	v35 =	vmul.f32 v3, v28;
	[tilespmem:s28+$0x88D0] =	vst v39  }
0x296: {  	v1 =	vld.idx.msk [tilespmem:v11+s2+$0x0], $0xffff;
	[tilespmem:s28+$0x82D0] =	vst v0  }
0x297: {  	[tilespmem:s28+$0x86D0] =	vst v35;
	v36 =	vld.idx.msk [tilespmem:v8+s2+$0x0], $0xffff  }
0x298: {  	v0 =	vld.idx.msk [tilespmem:v10+s2+$0x0], $0xffff  }
0x299: {  	v46 =	vld [tilespmem:$0x1FD90];
	vm13 =	vgt.f32 v5, v41  }
0x29a: {  	v42 =	vsel vm13, $0x55, v49  }
0x29b: {  	v44 =	vadd.s32 v9, v42  }
0x29c: {  	v50 =	vld [tilespmem:$0x1FDB0];
	vm15 =	vgt.f32 v7, v1;
	vm12 =	vgt.f32 v2, v36  }
0x29d: {  	v51 =	vld [tilespmem:$0x1FDC0];
	v5 =	vmul.f32 v37, v48;
	vm14 =	vgt.f32 v6, v0;
	v2 =	vsel vm12, $0x55, v49  }
0x29e: {  	v1 =	vmul.f32 v40, v46;
	v45 =	vsel vm14, $0x55, v49;
	v43 =	vadd.s32 v8, v2  }
0x29f: {  	v47 =	vsel vm15, $0x55, v49;
	v5 =	vadd.f32 $3.200000000e+01, v5;
	v3 =	vadd.s32 v10, v45  }
0x2a0: {  	v4 =	vadd.s32 v11, v47;
	v2 =	vld.idx.msk [tilespmem:v44+s12+$0x0], $0xffff  }
0x2a1: {  	v1 =	vadd.f32 $3.200000000e+01, v1;
	v6 =	vmul.f32 v55, v50;
	v53 =	vtrunc.f32 v5  }
0x2a2: {  	v7 =	vmul.f32 v38, v51;
	v9 =	vcvt.f32.s32 v53  }
0x2a3: {  	v52 =	vtrunc.f32 v1;
	v6 =	vadd.f32 $3.200000000e+01, v6;
	v0 =	vld.idx.msk [tilespmem:v43+s12+$0x0], $0xffff  }
0x2a4: {  	v7 =	vadd.f32 $3.200000000e+01, v7;
	v8 =	vcvt.f32.s32 v52;
	v3 =	vld.idx.msk [tilespmem:v3+s12+$0x0], $0xffff  }
0x2a5: {  	v54 =	vtrunc.f32 v6;
	v4 =	vld.idx.msk [tilespmem:v4+s12+$0x0], $0xffff;
	v2 =	vmul.f32 v2, v27  }
0x2a6: {  	v56 =	vtrunc.f32 v7;
	v10 =	vcvt.f32.s32 v54  }
0x2a7: {  	v11 =	vcvt.f32.s32 v56;
	[tilespmem:s28+$0x84E0] =	vst v2  }
0x2a8: {  	v0 =	vmul.f32 v0, v26;
	v60 =	vld.idx.msk [tilespmem:v9+s2+$0x0], $0xffff  }
0x2a9: {  	v57 =	vmul.f32 v3, v28  }
0x2aa: {  	v59 =	vmul.f32 v4, v29;
	[tilespmem:s28+$0x82E0] =	vst v0  }
0x2ab: {  	[tilespmem:s28+$0x86E0] =	vst v57;
	v58 =	vld.idx.msk [tilespmem:v8+s2+$0x0], $0xffff  }
0x2ac: {  	[tilespmem:s28+$0x88E0] =	vst v59;
	v0 =	vld.idx.msk [tilespmem:v10+s2+$0x0], $0xffff  }
0x2ad: {  	v2 =	vld.idx.msk [tilespmem:v11+s2+$0x0], $0xffff;
	vm5 =	vgt.f32 v5, v60  }
0x2ae: {  	v12 =	vld [tilespmem:$0x1FDE0];
	v62 =	vsel vm5, $0x55, v49  }
0x2af: {  	v63 =	vadd.s32 v9, v62;
	v9 =	vld [tilespmem:$0x1FDD0]  }
0x2b0: {  	v13 =	vld [tilespmem:$0x1FDF0];
	vm4 =	vgt.f32 v1, v58  }
0x2b1: {  	v14 =	vld [tilespmem:$0x1FE00];
	vm6 =	vgt.f32 v6, v0;
	v1 =	vsel vm4, $0x55, v49  }
0x2b2: {  	vm7 =	vgt.f32 v7, v2;
	v1 =	vadd.s32 v8, v1;
	v8 =	vsel vm6, $0x55, v49  }
0x2b3: {  	v5 =	vmul.f32 v37, v12;
	v3 =	vadd.s32 v10, v8;
	v10 =	vsel vm7, $0x55, v49  }
0x2b4: {  	v4 =	vadd.s32 v11, v10;
	v2 =	vmul.f32 v40, v9  }
0x2b5: {  	v6 =	vmul.f32 v55, v13;
	v5 =	vadd.f32 $3.200000000e+01, v5  }
0x2b6: {  	v7 =	vmul.f32 v38, v14;
	v0 =	vld.idx.msk [tilespmem:v63+s12+$0x0], $0xffff;
	v2 =	vadd.f32 $3.200000000e+01, v2  }
0x2b7: {  	v6 =	vadd.f32 $3.200000000e+01, v6;
	v16 =	vtrunc.f32 v5;
	v1 =	vld.idx.msk [tilespmem:v1+s12+$0x0], $0xffff  }
0x2b8: {  	v7 =	vadd.f32 $3.200000000e+01, v7;
	v9 =	vcvt.f32.s32 v16;
	v3 =	vld.idx.msk [tilespmem:v3+s12+$0x0], $0xffff;
	v15 =	vtrunc.f32 v2  }
0x2b9: {  	v17 =	vtrunc.f32 v6;
	v4 =	vld.idx.msk [tilespmem:v4+s12+$0x0], $0xffff;
	v8 =	vcvt.f32.s32 v15  }
0x2ba: {  	v18 =	vtrunc.f32 v7;
	v10 =	vcvt.f32.s32 v17  }
0x2bb: {  	v11 =	vcvt.f32.s32 v18;
	v0 =	vmul.f32 v0, v27  }
0x2bc: {  	v1 =	vmul.f32 v1, v26  }
0x2bd: {  	[tilespmem:s28+$0x84F0] =	vst v0;
	v19 =	vmul.f32 v3, v28  }
0x2be: {  	v22 =	vld.idx.msk [tilespmem:v9+s2+$0x0], $0xffff;
	[tilespmem:s28+$0x82F0] =	vst v1;
	v21 =	vmul.f32 v4, v29  }
0x2bf: {  	[tilespmem:s28+$0x86F0] =	vst v19;
	v20 =	vld.idx.msk [tilespmem:v8+s2+$0x0], $0xffff  }
0x2c0: {  	v1 =	vld.idx.msk [tilespmem:v10+s2+$0x0], $0xffff;
	[tilespmem:s28+$0x88F0] =	vst v21  }
0x2c1: {  	v0 =	vld.idx.msk [tilespmem:v11+s2+$0x0], $0xffff  }
0x2c2: {  	v32 =	vld [tilespmem:$0x1FE20]  }
0x2c3: {  	v30 =	vld [tilespmem:$0x1FE10];
	vm9 =	vgt.f32 v5, v22  }
0x2c4: {  	v33 =	vld [tilespmem:$0x1FE30];
	v23 =	vsel vm9, $0x55, v49;
	vm8 =	vgt.f32 v2, v20  }
0x2c5: {  	v24 =	vadd.s32 v9, v23;
	vm10 =	vgt.f32 v6, v1;
	v2 =	vsel vm8, $0x55, v49  }
0x2c6: {  	v25 =	vsel vm10, $0x55, v49;
	vm11 =	vgt.f32 v7, v0;
	v2 =	vadd.s32 v8, v2  }
0x2c7: {  	v5 =	vmul.f32 v37, v32;
	v3 =	vadd.s32 v10, v25;
	v31 =	vsel vm11, $0x55, v49  }
0x2c8: {  	v0 =	vmul.f32 v40, v30;
	v4 =	vadd.s32 v11, v31  }
0x2c9: {  	v5 =	vadd.f32 $3.200000000e+01, v5;
	v6 =	vmul.f32 v55, v33  }
0x2ca: {  	v34 =	vmul.f32 v38, v61;
	v0 =	vadd.f32 $3.200000000e+01, v0;
	v1 =	vld.idx.msk [tilespmem:v24+s12+$0x0], $0xffff  }
0x2cb: {  	v36 =	vtrunc.f32 v5;
	v6 =	vadd.f32 $3.200000000e+01, v6;
	v2 =	vld.idx.msk [tilespmem:v2+s12+$0x0], $0xffff  }
0x2cc: {  	v7 =	vadd.f32 $3.200000000e+01, v34;
	v9 =	vcvt.f32.s32 v36;
	v35 =	vtrunc.f32 v0;
	v3 =	vld.idx.msk [tilespmem:v3+s12+$0x0], $0xffff  }
0x2cd: {  	v39 =	vtrunc.f32 v6;
	v8 =	vcvt.f32.s32 v35;
	v4 =	vld.idx.msk [tilespmem:v4+s12+$0x0], $0xffff  }
0x2ce: {  	v41 =	vtrunc.f32 v7;
	v10 =	vcvt.f32.s32 v39  }
0x2cf: {  	v11 =	vcvt.f32.s32 v41;
	v1 =	vmul.f32 v1, v27  }
0x2d0: {  	v2 =	vmul.f32 v2, v26  }
0x2d1: {  	[tilespmem:s28+$0x8500] =	vst v1;
	v42 =	vmul.f32 v3, v28  }
0x2d2: {  	v45 =	vld.idx.msk [tilespmem:v9+s2+$0x0], $0xffff;
	v44 =	vmul.f32 v4, v29;
	[tilespmem:s28+$0x8300] =	vst v2  }
0x2d3: {  	[tilespmem:s28+$0x8700] =	vst v42;
	v43 =	vld.idx.msk [tilespmem:v8+s2+$0x0], $0xffff  }
0x2d4: {  	v2 =	vld.idx.msk [tilespmem:v10+s2+$0x0], $0xffff;
	[tilespmem:s28+$0x8900] =	vst v44  }
0x2d5: {  	v1 =	vld.idx.msk [tilespmem:v11+s2+$0x0], $0xffff  }
0x2d6: {  	v52 =	vld [tilespmem:$0x1FE50]  }
0x2d7: {  	v50 =	vld [tilespmem:$0x1FE40];
	vm13 =	vgt.f32 v5, v45  }
0x2d8: {  	v53 =	vld [tilespmem:$0x1FE60];
	v46 =	vsel vm13, $0x55, v49;
	vm12 =	vgt.f32 v0, v43  }
0x2d9: {  	v54 =	vld [tilespmem:$0x1FE70];
	v47 =	vadd.s32 v9, v46;
	vm14 =	vgt.f32 v6, v2;
	v0 =	vsel vm12, $0x55, v49  }
0x2da: {  	v48 =	vsel vm14, $0x55, v49;
	vm15 =	vgt.f32 v7, v1;
	v0 =	vadd.s32 v8, v0  }
0x2db: {  	v5 =	vmul.f32 v37, v52;
	v3 =	vadd.s32 v10, v48;
	v51 =	vsel vm15, $0x55, v49  }
0x2dc: {  	v1 =	vmul.f32 v40, v50;
	v4 =	vadd.s32 v11, v51  }
0x2dd: {  	v5 =	vadd.f32 $3.200000000e+01, v5;
	v6 =	vmul.f32 v55, v53  }
0x2de: {  	v7 =	vmul.f32 v38, v54;
	v1 =	vadd.f32 $3.200000000e+01, v1;
	v2 =	vld.idx.msk [tilespmem:v47+s12+$0x0], $0xffff  }
0x2df: {  	v57 =	vtrunc.f32 v5;
	v6 =	vadd.f32 $3.200000000e+01, v6;
	v0 =	vld.idx.msk [tilespmem:v0+s12+$0x0], $0xffff  }
0x2e0: {  	v9 =	vcvt.f32.s32 v57;
	v7 =	vadd.f32 $3.200000000e+01, v7;
	v56 =	vtrunc.f32 v1;
	v3 =	vld.idx.msk [tilespmem:v3+s12+$0x0], $0xffff  }
0x2e1: {  	v58 =	vtrunc.f32 v6;
	v8 =	vcvt.f32.s32 v56;
	v4 =	vld.idx.msk [tilespmem:v4+s12+$0x0], $0xffff  }
0x2e2: {  	v10 =	vcvt.f32.s32 v58;
	v59 =	vtrunc.f32 v7  }
0x2e3: {  	v11 =	vcvt.f32.s32 v59;
	v2 =	vmul.f32 v2, v27  }
0x2e4: {  	v0 =	vmul.f32 v0, v26  }
0x2e5: {  	[tilespmem:s28+$0x8510] =	vst v2;
	v60 =	vmul.f32 v3, v28  }
0x2e6: {  	v63 =	vld.idx.msk [tilespmem:v9+s2+$0x0], $0xffff;
	v62 =	vmul.f32 v4, v29;
	[tilespmem:s28+$0x8310] =	vst v0  }
0x2e7: {  	[tilespmem:s28+$0x8710] =	vst v60;
	v61 =	vld.idx.msk [tilespmem:v8+s2+$0x0], $0xffff  }
0x2e8: {  	v0 =	vld.idx.msk [tilespmem:v10+s2+$0x0], $0xffff;
	[tilespmem:s28+$0x8910] =	vst v62  }
0x2e9: {  	v2 =	vld.idx.msk [tilespmem:v11+s2+$0x0], $0xffff  }
0x2ea: {  	v17 =	vld [tilespmem:$0x1FE90]  }
0x2eb: {  	v15 =	vld [tilespmem:$0x1FE80];
	vm5 =	vgt.f32 v5, v63  }
0x2ec: {  	v18 =	vld [tilespmem:$0x1FEA0];
	v12 =	vsel vm5, $0x55, v49;
	vm4 =	vgt.f32 v1, v61  }
0x2ed: {  	v19 =	vld [tilespmem:$0x1FEB0];
	v13 =	vadd.s32 v9, v12;
	vm6 =	vgt.f32 v6, v0;
	v1 =	vsel vm4, $0x55, v49  }
0x2ee: {  	v14 =	vsel vm6, $0x55, v49;
	vm7 =	vgt.f32 v7, v2;
	v1 =	vadd.s32 v8, v1  }
0x2ef: {  	v5 =	vmul.f32 v37, v17;
	v3 =	vadd.s32 v10, v14;
	v16 =	vsel vm7, $0x55, v49  }
0x2f0: {  	v2 =	vmul.f32 v40, v15;
	v4 =	vadd.s32 v11, v16  }
0x2f1: {  	v5 =	vadd.f32 $3.200000000e+01, v5;
	v6 =	vmul.f32 v55, v18  }
0x2f2: {  	v7 =	vmul.f32 v38, v19;
	v2 =	vadd.f32 $3.200000000e+01, v2;
	v0 =	vld.idx.msk [tilespmem:v13+s12+$0x0], $0xffff  }
0x2f3: {  	v21 =	vtrunc.f32 v5;
	v6 =	vadd.f32 $3.200000000e+01, v6;
	v1 =	vld.idx.msk [tilespmem:v1+s12+$0x0], $0xffff  }
0x2f4: {  	v9 =	vcvt.f32.s32 v21;
	v7 =	vadd.f32 $3.200000000e+01, v7;
	v20 =	vtrunc.f32 v2;
	v3 =	vld.idx.msk [tilespmem:v3+s12+$0x0], $0xffff  }
0x2f5: {  	v22 =	vtrunc.f32 v6;
	v8 =	vcvt.f32.s32 v20;
	v4 =	vld.idx.msk [tilespmem:v4+s12+$0x0], $0xffff  }
0x2f6: {  	v10 =	vcvt.f32.s32 v22;
	v23 =	vtrunc.f32 v7  }
0x2f7: {  	v11 =	vcvt.f32.s32 v23;
	v0 =	vmul.f32 v0, v27  }
0x2f8: {  	v1 =	vmul.f32 v1, v26  }
0x2f9: {  	[tilespmem:s28+$0x8520] =	vst v0;
	v24 =	vmul.f32 v3, v28  }
0x2fa: {  	v31 =	vld.idx.msk [tilespmem:v9+s2+$0x0], $0xffff;
	v30 =	vmul.f32 v4, v29;
	[tilespmem:s28+$0x8320] =	vst v1  }
0x2fb: {  	[tilespmem:s28+$0x8720] =	vst v24;
	v25 =	vld.idx.msk [tilespmem:v8+s2+$0x0], $0xffff  }
0x2fc: {  	v1 =	vld.idx.msk [tilespmem:v10+s2+$0x0], $0xffff;
	[tilespmem:s28+$0x8920] =	vst v30  }
0x2fd: {  	v0 =	vld.idx.msk [tilespmem:v11+s2+$0x0], $0xffff  }
0x2fe: {  	v39 =	vld [tilespmem:$0x1FED0]  }
0x2ff: {  	v35 =	vld [tilespmem:$0x1FEC0];
	vm9 =	vgt.f32 v5, v31  }
0x300: {  	v41 =	vld [tilespmem:$0x1FEE0];
	v32 =	vsel vm9, $0x55, v49;
	vm8 =	vgt.f32 v2, v25  }
0x301: {  	v42 =	vld [tilespmem:$0x1FEF0];
	v33 =	vadd.s32 v9, v32;
	vm10 =	vgt.f32 v6, v1;
	v2 =	vsel vm8, $0x55, v49  }
0x302: {  	v34 =	vsel vm10, $0x55, v49;
	vm11 =	vgt.f32 v7, v0;
	v2 =	vadd.s32 v8, v2  }
0x303: {  	v5 =	vmul.f32 v37, v39;
	v3 =	vadd.s32 v10, v34;
	v36 =	vsel vm11, $0x55, v49  }
0x304: {  	v0 =	vmul.f32 v40, v35;
	v4 =	vadd.s32 v11, v36  }
0x305: {  	v5 =	vadd.f32 $3.200000000e+01, v5;
	v6 =	vmul.f32 v55, v41  }
0x306: {  	v7 =	vmul.f32 v38, v42;
	v0 =	vadd.f32 $3.200000000e+01, v0;
	v1 =	vld.idx.msk [tilespmem:v33+s12+$0x0], $0xffff  }
0x307: {  	v44 =	vtrunc.f32 v5;
	v6 =	vadd.f32 $3.200000000e+01, v6;
	v2 =	vld.idx.msk [tilespmem:v2+s12+$0x0], $0xffff  }
0x308: {  	v9 =	vcvt.f32.s32 v44;
	v7 =	vadd.f32 $3.200000000e+01, v7;
	v43 =	vtrunc.f32 v0;
	v3 =	vld.idx.msk [tilespmem:v3+s12+$0x0], $0xffff  }
0x309: {  	v45 =	vtrunc.f32 v6;
	v8 =	vcvt.f32.s32 v43;
	v4 =	vld.idx.msk [tilespmem:v4+s12+$0x0], $0xffff  }
0x30a: {  	v10 =	vcvt.f32.s32 v45;
	v46 =	vtrunc.f32 v7  }
0x30b: {  	v11 =	vcvt.f32.s32 v46;
	v1 =	vmul.f32 v1, v27  }
0x30c: {  	v2 =	vmul.f32 v2, v26  }
0x30d: {  	[tilespmem:s28+$0x8530] =	vst v1;
	v47 =	vmul.f32 v3, v28  }
0x30e: {  	v51 =	vld.idx.msk [tilespmem:v9+s2+$0x0], $0xffff;
	v50 =	vmul.f32 v4, v29;
	[tilespmem:s28+$0x8330] =	vst v2  }
0x30f: {  	[tilespmem:s28+$0x8730] =	vst v47;
	v48 =	vld.idx.msk [tilespmem:v8+s2+$0x0], $0xffff  }
0x310: {  	v2 =	vld.idx.msk [tilespmem:v10+s2+$0x0], $0xffff;
	[tilespmem:s28+$0x8930] =	vst v50  }
0x311: {  	v1 =	vld.idx.msk [tilespmem:v11+s2+$0x0], $0xffff  }
0x312: {  	v58 =	vld [tilespmem:$0x1FF10]  }
0x313: {  	v56 =	vld [tilespmem:$0x1FF00];
	vm13 =	vgt.f32 v5, v51  }
0x314: {  	v59 =	vld [tilespmem:$0x1FF20];
	v52 =	vsel vm13, $0x55, v49;
	vm12 =	vgt.f32 v0, v48  }
0x315: {  	v60 =	vld [tilespmem:$0x1FF30];
	v53 =	vadd.s32 v9, v52;
	vm14 =	vgt.f32 v6, v2;
	v0 =	vsel vm12, $0x55, v49  }
0x316: {  	v54 =	vsel vm14, $0x55, v49;
	vm15 =	vgt.f32 v7, v1;
	v0 =	vadd.s32 v8, v0  }
0x317: {  	v5 =	vmul.f32 v37, v58;
	v3 =	vadd.s32 v10, v54;
	v57 =	vsel vm15, $0x55, v49  }
0x318: {  	v1 =	vmul.f32 v40, v56;
	v4 =	vadd.s32 v11, v57  }
0x319: {  	v5 =	vadd.f32 $3.200000000e+01, v5;
	v6 =	vmul.f32 v55, v59  }
0x31a: {  	v7 =	vmul.f32 v38, v60;
	v1 =	vadd.f32 $3.200000000e+01, v1;
	v2 =	vld.idx.msk [tilespmem:v53+s12+$0x0], $0xffff  }
0x31b: {  	v62 =	vtrunc.f32 v5;
	v6 =	vadd.f32 $3.200000000e+01, v6;
	v0 =	vld.idx.msk [tilespmem:v0+s12+$0x0], $0xffff  }
0x31c: {  	v9 =	vcvt.f32.s32 v62;
	v7 =	vadd.f32 $3.200000000e+01, v7;
	v61 =	vtrunc.f32 v1;
	v3 =	vld.idx.msk [tilespmem:v3+s12+$0x0], $0xffff  }
0x31d: {  	v63 =	vtrunc.f32 v6;
	v8 =	vcvt.f32.s32 v61;
	v4 =	vld.idx.msk [tilespmem:v4+s12+$0x0], $0xffff  }
0x31e: {  	v10 =	vcvt.f32.s32 v63;
	v12 =	vtrunc.f32 v7  }
0x31f: {  	v11 =	vcvt.f32.s32 v12;
	v2 =	vmul.f32 v2, v27  }
0x320: {  	v0 =	vmul.f32 v0, v26  }
0x321: {  	[tilespmem:s28+$0x8540] =	vst v2;
	v13 =	vmul.f32 v3, v28  }
0x322: {  	v16 =	vld.idx.msk [tilespmem:v9+s2+$0x0], $0xffff;
	v15 =	vmul.f32 v4, v29;
	[tilespmem:s28+$0x8340] =	vst v0  }
0x323: {  	[tilespmem:s28+$0x8740] =	vst v13;
	v14 =	vld.idx.msk [tilespmem:v8+s2+$0x0], $0xffff  }
0x324: {  	v0 =	vld.idx.msk [tilespmem:v10+s2+$0x0], $0xffff;
	[tilespmem:s28+$0x8940] =	vst v15  }
0x325: {  	v2 =	vld.idx.msk [tilespmem:v11+s2+$0x0], $0xffff  }
0x326: {  	v22 =	vld [tilespmem:$0x1FF50]  }
0x327: {  	v20 =	vld [tilespmem:$0x1FF40];
	vm5 =	vgt.f32 v5, v16  }
0x328: {  	v23 =	vld [tilespmem:$0x1FF60];
	v17 =	vsel vm5, $0x55, v49;
	vm4 =	vgt.f32 v1, v14  }
0x329: {  	v24 =	vld [tilespmem:$0x1FF70];
	v18 =	vadd.s32 v9, v17;
	vm6 =	vgt.f32 v6, v0;
	v1 =	vsel vm4, $0x55, v49  }
0x32a: {  	v19 =	vsel vm6, $0x55, v49;
	vm7 =	vgt.f32 v7, v2;
	v1 =	vadd.s32 v8, v1  }
0x32b: {  	v5 =	vmul.f32 v37, v22;
	v3 =	vadd.s32 v10, v19;
	v21 =	vsel vm7, $0x55, v49  }
0x32c: {  	v2 =	vmul.f32 v40, v20;
	v4 =	vadd.s32 v11, v21  }
0x32d: {  	v5 =	vadd.f32 $3.200000000e+01, v5;
	v6 =	vmul.f32 v55, v23  }
0x32e: {  	v7 =	vmul.f32 v38, v24;
	v2 =	vadd.f32 $3.200000000e+01, v2;
	v0 =	vld.idx.msk [tilespmem:v18+s12+$0x0], $0xffff  }
0x32f: {  	v30 =	vtrunc.f32 v5;
	v6 =	vadd.f32 $3.200000000e+01, v6;
	v1 =	vld.idx.msk [tilespmem:v1+s12+$0x0], $0xffff  }
0x330: {  	v9 =	vcvt.f32.s32 v30;
	v7 =	vadd.f32 $3.200000000e+01, v7;
	v25 =	vtrunc.f32 v2;
	v3 =	vld.idx.msk [tilespmem:v3+s12+$0x0], $0xffff  }
0x331: {  	v31 =	vtrunc.f32 v6;
	v8 =	vcvt.f32.s32 v25;
	v4 =	vld.idx.msk [tilespmem:v4+s12+$0x0], $0xffff  }
0x332: {  	v10 =	vcvt.f32.s32 v31;
	v32 =	vtrunc.f32 v7  }
0x333: {  	v11 =	vcvt.f32.s32 v32;
	v0 =	vmul.f32 v0, v27  }
0x334: {  	v1 =	vmul.f32 v1, v26  }
0x335: {  	[tilespmem:s28+$0x8550] =	vst v0;
	v33 =	vmul.f32 v3, v28  }
0x336: {  	v36 =	vld.idx.msk [tilespmem:v9+s2+$0x0], $0xffff;
	v35 =	vmul.f32 v4, v29;
	[tilespmem:s28+$0x8350] =	vst v1  }
0x337: {  	[tilespmem:s28+$0x8750] =	vst v33;
	v34 =	vld.idx.msk [tilespmem:v8+s2+$0x0], $0xffff  }
0x338: {  	v1 =	vld.idx.msk [tilespmem:v10+s2+$0x0], $0xffff;
	[tilespmem:s28+$0x8950] =	vst v35  }
0x339: {  	v0 =	vld.idx.msk [tilespmem:v11+s2+$0x0], $0xffff  }
0x33a: {  	v45 =	vld [tilespmem:$0x1FF90]  }
0x33b: {  	v43 =	vld [tilespmem:$0x1FF80];
	vm9 =	vgt.f32 v5, v36  }
0x33c: {  	v46 =	vld [tilespmem:$0x1FFA0];
	v39 =	vsel vm9, $0x55, v49;
	vm8 =	vgt.f32 v2, v34  }
0x33d: {  	v47 =	vld [tilespmem:$0x1FFB0];
	v41 =	vadd.s32 v9, v39;
	vm10 =	vgt.f32 v6, v1;
	v2 =	vsel vm8, $0x55, v49  }
0x33e: {  	v42 =	vsel vm10, $0x55, v49;
	vm11 =	vgt.f32 v7, v0;
	v2 =	vadd.s32 v8, v2  }
0x33f: {  	v5 =	vmul.f32 v37, v45;
	v3 =	vadd.s32 v10, v42;
	v44 =	vsel vm11, $0x55, v49  }
0x340: {  	v0 =	vmul.f32 v40, v43;
	v4 =	vadd.s32 v11, v44  }
0x341: {  	v5 =	vadd.f32 $3.200000000e+01, v5;
	v6 =	vmul.f32 v55, v46  }
0x342: {  	v7 =	vmul.f32 v38, v47;
	v0 =	vadd.f32 $3.200000000e+01, v0;
	v1 =	vld.idx.msk [tilespmem:v41+s12+$0x0], $0xffff  }
0x343: {  	v50 =	vtrunc.f32 v5;
	v6 =	vadd.f32 $3.200000000e+01, v6;
	v2 =	vld.idx.msk [tilespmem:v2+s12+$0x0], $0xffff  }
0x344: {  	v9 =	vcvt.f32.s32 v50;
	v7 =	vadd.f32 $3.200000000e+01, v7;
	v48 =	vtrunc.f32 v0;
	v3 =	vld.idx.msk [tilespmem:v3+s12+$0x0], $0xffff  }
0x345: {  	v51 =	vtrunc.f32 v6;
	v8 =	vcvt.f32.s32 v48;
	v4 =	vld.idx.msk [tilespmem:v4+s12+$0x0], $0xffff  }
0x346: {  	v10 =	vcvt.f32.s32 v51;
	v52 =	vtrunc.f32 v7  }
0x347: {  	v11 =	vcvt.f32.s32 v52;
	v1 =	vmul.f32 v1, v27  }
0x348: {  	v2 =	vmul.f32 v2, v26  }
0x349: {  	[tilespmem:s28+$0x8560] =	vst v1;
	v53 =	vmul.f32 v3, v28  }
0x34a: {  	v56 =	vld.idx.msk [tilespmem:v9+s2+$0x0], $0xffff;
	v55 =	vmul.f32 v4, v29;
	[tilespmem:s28+$0x8360] =	vst v2  }
0x34b: {  	[tilespmem:s28+$0x8760] =	vst v53;
	v54 =	vld.idx.msk [tilespmem:v8+s2+$0x0], $0xffff  }
0x34c: {  	v2 =	vld.idx.msk [tilespmem:v10+s2+$0x0], $0xffff;
	[tilespmem:s28+$0x8960] =	vst v55  }
0x34d: {  	v1 =	vld.idx.msk [tilespmem:v11+s2+$0x0], $0xffff;
	_ =	sdelay $0x1  }
0x34e: {  	vm13 =	vgt.f32 v5, v56  }
0x34f: {  	v57 =	vsel vm13, $0x55, v49;
	vm12 =	vgt.f32 v0, v54  }
0x350: {  	v58 =	vadd.s32 v9, v57;
	vm14 =	vgt.f32 v6, v2;
	v0 =	vsel vm12, $0x55, v49  }
0x351: {  	v59 =	vsel vm14, $0x55, v49;
	vm15 =	vgt.f32 v7, v1;
	v0 =	vadd.s32 v8, v0  }
0x352: {  	v60 =	vadd.s32 v10, v59;
	v61 =	vsel vm15, $0x55, v49  }
0x353: {  	v3 =	vadd.s32 v11, v61;
	_ =	sdelay $0x1  }
0x354: {  	v2 =	vld.idx.msk [tilespmem:v58+s12+$0x0], $0xffff  }
0x355: {  	v0 =	vld.idx.msk [tilespmem:v0+s12+$0x0], $0xffff  }
0x356: {  	v1 =	vld.idx.msk [tilespmem:v60+s12+$0x0], $0xffff  }
0x357: {  	v3 =	vld.idx.msk [tilespmem:v3+s12+$0x0], $0xffff;
	_ =	sdelay $0x1  }
0x358: {  	p1 =	slt.u32 s26, $0x1C;
	v2 =	vmul.f32 v2, v27  }
.Ltmp0:
0x359: {  	v0 =	vmul.f32 v0, v26;
	(pc) =	sbr.rel @p1 .LBB2_3-.Ltmp0, $4  }
0x35a: {  	[tilespmem:s28+$0x8570] =	vst v2;
	v62 =	vmul.f32 v1, v28  }
0x35b: {  	v63 =	vmul.f32 v3, v29;
	[tilespmem:s28+$0x8370] =	vst v0  }
0x35c: {  	s31 =	sadd.s32 $0x4, s26;
	[tilespmem:s28+$0x8770] =	vst v62  }
0x35d: {  	s26 =	smov.u32 s31;
	[tilespmem:s28+$0x8970] =	vst v63  }
0x35e: {  	p1 =	sne.s32 s22, $0xF  }
.Ltmp1:
0x35f: {  	_ = 	snop;
	(pc) =	sbr.rel @p1 .LBB2_6-.Ltmp1, $3  }
0x360: {  	_ =	sdelay $0x1  }
0x361: {  	s25 =	sadd.s32 s7, s25  }
0x362: {  	[hbm4b:s25+s2] =	stream.linear.scatter [tilespmem:s16], [sflag:$0x3], $0x4000, $0x38;
	[tilespmem:$0x10180] =	vst v63  }
.Ltmp2:
0x363: {  	(pc) =	sbr.rel .LBB2_7-.Ltmp2, $4  }
0x364: {  	_ = 	snop  }
0x365: {  	_ =	swait.ge [sflag:s17], $0x4000  }
0x366: {  	[sflag:s17] =	ssyncset.done $0x0  }
0x367: {  	v58 =	vld [tilespmem:$0x1FFC0];
	[sflag:s17] =	ssyncadd.s32 $0xFFFFC000  }
.LBB2_6:
0x368: {  	s24 =	sadd.s32 s24, s9  }
0x369: {  	s24 =	sshrl.u32 s24, $0x3  }
.Ltmp3:
0x36a: {  	s24 =	sadd.s32 s1, s24;
	(pc) =	sbr.rel @p0 .LBB2_8-.Ltmp3, $4  }
0x36b: {  	[tilespmem:s13], [sflag:$0x1] =	stream.linear.gather [hbm4b:s24+s2], $0x4000, $0x38;
	[tilespmem:$0x10180] =	vst v63  }
0x36c: {  	_ =	swait.ge [sflag:s17], $0x4000  }
0x36d: {  	[sflag:s17] =	ssyncset.done $0x0  }
0x36e: {  	v58 =	vld [tilespmem:$0x1FFC0];
	[sflag:s17] =	ssyncadd.s32 $0xFFFFC000  }
.LBB2_7:
0x36f: {  	_ =	swait.ge [sflag:s18], $0x4000  }
0x370: {  	[sflag:s18] =	ssyncset.done $0x0  }
0x371: {  	[sflag:s18] =	ssyncadd.s32 $0xFFFFC000  }
.LBB2_8:
0x372: {  	s24 =	simm.s32 $0x0  }
.LBB2_9:
0x373: {  	s25 =	sshll.u32 s24, $0x9  }
0x374: {  	v1 =	vld [tilespmem:s25+$0x4180]  }
0x375: {  	v34 =	vld [tilespmem:s25+$0x4190]  }
0x376: {  	v2 =	vld [tilespmem:s25+$0x41A0]  }
0x377: {  	v3 =	vld [tilespmem:s25+$0x41B0]  }
0x378: {  	v5 =	vld [tilespmem:s25+$0x41C0]  }
0x379: {  	v6 =	vld [tilespmem:s25+$0x41D0]  }
0x37a: {  	v7 =	vld [tilespmem:s25+$0x41E0]  }
0x37b: {  	v33 =	vld [tilespmem:s25+$0x41F0]  }
0x37c: {  	v32 =	vld [tilespmem:s25+$0x4200]  }
0x37d: {  	v31 =	vld [tilespmem:s25+$0x4210]  }
0x37e: {  	v8 =	vld [tilespmem:s25+$0x4220]  }
0x37f: {  	v9 =	vld [tilespmem:s25+$0x4230]  }
0x380: {  	v11 =	vld [tilespmem:s25+$0x4240]  }
0x381: {  	v12 =	vld [tilespmem:s25+$0x4250]  }
0x382: {  	v21 =	vld [tilespmem:s25+$0x4260]  }
0x383: {  	v30 =	vld [tilespmem:s25+$0x4270]  }
0x384: {  	v20 =	vld [tilespmem:s25+$0x4280]  }
0x385: {  	v15 =	vld [tilespmem:s25+$0x4290]  }
0x386: {  	v16 =	vld [tilespmem:s25+$0x42A0]  }
0x387: {  	v19 =	vld [tilespmem:s25+$0x42B0]  }
0x388: {  	v29 =	vld [tilespmem:s25+$0x42C0]  }
0x389: {  	v28 =	vld [tilespmem:s25+$0x42D0]  }
0x38a: {  	v25 =	vld [tilespmem:s25+$0x42E0]  }
0x38b: {  	v24 =	vld [tilespmem:s25+$0x42F0]  }
0x38c: {  	v22 =	vld [tilespmem:s25+$0x4300]  }
0x38d: {  	v13 =	vld [tilespmem:s25+$0x4310]  }
0x38e: {  	v27 =	vld [tilespmem:s25+$0x4320]  }
0x38f: {  	v26 =	vld [tilespmem:s25+$0x4330]  }
0x390: {  	v14 =	vld [tilespmem:s25+$0x4340]  }
0x391: {  	v17 =	vld [tilespmem:s25+$0x4350]  }
0x392: {  	v10 =	vld [tilespmem:s25+$0x4360]  }
0x393: {  	v4 =	vld [tilespmem:s25+$0x4370]  }
0x394: {  	v0 =	vld [tilespmem:s25+$0x4380]  }
0x395: {  	v18 =	vld [tilespmem:s25+$0x4390]  }
0x396: {  	v35 =	vld [tilespmem:s25+$0x43A0]  }
0x397: {  	v23 =	vld [tilespmem:s25+$0x43B0]  }
0x398: {  	v37 =	vld [tilespmem:s25+$0x43C0];
	[tilespmem:$0x1F370] =	vst v1  }
0x399: {  	v41 =	vld [tilespmem:s25+$0x43D0];
	[tilespmem:$0x1F390] =	vst v34  }
0x39a: {  	v38 =	vld [tilespmem:s25+$0x43E0];
	[tilespmem:$0x1F3B0] =	vst v2  }
0x39b: {  	v42 =	vld [tilespmem:s25+$0x43F0];
	[tilespmem:$0x1F3D0] =	vst v3  }
0x39c: {  	v50 =	vld [tilespmem:s25+$0x4400];
	[tilespmem:$0x1F3F0] =	vst v5  }
0x39d: {  	v48 =	vld [tilespmem:s25+$0x4410];
	[tilespmem:$0x1F410] =	vst v6  }
0x39e: {  	v47 =	vld [tilespmem:s25+$0x4420];
	[tilespmem:$0x1F430] =	vst v7  }
0x39f: {  	v53 =	vld [tilespmem:s25+$0x4430];
	[tilespmem:$0x1F450] =	vst v33  }
0x3a0: {  	v59 =	vld [tilespmem:s25+$0x4440];
	[tilespmem:$0x1F470] =	vst v32  }
0x3a1: {  	v61 =	vld [tilespmem:s25+$0x4450];
	[tilespmem:$0x1F4A0] =	vst v31  }
0x3a2: {  	v56 =	vld [tilespmem:s25+$0x4460];
	[tilespmem:$0x1F4C0] =	vst v8  }
0x3a3: {  	v45 =	vmov v58;
	v58 =	vld [tilespmem:s25+$0x4470];
	[tilespmem:$0x1F4E0] =	vst v9  }
0x3a4: {  	v57 =	vld [tilespmem:s25+$0x4480];
	[tilespmem:$0x1F510] =	vst v11  }
0x3a5: {  	v63 =	vld [tilespmem:s25+$0x4490];
	[tilespmem:$0x1F530] =	vst v12  }
0x3a6: {  	v43 =	vld [tilespmem:s25+$0x44C0];
	[tilespmem:$0x1F560] =	vst v21  }
0x3a7: {  	v36 =	vld [tilespmem:s25+$0x44A0];
	[tilespmem:$0x1F590] =	vst v30  }
0x3a8: {  	v55 =	vld [tilespmem:s25+$0x44B0];
	[tilespmem:$0x1F5C0] =	vst v20  }
0x3a9: {  	v54 =	vld [tilespmem:s25+$0x44E0];
	[tilespmem:$0x1F8A0] =	vst v14  }
0x3aa: {  	[tilespmem:$0x1F600] =	vst v63;
	v63 =	vld [tilespmem:s25+$0x44D0]  }
0x3ab: {  	v39 =	vand.u32 $0x7FFFFFFF, v1;
	v40 =	vand.u32 $0x7FFFFFFF, v34;
	[tilespmem:$0x1F6C0] =	vst v43;
	v43 =	vld [tilespmem:s25+$0x4510]  }
0x3ac: {  	[tilespmem:$0x1F640] =	vst v36;
	v51 =	vand.u32 $0x7FFFFFFF, v5;
	v36 =	vand.u32 $0x7FFFFFFF, v31;
	v31 =	vand.u32 $0x7FFFFFFF, v21;
	v21 =	vld [tilespmem:s25+$0x4590]  }
0x3ad: {  	[tilespmem:$0x1F960] =	vst v4;
	v60 =	vand.u32 $0x7FFFFFFF, v6;
	v6 =	vand.u32 $0x7FFFFFFF, v14;
	v14 =	vand.u32 $0x7FFFFFFF, v4;
	v4 =	vld [tilespmem:s25+$0x4770]  }
0x3ae: {  	[tilespmem:$0x1F5F0] =	vst v15;
	v44 =	vand.u32 $0x7FFFFFFF, v2;
	v46 =	vand.u32 $0x7FFFFFFF, v3;
	v2 =	vmax.f32 v51, v60;
	v51 =	vld [tilespmem:s25+$0x44F0]  }
0x3af: {  	[tilespmem:$0x1F630] =	vst v16;
	v62 =	vand.u32 $0x7FFFFFFF, v7;
	v33 =	vand.u32 $0x7FFFFFFF, v33;
	v1 =	vmax.f32 v44, v46;
	v44 =	vld [tilespmem:s25+$0x4500]  }
0x3b0: {  	[tilespmem:$0x1F6B0] =	vst v29;
	v34 =	vand.u32 $0x7FFFFFFF, v32;
	v52 =	vand.u32 $0x7FFFFFFF, v9;
	v32 =	vand.u32 $0x7FFFFFFF, v30;
	v46 =	vld [tilespmem:s25+$0x4520]  }
0x3b1: {  	[tilespmem:$0x1F380] =	vst v0;
	v5 =	vand.u32 $0x7FFFFFFF, v29;
	v29 =	vand.u32 $0x7FFFFFFF, v22;
	v0 =	vmax.f32 v39, v40;
	v40 =	vld [tilespmem:s25+$0x4540]  }
0x3b2: {  	[tilespmem:$0x1F8E0] =	vst v17;
	v3 =	vmax.f32 v62, v33;
	v39 =	vand.u32 $0x7FFFFFFF, v8;
	v8 =	vand.u32 $0x7FFFFFFF, v17;
	v17 =	vld [tilespmem:s25+$0x45A0]  }
0x3b3: {  	[tilespmem:$0x1F670] =	vst v19;
	v62 =	vand.u32 $0x7FFFFFFF, v12;
	v12 =	vmax.f32 v34, v36;
	v34 =	vand.u32 $0x7FFFFFFF, v15;
	v15 =	vld [tilespmem:s25+$0x45C0]  }
0x3b4: {  	[tilespmem:$0x1F6F0] =	vst v28;
	v60 =	vand.u32 $0x7FFFFFFF, v11;
	v33 =	vand.u32 $0x7FFFFFFF, v20;
	v7 =	vmax.f32 v39, v52;
	v39 =	vld [tilespmem:s25+$0x4530]  }
0x3b5: {  	[tilespmem:$0x1F730] =	vst v25;
	v36 =	vand.u32 $0x7FFFFFFF, v16;
	v9 =	vmax.f32 v60, v62;
	v20 =	vmax.f32 v33, v34;
	v34 =	vld [tilespmem:s25+$0x4560]  }
0x3b6: {  	[tilespmem:$0x1F770] =	vst v24;
	v52 =	vand.u32 $0x7FFFFFFF, v19;
	v19 =	vmax.f32 v31, v32;
	v60 =	vand.u32 $0x7FFFFFFF, v28;
	v32 =	vld [tilespmem:s25+$0x4570]  }
0x3b7: {  	[tilespmem:$0x1F7B0] =	vst v22;
	v62 =	vand.u32 $0x7FFFFFFF, v25;
	v28 =	vand.u32 $0x7FFFFFFF, v24;
	v16 =	vmax.f32 v36, v52;
	v36 =	vld [tilespmem:s25+$0x4550]  }
0x3b8: {  	[tilespmem:$0x1F7F0] =	vst v13;
	v52 =	vand.u32 $0x7FFFFFFF, v13;
	v60 =	vmax.f32 v5, v60;
	v33 =	vmax.f32 v9, v19;
	v19 =	vld [tilespmem:s25+$0x45F0]  }
0x3b9: {  	[tilespmem:$0x1F820] =	vst v27;
	v25 =	vmax.f32 v62, v28;
	v13 =	vand.u32 $0x7FFFFFFF, v10;
	v22 =	vmax.f32 v29, v52;
	v29 =	vld [tilespmem:s25+$0x4580]  }
0x3ba: {  	[tilespmem:$0x1F860] =	vst v26;
	v62 =	vand.u32 $0x7FFFFFFF, v27;
	v5 =	vand.u32 $0x7FFFFFFF, v26;
	v27 =	vmax.f32 v13, v14;
	v13 =	vld [tilespmem:s25+$0x45B0]  }
0x3bb: {  	[tilespmem:$0x1F920] =	vst v10;
	v31 =	vmax.f32 v62, v5;
	v62 =	vld [tilespmem:s25+$0x45D0]  }
0x3bc: {  	[tilespmem:$0x1F3A0] =	vst v18;
	v5 =	vmax.f32 v60, v25;
	v60 =	vld [tilespmem:s25+$0x45E0]  }
0x3bd: {  	[tilespmem:$0x1F3C0] =	vst v35;
	v30 =	vmax.f32 v12, v7;
	v52 =	vmax.f32 v20, v16;
	v16 =	vld [tilespmem:$0x1F380]  }
0x3be: {  	[tilespmem:$0x1F3E0] =	vst v23;
	v10 =	vmax.f32 v30, v33;
	v30 =	vld [tilespmem:s25+$0x4630]  }
0x3bf: {  	[tilespmem:$0x1F460] =	vst v42;
	v42 =	vand.u32 $0x7FFFFFFF, v42;
	v33 =	vld [tilespmem:s25+$0x4640]  }
0x3c0: {  	[tilespmem:$0x1F400] =	vst v37;
	v0 =	vmax.f32 v0, v1;
	v28 =	vmax.f32 v2, v3;
	v20 =	vand.u32 $0x7FFFFFFF, v18;
	v18 =	vld [tilespmem:s25+$0x4660]  }
0x3c1: {  	[tilespmem:$0x1F420] =	vst v41;
	v26 =	vmax.f32 v6, v8;
	v0 =	vmax.f32 v0, v28;
	v6 =	vmax.f32 v22, v31;
	v22 =	vld [tilespmem:s25+$0x4600]  }
0x3c2: {  	[tilespmem:$0x1F440] =	vst v38;
	v28 =	vand.u32 $0x7FFFFFFF, v35;
	v35 =	vand.u32 $0x7FFFFFFF, v37;
	v11 =	vmax.f32 v52, v5;
	v52 =	vld [tilespmem:s25+$0x4610]  }
0x3c3: {  	[tilespmem:$0x1F480] =	vst v50;
	v37 =	vand.u32 $0x7FFFFFFF, v41;
	v41 =	vand.u32 $0x7FFFFFFF, v38;
	v0 =	vmax.f32 v0, v10;
	v10 =	vld [tilespmem:s25+$0x4680]  }
0x3c4: {  	[tilespmem:$0x1F5A0] =	vst v58;
	v3 =	vmax.f32 v41, v42;
	v41 =	vand.u32 $0x7FFFFFFF, v58;
	v58 =	vld [tilespmem:s25+$0x46B0]  }
0x3c5: {  	[tilespmem:$0x1F5D0] =	vst v57;
	v42 =	vand.u32 $0x7FFFFFFF, v57;
	v57 =	vld [tilespmem:$0x1F6C0]  }
0x3c6: {  	[tilespmem:$0x1F570] =	vst v56;
	v8 =	vmax.f32 v26, v27;
	v5 =	vld [tilespmem:s25+$0x4760]  }
0x3c7: {  	[tilespmem:$0x1F680] =	vst v55;
	v12 =	vmax.f32 v6, v8;
	v8 =	vld [tilespmem:s25+$0x46C0]  }
0x3c8: {  	v38 =	vand.u32 $0x7FFFFFFF, v56;
	v56 =	vand.u32 $0x7FFFFFFF, v55;
	[tilespmem:$0x1F7C0] =	vst v44;
	v55 =	vand.u32 $0x7FFFFFFF, v44;
	v44 =	vld [tilespmem:s25+$0x46F0]  }
0x3c9: {  	[tilespmem:$0x1F4D0] =	vst v47;
	v50 =	vand.u32 $0x7FFFFFFF, v50;
	v6 =	vand.u32 $0x7FFFFFFF, v48;
	v14 =	vmax.f32 v11, v12;
	v11 =	vld [tilespmem:s25+$0x4670]  }
0x3ca: {  	[tilespmem:$0x1F4F0] =	vst v53;
	v7 =	vmax.f32 v50, v6;
	v50 =	vld [tilespmem:$0x1F640];
	v0 =	vmax.f32 v0, v14  }
0x3cb: {  	[tilespmem:$0x1F520] =	vst v59;
	v31 =	vand.u32 $0x7FFFFFFF, v23;
	v6 =	vld [tilespmem:s25+$0x4710];
	v1 =	vperm.xlane v0, v45;
	v2 =	vand.u32 $0x7FFFFFFF, v16  }
0x3cc: {  	[tilespmem:$0x1F700] =	vst v63;
	v14 =	vld [tilespmem:s25+$0x4650];
	v16 =	vmax.f32 v38, v41;
	v41 =	vand.u32 $0x7FFFFFFF, v63;
	v63 =	vand.u32 $0x7FFFFFFF, v39  }
0x3cd: {  	[tilespmem:$0x1F540] =	vst v61;
	v45 =	vld [tilespmem:s25+$0x4620];
	v23 =	vand.u32 $0x7FFFFFFF, v57;
	v57 =	vand.u32 $0x7FFFFFFF, v46;
	v25 =	vmax.f32 v0, v1  }
0x3ce: {  	[tilespmem:$0x1F830] =	vst v46;
	v0 =	vmax.f32 v2, v20;
	v2 =	vmax.f32 v35, v37;
	v37 =	vand.u32 $0x7FFFFFFF, v61;
	v61 =	vld [tilespmem:s25+$0x4690]  }
0x3cf: {  	[tilespmem:$0x1F940] =	vst v5;
	v46 =	vand.u32 $0x7FFFFFFF, v17;
	v5 =	vand.u32 $0x7FFFFFFF, v5;
	v35 =	vand.u32 $0x7FFFFFFF, v59;
	v59 =	vld [tilespmem:s25+$0x46A0]  }
0x3d0: {  	[tilespmem:$0x1F740] =	vst v54;
	v1 =	vmax.f32 v28, v31;
	v28 =	vand.u32 $0x7FFFFFFF, v47;
	v31 =	vand.u32 $0x7FFFFFFF, v53;
	v47 =	vld [tilespmem:$0x1F600]  }
0x3d1: {  	[tilespmem:$0x1F800] =	vst v43;
	v26 =	vmax.f32 v23, v41;
	v23 =	vand.u32 $0x7FFFFFFF, v40;
	v53 =	vand.u32 $0x7FFFFFFF, v50;
	v50 =	vld [tilespmem:s25+$0x46D0]  }
0x3d2: {  	[tilespmem:$0x1F500] =	vst v30;
	v41 =	vand.u32 $0x7FFFFFFF, v29;
	v12 =	vmax.f32 v35, v37;
	v35 =	vand.u32 $0x7FFFFFFF, v30;
	v30 =	vld [tilespmem:s25+$0x47D0]  }
0x3d3: {  	[tilespmem:$0x1F780] =	vst v51;
	v9 =	vmax.f32 v28, v31;
	v24 =	vmax.f32 v53, v56;
	v56 =	vand.u32 $0x7FFFFFFF, v43;
	v43 =	vld [tilespmem:s25+$0x4720]  }
0x3d4: {  	[tilespmem:$0x1F8F0] =	vst v36;
	v53 =	vand.u32 $0x7FFFFFFF, v54;
	v54 =	vand.u32 $0x7FFFFFFF, v51;
	v51 =	vand.u32 $0x7FFFFFFF, v36;
	v36 =	vld [tilespmem:s25+$0x4730]  }
0x3d5: {  	[tilespmem:$0x1F490] =	vst v22;
	v31 =	vmax.f32 v57, v63;
	v63 =	vmax.f32 v7, v9;
	v7 =	vand.u32 $0x7FFFFFFF, v22;
	v22 =	vld [tilespmem:s25+$0x47C0]  }
0x3d6: {  	[tilespmem:$0x1F930] =	vst v34;
	v0 =	vmax.f32 v0, v1;
	v27 =	vmax.f32 v53, v54;
	v53 =	vand.u32 $0x7FFFFFFF, v34;
	v34 =	vld [tilespmem:s25+$0x4740]  }
0x3d7: {  	[tilespmem:$0x1F970] =	vst v32;
	v57 =	vmax.f32 v2, v3;
	v1 =	vand.u32 $0x7FFFFFFF, v62;
	v54 =	vand.u32 $0x7FFFFFFF, v32;
	v32 =	vld [tilespmem:s25+$0x4750]  }
0x3d8: {  	v28 =	vmax.f32 v55, v56;
	v55 =	vmax.f32 v23, v51;
	v23 =	vmax.f32 v12, v16;
	v12 =	vld [tilespmem:s25+$0x47E0]  }
0x3d9: {  	[tilespmem:$0x1F4B0] =	vst v48;
	v2 =	vand.u32 $0x7FFFFFFF, v60;
	v3 =	vand.u32 $0x7FFFFFFF, v19;
	v0 =	vmax.f32 v0, v57;
	v16 =	vld [tilespmem:s25+$0x47F0]  }
0x3da: {  	[tilespmem:$0x1F980] =	vst v4;
	v9 =	vand.u32 $0x7FFFFFFF, v52;
	v51 =	vand.u32 $0x7FFFFFFF, v10;
	v56 =	vmax.f32 v53, v54;
	v54 =	vld [tilespmem:s25+$0x4780]  }
0x3db: {  	[tilespmem:$0x1F8B0] =	vst v40;
	v27 =	vmax.f32 v26, v27;
	v31 =	vmax.f32 v28, v31;
	v38 =	vmax.f32 v63, v23;
	v23 =	vld [tilespmem:s25+$0x4790]  }
0x3dc: {  	[tilespmem:$0x1F870] =	vst v39;
	v63 =	vand.u32 $0x7FFFFFFF, v13;
	v48 =	vand.u32 $0x7FFFFFFF, v47;
	v47 =	vld [tilespmem:s25+$0x4700];
	v37 =	vmax.f32 v55, v56  }
0x3dd: {  	[tilespmem:$0x1F580] =	vst v18;
	v26 =	vmax.f32 v0, v38;
	v0 =	vand.u32 $0x7FFFFFFF, v15;
	v20 =	vmax.f32 v42, v48;
	v48 =	vld [tilespmem:s25+$0x46E0]  }
0x3de: {  	[tilespmem:$0x1F5E0] =	vst v10;
	v38 =	vand.u32 $0x7FFFFFFF, v33;
	v55 =	vand.u32 $0x7FFFFFFF, v61;
	v40 =	vmax.f32 v31, v37;
	v31 =	vld [tilespmem:s25+$0x4820]  }
0x3df: {  	[tilespmem:$0x1F610] =	vst v61;
	v61 =	vand.u32 $0x7FFFFFFF, v59;
	v42 =	vand.u32 $0x7FFFFFFF, v21;
	v37 =	vmax.f32 v46, v63;
	v63 =	vmovc v15;
	v15 =	vld [tilespmem:s25+$0x47A0]  }
0x3e0: {  	[tilespmem:$0x1F690] =	vst v58;
	v53 =	vmovc v13;
	v13 =	vand.u32 $0x7FFFFFFF, v45;
	v46 =	vand.u32 $0x7FFFFFFF, v11;
	v10 =	vand.u32 $0x7FFFFFFF, v50;
	v56 =	vmovc v19;
	v19 =	vld [tilespmem:s25+$0x47B0]  }
0x3e1: {  	[tilespmem:$0x1F6D0] =	vst v8;
	v24 =	vmax.f32 v20, v24;
	v57 =	vmax.f32 v41, v42;
	v28 =	vmax.f32 v13, v35;
	v20 =	vld [tilespmem:s25+$0x4800]  }
0x3e2: {  	[tilespmem:$0x1F790] =	vst v44;
	v41 =	vand.u32 $0x7FFFFFFF, v14;
	v42 =	vand.u32 $0x7FFFFFFF, v18;
	v13 =	vand.u32 $0x7FFFFFFF, v44;
	v35 =	vld [tilespmem:s25+$0x4830]  }
0x3e3: {  	[tilespmem:$0x1F810] =	vst v6;
	v18 =	vand.u32 $0x7FFFFFFF, v6;
	v6 =	vand.u32 $0x7FFFFFFF, v4;
	v44 =	vld [tilespmem:s25+$0x4870];
	v39 =	vmax.f32 v24, v27  }
0x3e4: {  	[tilespmem:$0x1F5B0] =	vst v11;
	v4 =	vld [tilespmem:s25+$0x48D0];
	v27 =	vmax.f32 v39, v40;
	v40 =	vmax.f32 v0, v1;
	v39 =	vmax.f32 v2, v3  }
0x3e5: {  	[tilespmem:$0x1F550] =	vst v14;
	v24 =	vld [tilespmem:s25+$0x4810];
	v3 =	vmax.f32 v7, v9;
	v2 =	vmax.f32 v38, v41;
	v1 =	vmax.f32 v42, v46  }
0x3e6: {  	[tilespmem:$0x1F650] =	vst v59;
	v7 =	vand.u32 $0x7FFFFFFF, v58;
	v0 =	vmax.f32 v51, v55;
	v9 =	vand.u32 $0x7FFFFFFF, v8;
	v42 =	vld [tilespmem:s25+$0x4840]  }
0x3e7: {  	[tilespmem:$0x1F710] =	vst v50;
	v38 =	vand.u32 $0x7FFFFFFF, v43;
	v41 =	vand.u32 $0x7FFFFFFF, v36;
	v46 =	vld [tilespmem:s25+$0x4850];
	v58 =	vand.u32 $0x7FFFFFFF, v34  }
0x3e8: {  	[tilespmem:$0x1F840] =	vst v43;
	v55 =	vld [tilespmem:s25+$0x4860];
	v43 =	vand.u32 $0x7FFFFFFF, v23;
	v51 =	vmax.f32 v61, v7;
	v50 =	vmax.f32 v9, v10  }
0x3e9: {  	[tilespmem:$0x1F7D0] =	vst v47;
	v14 =	vand.u32 $0x7FFFFFFF, v47;
	v47 =	vmax.f32 v38, v41;
	v7 =	vmax.f32 v57, v37;
	v57 =	vld [tilespmem:s25+$0x4880]  }
0x3ea: {  	[tilespmem:$0x1F900] =	vst v32;
	v61 =	vand.u32 $0x7FFFFFFF, v32;
	v32 =	vmax.f32 v5, v6;
	v3 =	vmax.f32 v3, v28;
	v10 =	vld [tilespmem:s25+$0x48B0]  }
0x3eb: {  	[tilespmem:$0x1F880] =	vst v36;
	v1 =	vmax.f32 v2, v1;
	v5 =	vld [tilespmem:s25+$0x48C0];
	v41 =	vand.u32 $0x7FFFFFFF, v54;
	v26 =	vmax.f32 v26, v27  }
0x3ec: {  	[tilespmem:$0x1F8C0] =	vst v34;
	v2 =	vld [tilespmem:s25+$0x4930];
	v11 =	vand.u32 $0x7FFFFFFF, v48;
	v59 =	vmax.f32 v14, v18;
	v36 =	vmax.f32 v58, v61  }
0x3ed: {  	[tilespmem:$0x1F750] =	vst v48;
	v18 =	vmax.f32 v40, v39;
	v14 =	vld [tilespmem:s25+$0x4890];
	v0 =	vmax.f32 v0, v51;
	v1 =	vmax.f32 v3, v1  }
0x3ee: {  	v9 =	vmax.f32 v41, v43;
	v61 =	vand.u32 $0x7FFFFFFF, v22;
	v51 =	vld [tilespmem:s25+$0x4900];
	v48 =	vmax.f32 v11, v13;
	[tilespmem:$0x1F720] =	vst v4  }
0x3ef: {  	v3 =	vld [tilespmem:s25+$0x4920];
	v39 =	vmax.f32 v59, v47;
	v32 =	vmax.f32 v36, v32;
	v34 =	vmax.f32 v7, v18;
	[tilespmem:$0x1F6A0] =	vst v10  }
0x3f0: {  	v11 =	vld [tilespmem:s25+$0x48A0];
	v47 =	vand.u32 $0x7FFFFFFF, v15;
	v58 =	vand.u32 $0x7FFFFFFF, v19;
	v13 =	vand.u32 $0x7FFFFFFF, v16;
	[tilespmem:$0x1F6E0] =	vst v5  }
0x3f1: {  	v59 =	vld [tilespmem:s25+$0x48E0];
	v18 =	vand.u32 $0x7FFFFFFF, v20;
	v37 =	vand.u32 $0x7FFFFFFF, v44;
	v38 =	vmax.f32 v50, v48;
	[tilespmem:$0x1F890] =	vst v2  }
0x3f2: {  	v50 =	vld [tilespmem:s25+$0x48F0];
	v8 =	vmax.f32 v47, v58;
	v48 =	vand.u32 $0x7FFFFFFF, v31;
	v58 =	vand.u32 $0x7FFFFFFF, v35;
	[tilespmem:$0x1F620] =	vst v14  }
0x3f3: {  	v41 =	vand.u32 $0x7FFFFFFF, v4;
	v40 =	vmax.f32 v39, v32;
	v32 =	vmax.f32 v48, v58;
	v58 =	vld [tilespmem:s25+$0x4940];
	[tilespmem:$0x1F7E0] =	vst v51  }
0x3f4: {  	v1 =	vmax.f32 v34, v1;
	v47 =	vand.u32 $0x7FFFFFFF, v24;
	v0 =	vmax.f32 v0, v38;
	[tilespmem:$0x1F850] =	vst v3  }
0x3f5: {  	v28 =	vmax.f32 v18, v47;
	v36 =	vand.u32 $0x7FFFFFFF, v55;
	v0 =	vmax.f32 v0, v40;
	[tilespmem:$0x1F660] =	vst v11  }
0x3f6: {  	v40 =	vand.u32 $0x7FFFFFFF, v57;
	v6 =	vmax.f32 v1, v0;
	v0 =	vand.u32 $0x7FFFFFFF, v30;
	[tilespmem:$0x1F760] =	vst v59  }
0x3f7: {  	v18 =	vand.u32 $0x7FFFFFFF, v10;
	v1 =	vand.u32 $0x7FFFFFFF, v12;
	v7 =	vmax.f32 v61, v0;
	[tilespmem:$0x1F7A0] =	vst v50  }
0x3f8: {  	v27 =	vmax.f32 v1, v13;
	v61 =	vld [tilespmem:s25+$0x4910];
	v0 =	vand.u32 $0x7FFFFFFF, v42;
	v1 =	vand.u32 $0x7FFFFFFF, v46;
	[tilespmem:$0x1F8D0] =	vst v58  }
0x3f9: {  	v36 =	vmax.f32 v36, v37;
	v38 =	vand.u32 $0x7FFFFFFF, v5;
	v34 =	vmax.f32 v0, v1;
	v0 =	vld [tilespmem:s25+$0x4950]  }
0x3fa: {  	v51 =	vand.u32 $0x7FFFFFFF, v51;
	v10 =	vand.u32 $0x7FFFFFFF, v3;
	v13 =	vand.u32 $0x7FFFFFFF, v14;
	v1 =	vld [tilespmem:s25+$0x4960]  }
0x3fb: {  	v14 =	vand.u32 $0x7FFFFFFF, v11;
	v4 =	vand.u32 $0x7FFFFFFF, v59;
	v11 =	vand.u32 $0x7FFFFFFF, v2;
	v39 =	vld [tilespmem:s25+$0x4970]  }
0x3fc: {  	v37 =	vmax.f32 v40, v13;
	v50 =	vand.u32 $0x7FFFFFFF, v50;
	v13 =	vand.u32 $0x7FFFFFFF, v58;
	v58 =	vld [tilespmem:$0x1FFC0]  }
0x3fd: {  	v43 =	vmax.f32 v38, v41;
	v47 =	vmax.f32 v4, v50;
	v50 =	vmax.f32 v10, v11;
	v11 =	vld [tilespmem:$0x1FFD0]  }
0x3fe: {  	v41 =	vmax.f32 v28, v32;
	v40 =	vmax.f32 v14, v18;
	v18 =	vmax.f32 v9, v8  }
0x3ff: {  	v38 =	vmax.f32 v7, v27;
	v4 =	vmax.f32 v34, v36;
	v5 =	vand.u32 $0x7FFFFFFF, v61  }
0x400: {  	v7 =	vmax.f32 v37, v40;
	v8 =	vmax.f32 v43, v47;
	v48 =	vmax.f32 v51, v5;
	[tilespmem:$0x1F910] =	vst v0  }
0x401: {  	v9 =	vmax.f32 v48, v50;
	[tilespmem:$0x1F950] =	vst v1;
	v0 =	vand.u32 $0x7FFFFFFF, v0;
	v1 =	vand.u32 $0x7FFFFFFF, v1  }
0x402: {  	v14 =	vand.u32 $0x7FFFFFFF, v39;
	v27 =	vperm.xlane v26, v58;
	v28 =	vperm.xlane v25, v11  }
0x403: {  	v32 =	vperm.xlane v6, v58;
	v0 =	vmax.f32 v13, v0;
	v1 =	vmax.f32 v1, v14  }
0x404: {  	v10 =	vld [tilespmem:$0x1FFE0];
	v13 =	vmax.f32 v18, v38;
	v14 =	vmax.f32 v41, v4;
	v0 =	vmax.f32 v0, v1  }
0x405: {  	v18 =	vmax.f32 v7, v8;
	v1 =	vmax.f32 v13, v14;
	v0 =	vmax.f32 v9, v0  }
0x406: {  	v2 =	vmax.f32 v26, v27;
	v3 =	vmax.f32 v6, v32;
	v0 =	vmax.f32 v18, v0  }
0x407: {  	v36 =	vperm.xlane v2, v11;
	v38 =	vperm.xlane v3, v11;
	v0 =	vmax.f32 v1, v0  }
0x408: {  	v51 =	vld [tilespmem:$0x1FFF0];
	v1 =	vmax.f32 v25, v28;
	v34 =	vperm.xlane v0, v58  }
0x409: {  	v2 =	vmax.f32 v2, v36;
	v3 =	vmax.f32 v3, v38;
	v37 =	vperm.xlane v1, v10  }
0x40a: {  	v41 =	vperm.xlane v2, v10;
	v47 =	vperm.xlane v3, v10;
	v0 =	vmax.f32 v0, v34  }
0x40b: {  	v40 =	vperm.xlane v0, v11  }
0x40c: {  	v1 =	vmax.f32 v1, v37;
	v2 =	vmax.f32 v2, v41;
	v50 =	vmax.f32 v3, v47  }
0x40d: {  	v43 =	vperm.xlane v1, v51;
	v59 =	vperm.xlane v2, v51;
	v0 =	vmax.f32 v0, v40  }
0x40e: {  	v8 =	vperm.xlane v50, v51;
	v48 =	vperm.xlane v0, v10  }
0x40f: {  	v25 =	vmax.f32 v1, v43;
	v26 =	vmax.f32 v2, v59  }
0x410: {  	v27 =	vmax.f32 v50, v8;
	vm0 =	veq.f32 v25, $0.0e+00;
	v0 =	vmax.f32 v0, v48  }
0x411: {  	vm6 =	veq.f32 v26, $0.0e+00;
	v9 =	vsel vm0, $0x3F800000, v25;
	v10 =	vperm.xlane v0, v51  }
0x412: {  	vm1 =	veq.f32 v27, $0.0e+00;
	v11 =	vsel vm6, $0x3F800000, v26;
	(erf) = vrcp.f32 v9  }
0x413: {  	v13 =	vsel vm1, $0x3F800000, v27;
	(erf) = vrcp.f32 v11;
	v28 =	vmax.f32 v0, v10  }
0x414: {  	(erf) = vrcp.f32 v13;
	vm7 =	veq.f32 v28, $0.0e+00  }
0x415: {  	v14 =	vsel vm7, $0x3F800000, v28  }
0x416: {  	(erf) = vrcp.f32 v14;
	_ =	sdelay $0x2  }
0x417: {  	v36 =	vld [tilespmem:$0x1F370]  }
0x418: {  	v41 =	vld [tilespmem:$0x1F380]  }
0x419: {  	v18 =	vpop (erf)  }
0x41a: {  	v40 =	vmul.f32 $3.200000000e+01, v18;
	v32 =	vpop (erf)  }
0x41b: {  	v37 =	vmul.f32 $3.200000000e+01, v32;
	v34 =	vpop (erf)  }
0x41c: {  	v1 =	vmul.f32 v40, v36;
	v0 =	vmul.f32 $3.200000000e+01, v34  }
0x41d: {  	v3 =	vmul.f32 v37, v41;
	v38 =	vpop (erf)  }
0x41e: {  	v1 =	vadd.f32 $3.200000000e+01, v1;
	v43 =	vmul.f32 v0, v29;
	v38 =	vmul.f32 $3.200000000e+01, v38  }
0x41f: {  	v3 =	vadd.f32 $3.200000000e+01, v3  }
0x420: {  	v2 =	vadd.f32 $3.200000000e+01, v43;
	v48 =	vtrunc.f32 v1;
	v47 =	vmul.f32 v38, v54  }
0x421: {  	v5 =	vcvt.f32.s32 v48;
	v50 =	vtrunc.f32 v3  }
0x422: {  	v6 =	vcvt.f32.s32 v50;
	v51 =	vtrunc.f32 v2;
	v4 =	vadd.f32 $3.200000000e+01, v47  }
0x423: {  	v13 =	vcvt.f32.s32 v51  }
0x424: {  	v54 =	vtrunc.f32 v4  }
0x425: {  	v18 =	vcvt.f32.s32 v54;
	_ =	sdelay $0x1  }
0x426: {  	v59 =	vld.idx.msk [tilespmem:v5+s2+$0x0], $0xffff  }
0x427: {  	v7 =	vld.idx.msk [tilespmem:v6+s2+$0x0], $0xffff  }
0x428: {  	v8 =	vld.idx.msk [tilespmem:v13+s2+$0x0], $0xffff  }
0x429: {  	v14 =	vld [tilespmem:$0x1F390]  }
0x42a: {  	v9 =	vld.idx.msk [tilespmem:v18+s2+$0x0], $0xffff  }
0x42b: {  	v32 =	vld [tilespmem:$0x1F3A0];
	vm8 =	vgt.f32 v1, v59  }
0x42c: {  	vm9 =	vgt.f32 v3, v7;
	v1 =	vsel vm8, $0x55, v49  }
0x42d: {  	vm10 =	vgt.f32 v2, v8;
	v1 =	vadd.s32 v5, v1;
	v10 =	vsel vm9, $0x55, v49  }
0x42e: {  	v2 =	vadd.s32 v6, v10;
	v11 =	vsel vm10, $0x55, v49  }
0x42f: {  	v3 =	vadd.s32 v13, v11;
	vm11 =	vgt.f32 v4, v9;
	v4 =	vmul.f32 v40, v14  }
0x430: {  	v6 =	vmul.f32 v37, v32  }
0x431: {  	v34 =	vmul.f32 v0, v21;
	v4 =	vadd.f32 $3.200000000e+01, v4  }
0x432: {  	v6 =	vadd.f32 $3.200000000e+01, v6;
	v1 =	vld.idx.msk [tilespmem:v1+s12+$0x0], $0xffff  }
0x433: {  	v13 =	vadd.f32 $3.200000000e+01, v34;
	v29 =	vsel vm11, $0x55, v49;
	v2 =	vld.idx.msk [tilespmem:v2+s12+$0x0], $0xffff;
	v41 =	vtrunc.f32 v4  }
0x434: {  	v43 =	vtrunc.f32 v6;
	v5 =	vadd.s32 v18, v29;
	v3 =	vld.idx.msk [tilespmem:v3+s12+$0x0], $0xffff;
	v14 =	vcvt.f32.s32 v41  }
0x435: {  	v47 =	vtrunc.f32 v13;
	v18 =	vcvt.f32.s32 v43  }
0x436: {  	v36 =	vmul.f32 v38, v23;
	v21 =	vcvt.f32.s32 v47  }
0x437: {  	v1 =	vmul.f32 v25, v1  }
0x438: {  	v8 =	vadd.f32 $3.200000000e+01, v36;
	v2 =	vmul.f32 v26, v2  }
0x439: {  	v5 =	vld.idx.msk [tilespmem:v5+s12+$0x0], $0xffff;
	[tilespmem:s25+$0xC180] =	vst v1;
	v50 =	vmul.f32 v27, v3  }
0x43a: {  	v48 =	vtrunc.f32 v8;
	[tilespmem:s25+$0xC380] =	vst v2;
	v54 =	vld.idx.msk [tilespmem:v14+s2+$0x0], $0xffff  }
0x43b: {  	v23 =	vcvt.f32.s32 v48;
	[tilespmem:s25+$0xC580] =	vst v50;
	v59 =	vld.idx.msk [tilespmem:v18+s2+$0x0], $0xffff  }
0x43c: {  	v9 =	vld.idx.msk [tilespmem:v21+s2+$0x0], $0xffff;
	_ =	sdelay $0x1  }
0x43d: {  	v51 =	vmul.f32 v28, v5  }
0x43e: {  	vm12 =	vgt.f32 v4, v54  }
0x43f: {  	[tilespmem:s25+$0xC780] =	vst v51;
	vm13 =	vgt.f32 v6, v59;
	v11 =	vsel vm12, $0x55, v49  }
0x440: {  	v10 =	vld.idx.msk [tilespmem:v23+s2+$0x0], $0xffff;
	vm14 =	vgt.f32 v13, v9;
	v1 =	vadd.s32 v14, v11;
	v14 =	vsel vm13, $0x55, v49  }
0x441: {  	v2 =	vadd.s32 v18, v14;
	v18 =	vsel vm14, $0x55, v49  }
0x442: {  	v3 =	vadd.s32 v21, v18;
	v21 =	vld [tilespmem:$0x1F3B0]  }
0x443: {  	v29 =	vld [tilespmem:$0x1F3C0];
	_ =	sdelay $0x1  }
0x444: {  	vm15 =	vgt.f32 v8, v10  }
0x445: {  	v5 =	vsel vm15, $0x55, v49  }
0x446: {  	v5 =	vadd.s32 v23, v5;
	v4 =	vmul.f32 v40, v21  }
0x447: {  	v6 =	vmul.f32 v37, v29  }
0x448: {  	v34 =	vmul.f32 v38, v15;
	v4 =	vadd.f32 $3.200000000e+01, v4  }
0x449: {  	v6 =	vadd.f32 $3.200000000e+01, v6;
	v1 =	vld.idx.msk [tilespmem:v1+s12+$0x0], $0xffff  }
0x44a: {  	v32 =	vmul.f32 v0, v17;
	v10 =	vadd.f32 $3.200000000e+01, v34;
	v2 =	vld.idx.msk [tilespmem:v2+s12+$0x0], $0xffff;
	v36 =	vtrunc.f32 v4  }
0x44b: {  	v41 =	vtrunc.f32 v6;
	v5 =	vld.idx.msk [tilespmem:v5+s12+$0x0], $0xffff;
	v13 =	vcvt.f32.s32 v36  }
0x44c: {  	v14 =	vcvt.f32.s32 v41;
	v47 =	vtrunc.f32 v10  }
0x44d: {  	v8 =	vadd.f32 $3.200000000e+01, v32;
	v18 =	vcvt.f32.s32 v47  }
0x44e: {  	v3 =	vld.idx.msk [tilespmem:v3+s12+$0x0], $0xffff;
	v1 =	vmul.f32 v25, v1  }
0x44f: {  	v43 =	vtrunc.f32 v8;
	v2 =	vmul.f32 v26, v2  }
0x450: {  	v17 =	vcvt.f32.s32 v43;
	[tilespmem:s25+$0xC190] =	vst v1;
	v50 =	vmul.f32 v28, v5  }
0x451: {  	[tilespmem:s25+$0xC390] =	vst v2;
	v51 =	vld.idx.msk [tilespmem:v13+s2+$0x0], $0xffff  }
0x452: {  	v54 =	vld.idx.msk [tilespmem:v14+s2+$0x0], $0xffff;
	[tilespmem:s25+$0xC790] =	vst v50  }
0x453: {  	v48 =	vmul.f32 v27, v3;
	v9 =	vld.idx.msk [tilespmem:v18+s2+$0x0], $0xffff  }
0x454: {  	v29 =	vld [tilespmem:$0x1F3E0]  }
0x455: {  	v23 =	vld [tilespmem:$0x1F3D0];
	[tilespmem:s25+$0xC590] =	vst v48  }
0x456: {  	v59 =	vld.idx.msk [tilespmem:v17+s2+$0x0], $0xffff;
	vm4 =	vgt.f32 v4, v51  }
0x457: {  	vm5 =	vgt.f32 v6, v54;
	v11 =	vsel vm4, $0x55, v49  }
0x458: {  	v15 =	vsel vm5, $0x55, v49;
	vm7 =	vgt.f32 v10, v9;
	v1 =	vadd.s32 v13, v11  }
0x459: {  	v2 =	vadd.s32 v14, v15;
	v5 =	vsel vm7, $0x55, v49  }
0x45a: {  	v4 =	vmul.f32 v40, v23;
	v5 =	vadd.s32 v18, v5  }
0x45b: {  	v6 =	vmul.f32 v37, v29;
	vm6 =	vgt.f32 v8, v59  }
0x45c: {  	v34 =	vmul.f32 v38, v19;
	v21 =	vsel vm6, $0x55, v49;
	v4 =	vadd.f32 $3.200000000e+01, v4  }
0x45d: {  	v6 =	vadd.f32 $3.200000000e+01, v6;
	v3 =	vadd.s32 v17, v21;
	v1 =	vld.idx.msk [tilespmem:v1+s12+$0x0], $0xffff  }
0x45e: {  	v32 =	vmul.f32 v0, v53;
	v10 =	vadd.f32 $3.200000000e+01, v34;
	v2 =	vld.idx.msk [tilespmem:v2+s12+$0x0], $0xffff;
	v36 =	vtrunc.f32 v4  }
0x45f: {  	v41 =	vtrunc.f32 v6;
	v11 =	vcvt.f32.s32 v36;
	v5 =	vld.idx.msk [tilespmem:v5+s12+$0x0], $0xffff  }
0x460: {  	v47 =	vtrunc.f32 v10;
	v13 =	vcvt.f32.s32 v41  }
0x461: {  	v8 =	vadd.f32 $3.200000000e+01, v32;
	v15 =	vcvt.f32.s32 v47  }
0x462: {  	v3 =	vld.idx.msk [tilespmem:v3+s12+$0x0], $0xffff;
	v1 =	vmul.f32 v1, v25  }
0x463: {  	v43 =	vtrunc.f32 v8;
	v2 =	vmul.f32 v2, v26  }
0x464: {  	v14 =	vcvt.f32.s32 v43;
	v50 =	vmul.f32 v5, v28;
	[tilespmem:s25+$0xC1A0] =	vst v1  }
0x465: {  	[tilespmem:s25+$0xC3A0] =	vst v2;
	v51 =	vld.idx.msk [tilespmem:v11+s2+$0x0], $0xffff  }
0x466: {  	v53 =	vld.idx.msk [tilespmem:v13+s2+$0x0], $0xffff;
	[tilespmem:s25+$0xC7A0] =	vst v50  }
0x467: {  	v48 =	vmul.f32 v3, v27;
	v59 =	vld.idx.msk [tilespmem:v15+s2+$0x0], $0xffff;
	_ =	sdelay $0x1  }
0x468: {  	[tilespmem:s25+$0xC5A0] =	vst v48  }
0x469: {  	v54 =	vld.idx.msk [tilespmem:v14+s2+$0x0], $0xffff;
	vm8 =	vgt.f32 v4, v51  }
0x46a: {  	vm9 =	vgt.f32 v6, v53;
	v7 =	vsel vm8, $0x55, v49  }
0x46b: {  	v9 =	vsel vm9, $0x55, v49;
	vm11 =	vgt.f32 v10, v59;
	v1 =	vadd.s32 v11, v7;
	v11 =	vld [tilespmem:$0x1F3F0]  }
0x46c: {  	v2 =	vadd.s32 v13, v9;
	v13 =	vld [tilespmem:$0x1F400];
	v5 =	vsel vm11, $0x55, v49  }
0x46d: {  	v5 =	vadd.s32 v15, v5  }
0x46e: {  	vm10 =	vgt.f32 v8, v54  }
0x46f: {  	v10 =	vsel vm10, $0x55, v49;
	v15 =	vmul.f32 v38, v22  }
0x470: {  	v3 =	vadd.s32 v14, v10;
	v4 =	vmul.f32 v40, v11  }
0x471: {  	v6 =	vmul.f32 v37, v13;
	v7 =	vadd.f32 $3.200000000e+01, v15  }
0x472: {  	v14 =	vmul.f32 v0, v63;
	v5 =	vld.idx.msk [tilespmem:v5+s12+$0x0], $0xffff;
	v4 =	vadd.f32 $3.200000000e+01, v4  }
0x473: {  	v6 =	vadd.f32 $3.200000000e+01, v6;
	v21 =	vtrunc.f32 v7;
	v1 =	vld.idx.msk [tilespmem:v1+s12+$0x0], $0xffff  }
0x474: {  	v8 =	vadd.f32 $3.200000000e+01, v14;
	v2 =	vld.idx.msk [tilespmem:v2+s12+$0x0], $0xffff;
	v14 =	vcvt.f32.s32 v21;
	v17 =	vtrunc.f32 v4  }
0x475: {  	v3 =	vld.idx.msk [tilespmem:v3+s12+$0x0], $0xffff;
	v18 =	vtrunc.f32 v6;
	v10 =	vcvt.f32.s32 v17  }
0x476: {  	v19 =	vtrunc.f32 v8;
	v11 =	vcvt.f32.s32 v18  }
0x477: {  	v13 =	vcvt.f32.s32 v19;
	v23 =	vmul.f32 v5, v28  }
0x478: {  	v1 =	vmul.f32 v1, v25  }
0x479: {  	v2 =	vmul.f32 v2, v26;
	[tilespmem:s25+$0xC7B0] =	vst v23  }
0x47a: {  	v22 =	vmul.f32 v3, v27;
	[tilespmem:s25+$0xC1B0] =	vst v1;
	v36 =	vld.idx.msk [tilespmem:v14+s2+$0x0], $0xffff  }
0x47b: {  	[tilespmem:s25+$0xC3B0] =	vst v2;
	v29 =	vld.idx.msk [tilespmem:v10+s2+$0x0], $0xffff  }
0x47c: {  	[tilespmem:s25+$0xC5B0] =	vst v22;
	v32 =	vld.idx.msk [tilespmem:v11+s2+$0x0], $0xffff  }
0x47d: {  	v34 =	vld.idx.msk [tilespmem:v13+s2+$0x0], $0xffff;
	_ =	sdelay $0x1  }
0x47e: {  	v48 =	vld [tilespmem:$0x1F410];
	vm15 =	vgt.f32 v7, v36  }
0x47f: {  	v50 =	vld [tilespmem:$0x1F420];
	v5 =	vsel vm15, $0x55, v49;
	vm12 =	vgt.f32 v4, v29  }
0x480: {  	vm13 =	vgt.f32 v6, v32;
	v5 =	vadd.s32 v14, v5;
	v41 =	vsel vm12, $0x55, v49  }
0x481: {  	vm14 =	vgt.f32 v8, v34;
	v43 =	vsel vm13, $0x55, v49;
	v1 =	vadd.s32 v10, v41  }
0x482: {  	v53 =	vmul.f32 v38, v30;
	v47 =	vsel vm14, $0x55, v49;
	v2 =	vadd.s32 v11, v43  }
0x483: {  	v3 =	vadd.s32 v13, v47;
	v4 =	vmul.f32 v40, v48  }
0x484: {  	v8 =	vadd.f32 $3.200000000e+01, v53;
	v6 =	vmul.f32 v37, v50  }
0x485: {  	v51 =	vmul.f32 v0, v62;
	v4 =	vadd.f32 $3.200000000e+01, v4;
	v5 =	vld.idx.msk [tilespmem:v5+s12+$0x0], $0xffff  }
0x486: {  	v63 =	vtrunc.f32 v8;
	v6 =	vadd.f32 $3.200000000e+01, v6;
	v1 =	vld.idx.msk [tilespmem:v1+s12+$0x0], $0xffff  }
0x487: {  	v7 =	vadd.f32 $3.200000000e+01, v51;
	v13 =	vcvt.f32.s32 v63;
	v2 =	vld.idx.msk [tilespmem:v2+s12+$0x0], $0xffff;
	v54 =	vtrunc.f32 v4  }
0x488: {  	v59 =	vtrunc.f32 v6;
	v3 =	vld.idx.msk [tilespmem:v3+s12+$0x0], $0xffff;
	v9 =	vcvt.f32.s32 v54  }
0x489: {  	v62 =	vtrunc.f32 v7;
	v10 =	vcvt.f32.s32 v59  }
0x48a: {  	v11 =	vcvt.f32.s32 v62;
	v18 =	vmul.f32 v5, v28  }
0x48b: {  	v1 =	vmul.f32 v1, v25  }
0x48c: {  	v2 =	vmul.f32 v2, v26;
	[tilespmem:s25+$0xC7C0] =	vst v18  }
0x48d: {  	v17 =	vmul.f32 v3, v27;
	v23 =	vld.idx.msk [tilespmem:v13+s2+$0x0], $0xffff;
	[tilespmem:s25+$0xC1C0] =	vst v1  }
0x48e: {  	[tilespmem:s25+$0xC3C0] =	vst v2;
	v19 =	vld.idx.msk [tilespmem:v9+s2+$0x0], $0xffff  }
0x48f: {  	[tilespmem:s25+$0xC5C0] =	vst v17;
	v21 =	vld.idx.msk [tilespmem:v10+s2+$0x0], $0xffff  }
0x490: {  	v22 =	vld.idx.msk [tilespmem:v11+s2+$0x0], $0xffff;
	_ =	sdelay $0x1  }
0x491: {  	v34 =	vld [tilespmem:$0x1F430];
	vm7 =	vgt.f32 v8, v23  }
0x492: {  	v36 =	vld [tilespmem:$0x1F440];
	v5 =	vsel vm7, $0x55, v49;
	vm4 =	vgt.f32 v4, v19  }
0x493: {  	vm5 =	vgt.f32 v6, v21;
	v5 =	vadd.s32 v13, v5;
	v29 =	vsel vm4, $0x55, v49  }
0x494: {  	vm6 =	vgt.f32 v7, v22;
	v30 =	vsel vm5, $0x55, v49;
	v1 =	vadd.s32 v9, v29  }
0x495: {  	v43 =	vmul.f32 v38, v12;
	v32 =	vsel vm6, $0x55, v49;
	v2 =	vadd.s32 v10, v30  }
0x496: {  	v3 =	vadd.s32 v11, v32;
	v4 =	vmul.f32 v40, v34  }
0x497: {  	v6 =	vmul.f32 v37, v36;
	v8 =	vadd.f32 $3.200000000e+01, v43  }
0x498: {  	v41 =	vmul.f32 v0, v60;
	v4 =	vadd.f32 $3.200000000e+01, v4;
	v5 =	vld.idx.msk [tilespmem:v5+s12+$0x0], $0xffff  }
0x499: {  	v6 =	vadd.f32 $3.200000000e+01, v6;
	v51 =	vtrunc.f32 v8;
	v1 =	vld.idx.msk [tilespmem:v1+s12+$0x0], $0xffff  }
0x49a: {  	v7 =	vadd.f32 $3.200000000e+01, v41;
	v12 =	vcvt.f32.s32 v51;
	v2 =	vld.idx.msk [tilespmem:v2+s12+$0x0], $0xffff;
	v47 =	vtrunc.f32 v4  }
0x49b: {  	v48 =	vtrunc.f32 v6;
	v3 =	vld.idx.msk [tilespmem:v3+s12+$0x0], $0xffff;
	v9 =	vcvt.f32.s32 v47  }
0x49c: {  	v50 =	vtrunc.f32 v7;
	v10 =	vcvt.f32.s32 v48  }
0x49d: {  	v11 =	vcvt.f32.s32 v50;
	v54 =	vmul.f32 v5, v28  }
0x49e: {  	v1 =	vmul.f32 v1, v25  }
0x49f: {  	v2 =	vmul.f32 v2, v26;
	[tilespmem:s25+$0xC7D0] =	vst v54  }
0x4a0: {  	v53 =	vmul.f32 v3, v27;
	v63 =	vld.idx.msk [tilespmem:v12+s2+$0x0], $0xffff;
	[tilespmem:s25+$0xC1D0] =	vst v1  }
0x4a1: {  	[tilespmem:s25+$0xC3D0] =	vst v2;
	v59 =	vld.idx.msk [tilespmem:v9+s2+$0x0], $0xffff  }
0x4a2: {  	[tilespmem:s25+$0xC5D0] =	vst v53;
	v60 =	vld.idx.msk [tilespmem:v10+s2+$0x0], $0xffff  }
0x4a3: {  	v62 =	vld.idx.msk [tilespmem:v11+s2+$0x0], $0xffff;
	_ =	sdelay $0x1  }
0x4a4: {  	v13 =	vld [tilespmem:$0x1F450];
	vm11 =	vgt.f32 v8, v63  }
0x4a5: {  	v14 =	vld [tilespmem:$0x1F460];
	v5 =	vsel vm11, $0x55, v49;
	vm8 =	vgt.f32 v4, v59  }
0x4a6: {  	vm9 =	vgt.f32 v6, v60;
	v5 =	vadd.s32 v12, v5;
	v6 =	vsel vm8, $0x55, v49  }
0x4a7: {  	vm10 =	vgt.f32 v7, v62;
	v1 =	vadd.s32 v9, v6;
	v9 =	vsel vm9, $0x55, v49  }
0x4a8: {  	v16 =	vmul.f32 v38, v16;
	v2 =	vadd.s32 v10, v9;
	v10 =	vsel vm10, $0x55, v49  }
0x4a9: {  	v4 =	vmul.f32 v40, v13;
	v3 =	vadd.s32 v11, v10  }
0x4aa: {  	v8 =	vadd.f32 $3.200000000e+01, v16;
	v6 =	vmul.f32 v37, v14  }
0x4ab: {  	v15 =	vmul.f32 v0, v56;
	v4 =	vadd.f32 $3.200000000e+01, v4;
	v5 =	vld.idx.msk [tilespmem:v5+s12+$0x0], $0xffff  }
0x4ac: {  	v21 =	vtrunc.f32 v8;
	v6 =	vadd.f32 $3.200000000e+01, v6;
	v1 =	vld.idx.msk [tilespmem:v1+s12+$0x0], $0xffff  }
0x4ad: {  	v7 =	vadd.f32 $3.200000000e+01, v15;
	v12 =	vcvt.f32.s32 v21;
	v17 =	vtrunc.f32 v4;
	v2 =	vld.idx.msk [tilespmem:v2+s12+$0x0], $0xffff  }
0x4ae: {  	v9 =	vcvt.f32.s32 v17;
	v18 =	vtrunc.f32 v6;
	v3 =	vld.idx.msk [tilespmem:v3+s12+$0x0], $0xffff  }
0x4af: {  	v19 =	vtrunc.f32 v7;
	v10 =	vcvt.f32.s32 v18  }
0x4b0: {  	v11 =	vcvt.f32.s32 v19;
	v23 =	vmul.f32 v5, v28  }
0x4b1: {  	v1 =	vmul.f32 v1, v25  }
0x4b2: {  	[tilespmem:s25+$0xC7E0] =	vst v23;
	v2 =	vmul.f32 v2, v26  }
0x4b3: {  	v34 =	vld.idx.msk [tilespmem:v12+s2+$0x0], $0xffff;
	[tilespmem:s25+$0xC1E0] =	vst v1;
	v22 =	vmul.f32 v3, v27  }
0x4b4: {  	[tilespmem:s25+$0xC3E0] =	vst v2;
	v29 =	vld.idx.msk [tilespmem:v9+s2+$0x0], $0xffff  }
0x4b5: {  	[tilespmem:s25+$0xC5E0] =	vst v22;
	v30 =	vld.idx.msk [tilespmem:v10+s2+$0x0], $0xffff  }
0x4b6: {  	v32 =	vld.idx.msk [tilespmem:v11+s2+$0x0], $0xffff;
	_ =	sdelay $0x1  }
0x4b7: {  	v47 =	vld [tilespmem:$0x1F470];
	vm15 =	vgt.f32 v8, v34  }
0x4b8: {  	v48 =	vld [tilespmem:$0x1F480];
	v5 =	vsel vm15, $0x55, v49;
	vm12 =	vgt.f32 v4, v29  }
0x4b9: {  	v50 =	vld [tilespmem:$0x1F490];
	v5 =	vadd.s32 v12, v5;
	vm13 =	vgt.f32 v6, v30;
	v36 =	vsel vm12, $0x55, v49  }
0x4ba: {  	vm14 =	vgt.f32 v7, v32;
	v1 =	vadd.s32 v9, v36;
	v41 =	vsel vm13, $0x55, v49  }
0x4bb: {  	v51 =	vmul.f32 v38, v20;
	v2 =	vadd.s32 v10, v41;
	v43 =	vsel vm14, $0x55, v49  }
0x4bc: {  	v4 =	vmul.f32 v40, v47;
	v3 =	vadd.s32 v11, v43  }
0x4bd: {  	v8 =	vadd.f32 $3.200000000e+01, v51;
	v6 =	vmul.f32 v37, v48  }
0x4be: {  	v4 =	vadd.f32 $3.200000000e+01, v4;
	v7 =	vmul.f32 v0, v50;
	v5 =	vld.idx.msk [tilespmem:v5+s12+$0x0], $0xffff  }
0x4bf: {  	v59 =	vtrunc.f32 v8;
	v6 =	vadd.f32 $3.200000000e+01, v6;
	v1 =	vld.idx.msk [tilespmem:v1+s12+$0x0], $0xffff  }
0x4c0: {  	v12 =	vcvt.f32.s32 v59;
	v7 =	vadd.f32 $3.200000000e+01, v7;
	v53 =	vtrunc.f32 v4;
	v2 =	vld.idx.msk [tilespmem:v2+s12+$0x0], $0xffff  }
0x4c1: {  	v9 =	vcvt.f32.s32 v53;
	v54 =	vtrunc.f32 v6;
	v3 =	vld.idx.msk [tilespmem:v3+s12+$0x0], $0xffff  }
0x4c2: {  	v10 =	vcvt.f32.s32 v54;
	v56 =	vtrunc.f32 v7  }
0x4c3: {  	v11 =	vcvt.f32.s32 v56;
	v62 =	vmul.f32 v5, v28  }
0x4c4: {  	v1 =	vmul.f32 v1, v25  }
0x4c5: {  	[tilespmem:s25+$0xC7F0] =	vst v62;
	v2 =	vmul.f32 v2, v26  }
0x4c6: {  	v15 =	vld.idx.msk [tilespmem:v12+s2+$0x0], $0xffff;
	[tilespmem:s25+$0xC1F0] =	vst v1;
	v60 =	vmul.f32 v3, v27  }
0x4c7: {  	[tilespmem:s25+$0xC3F0] =	vst v2;
	v63 =	vld.idx.msk [tilespmem:v9+s2+$0x0], $0xffff  }
0x4c8: {  	[tilespmem:s25+$0xC5F0] =	vst v60;
	v13 =	vld.idx.msk [tilespmem:v10+s2+$0x0], $0xffff  }
0x4c9: {  	v14 =	vld.idx.msk [tilespmem:v11+s2+$0x0], $0xffff;
	_ =	sdelay $0x1  }
0x4ca: {  	v19 =	vld [tilespmem:$0x1F4A0];
	vm7 =	vgt.f32 v8, v15  }
0x4cb: {  	v20 =	vld [tilespmem:$0x1F4B0];
	v5 =	vsel vm7, $0x55, v49;
	vm4 =	vgt.f32 v4, v63  }
0x4cc: {  	v5 =	vadd.s32 v12, v5;
	vm5 =	vgt.f32 v6, v13;
	v16 =	vsel vm4, $0x55, v49  }
0x4cd: {  	vm6 =	vgt.f32 v7, v14;
	v1 =	vadd.s32 v9, v16;
	v17 =	vsel vm5, $0x55, v49  }
0x4ce: {  	v22 =	vmul.f32 v38, v24;
	v2 =	vadd.s32 v10, v17;
	v18 =	vsel vm6, $0x55, v49  }
0x4cf: {  	v4 =	vmul.f32 v40, v19;
	v3 =	vadd.s32 v11, v18  }
0x4d0: {  	v8 =	vadd.f32 $3.200000000e+01, v22;
	v6 =	vmul.f32 v37, v20  }
0x4d1: {  	v21 =	vmul.f32 v0, v52;
	v4 =	vadd.f32 $3.200000000e+01, v4;
	v5 =	vld.idx.msk [tilespmem:v5+s12+$0x0], $0xffff  }
0x4d2: {  	v30 =	vtrunc.f32 v8;
	v6 =	vadd.f32 $3.200000000e+01, v6;
	v1 =	vld.idx.msk [tilespmem:v1+s12+$0x0], $0xffff  }
0x4d3: {  	v12 =	vcvt.f32.s32 v30;
	v7 =	vadd.f32 $3.200000000e+01, v21;
	v23 =	vtrunc.f32 v4;
	v2 =	vld.idx.msk [tilespmem:v2+s12+$0x0], $0xffff  }
0x4d4: {  	v9 =	vcvt.f32.s32 v23;
	v24 =	vtrunc.f32 v6;
	v3 =	vld.idx.msk [tilespmem:v3+s12+$0x0], $0xffff  }
0x4d5: {  	v29 =	vtrunc.f32 v7;
	v10 =	vcvt.f32.s32 v24  }
0x4d6: {  	v11 =	vcvt.f32.s32 v29;
	v34 =	vmul.f32 v5, v28  }
0x4d7: {  	v1 =	vmul.f32 v1, v25  }
0x4d8: {  	[tilespmem:s25+$0xC800] =	vst v34;
	v2 =	vmul.f32 v2, v26  }
0x4d9: {  	v47 =	vld.idx.msk [tilespmem:v12+s2+$0x0], $0xffff;
	[tilespmem:s25+$0xC200] =	vst v1;
	v32 =	vmul.f32 v3, v27  }
0x4da: {  	[tilespmem:s25+$0xC400] =	vst v2;
	v36 =	vld.idx.msk [tilespmem:v9+s2+$0x0], $0xffff  }
0x4db: {  	[tilespmem:s25+$0xC600] =	vst v32;
	v41 =	vld.idx.msk [tilespmem:v10+s2+$0x0], $0xffff  }
0x4dc: {  	v43 =	vld.idx.msk [tilespmem:v11+s2+$0x0], $0xffff;
	_ =	sdelay $0x1  }
0x4dd: {  	v52 =	vld [tilespmem:$0x1F4C0];
	vm11 =	vgt.f32 v8, v47  }
0x4de: {  	v53 =	vld [tilespmem:$0x1F4D0];
	v5 =	vsel vm11, $0x55, v49;
	vm8 =	vgt.f32 v4, v36  }
0x4df: {  	v5 =	vadd.s32 v12, v5;
	vm9 =	vgt.f32 v6, v41;
	v48 =	vsel vm8, $0x55, v49  }
0x4e0: {  	vm10 =	vgt.f32 v7, v43;
	v1 =	vadd.s32 v9, v48;
	v50 =	vsel vm9, $0x55, v49  }
0x4e1: {  	v56 =	vmul.f32 v38, v31;
	v2 =	vadd.s32 v10, v50;
	v51 =	vsel vm10, $0x55, v49  }
0x4e2: {  	v4 =	vmul.f32 v40, v52;
	v3 =	vadd.s32 v11, v51  }
0x4e3: {  	v8 =	vadd.f32 $3.200000000e+01, v56;
	v6 =	vmul.f32 v37, v53  }
0x4e4: {  	v54 =	vmul.f32 v0, v45;
	v4 =	vadd.f32 $3.200000000e+01, v4;
	v5 =	vld.idx.msk [tilespmem:v5+s12+$0x0], $0xffff  }
0x4e5: {  	v63 =	vtrunc.f32 v8;
	v6 =	vadd.f32 $3.200000000e+01, v6;
	v1 =	vld.idx.msk [tilespmem:v1+s12+$0x0], $0xffff  }
0x4e6: {  	v12 =	vcvt.f32.s32 v63;
	v7 =	vadd.f32 $3.200000000e+01, v54;
	v59 =	vtrunc.f32 v4;
	v2 =	vld.idx.msk [tilespmem:v2+s12+$0x0], $0xffff  }
0x4e7: {  	v9 =	vcvt.f32.s32 v59;
	v60 =	vtrunc.f32 v6;
	v3 =	vld.idx.msk [tilespmem:v3+s12+$0x0], $0xffff  }
0x4e8: {  	v62 =	vtrunc.f32 v7;
	v10 =	vcvt.f32.s32 v60  }
0x4e9: {  	v11 =	vcvt.f32.s32 v62;
	v14 =	vmul.f32 v5, v28  }
0x4ea: {  	v1 =	vmul.f32 v1, v25  }
0x4eb: {  	[tilespmem:s25+$0xC810] =	vst v14;
	v2 =	vmul.f32 v2, v26  }
0x4ec: {  	v18 =	vld.idx.msk [tilespmem:v12+s2+$0x0], $0xffff;
	[tilespmem:s25+$0xC210] =	vst v1;
	v13 =	vmul.f32 v3, v27  }
0x4ed: {  	[tilespmem:s25+$0xC410] =	vst v2;
	v15 =	vld.idx.msk [tilespmem:v9+s2+$0x0], $0xffff  }
0x4ee: {  	[tilespmem:s25+$0xC610] =	vst v13;
	v16 =	vld.idx.msk [tilespmem:v10+s2+$0x0], $0xffff  }
0x4ef: {  	v17 =	vld.idx.msk [tilespmem:v11+s2+$0x0], $0xffff;
	_ =	sdelay $0x1  }
0x4f0: {  	v22 =	vld [tilespmem:$0x1F4E0];
	vm15 =	vgt.f32 v8, v18  }
0x4f1: {  	v23 =	vld [tilespmem:$0x1F4F0];
	v5 =	vsel vm15, $0x55, v49;
	vm12 =	vgt.f32 v4, v15  }
0x4f2: {  	v24 =	vld [tilespmem:$0x1F500];
	v5 =	vadd.s32 v12, v5;
	vm13 =	vgt.f32 v6, v16;
	v19 =	vsel vm12, $0x55, v49  }
0x4f3: {  	vm14 =	vgt.f32 v7, v17;
	v1 =	vadd.s32 v9, v19;
	v20 =	vsel vm13, $0x55, v49  }
0x4f4: {  	v29 =	vmul.f32 v38, v35;
	v2 =	vadd.s32 v10, v20;
	v21 =	vsel vm14, $0x55, v49  }
0x4f5: {  	v4 =	vmul.f32 v40, v22;
	v3 =	vadd.s32 v11, v21  }
0x4f6: {  	v8 =	vadd.f32 $3.200000000e+01, v29;
	v6 =	vmul.f32 v37, v23  }
0x4f7: {  	v4 =	vadd.f32 $3.200000000e+01, v4;
	v7 =	vmul.f32 v0, v24;
	v5 =	vld.idx.msk [tilespmem:v5+s12+$0x0], $0xffff  }
0x4f8: {  	v34 =	vtrunc.f32 v8;
	v6 =	vadd.f32 $3.200000000e+01, v6;
	v1 =	vld.idx.msk [tilespmem:v1+s12+$0x0], $0xffff  }
0x4f9: {  	v12 =	vcvt.f32.s32 v34;
	v7 =	vadd.f32 $3.200000000e+01, v7;
	v30 =	vtrunc.f32 v4;
	v2 =	vld.idx.msk [tilespmem:v2+s12+$0x0], $0xffff  }
0x4fa: {  	v9 =	vcvt.f32.s32 v30;
	v31 =	vtrunc.f32 v6;
	v3 =	vld.idx.msk [tilespmem:v3+s12+$0x0], $0xffff  }
0x4fb: {  	v10 =	vcvt.f32.s32 v31;
	v32 =	vtrunc.f32 v7  }
0x4fc: {  	v11 =	vcvt.f32.s32 v32;
	v36 =	vmul.f32 v5, v28  }
0x4fd: {  	v1 =	vmul.f32 v1, v25  }
0x4fe: {  	[tilespmem:s25+$0xC820] =	vst v36;
	v2 =	vmul.f32 v2, v26  }
0x4ff: {  	v47 =	vld.idx.msk [tilespmem:v12+s2+$0x0], $0xffff;
	[tilespmem:s25+$0xC220] =	vst v1;
	v35 =	vmul.f32 v3, v27  }
0x500: {  	[tilespmem:s25+$0xC420] =	vst v2;
	v41 =	vld.idx.msk [tilespmem:v9+s2+$0x0], $0xffff  }
0x501: {  	[tilespmem:s25+$0xC620] =	vst v35;
	v43 =	vld.idx.msk [tilespmem:v10+s2+$0x0], $0xffff  }
0x502: {  	v45 =	vld.idx.msk [tilespmem:v11+s2+$0x0], $0xffff;
	_ =	sdelay $0x1  }
0x503: {  	v52 =	vld [tilespmem:$0x1F510];
	vm7 =	vgt.f32 v8, v47  }
0x504: {  	v53 =	vld [tilespmem:$0x1F520];
	v5 =	vsel vm7, $0x55, v49;
	vm4 =	vgt.f32 v4, v41  }
0x505: {  	v5 =	vadd.s32 v12, v5;
	vm5 =	vgt.f32 v6, v43;
	v48 =	vsel vm4, $0x55, v49  }
0x506: {  	vm6 =	vgt.f32 v7, v45;
	v1 =	vadd.s32 v9, v48;
	v50 =	vsel vm5, $0x55, v49  }
0x507: {  	v56 =	vmul.f32 v38, v42;
	v2 =	vadd.s32 v10, v50;
	v51 =	vsel vm6, $0x55, v49  }
0x508: {  	v4 =	vmul.f32 v40, v52;
	v3 =	vadd.s32 v11, v51  }
0x509: {  	v8 =	vadd.f32 $3.200000000e+01, v56;
	v6 =	vmul.f32 v37, v53  }
0x50a: {  	v54 =	vmul.f32 v0, v33;
	v4 =	vadd.f32 $3.200000000e+01, v4;
	v5 =	vld.idx.msk [tilespmem:v5+s12+$0x0], $0xffff  }
0x50b: {  	v63 =	vtrunc.f32 v8;
	v6 =	vadd.f32 $3.200000000e+01, v6;
	v1 =	vld.idx.msk [tilespmem:v1+s12+$0x0], $0xffff  }
0x50c: {  	v12 =	vcvt.f32.s32 v63;
	v7 =	vadd.f32 $3.200000000e+01, v54;
	v59 =	vtrunc.f32 v4;
	v2 =	vld.idx.msk [tilespmem:v2+s12+$0x0], $0xffff  }
0x50d: {  	v9 =	vcvt.f32.s32 v59;
	v60 =	vtrunc.f32 v6;
	v3 =	vld.idx.msk [tilespmem:v3+s12+$0x0], $0xffff  }
0x50e: {  	v62 =	vtrunc.f32 v7;
	v10 =	vcvt.f32.s32 v60  }
0x50f: {  	v11 =	vcvt.f32.s32 v62;
	v17 =	vmul.f32 v5, v28  }
0x510: {  	v1 =	vmul.f32 v1, v25  }
0x511: {  	[tilespmem:s25+$0xC830] =	vst v17;
	v2 =	vmul.f32 v2, v26  }
0x512: {  	v21 =	vld.idx.msk [tilespmem:v12+s2+$0x0], $0xffff;
	[tilespmem:s25+$0xC230] =	vst v1;
	v16 =	vmul.f32 v3, v27  }
0x513: {  	[tilespmem:s25+$0xC430] =	vst v2;
	v18 =	vld.idx.msk [tilespmem:v9+s2+$0x0], $0xffff  }
0x514: {  	[tilespmem:s25+$0xC630] =	vst v16;
	v19 =	vld.idx.msk [tilespmem:v10+s2+$0x0], $0xffff  }
0x515: {  	v20 =	vld.idx.msk [tilespmem:v11+s2+$0x0], $0xffff;
	_ =	sdelay $0x1  }
0x516: {  	v29 =	vld [tilespmem:$0x1F530];
	vm11 =	vgt.f32 v8, v21  }
0x517: {  	v30 =	vld [tilespmem:$0x1F540];
	v5 =	vsel vm11, $0x55, v49;
	vm8 =	vgt.f32 v4, v18  }
0x518: {  	v31 =	vld [tilespmem:$0x1F550];
	v5 =	vadd.s32 v12, v5;
	vm9 =	vgt.f32 v6, v19;
	v22 =	vsel vm8, $0x55, v49  }
0x519: {  	vm10 =	vgt.f32 v7, v20;
	v1 =	vadd.s32 v9, v22;
	v23 =	vsel vm9, $0x55, v49  }
0x51a: {  	v32 =	vmul.f32 v38, v46;
	v2 =	vadd.s32 v10, v23;
	v24 =	vsel vm10, $0x55, v49  }
0x51b: {  	v4 =	vmul.f32 v40, v29;
	v3 =	vadd.s32 v11, v24  }
0x51c: {  	v8 =	vadd.f32 $3.200000000e+01, v32;
	v6 =	vmul.f32 v37, v30  }
0x51d: {  	v4 =	vadd.f32 $3.200000000e+01, v4;
	v7 =	vmul.f32 v0, v31;
	v5 =	vld.idx.msk [tilespmem:v5+s12+$0x0], $0xffff  }
0x51e: {  	v36 =	vtrunc.f32 v8;
	v6 =	vadd.f32 $3.200000000e+01, v6;
	v1 =	vld.idx.msk [tilespmem:v1+s12+$0x0], $0xffff  }
0x51f: {  	v12 =	vcvt.f32.s32 v36;
	v7 =	vadd.f32 $3.200000000e+01, v7;
	v33 =	vtrunc.f32 v4;
	v2 =	vld.idx.msk [tilespmem:v2+s12+$0x0], $0xffff  }
0x520: {  	v9 =	vcvt.f32.s32 v33;
	v34 =	vtrunc.f32 v6;
	v3 =	vld.idx.msk [tilespmem:v3+s12+$0x0], $0xffff  }
0x521: {  	v10 =	vcvt.f32.s32 v34;
	v35 =	vtrunc.f32 v7  }
0x522: {  	v11 =	vcvt.f32.s32 v35;
	v42 =	vmul.f32 v5, v28  }
0x523: {  	v1 =	vmul.f32 v1, v25  }
0x524: {  	[tilespmem:s25+$0xC840] =	vst v42;
	v2 =	vmul.f32 v2, v26  }
0x525: {  	v47 =	vld.idx.msk [tilespmem:v12+s2+$0x0], $0xffff;
	[tilespmem:s25+$0xC240] =	vst v1;
	v41 =	vmul.f32 v3, v27  }
0x526: {  	[tilespmem:s25+$0xC440] =	vst v2;
	v43 =	vld.idx.msk [tilespmem:v9+s2+$0x0], $0xffff  }
0x527: {  	[tilespmem:s25+$0xC640] =	vst v41;
	v45 =	vld.idx.msk [tilespmem:v10+s2+$0x0], $0xffff  }
0x528: {  	v46 =	vld.idx.msk [tilespmem:v11+s2+$0x0], $0xffff;
	_ =	sdelay $0x1  }
0x529: {  	v52 =	vld [tilespmem:$0x1F560];
	vm15 =	vgt.f32 v8, v47  }
0x52a: {  	v53 =	vld [tilespmem:$0x1F570];
	v5 =	vsel vm15, $0x55, v49;
	vm12 =	vgt.f32 v4, v43  }
0x52b: {  	v54 =	vld [tilespmem:$0x1F580];
	v5 =	vadd.s32 v12, v5;
	vm13 =	vgt.f32 v6, v45;
	v48 =	vsel vm12, $0x55, v49  }
0x52c: {  	vm14 =	vgt.f32 v7, v46;
	v1 =	vadd.s32 v9, v48;
	v50 =	vsel vm13, $0x55, v49  }
0x52d: {  	v56 =	vmul.f32 v38, v55;
	v2 =	vadd.s32 v10, v50;
	v51 =	vsel vm14, $0x55, v49  }
0x52e: {  	v4 =	vmul.f32 v40, v52;
	v3 =	vadd.s32 v11, v51  }
0x52f: {  	v8 =	vadd.f32 $3.200000000e+01, v56;
	v6 =	vmul.f32 v37, v53  }
0x530: {  	v4 =	vadd.f32 $3.200000000e+01, v4;
	v7 =	vmul.f32 v0, v54;
	v5 =	vld.idx.msk [tilespmem:v5+s12+$0x0], $0xffff  }
0x531: {  	v63 =	vtrunc.f32 v8;
	v6 =	vadd.f32 $3.200000000e+01, v6;
	v1 =	vld.idx.msk [tilespmem:v1+s12+$0x0], $0xffff  }
0x532: {  	v12 =	vcvt.f32.s32 v63;
	v7 =	vadd.f32 $3.200000000e+01, v7;
	v59 =	vtrunc.f32 v4;
	v2 =	vld.idx.msk [tilespmem:v2+s12+$0x0], $0xffff  }
0x533: {  	v9 =	vcvt.f32.s32 v59;
	v60 =	vtrunc.f32 v6;
	v3 =	vld.idx.msk [tilespmem:v3+s12+$0x0], $0xffff  }
0x534: {  	v10 =	vcvt.f32.s32 v60;
	v62 =	vtrunc.f32 v7  }
0x535: {  	v11 =	vcvt.f32.s32 v62;
	v14 =	vmul.f32 v5, v28  }
0x536: {  	v1 =	vmul.f32 v1, v25  }
0x537: {  	[tilespmem:s25+$0xC850] =	vst v14;
	v2 =	vmul.f32 v2, v26  }
0x538: {  	v18 =	vld.idx.msk [tilespmem:v12+s2+$0x0], $0xffff;
	[tilespmem:s25+$0xC250] =	vst v1;
	v13 =	vmul.f32 v3, v27  }
0x539: {  	[tilespmem:s25+$0xC450] =	vst v2;
	v15 =	vld.idx.msk [tilespmem:v9+s2+$0x0], $0xffff  }
0x53a: {  	[tilespmem:s25+$0xC650] =	vst v13;
	v16 =	vld.idx.msk [tilespmem:v10+s2+$0x0], $0xffff  }
0x53b: {  	v17 =	vld.idx.msk [tilespmem:v11+s2+$0x0], $0xffff;
	_ =	sdelay $0x1  }
0x53c: {  	v22 =	vld [tilespmem:$0x1F590];
	vm7 =	vgt.f32 v8, v18  }
0x53d: {  	v23 =	vld [tilespmem:$0x1F5A0];
	v5 =	vsel vm7, $0x55, v49;
	vm4 =	vgt.f32 v4, v15  }
0x53e: {  	v24 =	vld [tilespmem:$0x1F5B0];
	v5 =	vadd.s32 v12, v5;
	vm5 =	vgt.f32 v6, v16;
	v19 =	vsel vm4, $0x55, v49  }
0x53f: {  	vm6 =	vgt.f32 v7, v17;
	v1 =	vadd.s32 v9, v19;
	v20 =	vsel vm5, $0x55, v49  }
0x540: {  	v29 =	vmul.f32 v38, v44;
	v2 =	vadd.s32 v10, v20;
	v21 =	vsel vm6, $0x55, v49  }
0x541: {  	v4 =	vmul.f32 v40, v22;
	v3 =	vadd.s32 v11, v21  }
0x542: {  	v8 =	vadd.f32 $3.200000000e+01, v29;
	v6 =	vmul.f32 v37, v23  }
0x543: {  	v4 =	vadd.f32 $3.200000000e+01, v4;
	v7 =	vmul.f32 v0, v24;
	v5 =	vld.idx.msk [tilespmem:v5+s12+$0x0], $0xffff  }
0x544: {  	v33 =	vtrunc.f32 v8;
	v6 =	vadd.f32 $3.200000000e+01, v6;
	v1 =	vld.idx.msk [tilespmem:v1+s12+$0x0], $0xffff  }
0x545: {  	v12 =	vcvt.f32.s32 v33;
	v7 =	vadd.f32 $3.200000000e+01, v7;
	v30 =	vtrunc.f32 v4;
	v2 =	vld.idx.msk [tilespmem:v2+s12+$0x0], $0xffff  }
0x546: {  	v9 =	vcvt.f32.s32 v30;
	v31 =	vtrunc.f32 v6;
	v3 =	vld.idx.msk [tilespmem:v3+s12+$0x0], $0xffff  }
0x547: {  	v10 =	vcvt.f32.s32 v31;
	v32 =	vtrunc.f32 v7  }
0x548: {  	v11 =	vcvt.f32.s32 v32;
	v35 =	vmul.f32 v5, v28  }
0x549: {  	v1 =	vmul.f32 v1, v25  }
0x54a: {  	[tilespmem:s25+$0xC860] =	vst v35;
	v2 =	vmul.f32 v2, v26  }
0x54b: {  	v43 =	vld.idx.msk [tilespmem:v12+s2+$0x0], $0xffff;
	[tilespmem:s25+$0xC260] =	vst v1;
	v34 =	vmul.f32 v3, v27  }
0x54c: {  	[tilespmem:s25+$0xC460] =	vst v2;
	v36 =	vld.idx.msk [tilespmem:v9+s2+$0x0], $0xffff  }
0x54d: {  	[tilespmem:s25+$0xC660] =	vst v34;
	v41 =	vld.idx.msk [tilespmem:v10+s2+$0x0], $0xffff  }
0x54e: {  	v42 =	vld.idx.msk [tilespmem:v11+s2+$0x0], $0xffff;
	_ =	sdelay $0x1  }
0x54f: {  	v47 =	vld [tilespmem:$0x1F5C0];
	vm11 =	vgt.f32 v8, v43  }
0x550: {  	v48 =	vld [tilespmem:$0x1F5D0];
	v5 =	vsel vm11, $0x55, v49;
	vm8 =	vgt.f32 v4, v36  }
0x551: {  	v50 =	vld [tilespmem:$0x1F5E0];
	v5 =	vadd.s32 v12, v5;
	vm9 =	vgt.f32 v6, v41;
	v44 =	vsel vm8, $0x55, v49  }
0x552: {  	vm10 =	vgt.f32 v7, v42;
	v1 =	vadd.s32 v9, v44;
	v45 =	vsel vm9, $0x55, v49  }
0x553: {  	v51 =	vmul.f32 v38, v57;
	v2 =	vadd.s32 v10, v45;
	v46 =	vsel vm10, $0x55, v49  }
0x554: {  	v4 =	vmul.f32 v40, v47;
	v3 =	vadd.s32 v11, v46  }
0x555: {  	v8 =	vadd.f32 $3.200000000e+01, v51;
	v6 =	vmul.f32 v37, v48  }
0x556: {  	v4 =	vadd.f32 $3.200000000e+01, v4;
	v7 =	vmul.f32 v0, v50;
	v5 =	vld.idx.msk [tilespmem:v5+s12+$0x0], $0xffff  }
0x557: {  	v55 =	vtrunc.f32 v8;
	v6 =	vadd.f32 $3.200000000e+01, v6;
	v1 =	vld.idx.msk [tilespmem:v1+s12+$0x0], $0xffff  }
0x558: {  	v12 =	vcvt.f32.s32 v55;
	v7 =	vadd.f32 $3.200000000e+01, v7;
	v52 =	vtrunc.f32 v4;
	v2 =	vld.idx.msk [tilespmem:v2+s12+$0x0], $0xffff  }
0x559: {  	v9 =	vcvt.f32.s32 v52;
	v53 =	vtrunc.f32 v6;
	v3 =	vld.idx.msk [tilespmem:v3+s12+$0x0], $0xffff  }
0x55a: {  	v10 =	vcvt.f32.s32 v53;
	v54 =	vtrunc.f32 v7  }
0x55b: {  	v11 =	vcvt.f32.s32 v54;
	v57 =	vmul.f32 v5, v28  }
0x55c: {  	v1 =	vmul.f32 v1, v25  }
0x55d: {  	[tilespmem:s25+$0xC870] =	vst v57;
	v2 =	vmul.f32 v2, v26  }
0x55e: {  	v63 =	vld.idx.msk [tilespmem:v12+s2+$0x0], $0xffff;
	[tilespmem:s25+$0xC270] =	vst v1;
	v56 =	vmul.f32 v3, v27  }
0x55f: {  	[tilespmem:s25+$0xC470] =	vst v2;
	v59 =	vld.idx.msk [tilespmem:v9+s2+$0x0], $0xffff  }
0x560: {  	[tilespmem:s25+$0xC670] =	vst v56;
	v60 =	vld.idx.msk [tilespmem:v10+s2+$0x0], $0xffff  }
0x561: {  	v62 =	vld.idx.msk [tilespmem:v11+s2+$0x0], $0xffff;
	_ =	sdelay $0x3  }
0x562: {  	vm15 =	vgt.f32 v8, v63;
	vm12 =	vgt.f32 v4, v59;
	vm13 =	vgt.f32 v6, v60  }
0x563: {  	v6 =	vsel vm12, $0x55, v49;
	vm14 =	vgt.f32 v7, v62;
	v7 =	vsel vm13, $0x55, v49  }
0x564: {  	v1 =	vadd.s32 v9, v6;
	v2 =	vadd.s32 v10, v7;
	v9 =	vsel vm14, $0x55, v49;
	v10 =	vld [tilespmem:$0x1F5F0]  }
0x565: {  	v5 =	vsel vm15, $0x55, v49;
	v3 =	vadd.s32 v11, v9;
	v11 =	vld [tilespmem:$0x1F600]  }
0x566: {  	v5 =	vadd.s32 v12, v5;
	v12 =	vld [tilespmem:$0x1F610]  }
0x567: {  	v13 =	vld [tilespmem:$0x1F620];
	_ =	sdelay $0x1  }
0x568: {  	v4 =	vmul.f32 v40, v10  }
0x569: {  	v6 =	vmul.f32 v37, v11  }
0x56a: {  	v7 =	vmul.f32 v0, v12;
	v4 =	vadd.f32 $3.200000000e+01, v4  }
0x56b: {  	v8 =	vmul.f32 v38, v13;
	v1 =	vld.idx.msk [tilespmem:v1+s12+$0x0], $0xffff;
	v6 =	vadd.f32 $3.200000000e+01, v6  }
0x56c: {  	v7 =	vadd.f32 $3.200000000e+01, v7;
	v2 =	vld.idx.msk [tilespmem:v2+s12+$0x0], $0xffff;
	v14 =	vtrunc.f32 v4  }
0x56d: {  	v8 =	vadd.f32 $3.200000000e+01, v8;
	v3 =	vld.idx.msk [tilespmem:v3+s12+$0x0], $0xffff;
	v9 =	vcvt.f32.s32 v14;
	v15 =	vtrunc.f32 v6  }
0x56e: {  	v5 =	vld.idx.msk [tilespmem:v5+s12+$0x0], $0xffff;
	v16 =	vtrunc.f32 v7;
	v10 =	vcvt.f32.s32 v15  }
0x56f: {  	v17 =	vtrunc.f32 v8;
	v11 =	vcvt.f32.s32 v16  }
0x570: {  	v12 =	vcvt.f32.s32 v17;
	v1 =	vmul.f32 v1, v25  }
0x571: {  	v2 =	vmul.f32 v2, v26  }
0x572: {  	[tilespmem:s25+$0xC280] =	vst v1;
	v18 =	vmul.f32 v3, v27  }
0x573: {  	v19 =	vmul.f32 v5, v28;
	[tilespmem:s25+$0xC480] =	vst v2;
	v20 =	vld.idx.msk [tilespmem:v9+s2+$0x0], $0xffff  }
0x574: {  	[tilespmem:s25+$0xC680] =	vst v18;
	v21 =	vld.idx.msk [tilespmem:v10+s2+$0x0], $0xffff  }
0x575: {  	[tilespmem:s25+$0xC880] =	vst v19;
	v22 =	vld.idx.msk [tilespmem:v11+s2+$0x0], $0xffff  }
0x576: {  	v23 =	vld.idx.msk [tilespmem:v12+s2+$0x0], $0xffff  }
0x577: {  	v31 =	vld [tilespmem:$0x1F630]  }
0x578: {  	v32 =	vld [tilespmem:$0x1F640];
	vm4 =	vgt.f32 v4, v20  }
0x579: {  	v33 =	vld [tilespmem:$0x1F650];
	vm5 =	vgt.f32 v6, v21;
	v24 =	vsel vm4, $0x55, v49  }
0x57a: {  	v34 =	vld [tilespmem:$0x1F660];
	vm6 =	vgt.f32 v7, v22;
	v1 =	vadd.s32 v9, v24;
	v29 =	vsel vm5, $0x55, v49  }
0x57b: {  	vm7 =	vgt.f32 v8, v23;
	v30 =	vsel vm6, $0x55, v49;
	v2 =	vadd.s32 v10, v29  }
0x57c: {  	v5 =	vsel vm7, $0x55, v49;
	v3 =	vadd.s32 v11, v30;
	v4 =	vmul.f32 v40, v31  }
0x57d: {  	v5 =	vadd.s32 v12, v5;
	v6 =	vmul.f32 v37, v32  }
0x57e: {  	v7 =	vmul.f32 v0, v33;
	v4 =	vadd.f32 $3.200000000e+01, v4  }
0x57f: {  	v8 =	vmul.f32 v38, v34;
	v6 =	vadd.f32 $3.200000000e+01, v6;
	v1 =	vld.idx.msk [tilespmem:v1+s12+$0x0], $0xffff  }
0x580: {  	v7 =	vadd.f32 $3.200000000e+01, v7;
	v35 =	vtrunc.f32 v4;
	v2 =	vld.idx.msk [tilespmem:v2+s12+$0x0], $0xffff  }
0x581: {  	v8 =	vadd.f32 $3.200000000e+01, v8;
	v9 =	vcvt.f32.s32 v35;
	v3 =	vld.idx.msk [tilespmem:v3+s12+$0x0], $0xffff;
	v36 =	vtrunc.f32 v6  }
0x582: {  	v5 =	vld.idx.msk [tilespmem:v5+s12+$0x0], $0xffff;
	v41 =	vtrunc.f32 v7;
	v10 =	vcvt.f32.s32 v36  }
0x583: {  	v42 =	vtrunc.f32 v8;
	v11 =	vcvt.f32.s32 v41  }
0x584: {  	v12 =	vcvt.f32.s32 v42;
	v1 =	vmul.f32 v1, v25  }
0x585: {  	v2 =	vmul.f32 v2, v26  }
0x586: {  	v43 =	vmul.f32 v3, v27;
	[tilespmem:s25+$0xC290] =	vst v1  }
0x587: {  	v44 =	vmul.f32 v5, v28;
	[tilespmem:s25+$0xC490] =	vst v2;
	v45 =	vld.idx.msk [tilespmem:v9+s2+$0x0], $0xffff  }
0x588: {  	[tilespmem:s25+$0xC690] =	vst v43;
	v46 =	vld.idx.msk [tilespmem:v10+s2+$0x0], $0xffff  }
0x589: {  	[tilespmem:s25+$0xC890] =	vst v44;
	v47 =	vld.idx.msk [tilespmem:v11+s2+$0x0], $0xffff  }
0x58a: {  	v48 =	vld.idx.msk [tilespmem:v12+s2+$0x0], $0xffff  }
0x58b: {  	v53 =	vld [tilespmem:$0x1F670]  }
0x58c: {  	v54 =	vld [tilespmem:$0x1F680];
	vm8 =	vgt.f32 v4, v45  }
0x58d: {  	v55 =	vld [tilespmem:$0x1F690];
	vm9 =	vgt.f32 v6, v46;
	v50 =	vsel vm8, $0x55, v49  }
0x58e: {  	v56 =	vld [tilespmem:$0x1F6A0];
	vm10 =	vgt.f32 v7, v47;
	v1 =	vadd.s32 v9, v50;
	v51 =	vsel vm9, $0x55, v49  }
0x58f: {  	vm11 =	vgt.f32 v8, v48;
	v52 =	vsel vm10, $0x55, v49;
	v2 =	vadd.s32 v10, v51  }
0x590: {  	v5 =	vsel vm11, $0x55, v49;
	v3 =	vadd.s32 v11, v52;
	v4 =	vmul.f32 v40, v53  }
0x591: {  	v5 =	vadd.s32 v12, v5;
	v6 =	vmul.f32 v37, v54  }
0x592: {  	v7 =	vmul.f32 v0, v55;
	v4 =	vadd.f32 $3.200000000e+01, v4  }
0x593: {  	v8 =	vmul.f32 v38, v56;
	v6 =	vadd.f32 $3.200000000e+01, v6;
	v1 =	vld.idx.msk [tilespmem:v1+s12+$0x0], $0xffff  }
0x594: {  	v7 =	vadd.f32 $3.200000000e+01, v7;
	v57 =	vtrunc.f32 v4;
	v2 =	vld.idx.msk [tilespmem:v2+s12+$0x0], $0xffff  }
0x595: {  	v8 =	vadd.f32 $3.200000000e+01, v8;
	v9 =	vcvt.f32.s32 v57;
	v3 =	vld.idx.msk [tilespmem:v3+s12+$0x0], $0xffff;
	v59 =	vtrunc.f32 v6  }
0x596: {  	v5 =	vld.idx.msk [tilespmem:v5+s12+$0x0], $0xffff;
	v60 =	vtrunc.f32 v7;
	v10 =	vcvt.f32.s32 v59  }
0x597: {  	v62 =	vtrunc.f32 v8;
	v11 =	vcvt.f32.s32 v60  }
0x598: {  	v12 =	vcvt.f32.s32 v62;
	v1 =	vmul.f32 v1, v25  }
0x599: {  	v2 =	vmul.f32 v2, v26  }
0x59a: {  	v63 =	vmul.f32 v3, v27;
	[tilespmem:s25+$0xC2A0] =	vst v1  }
0x59b: {  	v13 =	vmul.f32 v5, v28;
	[tilespmem:s25+$0xC4A0] =	vst v2;
	v14 =	vld.idx.msk [tilespmem:v9+s2+$0x0], $0xffff  }
0x59c: {  	[tilespmem:s25+$0xC6A0] =	vst v63;
	v15 =	vld.idx.msk [tilespmem:v10+s2+$0x0], $0xffff  }
0x59d: {  	[tilespmem:s25+$0xC8A0] =	vst v13;
	v16 =	vld.idx.msk [tilespmem:v11+s2+$0x0], $0xffff  }
0x59e: {  	v17 =	vld.idx.msk [tilespmem:v12+s2+$0x0], $0xffff  }
0x59f: {  	v21 =	vld [tilespmem:$0x1F6B0]  }
0x5a0: {  	v22 =	vld [tilespmem:$0x1F6C0];
	vm12 =	vgt.f32 v4, v14  }
0x5a1: {  	v23 =	vld [tilespmem:$0x1F6D0];
	vm13 =	vgt.f32 v6, v15;
	v18 =	vsel vm12, $0x55, v49  }
0x5a2: {  	v24 =	vld [tilespmem:$0x1F6E0];
	vm14 =	vgt.f32 v7, v16;
	v19 =	vsel vm13, $0x55, v49;
	v1 =	vadd.s32 v9, v18  }
0x5a3: {  	vm15 =	vgt.f32 v8, v17;
	v20 =	vsel vm14, $0x55, v49;
	v2 =	vadd.s32 v10, v19  }
0x5a4: {  	v5 =	vsel vm15, $0x55, v49;
	v4 =	vmul.f32 v40, v21;
	v3 =	vadd.s32 v11, v20  }
0x5a5: {  	v5 =	vadd.s32 v12, v5;
	v6 =	vmul.f32 v37, v22  }
0x5a6: {  	v7 =	vmul.f32 v0, v23;
	v4 =	vadd.f32 $3.200000000e+01, v4  }
0x5a7: {  	v8 =	vmul.f32 v38, v24;
	v6 =	vadd.f32 $3.200000000e+01, v6;
	v1 =	vld.idx.msk [tilespmem:v1+s12+$0x0], $0xffff  }
0x5a8: {  	v7 =	vadd.f32 $3.200000000e+01, v7;
	v29 =	vtrunc.f32 v4;
	v2 =	vld.idx.msk [tilespmem:v2+s12+$0x0], $0xffff  }
0x5a9: {  	v8 =	vadd.f32 $3.200000000e+01, v8;
	v9 =	vcvt.f32.s32 v29;
	v30 =	vtrunc.f32 v6;
	v3 =	vld.idx.msk [tilespmem:v3+s12+$0x0], $0xffff  }
0x5aa: {  	v5 =	vld.idx.msk [tilespmem:v5+s12+$0x0], $0xffff;
	v31 =	vtrunc.f32 v7;
	v10 =	vcvt.f32.s32 v30  }
0x5ab: {  	v32 =	vtrunc.f32 v8;
	v11 =	vcvt.f32.s32 v31  }
0x5ac: {  	v12 =	vcvt.f32.s32 v32;
	v1 =	vmul.f32 v1, v25  }
0x5ad: {  	v2 =	vmul.f32 v2, v26  }
0x5ae: {  	v33 =	vmul.f32 v3, v27;
	[tilespmem:s25+$0xC2B0] =	vst v1  }
0x5af: {  	v35 =	vmul.f32 v5, v28;
	v34 =	vld.idx.msk [tilespmem:v9+s2+$0x0], $0xffff;
	[tilespmem:s25+$0xC4B0] =	vst v2  }
0x5b0: {  	[tilespmem:s25+$0xC6B0] =	vst v33;
	v36 =	vld.idx.msk [tilespmem:v10+s2+$0x0], $0xffff  }
0x5b1: {  	[tilespmem:s25+$0xC8B0] =	vst v35;
	v1 =	vld.idx.msk [tilespmem:v11+s2+$0x0], $0xffff  }
0x5b2: {  	v2 =	vld.idx.msk [tilespmem:v12+s2+$0x0], $0xffff  }
0x5b3: {  	v45 =	vld [tilespmem:$0x1F6F0]  }
0x5b4: {  	v47 =	vld [tilespmem:$0x1F700];
	vm4 =	vgt.f32 v4, v34  }
0x5b5: {  	v48 =	vld [tilespmem:$0x1F710];
	v3 =	vsel vm4, $0x55, v49;
	vm5 =	vgt.f32 v6, v36  }
0x5b6: {  	v50 =	vld [tilespmem:$0x1F720];
	vm6 =	vgt.f32 v7, v1;
	v41 =	vsel vm5, $0x55, v49;
	v42 =	vadd.s32 v9, v3  }
0x5b7: {  	v44 =	vsel vm6, $0x55, v49;
	vm7 =	vgt.f32 v8, v2;
	v43 =	vadd.s32 v10, v41  }
0x5b8: {  	v2 =	vmul.f32 v40, v45;
	v4 =	vadd.s32 v11, v44;
	v46 =	vsel vm7, $0x55, v49  }
0x5b9: {  	v6 =	vmul.f32 v37, v47;
	v5 =	vadd.s32 v12, v46  }
0x5ba: {  	v7 =	vmul.f32 v0, v48;
	v2 =	vadd.f32 $3.200000000e+01, v2  }
0x5bb: {  	v8 =	vmul.f32 v38, v50;
	v6 =	vadd.f32 $3.200000000e+01, v6;
	v1 =	vld.idx.msk [tilespmem:v42+s12+$0x0], $0xffff  }
0x5bc: {  	v7 =	vadd.f32 $3.200000000e+01, v7;
	v51 =	vtrunc.f32 v2;
	v3 =	vld.idx.msk [tilespmem:v43+s12+$0x0], $0xffff  }
0x5bd: {  	v8 =	vadd.f32 $3.200000000e+01, v8;
	v9 =	vcvt.f32.s32 v51;
	v52 =	vtrunc.f32 v6;
	v4 =	vld.idx.msk [tilespmem:v4+s12+$0x0], $0xffff  }
0x5be: {  	v53 =	vtrunc.f32 v7;
	v10 =	vcvt.f32.s32 v52;
	v5 =	vld.idx.msk [tilespmem:v5+s12+$0x0], $0xffff  }
0x5bf: {  	v11 =	vcvt.f32.s32 v53;
	v54 =	vtrunc.f32 v8  }
0x5c0: {  	v12 =	vcvt.f32.s32 v54;
	v1 =	vmul.f32 v1, v25  }
0x5c1: {  	v3 =	vmul.f32 v3, v26  }
0x5c2: {  	v55 =	vmul.f32 v4, v27;
	[tilespmem:s25+$0xC2C0] =	vst v1  }
0x5c3: {  	v57 =	vmul.f32 v5, v28;
	v56 =	vld.idx.msk [tilespmem:v9+s2+$0x0], $0xffff;
	[tilespmem:s25+$0xC4C0] =	vst v3  }
0x5c4: {  	[tilespmem:s25+$0xC6C0] =	vst v55;
	v59 =	vld.idx.msk [tilespmem:v10+s2+$0x0], $0xffff  }
0x5c5: {  	v1 =	vld.idx.msk [tilespmem:v11+s2+$0x0], $0xffff;
	[tilespmem:s25+$0xC8C0] =	vst v57  }
0x5c6: {  	v3 =	vld.idx.msk [tilespmem:v12+s2+$0x0], $0xffff  }
0x5c7: {  	v13 =	vld [tilespmem:$0x1F740]  }
0x5c8: {  	v14 =	vld [tilespmem:$0x1F750];
	vm8 =	vgt.f32 v2, v56  }
0x5c9: {  	v15 =	vld [tilespmem:$0x1F760];
	v2 =	vsel vm8, $0x55, v49;
	vm9 =	vgt.f32 v6, v59  }
0x5ca: {  	vm10 =	vgt.f32 v7, v1;
	v60 =	vsel vm9, $0x55, v49;
	v62 =	vadd.s32 v9, v2  }
0x5cb: {  	vm11 =	vgt.f32 v8, v3;
	v9 =	vsel vm10, $0x55, v49;
	v63 =	vadd.s32 v10, v60;
	v10 =	vld [tilespmem:$0x1F730]  }
0x5cc: {  	v4 =	vadd.s32 v11, v9;
	v11 =	vsel vm11, $0x55, v49  }
0x5cd: {  	v7 =	vmul.f32 v0, v14;
	v6 =	vmul.f32 v37, v13;
	v5 =	vadd.s32 v12, v11  }
0x5ce: {  	v8 =	vmul.f32 v38, v15  }
0x5cf: {  	v7 =	vadd.f32 $3.200000000e+01, v7;
	v6 =	vadd.f32 $3.200000000e+01, v6;
	v1 =	vld.idx.msk [tilespmem:v62+s12+$0x0], $0xffff  }
0x5d0: {  	v8 =	vadd.f32 $3.200000000e+01, v8;
	v3 =	vmul.f32 v40, v10;
	v2 =	vld.idx.msk [tilespmem:v63+s12+$0x0], $0xffff  }
0x5d1: {  	v18 =	vtrunc.f32 v7;
	v17 =	vtrunc.f32 v6;
	v4 =	vld.idx.msk [tilespmem:v4+s12+$0x0], $0xffff  }
0x5d2: {  	v19 =	vtrunc.f32 v8;
	v10 =	vcvt.f32.s32 v17;
	v5 =	vld.idx.msk [tilespmem:v5+s12+$0x0], $0xffff;
	v3 =	vadd.f32 $3.200000000e+01, v3  }
0x5d3: {  	v11 =	vcvt.f32.s32 v18;
	v12 =	vcvt.f32.s32 v19  }
0x5d4: {  	v16 =	vtrunc.f32 v3;
	v1 =	vmul.f32 v1, v25  }
0x5d5: {  	v9 =	vcvt.f32.s32 v16;
	v2 =	vmul.f32 v2, v26  }
0x5d6: {  	v20 =	vmul.f32 v4, v27;
	[tilespmem:s25+$0xC2D0] =	vst v1  }
0x5d7: {  	v22 =	vmul.f32 v5, v28;
	[tilespmem:s25+$0xC4D0] =	vst v2  }
0x5d8: {  	[tilespmem:s25+$0xC6D0] =	vst v20;
	v23 =	vld.idx.msk [tilespmem:v10+s2+$0x0], $0xffff  }
0x5d9: {  	v1 =	vld.idx.msk [tilespmem:v11+s2+$0x0], $0xffff;
	[tilespmem:s25+$0xC8D0] =	vst v22  }
0x5da: {  	v2 =	vld.idx.msk [tilespmem:v12+s2+$0x0], $0xffff  }
0x5db: {  	v21 =	vld.idx.msk [tilespmem:v9+s2+$0x0], $0xffff  }
0x5dc: {  	v34 =	vld [tilespmem:$0x1F780]  }
0x5dd: {  	v35 =	vld [tilespmem:$0x1F790];
	vm13 =	vgt.f32 v6, v23  }
0x5de: {  	v36 =	vld [tilespmem:$0x1F7A0];
	v24 =	vsel vm13, $0x55, v49  }
0x5df: {  	v32 =	vld [tilespmem:$0x1F770];
	vm15 =	vgt.f32 v8, v2;
	v30 =	vadd.s32 v10, v24  }
0x5e0: {  	vm14 =	vgt.f32 v7, v1;
	v33 =	vsel vm15, $0x55, v49;
	vm12 =	vgt.f32 v3, v21  }
0x5e1: {  	v6 =	vmul.f32 v37, v34;
	v5 =	vadd.s32 v12, v33;
	v3 =	vsel vm12, $0x55, v49  }
0x5e2: {  	v7 =	vmul.f32 v0, v35;
	v31 =	vsel vm14, $0x55, v49;
	v29 =	vadd.s32 v9, v3  }
0x5e3: {  	v8 =	vmul.f32 v38, v36;
	v4 =	vadd.s32 v11, v31;
	v6 =	vadd.f32 $3.200000000e+01, v6  }
0x5e4: {  	v2 =	vmul.f32 v40, v32;
	v3 =	vld.idx.msk [tilespmem:v30+s12+$0x0], $0xffff  }
0x5e5: {  	v7 =	vadd.f32 $3.200000000e+01, v7;
	v8 =	vadd.f32 $3.200000000e+01, v8;
	v42 =	vtrunc.f32 v6  }
0x5e6: {  	v2 =	vadd.f32 $3.200000000e+01, v2;
	v10 =	vcvt.f32.s32 v42;
	v5 =	vld.idx.msk [tilespmem:v5+s12+$0x0], $0xffff  }
0x5e7: {  	v43 =	vtrunc.f32 v7;
	v44 =	vtrunc.f32 v8;
	v1 =	vld.idx.msk [tilespmem:v29+s12+$0x0], $0xffff  }
0x5e8: {  	v41 =	vtrunc.f32 v2;
	v12 =	vcvt.f32.s32 v44;
	v4 =	vld.idx.msk [tilespmem:v4+s12+$0x0], $0xffff  }
0x5e9: {  	v9 =	vcvt.f32.s32 v41;
	v3 =	vmul.f32 v3, v26  }
0x5ea: {  	v11 =	vcvt.f32.s32 v43  }
0x5eb: {  	v47 =	vmul.f32 v5, v28;
	[tilespmem:s25+$0xC4E0] =	vst v3  }
0x5ec: {  	v1 =	vmul.f32 v1, v25;
	v48 =	vld.idx.msk [tilespmem:v10+s2+$0x0], $0xffff  }
0x5ed: {  	v55 =	vld [tilespmem:$0x1F7C0];
	v45 =	vmul.f32 v4, v27;
	[tilespmem:s25+$0xC8E0] =	vst v47  }
0x5ee: {  	v3 =	vld.idx.msk [tilespmem:v12+s2+$0x0], $0xffff;
	[tilespmem:s25+$0xC2E0] =	vst v1  }
0x5ef: {  	[tilespmem:s25+$0xC6E0] =	vst v45;
	v46 =	vld.idx.msk [tilespmem:v9+s2+$0x0], $0xffff  }
0x5f0: {  	v1 =	vld.idx.msk [tilespmem:v11+s2+$0x0], $0xffff  }
0x5f1: {  	v53 =	vld [tilespmem:$0x1F7B0];
	vm5 =	vgt.f32 v6, v48  }
0x5f2: {  	v57 =	vld [tilespmem:$0x1F7E0];
	v50 =	vsel vm5, $0x55, v49  }
0x5f3: {  	v56 =	vld [tilespmem:$0x1F7D0];
	vm7 =	vgt.f32 v8, v3;
	v51 =	vadd.s32 v10, v50  }
0x5f4: {  	v6 =	vmul.f32 v37, v55;
	v54 =	vsel vm7, $0x55, v49;
	vm4 =	vgt.f32 v2, v46  }
0x5f5: {  	vm6 =	vgt.f32 v7, v1;
	v5 =	vadd.s32 v12, v54;
	v2 =	vsel vm4, $0x55, v49  }
0x5f6: {  	v3 =	vmul.f32 v40, v53;
	v52 =	vsel vm6, $0x55, v49;
	v2 =	vadd.s32 v9, v2  }
0x5f7: {  	v8 =	vmul.f32 v38, v57;
	v6 =	vadd.f32 $3.200000000e+01, v6;
	v4 =	vadd.s32 v11, v52  }
0x5f8: {  	v7 =	vmul.f32 v0, v56;
	v1 =	vld.idx.msk [tilespmem:v51+s12+$0x0], $0xffff  }
0x5f9: {  	v3 =	vadd.f32 $3.200000000e+01, v3;
	v8 =	vadd.f32 $3.200000000e+01, v8;
	v60 =	vtrunc.f32 v6  }
0x5fa: {  	v10 =	vcvt.f32.s32 v60;
	v5 =	vld.idx.msk [tilespmem:v5+s12+$0x0], $0xffff  }
0x5fb: {  	v7 =	vadd.f32 $3.200000000e+01, v7;
	v59 =	vtrunc.f32 v3;
	v63 =	vtrunc.f32 v8;
	v2 =	vld.idx.msk [tilespmem:v2+s12+$0x0], $0xffff  }
0x5fc: {  	v9 =	vcvt.f32.s32 v59;
	v12 =	vcvt.f32.s32 v63;
	v4 =	vld.idx.msk [tilespmem:v4+s12+$0x0], $0xffff  }
0x5fd: {  	v62 =	vtrunc.f32 v7;
	v1 =	vmul.f32 v1, v26  }
0x5fe: {  	v11 =	vcvt.f32.s32 v62  }
0x5ff: {  	v18 =	vmul.f32 v5, v28;
	[tilespmem:s25+$0xC4F0] =	vst v1  }
0x600: {  	v2 =	vmul.f32 v2, v25;
	v19 =	vld.idx.msk [tilespmem:v10+s2+$0x0], $0xffff  }
0x601: {  	v29 =	vld [tilespmem:$0x1F800];
	v16 =	vmul.f32 v4, v27;
	[tilespmem:s25+$0xC8F0] =	vst v18  }
0x602: {  	v1 =	vld.idx.msk [tilespmem:v12+s2+$0x0], $0xffff;
	[tilespmem:s25+$0xC2F0] =	vst v2  }
0x603: {  	[tilespmem:s25+$0xC6F0] =	vst v16;
	v17 =	vld.idx.msk [tilespmem:v9+s2+$0x0], $0xffff  }
0x604: {  	v2 =	vld.idx.msk [tilespmem:v11+s2+$0x0], $0xffff  }
0x605: {  	vm9 =	vgt.f32 v6, v19  }
0x606: {  	v23 =	vld [tilespmem:$0x1F7F0];
	v20 =	vsel vm9, $0x55, v49  }
0x607: {  	vm11 =	vgt.f32 v8, v1;
	v21 =	vadd.s32 v10, v20  }
0x608: {  	v30 =	vld [tilespmem:$0x1F810];
	v6 =	vmul.f32 v37, v29;
	v24 =	vsel vm11, $0x55, v49;
	vm8 =	vgt.f32 v3, v17  }
0x609: {  	vm10 =	vgt.f32 v7, v2;
	v5 =	vadd.s32 v12, v24;
	v3 =	vsel vm8, $0x55, v49  }
0x60a: {  	v31 =	vmul.f32 v38, v61;
	v22 =	vsel vm10, $0x55, v49;
	v3 =	vadd.s32 v9, v3  }
0x60b: {  	v1 =	vmul.f32 v40, v23;
	v6 =	vadd.f32 $3.200000000e+01, v6;
	v4 =	vadd.s32 v11, v22  }
0x60c: {  	v8 =	vadd.f32 $3.200000000e+01, v31;
	v2 =	vld.idx.msk [tilespmem:v21+s12+$0x0], $0xffff  }
0x60d: {  	v7 =	vmul.f32 v0, v30;
	v1 =	vadd.f32 $3.200000000e+01, v1;
	v33 =	vtrunc.f32 v6  }
0x60e: {  	v10 =	vcvt.f32.s32 v33;
	v5 =	vld.idx.msk [tilespmem:v5+s12+$0x0], $0xffff  }
0x60f: {  	v35 =	vtrunc.f32 v8;
	v7 =	vadd.f32 $3.200000000e+01, v7;
	v32 =	vtrunc.f32 v1;
	v3 =	vld.idx.msk [tilespmem:v3+s12+$0x0], $0xffff  }
0x610: {  	v12 =	vcvt.f32.s32 v35;
	v9 =	vcvt.f32.s32 v32;
	v4 =	vld.idx.msk [tilespmem:v4+s12+$0x0], $0xffff  }
0x611: {  	v34 =	vtrunc.f32 v7;
	v2 =	vmul.f32 v2, v26  }
0x612: {  	v11 =	vcvt.f32.s32 v34  }
0x613: {  	v42 =	vmul.f32 v5, v28;
	[tilespmem:s25+$0xC500] =	vst v2  }
0x614: {  	v3 =	vmul.f32 v3, v25;
	v43 =	vld.idx.msk [tilespmem:v10+s2+$0x0], $0xffff  }
0x615: {  	v50 =	vld [tilespmem:$0x1F830];
	v36 =	vmul.f32 v4, v27;
	[tilespmem:s25+$0xC900] =	vst v42  }
0x616: {  	v2 =	vld.idx.msk [tilespmem:v12+s2+$0x0], $0xffff;
	[tilespmem:s25+$0xC300] =	vst v3  }
0x617: {  	[tilespmem:s25+$0xC700] =	vst v36;
	v41 =	vld.idx.msk [tilespmem:v9+s2+$0x0], $0xffff  }
0x618: {  	v3 =	vld.idx.msk [tilespmem:v11+s2+$0x0], $0xffff  }
0x619: {  	v47 =	vld [tilespmem:$0x1F820];
	vm13 =	vgt.f32 v6, v43  }
0x61a: {  	v44 =	vsel vm13, $0x55, v49  }
0x61b: {  	v45 =	vadd.s32 v10, v44  }
0x61c: {  	v51 =	vld [tilespmem:$0x1F840];
	v6 =	vmul.f32 v37, v50;
	vm12 =	vgt.f32 v1, v41  }
0x61d: {  	v52 =	vld [tilespmem:$0x1F850];
	vm15 =	vgt.f32 v8, v2;
	vm14 =	vgt.f32 v7, v3;
	v1 =	vsel vm12, $0x55, v49  }
0x61e: {  	v2 =	vmul.f32 v40, v47;
	v46 =	vsel vm14, $0x55, v49;
	v1 =	vadd.s32 v9, v1  }
0x61f: {  	v48 =	vsel vm15, $0x55, v49;
	v6 =	vadd.f32 $3.200000000e+01, v6;
	v4 =	vadd.s32 v11, v46  }
0x620: {  	v5 =	vadd.s32 v12, v48;
	v3 =	vld.idx.msk [tilespmem:v45+s12+$0x0], $0xffff  }
0x621: {  	v7 =	vmul.f32 v0, v51;
	v2 =	vadd.f32 $3.200000000e+01, v2;
	v54 =	vtrunc.f32 v6  }
0x622: {  	v8 =	vmul.f32 v38, v52;
	v10 =	vcvt.f32.s32 v54  }
0x623: {  	v7 =	vadd.f32 $3.200000000e+01, v7;
	v53 =	vtrunc.f32 v2;
	v1 =	vld.idx.msk [tilespmem:v1+s12+$0x0], $0xffff  }
0x624: {  	v8 =	vadd.f32 $3.200000000e+01, v8;
	v9 =	vcvt.f32.s32 v53;
	v4 =	vld.idx.msk [tilespmem:v4+s12+$0x0], $0xffff  }
0x625: {  	v55 =	vtrunc.f32 v7;
	v5 =	vld.idx.msk [tilespmem:v5+s12+$0x0], $0xffff;
	v3 =	vmul.f32 v3, v26  }
0x626: {  	v56 =	vtrunc.f32 v8;
	v11 =	vcvt.f32.s32 v55  }
0x627: {  	v12 =	vcvt.f32.s32 v56;
	[tilespmem:s25+$0xC510] =	vst v3  }
0x628: {  	v1 =	vmul.f32 v1, v25;
	v61 =	vld.idx.msk [tilespmem:v10+s2+$0x0], $0xffff  }
0x629: {  	v57 =	vmul.f32 v4, v27  }
0x62a: {  	v60 =	vmul.f32 v5, v28;
	[tilespmem:s25+$0xC310] =	vst v1  }
0x62b: {  	[tilespmem:s25+$0xC710] =	vst v57;
	v59 =	vld.idx.msk [tilespmem:v9+s2+$0x0], $0xffff  }
0x62c: {  	[tilespmem:s25+$0xC910] =	vst v60;
	v1 =	vld.idx.msk [tilespmem:v11+s2+$0x0], $0xffff  }
0x62d: {  	v3 =	vld.idx.msk [tilespmem:v12+s2+$0x0], $0xffff;
	vm5 =	vgt.f32 v6, v61  }
0x62e: {  	v14 =	vld [tilespmem:$0x1F870];
	v62 =	vsel vm5, $0x55, v49  }
0x62f: {  	v63 =	vadd.s32 v10, v62;
	v10 =	vld [tilespmem:$0x1F860]  }
0x630: {  	v15 =	vld [tilespmem:$0x1F880];
	vm4 =	vgt.f32 v2, v59  }
0x631: {  	v16 =	vld [tilespmem:$0x1F890];
	vm6 =	vgt.f32 v7, v1;
	v2 =	vsel vm4, $0x55, v49  }
0x632: {  	vm7 =	vgt.f32 v8, v3;
	v2 =	vadd.s32 v9, v2;
	v9 =	vsel vm6, $0x55, v49  }
0x633: {  	v6 =	vmul.f32 v37, v14;
	v13 =	vsel vm7, $0x55, v49;
	v4 =	vadd.s32 v11, v9  }
0x634: {  	v5 =	vadd.s32 v12, v13;
	v3 =	vmul.f32 v40, v10  }
0x635: {  	v7 =	vmul.f32 v0, v15;
	v6 =	vadd.f32 $3.200000000e+01, v6  }
0x636: {  	v8 =	vmul.f32 v38, v16;
	v1 =	vld.idx.msk [tilespmem:v63+s12+$0x0], $0xffff;
	v3 =	vadd.f32 $3.200000000e+01, v3  }
0x637: {  	v7 =	vadd.f32 $3.200000000e+01, v7;
	v18 =	vtrunc.f32 v6;
	v2 =	vld.idx.msk [tilespmem:v2+s12+$0x0], $0xffff  }
0x638: {  	v8 =	vadd.f32 $3.200000000e+01, v8;
	v10 =	vcvt.f32.s32 v18;
	v17 =	vtrunc.f32 v3;
	v4 =	vld.idx.msk [tilespmem:v4+s12+$0x0], $0xffff  }
0x639: {  	v19 =	vtrunc.f32 v7;
	v5 =	vld.idx.msk [tilespmem:v5+s12+$0x0], $0xffff;
	v9 =	vcvt.f32.s32 v17  }
0x63a: {  	v20 =	vtrunc.f32 v8;
	v11 =	vcvt.f32.s32 v19  }
0x63b: {  	v12 =	vcvt.f32.s32 v20;
	v1 =	vmul.f32 v1, v26  }
0x63c: {  	v2 =	vmul.f32 v2, v25  }
0x63d: {  	[tilespmem:s25+$0xC520] =	vst v1;
	v21 =	vmul.f32 v4, v27  }
0x63e: {  	v23 =	vmul.f32 v5, v28;
	v24 =	vld.idx.msk [tilespmem:v10+s2+$0x0], $0xffff;
	[tilespmem:s25+$0xC320] =	vst v2  }
0x63f: {  	v22 =	vld.idx.msk [tilespmem:v9+s2+$0x0], $0xffff;
	[tilespmem:s25+$0xC720] =	vst v21  }
0x640: {  	[tilespmem:s25+$0xC920] =	vst v23;
	v2 =	vld.idx.msk [tilespmem:v11+s2+$0x0], $0xffff  }
0x641: {  	v1 =	vld.idx.msk [tilespmem:v12+s2+$0x0], $0xffff  }
0x642: {  	v34 =	vld [tilespmem:$0x1F8B0]  }
0x643: {  	v32 =	vld [tilespmem:$0x1F8A0];
	vm9 =	vgt.f32 v6, v24  }
0x644: {  	v35 =	vld [tilespmem:$0x1F8C0];
	v29 =	vsel vm9, $0x55, v49;
	vm8 =	vgt.f32 v3, v22  }
0x645: {  	v36 =	vld [tilespmem:$0x1F8D0];
	v30 =	vadd.s32 v10, v29;
	v3 =	vsel vm8, $0x55, v49;
	vm10 =	vgt.f32 v7, v2  }
0x646: {  	vm11 =	vgt.f32 v8, v1;
	v3 =	vadd.s32 v9, v3;
	v31 =	vsel vm10, $0x55, v49  }
0x647: {  	v6 =	vmul.f32 v37, v34;
	v33 =	vsel vm11, $0x55, v49;
	v4 =	vadd.s32 v11, v31  }
0x648: {  	v1 =	vmul.f32 v40, v32;
	v5 =	vadd.s32 v12, v33  }
0x649: {  	v6 =	vadd.f32 $3.200000000e+01, v6;
	v7 =	vmul.f32 v0, v35  }
0x64a: {  	v8 =	vmul.f32 v38, v36;
	v1 =	vadd.f32 $3.200000000e+01, v1;
	v2 =	vld.idx.msk [tilespmem:v30+s12+$0x0], $0xffff  }
0x64b: {  	v42 =	vtrunc.f32 v6;
	v7 =	vadd.f32 $3.200000000e+01, v7;
	v3 =	vld.idx.msk [tilespmem:v3+s12+$0x0], $0xffff  }
0x64c: {  	v8 =	vadd.f32 $3.200000000e+01, v8;
	v41 =	vtrunc.f32 v1;
	v10 =	vcvt.f32.s32 v42;
	v4 =	vld.idx.msk [tilespmem:v4+s12+$0x0], $0xffff  }
0x64d: {  	v9 =	vcvt.f32.s32 v41;
	v43 =	vtrunc.f32 v7;
	v5 =	vld.idx.msk [tilespmem:v5+s12+$0x0], $0xffff  }
0x64e: {  	v44 =	vtrunc.f32 v8;
	v11 =	vcvt.f32.s32 v43  }
0x64f: {  	v12 =	vcvt.f32.s32 v44;
	v2 =	vmul.f32 v2, v26  }
0x650: {  	v3 =	vmul.f32 v3, v25  }
0x651: {  	[tilespmem:s25+$0xC530] =	vst v2;
	v45 =	vmul.f32 v4, v27  }
0x652: {  	v47 =	vmul.f32 v5, v28;
	v48 =	vld.idx.msk [tilespmem:v10+s2+$0x0], $0xffff;
	[tilespmem:s25+$0xC330] =	vst v3  }
0x653: {  	v46 =	vld.idx.msk [tilespmem:v9+s2+$0x0], $0xffff;
	[tilespmem:s25+$0xC730] =	vst v45  }
0x654: {  	[tilespmem:s25+$0xC930] =	vst v47;
	v3 =	vld.idx.msk [tilespmem:v11+s2+$0x0], $0xffff  }
0x655: {  	v2 =	vld.idx.msk [tilespmem:v12+s2+$0x0], $0xffff  }
0x656: {  	v55 =	vld [tilespmem:$0x1F8F0]  }
0x657: {  	v53 =	vld [tilespmem:$0x1F8E0];
	vm13 =	vgt.f32 v6, v48  }
0x658: {  	v56 =	vld [tilespmem:$0x1F900];
	v50 =	vsel vm13, $0x55, v49;
	vm12 =	vgt.f32 v1, v46  }
0x659: {  	v57 =	vld [tilespmem:$0x1F910];
	v51 =	vadd.s32 v10, v50;
	v1 =	vsel vm12, $0x55, v49;
	vm14 =	vgt.f32 v7, v3  }
0x65a: {  	vm15 =	vgt.f32 v8, v2;
	v1 =	vadd.s32 v9, v1;
	v52 =	vsel vm14, $0x55, v49  }
0x65b: {  	v6 =	vmul.f32 v37, v55;
	v54 =	vsel vm15, $0x55, v49;
	v4 =	vadd.s32 v11, v52  }
0x65c: {  	v2 =	vmul.f32 v40, v53;
	v5 =	vadd.s32 v12, v54  }
0x65d: {  	v6 =	vadd.f32 $3.200000000e+01, v6;
	v7 =	vmul.f32 v0, v56  }
0x65e: {  	v8 =	vmul.f32 v38, v57;
	v2 =	vadd.f32 $3.200000000e+01, v2;
	v3 =	vld.idx.msk [tilespmem:v51+s12+$0x0], $0xffff  }
0x65f: {  	v60 =	vtrunc.f32 v6;
	v7 =	vadd.f32 $3.200000000e+01, v7;
	v1 =	vld.idx.msk [tilespmem:v1+s12+$0x0], $0xffff  }
0x660: {  	v8 =	vadd.f32 $3.200000000e+01, v8;
	v59 =	vtrunc.f32 v2;
	v10 =	vcvt.f32.s32 v60;
	v4 =	vld.idx.msk [tilespmem:v4+s12+$0x0], $0xffff  }
0x661: {  	v9 =	vcvt.f32.s32 v59;
	v61 =	vtrunc.f32 v7;
	v5 =	vld.idx.msk [tilespmem:v5+s12+$0x0], $0xffff  }
0x662: {  	v62 =	vtrunc.f32 v8;
	v11 =	vcvt.f32.s32 v61  }
0x663: {  	v12 =	vcvt.f32.s32 v62;
	v3 =	vmul.f32 v3, v26  }
0x664: {  	v1 =	vmul.f32 v1, v25  }
0x665: {  	[tilespmem:s25+$0xC540] =	vst v3;
	v63 =	vmul.f32 v4, v27  }
0x666: {  	v14 =	vmul.f32 v5, v28;
	v15 =	vld.idx.msk [tilespmem:v10+s2+$0x0], $0xffff;
	[tilespmem:s25+$0xC340] =	vst v1  }
0x667: {  	v13 =	vld.idx.msk [tilespmem:v9+s2+$0x0], $0xffff;
	[tilespmem:s25+$0xC740] =	vst v63  }
0x668: {  	[tilespmem:s25+$0xC940] =	vst v14;
	v1 =	vld.idx.msk [tilespmem:v11+s2+$0x0], $0xffff  }
0x669: {  	v3 =	vld.idx.msk [tilespmem:v12+s2+$0x0], $0xffff  }
0x66a: {  	v21 =	vld [tilespmem:$0x1F930]  }
0x66b: {  	v19 =	vld [tilespmem:$0x1F920];
	vm5 =	vgt.f32 v6, v15  }
0x66c: {  	v22 =	vld [tilespmem:$0x1F940];
	v16 =	vsel vm5, $0x55, v49;
	vm4 =	vgt.f32 v2, v13  }
0x66d: {  	v23 =	vld [tilespmem:$0x1F950];
	v17 =	vadd.s32 v10, v16;
	v2 =	vsel vm4, $0x55, v49;
	vm6 =	vgt.f32 v7, v1  }
0x66e: {  	vm7 =	vgt.f32 v8, v3;
	v2 =	vadd.s32 v9, v2;
	v18 =	vsel vm6, $0x55, v49  }
0x66f: {  	v6 =	vmul.f32 v37, v21;
	v20 =	vsel vm7, $0x55, v49;
	v4 =	vadd.s32 v11, v18  }
0x670: {  	v3 =	vmul.f32 v40, v19;
	v5 =	vadd.s32 v12, v20  }
0x671: {  	v6 =	vadd.f32 $3.200000000e+01, v6;
	v7 =	vmul.f32 v0, v22  }
0x672: {  	v8 =	vmul.f32 v38, v23;
	v3 =	vadd.f32 $3.200000000e+01, v3;
	v1 =	vld.idx.msk [tilespmem:v17+s12+$0x0], $0xffff  }
0x673: {  	v29 =	vtrunc.f32 v6;
	v7 =	vadd.f32 $3.200000000e+01, v7;
	v2 =	vld.idx.msk [tilespmem:v2+s12+$0x0], $0xffff  }
0x674: {  	v8 =	vadd.f32 $3.200000000e+01, v8;
	v24 =	vtrunc.f32 v3;
	v10 =	vcvt.f32.s32 v29;
	v4 =	vld.idx.msk [tilespmem:v4+s12+$0x0], $0xffff  }
0x675: {  	v9 =	vcvt.f32.s32 v24;
	v30 =	vtrunc.f32 v7;
	v5 =	vld.idx.msk [tilespmem:v5+s12+$0x0], $0xffff  }
0x676: {  	v31 =	vtrunc.f32 v8;
	v11 =	vcvt.f32.s32 v30  }
0x677: {  	v12 =	vcvt.f32.s32 v31;
	v1 =	vmul.f32 v1, v26  }
0x678: {  	v2 =	vmul.f32 v2, v25  }
0x679: {  	[tilespmem:s25+$0xC550] =	vst v1;
	v32 =	vmul.f32 v4, v27  }
0x67a: {  	v34 =	vmul.f32 v5, v28;
	v35 =	vld.idx.msk [tilespmem:v10+s2+$0x0], $0xffff;
	[tilespmem:s25+$0xC350] =	vst v2  }
0x67b: {  	v33 =	vld.idx.msk [tilespmem:v9+s2+$0x0], $0xffff;
	[tilespmem:s25+$0xC750] =	vst v32  }
0x67c: {  	[tilespmem:s25+$0xC950] =	vst v34;
	v2 =	vld.idx.msk [tilespmem:v11+s2+$0x0], $0xffff  }
0x67d: {  	v1 =	vld.idx.msk [tilespmem:v12+s2+$0x0], $0xffff  }
0x67e: {  	v45 =	vld [tilespmem:$0x1F970]  }
0x67f: {  	v43 =	vld [tilespmem:$0x1F960];
	vm9 =	vgt.f32 v6, v35  }
0x680: {  	v46 =	vld [tilespmem:$0x1F980];
	v36 =	vsel vm9, $0x55, v49;
	vm8 =	vgt.f32 v3, v33  }
0x681: {  	v41 =	vadd.s32 v10, v36;
	v3 =	vsel vm8, $0x55, v49;
	vm10 =	vgt.f32 v7, v2  }
0x682: {  	vm11 =	vgt.f32 v8, v1;
	v3 =	vadd.s32 v9, v3;
	v42 =	vsel vm10, $0x55, v49  }
0x683: {  	v6 =	vmul.f32 v37, v45;
	v44 =	vsel vm11, $0x55, v49;
	v4 =	vadd.s32 v11, v42  }
0x684: {  	v1 =	vmul.f32 v40, v43;
	v5 =	vadd.s32 v12, v44  }
0x685: {  	v0 =	vmul.f32 v0, v46;
	v6 =	vadd.f32 $3.200000000e+01, v6  }
0x686: {  	v47 =	vmul.f32 v38, v39;
	v1 =	vadd.f32 $3.200000000e+01, v1;
	v2 =	vld.idx.msk [tilespmem:v41+s12+$0x0], $0xffff  }
0x687: {  	v0 =	vadd.f32 $3.200000000e+01, v0;
	v50 =	vtrunc.f32 v6;
	v3 =	vld.idx.msk [tilespmem:v3+s12+$0x0], $0xffff  }
0x688: {  	v7 =	vadd.f32 $3.200000000e+01, v47;
	v48 =	vtrunc.f32 v1;
	v9 =	vcvt.f32.s32 v50;
	v4 =	vld.idx.msk [tilespmem:v4+s12+$0x0], $0xffff  }
0x689: {  	v51 =	vtrunc.f32 v0;
	v8 =	vcvt.f32.s32 v48;
	v5 =	vld.idx.msk [tilespmem:v5+s12+$0x0], $0xffff  }
0x68a: {  	v10 =	vcvt.f32.s32 v51;
	v52 =	vtrunc.f32 v7  }
0x68b: {  	v11 =	vcvt.f32.s32 v52;
	v2 =	vmul.f32 v2, v26  }
0x68c: {  	v3 =	vmul.f32 v3, v25  }
0x68d: {  	[tilespmem:s25+$0xC560] =	vst v2;
	v53 =	vmul.f32 v4, v27  }
0x68e: {  	v55 =	vmul.f32 v5, v28;
	v56 =	vld.idx.msk [tilespmem:v9+s2+$0x0], $0xffff;
	[tilespmem:s25+$0xC360] =	vst v3  }
0x68f: {  	v54 =	vld.idx.msk [tilespmem:v8+s2+$0x0], $0xffff;
	[tilespmem:s25+$0xC760] =	vst v53  }
0x690: {  	[tilespmem:s25+$0xC960] =	vst v55;
	v3 =	vld.idx.msk [tilespmem:v10+s2+$0x0], $0xffff  }
0x691: {  	v2 =	vld.idx.msk [tilespmem:v11+s2+$0x0], $0xffff;
	_ =	sdelay $0x1  }
0x692: {  	vm13 =	vgt.f32 v6, v56  }
0x693: {  	v57 =	vsel vm13, $0x55, v49;
	vm12 =	vgt.f32 v1, v54  }
0x694: {  	v59 =	vadd.s32 v9, v57;
	v1 =	vsel vm12, $0x55, v49;
	vm14 =	vgt.f32 v0, v3  }
0x695: {  	vm15 =	vgt.f32 v7, v2;
	v1 =	vadd.s32 v8, v1;
	v3 =	vsel vm14, $0x55, v49  }
0x696: {  	v61 =	vsel vm15, $0x55, v49;
	v60 =	vadd.s32 v10, v3  }
0x697: {  	v3 =	vadd.s32 v11, v61;
	_ =	sdelay $0x1  }
0x698: {  	v0 =	vld.idx.msk [tilespmem:v59+s12+$0x0], $0xffff  }
0x699: {  	v1 =	vld.idx.msk [tilespmem:v1+s12+$0x0], $0xffff  }
0x69a: {  	v2 =	vld.idx.msk [tilespmem:v60+s12+$0x0], $0xffff  }
0x69b: {  	v3 =	vld.idx.msk [tilespmem:v3+s12+$0x0], $0xffff;
	_ =	sdelay $0x1  }
0x69c: {  	p0 =	slt.u32 s24, $0x1C;
	v0 =	vmul.f32 v0, v26  }
.Ltmp4:
0x69d: {  	v1 =	vmul.f32 v1, v25;
	(pc) =	sbr.rel @p0 .LBB2_9-.Ltmp4, $4  }
0x69e: {  	[tilespmem:s25+$0xC570] =	vst v0;
	v62 =	vmul.f32 v2, v27  }
0x69f: {  	v63 =	vmul.f32 v3, v28;
	[tilespmem:s25+$0xC370] =	vst v1  }
0x6a0: {  	[tilespmem:s25+$0xC770] =	vst v62  }
0x6a1: {  	s24 =	sadd.s32 $0x4, s24;
	[tilespmem:s25+$0xC970] =	vst v63  }
0x6a2: {  	s22 =	sadd.s32 $0x1, s22  }
0x6a3: {  	p0 =	sne.s32 s22, $0x10  }
.Ltmp5:
0x6a4: {  	_ = 	snop;
	(pc) =	sbr.rel @p0 .LBB2_2-.Ltmp5, $3  }
0x6a5: {  	_ =	sdelay $0x1  }
0x6a6: {  	s23 =	sadd.s32 s7, s23  }
0x6a7: {  	[hbm4b:s23+s2] =	stream.linear.scatter [tilespmem:s19], [sflag:$0x4], $0x4000, $0x38;
	[tilespmem:$0x10180] =	vst v63  }
0x6a8: {  	s21 =	sadd.s32 $0x1, s21  }
0x6a9: {  	_ =	swait.ge [sflag:s20], $0x4000;
	p0 =	sne.s32 s21, s10  }
.Ltmp6:
0x6aa: {  	[sflag:s20] =	ssyncset.done $0x0;
	(pc) =	sbr.rel @p0 .LBB2_1-.Ltmp6, $4  }
0x6ab: {  	[sflag:s20] =	ssyncadd.s32 $0xFFFFC000  }
0x6ac: {  	_ =	swait.ge [sflag:s18], $0x4000  }
0x6ad: {  	[sflag:s18] =	ssyncset.done $0x0  }
0x6ae: {  	[sflag:s18] =	ssyncadd.s32 $0xFFFFC000  }
0x6af: {  	_ =	sfence.sel $0x180000  }
0x6b0: {  	[bflag:$0x0] =	sbarrier.arrive $0xFFFF  }
0x6b1: {  	p0 =	sne.s32 s3, $0x0;
	_ =	strace $0x9000004A  }
0x6b2: {  	s0 =	sadd.s32 @!p0 $0x100000, s0;
	[bflag:$0x2] =	sbarrier.arrive $0xFFFF  }
0x6b3: {  	[sflag:s0] =	ssyncadd.tile.s32 @!p0 $0x1;
	_ =	shalt  }
.Lfunc_end2:
_tile_overlayer_lowered:
.L_overlay_start_2:
0x6b4: {  	(tag) =	ssettag $0x2  }
0x6b5: {  	s0 =	rddreg [dreg:$0x0];
	s2 =	stileid.u32  }
0x6b6: {  	s1 =	rddreg [dreg:$0x1];
	p0 =	sne.s32 s2, $0x0  }
0x6b7: {  	s3 =	rddreg [dreg:$0x2];
	[bflag:$0x3] =	sbarrier.arrive $0xFFFF;
	s2 =	simm.s32 @!p0 $0x1C05  }
0x6b8: {  	[timem:s3], [sflag:s2] =	dma.local @!p0 [hbm:s0], s1  }
0x6b9: {  	s0 =	simm.s32 @!p0 $0x5  }
0x6ba: {  	_ =	swait.ge @!p0 [sflag:s0], s1  }
0x6bb: {  	s1 =	ssub.s32 @!p0 $0x0, s1;
	[sflag:s0] =	ssyncset.done @!p0 $0x0  }
0x6bc: {  	[sflag:s0] =	ssyncadd.s32 @!p0 s1  }
0x6bd: {  	[bflag:$0x3] =	sbarrier.arrive $0xFFFF  }
0x6be: {  	_ =	shalt  }

// kernel: sparse-core-data-format-call.cloned.1.call-start
scs
called_computation_lowered:
.L_overlay_start_0:
0x0: {  	s2 =	sld [smem:$0x3FD9]  }
0x1: {  	s3 =	sld [smem:$0x3FFE];
	_ =	sdelay $0x1  }
0x2: {  	s1 =	srdreg.scid  }
0x3: {  	s0 =	sand.u32 $0x1, s1  }
0x4: {  	s19 =	sshll.u32 s0, $0xA;
	s2 =	sadd.s32 s3, s2  }
0x5: {  	s2 =	sadd.s32 s2, s19  }
0x6: {  	[smem:$0x3FC7] =	sst s2  }
0x7: {  	_ = 	snop  }
0x8: {  	s2 =	sld [smem:$0x3FC9]  }
0x9: {  	s20 =	sld [smem:$0x3FD0];
	(tm) =	ssettm $0x1  }
0xa: {  	s4 =	sld [smem:$0x3FFB];
	_ =	sdelay $0x3  }
0xb: {  	_ =	strace s4  }
0xc: {  	s4 =	sld [smem:$0x3FFC];
	_ =	sdelay $0x3  }
0xd: {  	_ =	strace s4  }
0xe: {  	s4 =	sld [smem:$0x3FFD];
	_ =	sdelay $0x3  }
0xf: {  	_ =	strace s4  }
0x10: {  	_ =	strace $0x8FFFFFFF  }
0x11: {  	s21 =	sld [smem:$0x3FDB];
	_ =	sdelay $0x1  }
0x12: {  	s5 =	simm.s32 $_scs_section_size  }
0x13: {  	s6 =	simm.s32 $_size__tile_overlayer_lowered;
	s7 =	simm.s32 $_tile_overlayer_lowered  }
0x14: {  	s24 =	simm.s32 $0x1BFF;
	s23 =	sshll.u32 s7, $0x1;
	s4 =	sadd.s32 s5, s21  }
0x15: {  	s8 =	simm.s32 $0x0;
	s22 =	sshll.u32 s6, $0x1;
	s6 =	sadd.s32 s23, s4  }
0x16: {  	[timem:s8], [sflag:s24] =	dma.local [hbm:s6], s22  }
0x17: {  	_ =	swait.ge [sflag:s24], s22  }
0x18: {  	s5 =	ssub.s32 $0x0, s22;
	[sflag:s24] =	ssyncset.done $0x0  }
0x19: {  	[sflag:s24] =	ssyncadd.s32 s5;
	_ =	sdelay $0x1  }
0x1a: {  	s25 =	simm.s32 $0x1B8B  }
0x1b: {  	_ =	swait.ge [sflag:s25], $0x1  }
0x1c: {  	[sflag:s25] =	ssyncset.done $0x0  }
0x1d: {  	s26 =	simm.s32 $0x1B8E;
	[sflag:s25] =	ssyncadd.s32 $0xFFFFFFFF  }
0x1e: {  	s27 =	simm.s32 $execute0_lowered;
	[smem:$0x3FD2] =	sst s26  }
0x1f: {  	s5 =	sshll.u32 s27, $0x1;
	_ =	strace $0x80000046;
	[dreg:$0x1] =	wrdreg $0xFFFFFFFF  }
0x20: {  	s28 =	simm.s32 $_size_execute0_lowered;
	s4 =	sadd.s32 s4, s5;
	[dreg:$0x0] =	wrdreg $0x0  }
0x21: {  	s5 =	sshll.u32 s28, $0x1;
	[dreg:$0x2] =	wrdreg s4  }
0x22: {  	[dreg:$0x3] =	wrdreg s5  }
0x23: {  	[dreg:$0x4] =	wrdreg $0xC0  }
0x24: {  	_ =	task [dreg:s8], $0x5FFFF  }
0x25: {  	[dreg:$0x1] =	wrdreg $0xFFFFFFFF  }
0x26: {  	[dreg:$0x0] =	wrdreg $0x60  }
0x27: {  	[dreg:$0x2] =	wrdreg s2  }
0x28: {  	[dreg:$0x3] =	wrdreg s20  }
0x29: {  	[dreg:$0x4] =	wrdreg $0x9  }
0x2a: {  	_ =	task.clear_ibuf [dreg:s8], $0x5FFFF;
	_ =	strace $0x90000046  }
0x2b: {  	s29 =	simm.s32 $0x9;
	_ =	strace $0x80000048  }
0x2c: {  	_ =	swait.ge [sflag:s29], $0x1  }
0x2d: {  	[sflag:s29] =	ssyncadd.s32 $0xFFFFFFFF  }
0x2e: {  	_ =	strace $0x90000048  }
0x2f: {  	_ =	sfence  }
0x30: {  	s30 =	sld [smem:$0x0];
	_ =	sdelay $0x2  }
0x31: {  	s31 =	sshll.u32 s1, $0xD;
	s1 =	sshrl.u32 s1, $0x2  }
0x32: {  	s3 =	sand.u32 $0x4000, s31;
	s1 =	sadd.s32 s1, s30  }
0x33: {  	s0 =	sor.u32 s3, s0;
	s1 =	sshll.u32 s1, $0x11  }
0x34: {  	s0 =	sor.u32 s1, s0  }
0x35: {  	s0 =	sadd.s32 $0x8F2B, s0  }
0x36: {  	[sflag:s0] =	ssyncadd.remote.s32 $0x1  }
0x37: {  	_ =	sfence.sel $0xFFFF  }
0x38: {  	[dreg:$0x0] =	wrdreg $0xFFFFFFFF;
	(pc) =	sbr.abs _section_cstart, $3  }
0x39: {  	[dreg:$0x1] =	wrdreg $0xFFFFFFFF  }
0x3a: {  	_ =	task.clear_ibuf [dreg:s8], $0x2FFFF;
	_ =	strace $0x9FFFFFFF  }
0x3b: {  	(tm) =	ssettm $0x7FFFFFFF  }
tec
execute0_lowered:
.L_overlay_start_1:
0x0: {  	(tag) =	ssettag $0x1  }
0x1: {  	s2 =	rddreg [dreg:$0x0]  }
0x2: {  	s3 =	rddreg [dreg:$0x1]  }
0x3: {  	s0 =	rddreg [dreg:$0x2];
	_ =	strace $0x80000047  }
0x4: {  	s4 =	srdreg.scid;
	s1 =	stileid.u32;
	s6 =	simm.s32 $0x2  }
.Ltmp0:
0x5: {  	s11 =	simm.s32 $0x0;
	p0 =	por $0x0, $0x0;
	(pc) =	sbr.rel .LBB1_1-.Ltmp0, $4  }
0x6: {  	s7 =	simm.s32 $0x1000;
	s12 =	simm.s32 $0x0;
	s5 =	sshll.u32 s4, $0x4  }
0x7: {  	s9 =	simm.s32 $0x0;
	s4 =	simm.s32 $0x1;
	s5 =	sand.u32 $0x10, s5  }
0x8: {  	s8 =	simm.s32 $0x0;
	[sflag:s4] =	ssyncpa.u1 $0x0;
	s5 =	sor.u32 s1, s5  }
0x9: {  	[sflag:s6] =	ssyncpa.u1 $0x0;
	s6 =	simm.s32 $0x800;
	s10 =	smov.u32 s5  }
.LBB1_7:
0xa: {  	s13 =	sadd.s32 $0x10, s9  }
0xb: {  	s11 =	sadd.s32 $0x20, s10;
	s15 =	smov.u32 s10;
	p2 =	sgt.s32 s13, $0x1F  }
0xc: {  	p1 =	slt.u32 s8, $0x2;
	s15 =	smov.u32 @p2 s11  }
0xd: {  	s8 =	sadd.s32 $0x1, s8;
	s13 =	simm.s32 @p2 $0x0;
	p2 =	sgt.s32 s15, $0x1FF  }
0xe: {  	s15 =	smov.u32 @p2 s5;
	p2 =	sne.s32 s8, $0x22  }
.Ltmp1:
0xf: {  	_ = 	snop;
	(pc) =	sbr.rel @!p2 .LBB1_8-.Ltmp1, $4  }
0x10: {  	s14 =	simm.s32 @!p1 $0x2  }
0x11: {  	s12 =	smov.u32 s10;
	_ =	swait.ge @!p1 [sflag:s14], $0x4000  }
0x12: {  	p0 =	por !p0, !p0;
	s11 =	smov.u32 s9;
	[sflag:s14] =	ssyncset.done @!p1 $0x0  }
0x13: {  	s9 =	smov.u32 s13;
	[sflag:s14] =	ssyncadd.s32 @!p1 $0xFFFFC000;
	s10 =	smov.u32 s15  }
.LBB1_1:
0x14: {  	p1 =	sgt.u32 s8, $0x1F  }
0x15: {  	s13 =	sxor.u32 @!p1 $0xFFFFFFFF, s8;
	s14 =	sshll.u32 @!p1 s10, $0xC  }
0x16: {  	s15 =	sshll.u32 @!p1 s9, $0x7;
	s13 =	sshll.u32 @!p1 s13, $0xE;
	s14 =	sadd.s32 @!p1 s2, s14  }
0x17: {  	s13 =	sand.u32 @!p1 $0x4000, s13;
	s14 =	sadd.s32 @!p1 s15, s14;
	s15 =	simm.s32 @!p1 $0x0  }
0x18: {  	[tilespmem:s13], [sflag:$0x1] =	stream.linear.gather @!p1 [hbm4b:s14+s15], $0x4000, $0x38;
	[tilespmem:$0x10000] =	vst v63  }
0x19: {  	p1 =	seq.s32 s8, $0x0  }
0x1a: {  	p2 =	seq.s32 @!p1 s8, $0x21  }
0x1b: {  	p1 =	por p1, p2  }
.Ltmp2:
0x1c: {  	_ = 	snop;
	(pc) =	sbr.rel @p1 .LBB1_7-.Ltmp2, $1  }
0x1d: {  	_ =	sdelay $0x3  }
0x1e: {  	s13 =	simm.s32 $0x1;
	_ =	swait.ge [sflag:s4], $0x4000;
	s16 =	sshll.u32 s8, $0xE  }
0x1f: {  	s13 =	simm.s32 @!p0 $0x0;
	[sflag:s4] =	ssyncset.done $0x0;
	s31 =	sand.u32 $0x4000, s16  }
0x20: {  	s16 =	simm.s32 $0x0;
	s14 =	sshll.u32 s13, $0xE;
	[sflag:s4] =	ssyncadd.s32 $0xFFFFC000  }
0x21: {  	s13 =	sor.u32 $0x8040, s14;
	s15 =	sor.u32 $0x40, s14;
	s14 =	sor.u32 $0x8000, s31  }
.LBB1_3:
0x22: {  	v0 =	vmov s15;
	_ =	sdelay $0x3  }
0x23: {  	s18 =	simm.s32 $0x0  }
0x24: {  	v6 =	vld.idx.msk [tilespmem:v0+s18+$0x30 ss:$0x1], $0xffff  }
0x25: {  	v7 =	vld.idx.msk [tilespmem:v0+s18+$0xFFFFFFC0 ss:$0x1], $0xffff  }
0x26: {  	v5 =	vld.idx.msk [tilespmem:v0+s18+$0xFFFFFFD0 ss:$0x1], $0xffff  }
0x27: {  	v4 =	vld.idx.msk [tilespmem:v0+s18+$0xFFFFFFE0 ss:$0x1], $0xffff  }
0x28: {  	v3 =	vld.idx.msk [tilespmem:v0+s18+$0xFFFFFFF0 ss:$0x1], $0xffff  }
0x29: {  	v1 =	vld.idx.msk [tilespmem:v0+s18+$0x0 ss:$0x1], $0xffff  }
0x2a: {  	v2 =	vld.idx.msk [tilespmem:v0+s18+$0x10 ss:$0x1], $0xffff;
	[tilespmem:s13+$0x30] =	vst v6  }
0x2b: {  	s17 =	simm.s32 $0x80;
	s19 =	simm.s32 $0x400;
	[tilespmem:s13+$0xFFFFFFC0] =	vst v7;
	v6 =	vld.idx.msk [tilespmem:v0+s18+$0x20 ss:$0x1], $0xffff;
	s18 =	smov.u32 s13  }
.LBB1_4:
0x2c: {  	p1 =	sne.s32 s19, $0xE00;
	v7 =	vld.idx.msk [tilespmem:v0+s17+$0x30 ss:$0x1], $0xffff;
	[tilespmem:s18+$0xFFFFFFD0] =	vst v5  }
0x2d: {  	v8 =	vld.idx.msk [tilespmem:v0+s17+$0xFFFFFFC0 ss:$0x1], $0xffff;
	[tilespmem:s18+$0xFFFFFFE0] =	vst v4  }
0x2e: {  	v5 =	vld.idx.msk [tilespmem:v0+s17+$0xFFFFFFD0 ss:$0x1], $0xffff;
	[tilespmem:s18+$0xFFFFFFF0] =	vst v3  }
.Ltmp3:
0x2f: {  	v4 =	vld.idx.msk [tilespmem:v0+s17+$0xFFFFFFE0 ss:$0x1], $0xffff;
	[tilespmem:s18+$0x0] =	vst v1;
	(pc) =	sbr.rel @p1 .LBB1_4-.Ltmp3, $4  }
0x30: {  	v3 =	vld.idx.msk [tilespmem:v0+s17+$0xFFFFFFF0 ss:$0x1], $0xffff;
	[tilespmem:s18+$0x10] =	vst v2  }
0x31: {  	v1 =	vld.idx.msk [tilespmem:v0+s17+$0x0 ss:$0x1], $0xffff;
	[tilespmem:s18+$0x20] =	vst v6;
	s18 =	sadd.s32 $0x800, s18  }
0x32: {  	v2 =	vld.idx.msk [tilespmem:v0+s17+$0x10 ss:$0x1], $0xffff;
	[tilespmem:s18+$0x30] =	vst v7  }
0x33: {  	[tilespmem:s18+$0xFFFFFFC0] =	vst v8;
	v6 =	vld.idx.msk [tilespmem:v0+s17+$0x20 ss:$0x1], $0xffff;
	s17 =	sshra.s32 s19, $0x2;
	s19 =	sadd.s32 $0x200, s19  }
0x34: {  	_ =	sdelay $0x2  }
0x35: {  	[tilespmem:s18+$0xFFFFFFD0] =	vst v5  }
0x36: {  	v56 =	vld.idx.msk [tilespmem:v0+s17+$0x30 ss:$0x1], $0xffff;
	[tilespmem:s18+$0xFFFFFFE0] =	vst v4  }
0x37: {  	v57 =	vld.idx.msk [tilespmem:v0+s17+$0xFFFFFFC0 ss:$0x1], $0xffff;
	[tilespmem:s18+$0xFFFFFFF0] =	vst v3  }
0x38: {  	v58 =	vld.idx.msk [tilespmem:v0+s17+$0xFFFFFFD0 ss:$0x1], $0xffff;
	[tilespmem:s18+$0x0] =	vst v1  }
0x39: {  	v59 =	vld.idx.msk [tilespmem:v0+s17+$0xFFFFFFE0 ss:$0x1], $0xffff;
	[tilespmem:s18+$0x10] =	vst v2  }
0x3a: {  	v60 =	vld.idx.msk [tilespmem:v0+s17+$0xFFFFFFF0 ss:$0x1], $0xffff;
	s31 =	sadd.s32 $0x800, s18;
	[tilespmem:s18+$0x20] =	vst v6  }
0x3b: {  	v61 =	vld.idx.msk [tilespmem:v0+s17+$0x0 ss:$0x1], $0xffff;
	[tilespmem:s31+$0x30] =	vst v56  }
0x3c: {  	v62 =	vld.idx.msk [tilespmem:v0+s17+$0x10 ss:$0x1], $0xffff;
	s16 =	sadd.s32 $0x1, s16;
	[tilespmem:s31+$0xFFFFFFC0] =	vst v57  }
0x3d: {  	v63 =	vld.idx.msk [tilespmem:v0+s17+$0x20 ss:$0x1], $0xffff;
	p1 =	sne.s32 s16, $0x10;
	[tilespmem:s31+$0xFFFFFFD0] =	vst v58  }
.Ltmp4:
0x3e: {  	[tilespmem:s31+$0xFFFFFFE0] =	vst v59;
	(pc) =	sbr.rel @p1 .LBB1_3-.Ltmp4, $4  }
0x3f: {  	[tilespmem:s31+$0xFFFFFFF0] =	vst v60  }
0x40: {  	[tilespmem:s31+$0x0] =	vst v61  }
0x41: {  	[tilespmem:s31+$0x10] =	vst v62  }
0x42: {  	s13 =	sadd.s32 $0x80, s13;
	s15 =	sadd.s32 $0x400, s15;
	[tilespmem:s31+$0x20] =	vst v63  }
.Ltmp5:
0x43: {  	(pc) =	sbr.rel .LBB1_7-.Ltmp5, $4  }
0x44: {  	s12 =	sshll.u32 s12, $0xC;
	s11 =	sshll.u32 s11, $0x4  }
0x45: {  	s11 =	sand.u32 $0x1F0, s11;
	s12 =	sadd.s32 s3, s12  }
0x46: {  	s11 =	sadd.s32 s11, s12  }
0x47: {  	[hbm4b:s11+s6] =	stream.strided.scatter [tilespmem:s14], [sflag:$0x2], $0x4000, s7, s6, $0x38;
	[tilespmem:$0x10000] =	vst v63  }
.LBB1_8:
0x48: {  	_ =	sfence.sel $0x180000  }
0x49: {  	s2 =	simm.s32 $0x1;
	[bflag:$0x0] =	sbarrier.arrive $0xFFFF  }
0x4a: {  	s31 =	simm.s32 $0x2;
	[sflag:s2] =	ssyncpa.u1 $0x1  }
0x4b: {  	[sflag:s31] =	ssyncpa.u1 $0x1  }
0x4c: {  	p0 =	sne.s32 s1, $0x0;
	_ =	strace $0x90000047  }
0x4d: {  	s0 =	sadd.s32 @!p0 $0x100000, s0;
	[bflag:$0x2] =	sbarrier.arrive $0xFFFF  }
0x4e: {  	[sflag:s0] =	ssyncadd.tile.s32 @!p0 $0x1;
	_ =	shalt  }
.Lfunc_end1:
_tile_overlayer_lowered:
.L_overlay_start_2:
0x4f: {  	(tag) =	ssettag $0x2  }
0x50: {  	s0 =	rddreg [dreg:$0x0];
	s2 =	stileid.u32  }
0x51: {  	s1 =	rddreg [dreg:$0x1];
	p0 =	sne.s32 s2, $0x0  }
0x52: {  	s3 =	rddreg [dreg:$0x2];
	[bflag:$0x3] =	sbarrier.arrive $0xFFFF;
	s2 =	simm.s32 @!p0 $0x1C01  }
0x53: {  	[timem:s3], [sflag:s2] =	dma.local @!p0 [hbm:s0], s1  }
0x54: {  	s0 =	simm.s32 @!p0 $0x1  }
0x55: {  	_ =	swait.ge @!p0 [sflag:s0], s1  }
0x56: {  	s1 =	ssub.s32 @!p0 $0x0, s1;
	[sflag:s0] =	ssyncset.done @!p0 $0x0  }
0x57: {  	[sflag:s0] =	ssyncadd.s32 @!p0 s1  }
0x58: {  	[bflag:$0x3] =	sbarrier.arrive $0xFFFF  }
0x59: {  	_ =	shalt  }

</sc_bundles>
